<compile_context>
chip_gen: v7x
topology: tpu7x:2x2x1
jax: 0.10.2.dev20260603
libtpu: 0.0.44.dev20260713+nightly
codegen_flags: <defaults>
</compile_context>

<pallas_src>
import functools

import jax
import jax.numpy as jnp
from jax import lax
from jax.experimental import pallas as pl
from jax.experimental.pallas import tpu as pltpu
from jax.experimental.pallas import tpu_sc as plsc

N_NODES = 10000
LATENT = 32
N_EDGES = 160000
NW = 32
GW = 128
GROUPS = 40
EP = NW * GROUPS * GW
BROWS = 10016
SPAD = 4 * BROWS
ZROWS = 128


def _sc_gather_scatter():
    mesh = plsc.VectorSubcoreMesh(core_axis_name="c", subcore_axis_name="s")

    @functools.partial(
        pl.kernel,
        mesh=mesh,
        compiler_params=pltpu.CompilerParams(use_tc_tiling_on_sc=False),
        out_type=jax.ShapeDtypeStruct((2, SPAD, LATENT), jnp.float32),
        scratch_types=[
            pltpu.VMEM((GROUPS, GW), jnp.int32),
            pltpu.VMEM((GROUPS, GW), jnp.int32),
            pltpu.VMEM((8, GW, LATENT), jnp.float32),
            pltpu.VMEM((ZROWS, LATENT), jnp.float32),
            pltpu.VMEM_SHARED((SPAD, LATENT), jnp.float32),
            [pltpu.SemaphoreType.DMA] * 8,
            [pltpu.SemaphoreType.DMA] * 8,
        ],
    )
    def sc_fn(table, src, comb, out, src_v, comb_v,
              rows, zbuf, acc, gsem, ssem):
        cid = lax.axis_index("c")
        sid = lax.axis_index("s")
        wid = sid * 2 + cid

        pltpu.sync_copy(src.at[pl.ds(wid * GROUPS, GROUPS)], src_v)
        pltpu.sync_copy(comb.at[pl.ds(wid * GROUPS, GROUPS)], comb_v)

        z16 = jnp.zeros((16,), jnp.float32)

        def zrow(r, carry):
            zbuf[r, pl.ds(0, 16)] = z16
            zbuf[r, pl.ds(16, 16)] = z16
            return carry

        lax.fori_loop(0, ZROWS, zrow, 0, unroll=8)
        for k in range(19):
            pltpu.sync_copy(zbuf, acc.at[pl.ds(sid * 2504 + k * ZROWS, ZROWS)])
        pltpu.sync_copy(zbuf.at[pl.ds(0, 72)],
                        acc.at[pl.ds(sid * 2504 + 2432, 72)])

        plsc.subcore_barrier()

        ND = 8

        def body(g, carry):
            for b in range(ND):
                @pl.when(g + b >= ND)
                def _():
                    pltpu.make_async_copy(
                        rows.at[b], acc.at[comb_v.at[g + b - ND]],
                        ssem[b]).wait()
                pltpu.async_copy(table.at[src_v.at[g + b]], rows.at[b], gsem[b])
            for b in range(ND):
                pltpu.make_async_copy(table.at[src_v.at[g + b]], rows.at[b],
                                      gsem[b]).wait()
                pltpu.async_copy(rows.at[b], acc.at[comb_v.at[g + b]], ssem[b],
                                 add=True)
            return carry

        lax.fori_loop(0, GROUPS // ND, lambda i, c: body(i * ND, c), 0)
        for b in range(ND):
            pltpu.make_async_copy(rows.at[b], acc.at[comb_v.at[GROUPS - ND + b]],
                                  ssem[b]).wait()

        plsc.subcore_barrier()
        pltpu.sync_copy(acc.at[pl.ds(sid * 2504, 2504)],
                        out.at[cid, pl.ds(sid * 2504, 2504)])

    return sc_fn


def _tc_input_proj(nb):
    B = N_NODES // nb
    GB = (EP // GW) // nb

    def body(x_r, wl_r, bl_r, wr_r, wz_r, wn_r, br_r, bz_r, bn_r,
             a0_r, a1_r, a2_r, a3_r, dst_r,
             h0_r, h0b_r, ghr_r, ghz_r, ghn_r, comb_r):
        h0 = jnp.maximum(
            jnp.dot(x_r[...], wl_r[...], preferred_element_type=jnp.float32)
            + bl_r[...], 0.0)
        h0_r[...] = h0
        h0b_r[...] = h0.astype(jnp.bfloat16).astype(jnp.float32)
        ghr_r[...] = jnp.dot(h0, wr_r[...], preferred_element_type=jnp.float32) + br_r[...]
        ghz_r[...] = jnp.dot(h0, wz_r[...], preferred_element_type=jnp.float32) + bz_r[...]
        ghn_r[...] = jnp.dot(h0, wn_r[...], preferred_element_type=jnp.float32) + bn_r[...]
        best = a0_r[...]
        b = jnp.zeros_like(dst_r[...])
        for k, ak_r in ((1, a1_r), (2, a2_r), (3, a3_r)):
            ak = ak_r[...]
            gt = ak > best
            best = jnp.where(gt, ak, best)
            b = jnp.where(gt, k, b)
        comb_r[...] = dst_r[...] * 4 + b

    full = lambda s: pl.BlockSpec(s, lambda i: tuple(0 for _ in s))
    row = lambda w: pl.BlockSpec((B, w), lambda i: (i, 0))
    erow = pl.BlockSpec((GB, GW), lambda i: (i, 0))
    return pl.pallas_call(
        body,
        grid=(nb,),
        in_specs=[row(128), full((128, LATENT)), full((1, LATENT)),
                  full((LATENT, LATENT)), full((LATENT, LATENT)), full((LATENT, LATENT)),
                  full((1, LATENT)), full((1, LATENT)), full((1, LATENT)),
                  erow, erow, erow, erow, erow],
        out_specs=[row(LATENT)] * 5 + [erow],
        out_shape=[jax.ShapeDtypeStruct((N_NODES, LATENT), jnp.float32)] * 5
        + [jax.ShapeDtypeStruct((EP // GW, GW), jnp.int32)],
    )


def _tc_gru(nb, final):
    B = N_NODES // nb

    def body(*refs):
        (p_r, h0_r, ghr_r, ghz_r, ghn_r, wcat_r,
         wir_r, wiz_r, win_r, bir_r, biz_r, bin_r) = refs[:12]
        if final:
            wmu_r, bmu_r, wlv_r, blv_r = refs[12:16]
            outs = refs[16:]
        else:
            outs = refs[12:]
        agg = jnp.dot(p_r[0] + p_r[1], wcat_r[...],
                      preferred_element_type=jnp.float32,
                      precision=jax.lax.Precision.HIGHEST)
        gir = jnp.dot(agg, wir_r[...], preferred_element_type=jnp.float32) + bir_r[...]
        giz = jnp.dot(agg, wiz_r[...], preferred_element_type=jnp.float32) + biz_r[...]
        gin = jnp.dot(agg, win_r[...], preferred_element_type=jnp.float32) + bin_r[...]
        r = jax.nn.sigmoid(gir + ghr_r[...])
        z = jax.nn.sigmoid(giz + ghz_r[...])
        n = jnp.tanh(gin + r * ghn_r[...])
        h0 = h0_r[...]
        m = jnp.maximum((1.0 - z) * n + z * h0, 0.0)
        if final:
            outs[0][...] = jnp.dot(m, wmu_r[...], preferred_element_type=jnp.float32) + bmu_r[...]
            outs[1][...] = jnp.dot(m, wlv_r[...], preferred_element_type=jnp.float32) + blv_r[...]
        else:
            outs[0][...] = m.astype(jnp.bfloat16).astype(jnp.float32)

    full = lambda s: pl.BlockSpec(s, lambda i: tuple(0 for _ in s))
    row = lambda w: pl.BlockSpec((B, w), lambda i: (i, 0))
    pspec = pl.BlockSpec((2, B, 4 * LATENT), lambda i: (0, i, 0))
    in_specs = [pspec, row(LATENT), row(LATENT), row(LATENT), row(LATENT),
                full((4 * LATENT, LATENT)),
                full((LATENT, LATENT)), full((LATENT, LATENT)), full((LATENT, LATENT)),
                full((1, LATENT)), full((1, LATENT)), full((1, LATENT))]
    if final:
        in_specs += [full((LATENT, LATENT)), full((1, LATENT)),
                     full((LATENT, LATENT)), full((1, LATENT))]
        out_specs = [row(LATENT), row(LATENT)]
        out_shape = [jax.ShapeDtypeStruct((N_NODES, LATENT), jnp.float32)] * 2
    else:
        out_specs = [row(LATENT)]
        out_shape = [jax.ShapeDtypeStruct((N_NODES, LATENT), jnp.float32)]
    return pl.pallas_call(
        body, grid=(nb,), in_specs=in_specs, out_specs=out_specs,
        out_shape=out_shape)


def kernel(x, edge_index, edge_attr, W_lin, b_lin, gnn_weight,
           gru_w_ih, gru_w_hh, gru_b_ih, gru_b_hh,
           W_mu, b_mu, W_lv, b_lv):
    ei = edge_index.astype(jnp.int32)
    src = jnp.pad(ei[0], (0, EP - N_EDGES)).reshape(EP // GW, GW)
    dst = jnp.pad(ei[1], (0, EP - N_EDGES),
                  constant_values=N_NODES).reshape(EP // GW, GW)
    acol = [jnp.pad(edge_attr[:, k], (0, EP - N_EDGES)).reshape(EP // GW, GW)
            for k in range(4)]

    row1 = lambda v: v.reshape(1, LATENT)
    wl = W_lin.T
    whh = [gru_w_hh[k * LATENT:(k + 1) * LATENT].T for k in range(3)]
    bhh = [row1(gru_b_hh[k * LATENT:(k + 1) * LATENT]) for k in range(3)]
    wih = [gru_w_ih[k * LATENT:(k + 1) * LATENT].T for k in range(3)]
    bih = [row1(gru_b_ih[k * LATENT:(k + 1) * LATENT]) for k in range(3)]
    wcat = [2.0 * gnn_weight[i].astype(jnp.bfloat16).astype(jnp.float32)
            .transpose(0, 2, 1).reshape(4 * LATENT, LATENT)
            for i in range(gnn_weight.shape[0])]

    nb = 5
    h0, h0b, ghr, ghz, ghn, comb = _tc_input_proj(nb)(
        x, wl, row1(b_lin), whh[0], whh[1], whh[2], bhh[0], bhh[1], bhh[2],
        acol[0], acol[1], acol[2], acol[3], dst)

    sc = _sc_gather_scatter()
    gru = _tc_gru(nb, final=False)
    gru_final = _tc_gru(nb, final=True)

    m = h0b
    num_layers = gnn_weight.shape[0]
    for i in range(num_layers):
        P = sc(m, src, comb)
        pm = P.reshape(2, BROWS, 4 * LATENT)
        args = (pm, h0, ghr, ghz, ghn, wcat[i],
                wih[0], wih[1], wih[2], bih[0], bih[1], bih[2])
        if i == num_layers - 1:
            mu, lv = gru_final(*args, W_mu.T, row1(b_mu), W_lv.T, row1(b_lv))
        else:
            (m,) = gru(*args)
    return (mu, lv)

# --- scband reference (transcript-rebuilt; emitter-appended) ---
"""Pipeline reference for scband-encoder-30416958390352 (READ-ONLY COPY).

The authoritative reference and input builder live on the scoring server;
editing this copy changes nothing except your own understanding.
"""

import jax, jax.numpy as jnp
import numpy as np

IN_SIZE = 128
LATENT = 32
STEPS = 2
EDGE_SIZE = 4
N_NODES = 10000
N_EDGES = 160000


def setup_inputs(seed: int = 0) -> dict:
    key = jax.random.key(seed)
    ks = jax.random.split(key, 16)
    x = jax.random.normal(ks[0], (N_NODES, IN_SIZE), dtype=jnp.float32)
    edge_index = jax.random.randint(ks[1], (2, N_EDGES), 0, N_NODES, dtype=jnp.int64)
    edge_attr = jax.random.uniform(ks[2], (N_EDGES, EDGE_SIZE), dtype=jnp.float32)
    # Encoder.lin: Linear(in_size -> latent)
    W_lin = jax.random.normal(ks[3], (LATENT, IN_SIZE), dtype=jnp.float32) * 0.05
    b_lin = jnp.zeros((LATENT,), dtype=jnp.float32)
    # CustomGraphConv.weight: [num_layers, edge_size, latent, latent] (uniform init in torch)
    gnn_weight = jax.random.uniform(ks[4], (STEPS, EDGE_SIZE, LATENT, LATENT), dtype=jnp.float32) * 0.1
    # GRUCell params: weight_ih/weight_hh [3*latent, latent], biases [3*latent]
    gru_w_ih = jax.random.normal(ks[5], (3 * LATENT, LATENT), dtype=jnp.float32) * 0.1
    gru_w_hh = jax.random.normal(ks[6], (3 * LATENT, LATENT), dtype=jnp.float32) * 0.1
    gru_b_ih = jnp.zeros((3 * LATENT,), dtype=jnp.float32)
    gru_b_hh = jnp.zeros((3 * LATENT,), dtype=jnp.float32)
    # fc_mu / fc_logvar: Linear(latent -> latent)
    W_mu = jax.random.normal(ks[7], (LATENT, LATENT), dtype=jnp.float32) * 0.1
    b_mu = jnp.zeros((LATENT,), dtype=jnp.float32)
    W_lv = jax.random.normal(ks[8], (LATENT, LATENT), dtype=jnp.float32) * 0.1
    b_lv = jnp.zeros((LATENT,), dtype=jnp.float32)
    return {
        "x": x, "edge_index": edge_index, "edge_attr": edge_attr,
        "W_lin": W_lin, "b_lin": b_lin, "gnn_weight": gnn_weight,
        "gru_w_ih": gru_w_ih, "gru_w_hh": gru_w_hh,
        "gru_b_ih": gru_b_ih, "gru_b_hh": gru_b_hh,
        "W_mu": W_mu, "b_mu": b_mu, "W_lv": W_lv, "b_lv": b_lv,
    }


def _gru_cell(inp, hid, w_ih, w_hh, b_ih, b_hh):
    gi = inp @ w_ih.T + b_ih
    gh = hid @ w_hh.T + b_hh
    i_r, i_z, i_n = jnp.split(gi, 3, axis=1)
    h_r, h_z, h_n = jnp.split(gh, 3, axis=1)
    r = jax.nn.sigmoid(i_r + h_r)
    z = jax.nn.sigmoid(i_z + h_z)
    n = jnp.tanh(i_n + r * h_n)
    return (1.0 - z) * n + z * hid


def reference(x, edge_index, edge_attr, W_lin, b_lin, gnn_weight,
              gru_w_ih, gru_w_hh, gru_b_ih, gru_b_hh,
              W_mu, b_mu, W_lv, b_lv):
    # Encoder.lin + relu
    h0 = jax.nn.relu(x @ W_lin.T + b_lin)
    # CustomGraphConv.forward: repeat edges/attrs, bond type via argmax
    ei = jnp.concatenate([edge_index, edge_index], axis=1)  # [2, 2E]
    ea = jnp.concatenate([edge_attr, edge_attr], axis=0)    # [2E, edge_size]
    bond_idx = jnp.argmax(ea, axis=1)                        # [2E]
    src = ei[0]
    dst = ei[1]
    m = h0
    num_layers = gnn_weight.shape[0]
    for i in range(num_layers):
        # message: per-edge matrix gather + bmm (x_j = source node features)
        x_j = m[src]                                         # gather [2E, L]
        mat = gnn_weight[i][bond_idx]                        # gather [2E, L, L]
        msg = jnp.einsum('eij,ej->ei', mat, x_j)             # [2E, L]
        # aggregate: scatter-add into target nodes
        agg = jax.ops.segment_sum(msg, dst, num_segments=h0.shape[0])
        # GRUCell(input=agg, hidden=h0) then relu
        m = _gru_cell(agg, h0, gru_w_ih, gru_w_hh, gru_b_ih, gru_b_hh)
        m = jax.nn.relu(m)
    mu = m @ W_mu.T + b_mu
    logvar = m @ W_lv.T + b_lv
    return (mu, logvar)

if __name__ == "__main__":
    import jax
    _d = setup_inputs()
    print(jax.jit(kernel)(*tuple(_d.values())))

</pallas_src>

<mosaic_0001>
#map = affine_map<(d0, d1) -> (0, 0)>
#map1 = affine_map<(d0, d1) -> (0, 0, 0)>
module attributes {stable_mosaic.version = 14 : i64} {
  func.func @sc_fn(%arg0: i32, %arg1: i32, %arg2: memref<10000x32xf32, #tpu.memory_space<hbm>>, %arg3: memref<1280x128xi32, #tpu.memory_space<hbm>>, %arg4: memref<1280x128xi32, #tpu.memory_space<hbm>>, %arg5: memref<2x40064x32xf32, #tpu.memory_space<hbm>>, %arg6: memref<40x128xi32, #tpu.memory_space<vmem>>, %arg7: memref<40x128xi32, #tpu.memory_space<vmem>>, %arg8: memref<8x128x32xf32, #tpu.memory_space<vmem>>, %arg9: memref<128x32xf32, #tpu.memory_space<vmem>>, %arg10: memref<40064x32xf32, #tpu.memory_space<vmem_shared>>, %arg11: memref<!tpu.dma_semaphore, #tpu.memory_space<semaphore_mem>>, %arg12: memref<!tpu.dma_semaphore, #tpu.memory_space<semaphore_mem>>, %arg13: memref<!tpu.dma_semaphore, #tpu.memory_space<semaphore_mem>>, %arg14: memref<!tpu.dma_semaphore, #tpu.memory_space<semaphore_mem>>, %arg15: memref<!tpu.dma_semaphore, #tpu.memory_space<semaphore_mem>>, %arg16: memref<!tpu.dma_semaphore, #tpu.memory_space<semaphore_mem>>, %arg17: memref<!tpu.dma_semaphore, #tpu.memory_space<semaphore_mem>>, %arg18: memref<!tpu.dma_semaphore, #tpu.memory_space<semaphore_mem>>, %arg19: memref<!tpu.dma_semaphore, #tpu.memory_space<semaphore_mem>>, %arg20: memref<!tpu.dma_semaphore, #tpu.memory_space<semaphore_mem>>, %arg21: memref<!tpu.dma_semaphore, #tpu.memory_space<semaphore_mem>>, %arg22: memref<!tpu.dma_semaphore, #tpu.memory_space<semaphore_mem>>, %arg23: memref<!tpu.dma_semaphore, #tpu.memory_space<semaphore_mem>>, %arg24: memref<!tpu.dma_semaphore, #tpu.memory_space<semaphore_mem>>, %arg25: memref<!tpu.dma_semaphore, #tpu.memory_space<semaphore_mem>>, %arg26: memref<!tpu.dma_semaphore, #tpu.memory_space<semaphore_mem>>) attributes {dimension_semantics = [#tpu.dimension_semantics<core_parallel>, #tpu.dimension_semantics<subcore_parallel>], iteration_bounds = array<i64: 2, 16>, scalar_prefetch = 0 : i64, scratch_operands = 21 : i64, tpu.core_type = #tpu.core_type<sc_vector_subcore>, window_params = [{transform_indices = #map}, {transform_indices = #map}, {transform_indices = #map}, {transform_indices = #map1}]} {
    %mul3A = arith.constant 2 : i32
    %mul3A_0 = arith.muli %arg1, %mul3A : i32
    %add3A = arith.addi %mul3A_0, %arg0 : i32
    %mul3A_1 = arith.constant 40 : i32
    %mul3A_2 = arith.muli %add3A, %mul3A_1 : i32
    "tpu.region"() ({
      %run_scoped3A = tpu.sem_alloc : memref<!tpu.dma_semaphore, #tpu.memory_space<semaphore_mem>>
      %dma_start3A = arith.constant 0 : i32
      %dma_start3A_197 = tpu.memref_slice %arg3[%mul3A_2, %dma_start3A] : memref<1280x128xi32, #tpu.memory_space<hbm>> -> memref<40x128xi32, #tpu.memory_space<hbm>>
      %dma_start3A_198 = arith.constant 0 : i32
      %dma_start3A_199 = tpu.memref_slice %arg3[%mul3A_2, %dma_start3A_198] : memref<1280x128xi32, #tpu.memory_space<hbm>> -> memref<40x128xi32, #tpu.memory_space<hbm>>
      tpu.enqueue_dma source(%dma_start3A_199 : memref<40x128xi32, #tpu.memory_space<hbm>>) target(%arg6 : memref<40x128xi32, #tpu.memory_space<vmem>>) target_semaphore(%run_scoped3A : memref<!tpu.dma_semaphore, #tpu.memory_space<semaphore_mem>>)
      %dma_wait3A_200 = arith.constant 0 : i32
      %dma_wait3A_201 = tpu.memref_slice %arg3[%mul3A_2, %dma_wait3A_200] : memref<1280x128xi32, #tpu.memory_space<hbm>> -> memref<40x128xi32, #tpu.memory_space<hbm>>
      %dma_wait3A_202 = arith.constant 0 : i32
      %dma_wait3A_203 = tpu.memref_slice %arg3[%mul3A_2, %dma_wait3A_202] : memref<1280x128xi32, #tpu.memory_space<hbm>> -> memref<40x128xi32, #tpu.memory_space<hbm>>
      tpu.wait_dma2 semaphore(%run_scoped3A : memref<!tpu.dma_semaphore, #tpu.memory_space<semaphore_mem>>) src(%dma_wait3A_203 : memref<40x128xi32, #tpu.memory_space<hbm>>) dst(%arg6 : memref<40x128xi32, #tpu.memory_space<vmem>>)
      tpu.yield
    }) : () -> ()
    %mul3A_3 = arith.constant 40 : i32
    %mul3A_4 = arith.muli %add3A, %mul3A_3 : i32
    "tpu.region"() ({
      %run_scoped3A = tpu.sem_alloc : memref<!tpu.dma_semaphore, #tpu.memory_space<semaphore_mem>>
      %dma_start3A = arith.constant 0 : i32
      %dma_start3A_197 = tpu.memref_slice %arg4[%mul3A_4, %dma_start3A] : memref<1280x128xi32, #tpu.memory_space<hbm>> -> memref<40x128xi32, #tpu.memory_space<hbm>>
      %dma_start3A_198 = arith.constant 0 : i32
      %dma_start3A_199 = tpu.memref_slice %arg4[%mul3A_4, %dma_start3A_198] : memref<1280x128xi32, #tpu.memory_space<hbm>> -> memref<40x128xi32, #tpu.memory_space<hbm>>
      tpu.enqueue_dma source(%dma_start3A_199 : memref<40x128xi32, #tpu.memory_space<hbm>>) target(%arg7 : memref<40x128xi32, #tpu.memory_space<vmem>>) target_semaphore(%run_scoped3A : memref<!tpu.dma_semaphore, #tpu.memory_space<semaphore_mem>>)
      %dma_wait3A_200 = arith.constant 0 : i32
      %dma_wait3A_201 = tpu.memref_slice %arg4[%mul3A_4, %dma_wait3A_200] : memref<1280x128xi32, #tpu.memory_space<hbm>> -> memref<40x128xi32, #tpu.memory_space<hbm>>
      %dma_wait3A_202 = arith.constant 0 : i32
      %dma_wait3A_203 = tpu.memref_slice %arg4[%mul3A_4, %dma_wait3A_202] : memref<1280x128xi32, #tpu.memory_space<hbm>> -> memref<40x128xi32, #tpu.memory_space<hbm>>
      tpu.wait_dma2 semaphore(%run_scoped3A : memref<!tpu.dma_semaphore, #tpu.memory_space<semaphore_mem>>) src(%dma_wait3A_203 : memref<40x128xi32, #tpu.memory_space<hbm>>) dst(%arg7 : memref<40x128xi32, #tpu.memory_space<vmem>>)
      tpu.yield
    }) : () -> ()
    %broadcast_in_dim3A = arith.constant 0.000000e+00 : f32
    %broadcast_in_dim3A_5 = vector.broadcast %broadcast_in_dim3A : f32 to vector<16xf32>
    %scan3A = arith.constant 0 : i32
    %scan3A_6 = arith.constant 0 : i32
    %scan3A_7 = arith.constant 128 : i32
    %scan3A_8 = arith.addi %scan3A_6, %scan3A_7 : i32
    %scan3A_9 = arith.constant 8 : i32
    scf.for %scan3A_197 = %scan3A_6 to %scan3A_8 step %scan3A_9  : i32 {
      %swap3A = arith.index_cast %scan3A_197 : i32 to index
      %swap3A_198 = arith.constant 0 : index
      %swap3A_199 = tpu.vector_load %arg9[%swap3A, %swap3A_198] {strides = array<i32>} : memref<128x32xf32, #tpu.memory_space<vmem>>, vector<1x16xf32>,
      %swap3A_200 = vector.shape_cast %swap3A_199 : vector<1x16xf32> to vector<16xf32>
      %swap3A_201 = vector.shape_cast %broadcast_in_dim3A_5 : vector<16xf32> to vector<1x16xf32>
      tpu.vector_store %arg9[%swap3A, %swap3A_198], %swap3A_201 {strides = array<i32>} : memref<128x32xf32, #tpu.memory_space<vmem>>, vector<1x16xf32>,
      %swap3A_202 = arith.index_cast %scan3A_197 : i32 to index
      %swap3A_203 = arith.constant 16 : index
      %swap3A_204 = tpu.vector_load %arg9[%swap3A_202, %swap3A_203] {strides = array<i32>} : memref<128x32xf32, #tpu.memory_space<vmem>>, vector<1x16xf32>,
      %swap3A_205 = vector.shape_cast %swap3A_204 : vector<1x16xf32> to vector<16xf32>
      %swap3A_206 = vector.shape_cast %broadcast_in_dim3A_5 : vector<16xf32> to vector<1x16xf32>
      tpu.vector_store %arg9[%swap3A_202, %swap3A_203], %swap3A_206 {strides = array<i32>} : memref<128x32xf32, #tpu.memory_space<vmem>>, vector<1x16xf32>,
      %scan3A_207 = arith.constant 1 : i32
      %scan3A_208 = arith.addi %scan3A_197, %scan3A_207 : i32
      %swap3A_209 = arith.index_cast %scan3A_208 : i32 to index
      %swap3A_210 = arith.constant 0 : index
      %swap3A_211 = tpu.vector_load %arg9[%swap3A_209, %swap3A_210] {strides = array<i32>} : memref<128x32xf32, #tpu.memory_space<vmem>>, vector<1x16xf32>,
      %swap3A_212 = vector.shape_cast %swap3A_211 : vector<1x16xf32> to vector<16xf32>
      %swap3A_213 = vector.shape_cast %broadcast_in_dim3A_5 : vector<16xf32> to vector<1x16xf32>
      tpu.vector_store %arg9[%swap3A_209, %swap3A_210], %swap3A_213 {strides = array<i32>} : memref<128x32xf32, #tpu.memory_space<vmem>>, vector<1x16xf32>,
      %swap3A_214 = arith.index_cast %scan3A_208 : i32 to index
      %swap3A_215 = arith.constant 16 : index
      %swap3A_216 = tpu.vector_load %arg9[%swap3A_214, %swap3A_215] {strides = array<i32>} : memref<128x32xf32, #tpu.memory_space<vmem>>, vector<1x16xf32>,
      %swap3A_217 = vector.shape_cast %swap3A_216 : vector<1x16xf32> to vector<16xf32>
      %swap3A_218 = vector.shape_cast %broadcast_in_dim3A_5 : vector<16xf32> to vector<1x16xf32>
      tpu.vector_store %arg9[%swap3A_214, %swap3A_215], %swap3A_218 {strides = array<i32>} : memref<128x32xf32, #tpu.memory_space<vmem>>, vector<1x16xf32>,
      %scan3A_219 = arith.constant 2 : i32
      %scan3A_220 = arith.addi %scan3A_197, %scan3A_219 : i32
      %swap3A_221 = arith.index_cast %scan3A_220 : i32 to index
      %swap3A_222 = arith.constant 0 : index
      %swap3A_223 = tpu.vector_load %arg9[%swap3A_221, %swap3A_222] {strides = array<i32>} : memref<128x32xf32, #tpu.memory_space<vmem>>, vector<1x16xf32>,
      %swap3A_224 = vector.shape_cast %swap3A_223 : vector<1x16xf32> to vector<16xf32>
      %swap3A_225 = vector.shape_cast %broadcast_in_dim3A_5 : vector<16xf32> to vector<1x16xf32>
      tpu.vector_store %arg9[%swap3A_221, %swap3A_222], %swap3A_225 {strides = array<i32>} : memref<128x32xf32, #tpu.memory_space<vmem>>, vector<1x16xf32>,
      %swap3A_226 = arith.index_cast %scan3A_220 : i32 to index
      %swap3A_227 = arith.constant 16 : index
      %swap3A_228 = tpu.vector_load %arg9[%swap3A_226, %swap3A_227] {strides = array<i32>} : memref<128x32xf32, #tpu.memory_space<vmem>>, vector<1x16xf32>,
      %swap3A_229 = vector.shape_cast %swap3A_228 : vector<1x16xf32> to vector<16xf32>
      %swap3A_230 = vector.shape_cast %broadcast_in_dim3A_5 : vector<16xf32> to vector<1x16xf32>
      tpu.vector_store %arg9[%swap3A_226, %swap3A_227], %swap3A_230 {strides = array<i32>} : memref<128x32xf32, #tpu.memory_space<vmem>>, vector<1x16xf32>,
      %scan3A_231 = arith.constant 3 : i32
      %scan3A_232 = arith.addi %scan3A_197, %scan3A_231 : i32
      %swap3A_233 = arith.index_cast %scan3A_232 : i32 to index
      %swap3A_234 = arith.constant 0 : index
      %swap3A_235 = tpu.vector_load %arg9[%swap3A_233, %swap3A_234] {strides = array<i32>} : memref<128x32xf32, #tpu.memory_space<vmem>>, vector<1x16xf32>,
      %swap3A_236 = vector.shape_cast %swap3A_235 : vector<1x16xf32> to vector<16xf32>
      %swap3A_237 = vector.shape_cast %broadcast_in_dim3A_5 : vector<16xf32> to vector<1x16xf32>
      tpu.vector_store %arg9[%swap3A_233, %swap3A_234], %swap3A_237 {strides = array<i32>} : memref<128x32xf32, #tpu.memory_space<vmem>>, vector<1x16xf32>,
      %swap3A_238 = arith.index_cast %scan3A_232 : i32 to index
      %swap3A_239 = arith.constant 16 : index
      %swap3A_240 = tpu.vector_load %arg9[%swap3A_238, %swap3A_239] {strides = array<i32>} : memref<128x32xf32, #tpu.memory_space<vmem>>, vector<1x16xf32>,
      %swap3A_241 = vector.shape_cast %swap3A_240 : vector<1x16xf32> to vector<16xf32>
      %swap3A_242 = vector.shape_cast %broadcast_in_dim3A_5 : vector<16xf32> to vector<1x16xf32>
      tpu.vector_store %arg9[%swap3A_238, %swap3A_239], %swap3A_242 {strides = array<i32>} : memref<128x32xf32, #tpu.memory_space<vmem>>, vector<1x16xf32>,
      %scan3A_243 = arith.constant 4 : i32
      %scan3A_244 = arith.addi %scan3A_197, %scan3A_243 : i32
      %swap3A_245 = arith.index_cast %scan3A_244 : i32 to index
      %swap3A_246 = arith.constant 0 : index
      %swap3A_247 = tpu.vector_load %arg9[%swap3A_245, %swap3A_246] {strides = array<i32>} : memref<128x32xf32, #tpu.memory_space<vmem>>, vector<1x16xf32>,
      %swap3A_248 = vector.shape_cast %swap3A_247 : vector<1x16xf32> to vector<16xf32>
      %swap3A_249 = vector.shape_cast %broadcast_in_dim3A_5 : vector<16xf32> to vector<1x16xf32>
      tpu.vector_store %arg9[%swap3A_245, %swap3A_246], %swap3A_249 {strides = array<i32>} : memref<128x32xf32, #tpu.memory_space<vmem>>, vector<1x16xf32>,
      %swap3A_250 = arith.index_cast %scan3A_244 : i32 to index
      %swap3A_251 = arith.constant 16 : index
      %swap3A_252 = tpu.vector_load %arg9[%swap3A_250, %swap3A_251] {strides = array<i32>} : memref<128x32xf32, #tpu.memory_space<vmem>>, vector<1x16xf32>,
      %swap3A_253 = vector.shape_cast %swap3A_252 : vector<1x16xf32> to vector<16xf32>
      %swap3A_254 = vector.shape_cast %broadcast_in_dim3A_5 : vector<16xf32> to vector<1x16xf32>
      tpu.vector_store %arg9[%swap3A_250, %swap3A_251], %swap3A_254 {strides = array<i32>} : memref<128x32xf32, #tpu.memory_space<vmem>>, vector<1x16xf32>,
      %scan3A_255 = arith.constant 5 : i32
      %scan3A_256 = arith.addi %scan3A_197, %scan3A_255 : i32
      %swap3A_257 = arith.index_cast %scan3A_256 : i32 to index
      %swap3A_258 = arith.constant 0 : index
      %swap3A_259 = tpu.vector_load %arg9[%swap3A_257, %swap3A_258] {strides = array<i32>} : memref<128x32xf32, #tpu.memory_space<vmem>>, vector<1x16xf32>,
      %swap3A_260 = vector.shape_cast %swap3A_259 : vector<1x16xf32> to vector<16xf32>
      %swap3A_261 = vector.shape_cast %broadcast_in_dim3A_5 : vector<16xf32> to vector<1x16xf32>
      tpu.vector_store %arg9[%swap3A_257, %swap3A_258], %swap3A_261 {strides = array<i32>} : memref<128x32xf32, #tpu.memory_space<vmem>>, vector<1x16xf32>,
      %swap3A_262 = arith.index_cast %scan3A_256 : i32 to index
      %swap3A_263 = arith.constant 16 : index
      %swap3A_264 = tpu.vector_load %arg9[%swap3A_262, %swap3A_263] {strides = array<i32>} : memref<128x32xf32, #tpu.memory_space<vmem>>, vector<1x16xf32>,
      %swap3A_265 = vector.shape_cast %swap3A_264 : vector<1x16xf32> to vector<16xf32>
      %swap3A_266 = vector.shape_cast %broadcast_in_dim3A_5 : vector<16xf32> to vector<1x16xf32>
      tpu.vector_store %arg9[%swap3A_262, %swap3A_263], %swap3A_266 {strides = array<i32>} : memref<128x32xf32, #tpu.memory_space<vmem>>, vector<1x16xf32>,
      %scan3A_267 = arith.constant 6 : i32
      %scan3A_268 = arith.addi %scan3A_197, %scan3A_267 : i32
      %swap3A_269 = arith.index_cast %scan3A_268 : i32 to index
      %swap3A_270 = arith.constant 0 : index
      %swap3A_271 = tpu.vector_load %arg9[%swap3A_269, %swap3A_270] {strides = array<i32>} : memref<128x32xf32, #tpu.memory_space<vmem>>, vector<1x16xf32>,
      %swap3A_272 = vector.shape_cast %swap3A_271 : vector<1x16xf32> to vector<16xf32>
      %swap3A_273 = vector.shape_cast %broadcast_in_dim3A_5 : vector<16xf32> to vector<1x16xf32>
      tpu.vector_store %arg9[%swap3A_269, %swap3A_270], %swap3A_273 {strides = array<i32>} : memref<128x32xf32, #tpu.memory_space<vmem>>, vector<1x16xf32>,
      %swap3A_274 = arith.index_cast %scan3A_268 : i32 to index
      %swap3A_275 = arith.constant 16 : index
      %swap3A_276 = tpu.vector_load %arg9[%swap3A_274, %swap3A_275] {strides = array<i32>} : memref<128x32xf32, #tpu.memory_space<vmem>>, vector<1x16xf32>,
      %swap3A_277 = vector.shape_cast %swap3A_276 : vector<1x16xf32> to vector<16xf32>
      %swap3A_278 = vector.shape_cast %broadcast_in_dim3A_5 : vector<16xf32> to vector<1x16xf32>
      tpu.vector_store %arg9[%swap3A_274, %swap3A_275], %swap3A_278 {strides = array<i32>} : memref<128x32xf32, #tpu.memory_space<vmem>>, vector<1x16xf32>,
      %scan3A_279 = arith.constant 7 : i32
      %scan3A_280 = arith.addi %scan3A_197, %scan3A_279 : i32
      %swap3A_281 = arith.index_cast %scan3A_280 : i32 to index
      %swap3A_282 = arith.constant 0 : index
      %swap3A_283 = tpu.vector_load %arg9[%swap3A_281, %swap3A_282] {strides = array<i32>} : memref<128x32xf32, #tpu.memory_space<vmem>>, vector<1x16xf32>,
      %swap3A_284 = vector.shape_cast %swap3A_283 : vector<1x16xf32> to vector<16xf32>
      %swap3A_285 = vector.shape_cast %broadcast_in_dim3A_5 : vector<16xf32> to vector<1x16xf32>
      tpu.vector_store %arg9[%swap3A_281, %swap3A_282], %swap3A_285 {strides = array<i32>} : memref<128x32xf32, #tpu.memory_space<vmem>>, vector<1x16xf32>,
      %swap3A_286 = arith.index_cast %scan3A_280 : i32 to index
      %swap3A_287 = arith.constant 16 : index
      %swap3A_288 = tpu.vector_load %arg9[%swap3A_286, %swap3A_287] {strides = array<i32>} : memref<128x32xf32, #tpu.memory_space<vmem>>, vector<1x16xf32>,
      %swap3A_289 = vector.shape_cast %swap3A_288 : vector<1x16xf32> to vector<16xf32>
      %swap3A_290 = vector.shape_cast %broadcast_in_dim3A_5 : vector<16xf32> to vector<1x16xf32>
      tpu.vector_store %arg9[%swap3A_286, %swap3A_287], %swap3A_290 {strides = array<i32>} : memref<128x32xf32, #tpu.memory_space<vmem>>, vector<1x16xf32>,
    }
    %scan3A_10 = arith.constant 128 : i32
    %mul3A_11 = arith.constant 2504 : i32
    %mul3A_12 = arith.muli %arg1, %mul3A_11 : i32
    %add3A_13 = arith.constant 0 : i32
    %add3A_14 = arith.addi %mul3A_12, %add3A_13 : i32
    "tpu.region"() ({
      %run_scoped3A = tpu.sem_alloc : memref<!tpu.dma_semaphore, #tpu.memory_space<semaphore_mem>>
      %dma_start3A = arith.constant 0 : i32
      %dma_start3A_197 = tpu.memref_slice %arg10[%add3A_14, %dma_start3A] : memref<40064x32xf32, #tpu.memory_space<vmem_shared>> -> memref<128x32xf32, #tpu.memory_space<vmem_shared>>
      %dma_start3A_198 = arith.constant 0 : i32
      %dma_start3A_199 = tpu.memref_slice %arg10[%add3A_14, %dma_start3A_198] : memref<40064x32xf32, #tpu.memory_space<vmem_shared>> -> memref<128x32xf32, #tpu.memory_space<vmem_shared>>
      tpu.enqueue_dma source(%arg9 : memref<128x32xf32, #tpu.memory_space<vmem>>) target(%dma_start3A_199 : memref<128x32xf32, #tpu.memory_space<vmem_shared>>) target_semaphore(%run_scoped3A : memref<!tpu.dma_semaphore, #tpu.memory_space<semaphore_mem>>)
      %dma_wait3A_200 = arith.constant 0 : i32
      %dma_wait3A_201 = tpu.memref_slice %arg10[%add3A_14, %dma_wait3A_200] : memref<40064x32xf32, #tpu.memory_space<vmem_shared>> -> memref<128x32xf32, #tpu.memory_space<vmem_shared>>
      %dma_wait3A_202 = arith.constant 0 : i32
      %dma_wait3A_203 = tpu.memref_slice %arg10[%add3A_14, %dma_wait3A_202] : memref<40064x32xf32, #tpu.memory_space<vmem_shared>> -> memref<128x32xf32, #tpu.memory_space<vmem_shared>>
      tpu.wait_dma2 semaphore(%run_scoped3A : memref<!tpu.dma_semaphore, #tpu.memory_space<semaphore_mem>>) src(%arg9 : memref<128x32xf32, #tpu.memory_space<vmem>>) dst(%dma_wait3A_203 : memref<128x32xf32, #tpu.memory_space<vmem_shared>>)
      tpu.yield
    }) : () -> ()
    %mul3A_15 = arith.constant 2504 : i32
    %mul3A_16 = arith.muli %arg1, %mul3A_15 : i32
    %add3A_17 = arith.constant 128 : i32
    %add3A_18 = arith.addi %mul3A_16, %add3A_17 : i32
    "tpu.region"() ({
      %run_scoped3A = tpu.sem_alloc : memref<!tpu.dma_semaphore, #tpu.memory_space<semaphore_mem>>
      %dma_start3A = arith.constant 0 : i32
      %dma_start3A_197 = tpu.memref_slice %arg10[%add3A_18, %dma_start3A] : memref<40064x32xf32, #tpu.memory_space<vmem_shared>> -> memref<128x32xf32, #tpu.memory_space<vmem_shared>>
      %dma_start3A_198 = arith.constant 0 : i32
      %dma_start3A_199 = tpu.memref_slice %arg10[%add3A_18, %dma_start3A_198] : memref<40064x32xf32, #tpu.memory_space<vmem_shared>> -> memref<128x32xf32, #tpu.memory_space<vmem_shared>>
      tpu.enqueue_dma source(%arg9 : memref<128x32xf32, #tpu.memory_space<vmem>>) target(%dma_start3A_199 : memref<128x32xf32, #tpu.memory_space<vmem_shared>>) target_semaphore(%run_scoped3A : memref<!tpu.dma_semaphore, #tpu.memory_space<semaphore_mem>>)
      %dma_wait3A_200 = arith.constant 0 : i32
      %dma_wait3A_201 = tpu.memref_slice %arg10[%add3A_18, %dma_wait3A_200] : memref<40064x32xf32, #tpu.memory_space<vmem_shared>> -> memref<128x32xf32, #tpu.memory_space<vmem_shared>>
      %dma_wait3A_202 = arith.constant 0 : i32
      %dma_wait3A_203 = tpu.memref_slice %arg10[%add3A_18, %dma_wait3A_202] : memref<40064x32xf32, #tpu.memory_space<vmem_shared>> -> memref<128x32xf32, #tpu.memory_space<vmem_shared>>
      tpu.wait_dma2 semaphore(%run_scoped3A : memref<!tpu.dma_semaphore, #tpu.memory_space<semaphore_mem>>) src(%arg9 : memref<128x32xf32, #tpu.memory_space<vmem>>) dst(%dma_wait3A_203 : memref<128x32xf32, #tpu.memory_space<vmem_shared>>)
      tpu.yield
    }) : () -> ()
    %mul3A_19 = arith.constant 2504 : i32
    %mul3A_20 = arith.muli %arg1, %mul3A_19 : i32
    %add3A_21 = arith.constant 256 : i32
    %add3A_22 = arith.addi %mul3A_20, %add3A_21 : i32
    "tpu.region"() ({
      %run_scoped3A = tpu.sem_alloc : memref<!tpu.dma_semaphore, #tpu.memory_space<semaphore_mem>>
      %dma_start3A = arith.constant 0 : i32
      %dma_start3A_197 = tpu.memref_slice %arg10[%add3A_22, %dma_start3A] : memref<40064x32xf32, #tpu.memory_space<vmem_shared>> -> memref<128x32xf32, #tpu.memory_space<vmem_shared>>
      %dma_start3A_198 = arith.constant 0 : i32
      %dma_start3A_199 = tpu.memref_slice %arg10[%add3A_22, %dma_start3A_198] : memref<40064x32xf32, #tpu.memory_space<vmem_shared>> -> memref<128x32xf32, #tpu.memory_space<vmem_shared>>
      tpu.enqueue_dma source(%arg9 : memref<128x32xf32, #tpu.memory_space<vmem>>) target(%dma_start3A_199 : memref<128x32xf32, #tpu.memory_space<vmem_shared>>) target_semaphore(%run_scoped3A : memref<!tpu.dma_semaphore, #tpu.memory_space<semaphore_mem>>)
      %dma_wait3A_200 = arith.constant 0 : i32
      %dma_wait3A_201 = tpu.memref_slice %arg10[%add3A_22, %dma_wait3A_200] : memref<40064x32xf32, #tpu.memory_space<vmem_shared>> -> memref<128x32xf32, #tpu.memory_space<vmem_shared>>
      %dma_wait3A_202 = arith.constant 0 : i32
      %dma_wait3A_203 = tpu.memref_slice %arg10[%add3A_22, %dma_wait3A_202] : memref<40064x32xf32, #tpu.memory_space<vmem_shared>> -> memref<128x32xf32, #tpu.memory_space<vmem_shared>>
      tpu.wait_dma2 semaphore(%run_scoped3A : memref<!tpu.dma_semaphore, #tpu.memory_space<semaphore_mem>>) src(%arg9 : memref<128x32xf32, #tpu.memory_space<vmem>>) dst(%dma_wait3A_203 : memref<128x32xf32, #tpu.memory_space<vmem_shared>>)
      tpu.yield
    }) : () -> ()
    %mul3A_23 = arith.constant 2504 : i32
    %mul3A_24 = arith.muli %arg1, %mul3A_23 : i32
    %add3A_25 = arith.constant 384 : i32
    %add3A_26 = arith.addi %mul3A_24, %add3A_25 : i32
    "tpu.region"() ({
      %run_scoped3A = tpu.sem_alloc : memref<!tpu.dma_semaphore, #tpu.memory_space<semaphore_mem>>
      %dma_start3A = arith.constant 0 : i32
      %dma_start3A_197 = tpu.memref_slice %arg10[%add3A_26, %dma_start3A] : memref<40064x32xf32, #tpu.memory_space<vmem_shared>> -> memref<128x32xf32, #tpu.memory_space<vmem_shared>>
      %dma_start3A_198 = arith.constant 0 : i32
      %dma_start3A_199 = tpu.memref_slice %arg10[%add3A_26, %dma_start3A_198] : memref<40064x32xf32, #tpu.memory_space<vmem_shared>> -> memref<128x32xf32, #tpu.memory_space<vmem_shared>>
      tpu.enqueue_dma source(%arg9 : memref<128x32xf32, #tpu.memory_space<vmem>>) target(%dma_start3A_199 : memref<128x32xf32, #tpu.memory_space<vmem_shared>>) target_semaphore(%run_scoped3A : memref<!tpu.dma_semaphore, #tpu.memory_space<semaphore_mem>>)
      %dma_wait3A_200 = arith.constant 0 : i32
      %dma_wait3A_201 = tpu.memref_slice %arg10[%add3A_26, %dma_wait3A_200] : memref<40064x32xf32, #tpu.memory_space<vmem_shared>> -> memref<128x32xf32, #tpu.memory_space<vmem_shared>>
      %dma_wait3A_202 = arith.constant 0 : i32
      %dma_wait3A_203 = tpu.memref_slice %arg10[%add3A_26, %dma_wait3A_202] : memref<40064x32xf32, #tpu.memory_space<vmem_shared>> -> memref<128x32xf32, #tpu.memory_space<vmem_shared>>
      tpu.wait_dma2 semaphore(%run_scoped3A : memref<!tpu.dma_semaphore, #tpu.memory_space<semaphore_mem>>) src(%arg9 : memref<128x32xf32, #tpu.memory_space<vmem>>) dst(%dma_wait3A_203 : memref<128x32xf32, #tpu.memory_space<vmem_shared>>)
      tpu.yield
    }) : () -> ()
    %mul3A_27 = arith.constant 2504 : i32
    %mul3A_28 = arith.muli %arg1, %mul3A_27 : i32
    %add3A_29 = arith.constant 512 : i32
    %add3A_30 = arith.addi %mul3A_28, %add3A_29 : i32
    "tpu.region"() ({
      %run_scoped3A = tpu.sem_alloc : memref<!tpu.dma_semaphore, #tpu.memory_space<semaphore_mem>>
      %dma_start3A = arith.constant 0 : i32
      %dma_start3A_197 = tpu.memref_slice %arg10[%add3A_30, %dma_start3A] : memref<40064x32xf32, #tpu.memory_space<vmem_shared>> -> memref<128x32xf32, #tpu.memory_space<vmem_shared>>
      %dma_start3A_198 = arith.constant 0 : i32
      %dma_start3A_199 = tpu.memref_slice %arg10[%add3A_30, %dma_start3A_198] : memref<40064x32xf32, #tpu.memory_space<vmem_shared>> -> memref<128x32xf32, #tpu.memory_space<vmem_shared>>
      tpu.enqueue_dma source(%arg9 : memref<128x32xf32, #tpu.memory_space<vmem>>) target(%dma_start3A_199 : memref<128x32xf32, #tpu.memory_space<vmem_shared>>) target_semaphore(%run_scoped3A : memref<!tpu.dma_semaphore, #tpu.memory_space<semaphore_mem>>)
      %dma_wait3A_200 = arith.constant 0 : i32
      %dma_wait3A_201 = tpu.memref_slice %arg10[%add3A_30, %dma_wait3A_200] : memref<40064x32xf32, #tpu.memory_space<vmem_shared>> -> memref<128x32xf32, #tpu.memory_space<vmem_shared>>
      %dma_wait3A_202 = arith.constant 0 : i32
      %dma_wait3A_203 = tpu.memref_slice %arg10[%add3A_30, %dma_wait3A_202] : memref<40064x32xf32, #tpu.memory_space<vmem_shared>> -> memref<128x32xf32, #tpu.memory_space<vmem_shared>>
      tpu.wait_dma2 semaphore(%run_scoped3A : memref<!tpu.dma_semaphore, #tpu.memory_space<semaphore_mem>>) src(%arg9 : memref<128x32xf32, #tpu.memory_space<vmem>>) dst(%dma_wait3A_203 : memref<128x32xf32, #tpu.memory_space<vmem_shared>>)
      tpu.yield
    }) : () -> ()
    %mul3A_31 = arith.constant 2504 : i32
    %mul3A_32 = arith.muli %arg1, %mul3A_31 : i32
    %add3A_33 = arith.constant 640 : i32
    %add3A_34 = arith.addi %mul3A_32, %add3A_33 : i32
    "tpu.region"() ({
      %run_scoped3A = tpu.sem_alloc : memref<!tpu.dma_semaphore, #tpu.memory_space<semaphore_mem>>
      %dma_start3A = arith.constant 0 : i32
      %dma_start3A_197 = tpu.memref_slice %arg10[%add3A_34, %dma_start3A] : memref<40064x32xf32, #tpu.memory_space<vmem_shared>> -> memref<128x32xf32, #tpu.memory_space<vmem_shared>>
      %dma_start3A_198 = arith.constant 0 : i32
      %dma_start3A_199 = tpu.memref_slice %arg10[%add3A_34, %dma_start3A_198] : memref<40064x32xf32, #tpu.memory_space<vmem_shared>> -> memref<128x32xf32, #tpu.memory_space<vmem_shared>>
      tpu.enqueue_dma source(%arg9 : memref<128x32xf32, #tpu.memory_space<vmem>>) target(%dma_start3A_199 : memref<128x32xf32, #tpu.memory_space<vmem_shared>>) target_semaphore(%run_scoped3A : memref<!tpu.dma_semaphore, #tpu.memory_space<semaphore_mem>>)
      %dma_wait3A_200 = arith.constant 0 : i32
      %dma_wait3A_201 = tpu.memref_slice %arg10[%add3A_34, %dma_wait3A_200] : memref<40064x32xf32, #tpu.memory_space<vmem_shared>> -> memref<128x32xf32, #tpu.memory_space<vmem_shared>>
      %dma_wait3A_202 = arith.constant 0 : i32
      %dma_wait3A_203 = tpu.memref_slice %arg10[%add3A_34, %dma_wait3A_202] : memref<40064x32xf32, #tpu.memory_space<vmem_shared>> -> memref<128x32xf32, #tpu.memory_space<vmem_shared>>
      tpu.wait_dma2 semaphore(%run_scoped3A : memref<!tpu.dma_semaphore, #tpu.memory_space<semaphore_mem>>) src(%arg9 : memref<128x32xf32, #tpu.memory_space<vmem>>) dst(%dma_wait3A_203 : memref<128x32xf32, #tpu.memory_space<vmem_shared>>)
      tpu.yield
    }) : () -> ()
    %mul3A_35 = arith.constant 2504 : i32
    %mul3A_36 = arith.muli %arg1, %mul3A_35 : i32
    %add3A_37 = arith.constant 768 : i32
    %add3A_38 = arith.addi %mul3A_36, %add3A_37 : i32
    "tpu.region"() ({
      %run_scoped3A = tpu.sem_alloc : memref<!tpu.dma_semaphore, #tpu.memory_space<semaphore_mem>>
      %dma_start3A = arith.constant 0 : i32
      %dma_start3A_197 = tpu.memref_slice %arg10[%add3A_38, %dma_start3A] : memref<40064x32xf32, #tpu.memory_space<vmem_shared>> -> memref<128x32xf32, #tpu.memory_space<vmem_shared>>
      %dma_start3A_198 = arith.constant 0 : i32
      %dma_start3A_199 = tpu.memref_slice %arg10[%add3A_38, %dma_start3A_198] : memref<40064x32xf32, #tpu.memory_space<vmem_shared>> -> memref<128x32xf32, #tpu.memory_space<vmem_shared>>
      tpu.enqueue_dma source(%arg9 : memref<128x32xf32, #tpu.memory_space<vmem>>) target(%dma_start3A_199 : memref<128x32xf32, #tpu.memory_space<vmem_shared>>) target_semaphore(%run_scoped3A : memref<!tpu.dma_semaphore, #tpu.memory_space<semaphore_mem>>)
      %dma_wait3A_200 = arith.constant 0 : i32
      %dma_wait3A_201 = tpu.memref_slice %arg10[%add3A_38, %dma_wait3A_200] : memref<40064x32xf32, #tpu.memory_space<vmem_shared>> -> memref<128x32xf32, #tpu.memory_space<vmem_shared>>
      %dma_wait3A_202 = arith.constant 0 : i32
      %dma_wait3A_203 = tpu.memref_slice %arg10[%add3A_38, %dma_wait3A_202] : memref<40064x32xf32, #tpu.memory_space<vmem_shared>> -> memref<128x32xf32, #tpu.memory_space<vmem_shared>>
      tpu.wait_dma2 semaphore(%run_scoped3A : memref<!tpu.dma_semaphore, #tpu.memory_space<semaphore_mem>>) src(%arg9 : memref<128x32xf32, #tpu.memory_space<vmem>>) dst(%dma_wait3A_203 : memref<128x32xf32, #tpu.memory_space<vmem_shared>>)
      tpu.yield
    }) : () -> ()
    %mul3A_39 = arith.constant 2504 : i32
    %mul3A_40 = arith.muli %arg1, %mul3A_39 : i32
    %add3A_41 = arith.constant 896 : i32
    %add3A_42 = arith.addi %mul3A_40, %add3A_41 : i32
    "tpu.region"() ({
      %run_scoped3A = tpu.sem_alloc : memref<!tpu.dma_semaphore, #tpu.memory_space<semaphore_mem>>
      %dma_start3A = arith.constant 0 : i32
      %dma_start3A_197 = tpu.memref_slice %arg10[%add3A_42, %dma_start3A] : memref<40064x32xf32, #tpu.memory_space<vmem_shared>> -> memref<128x32xf32, #tpu.memory_space<vmem_shared>>
      %dma_start3A_198 = arith.constant 0 : i32
      %dma_start3A_199 = tpu.memref_slice %arg10[%add3A_42, %dma_start3A_198] : memref<40064x32xf32, #tpu.memory_space<vmem_shared>> -> memref<128x32xf32, #tpu.memory_space<vmem_shared>>
      tpu.enqueue_dma source(%arg9 : memref<128x32xf32, #tpu.memory_space<vmem>>) target(%dma_start3A_199 : memref<128x32xf32, #tpu.memory_space<vmem_shared>>) target_semaphore(%run_scoped3A : memref<!tpu.dma_semaphore, #tpu.memory_space<semaphore_mem>>)
      %dma_wait3A_200 = arith.constant 0 : i32
      %dma_wait3A_201 = tpu.memref_slice %arg10[%add3A_42, %dma_wait3A_200] : memref<40064x32xf32, #tpu.memory_space<vmem_shared>> -> memref<128x32xf32, #tpu.memory_space<vmem_shared>>
      %dma_wait3A_202 = arith.constant 0 : i32
      %dma_wait3A_203 = tpu.memref_slice %arg10[%add3A_42, %dma_wait3A_202] : memref<40064x32xf32, #tpu.memory_space<vmem_shared>> -> memref<128x32xf32, #tpu.memory_space<vmem_shared>>
      tpu.wait_dma2 semaphore(%run_scoped3A : memref<!tpu.dma_semaphore, #tpu.memory_space<semaphore_mem>>) src(%arg9 : memref<128x32xf32, #tpu.memory_space<vmem>>) dst(%dma_wait3A_203 : memref<128x32xf32, #tpu.memory_space<vmem_shared>>)
      tpu.yield
    }) : () -> ()
    %mul3A_43 = arith.constant 2504 : i32
    %mul3A_44 = arith.muli %arg1, %mul3A_43 : i32
    %add3A_45 = arith.constant 1024 : i32
    %add3A_46 = arith.addi %mul3A_44, %add3A_45 : i32
    "tpu.region"() ({
      %run_scoped3A = tpu.sem_alloc : memref<!tpu.dma_semaphore, #tpu.memory_space<semaphore_mem>>
      %dma_start3A = arith.constant 0 : i32
      %dma_start3A_197 = tpu.memref_slice %arg10[%add3A_46, %dma_start3A] : memref<40064x32xf32, #tpu.memory_space<vmem_shared>> -> memref<128x32xf32, #tpu.memory_space<vmem_shared>>
      %dma_start3A_198 = arith.constant 0 : i32
      %dma_start3A_199 = tpu.memref_slice %arg10[%add3A_46, %dma_start3A_198] : memref<40064x32xf32, #tpu.memory_space<vmem_shared>> -> memref<128x32xf32, #tpu.memory_space<vmem_shared>>
      tpu.enqueue_dma source(%arg9 : memref<128x32xf32, #tpu.memory_space<vmem>>) target(%dma_start3A_199 : memref<128x32xf32, #tpu.memory_space<vmem_shared>>) target_semaphore(%run_scoped3A : memref<!tpu.dma_semaphore, #tpu.memory_space<semaphore_mem>>)
      %dma_wait3A_200 = arith.constant 0 : i32
      %dma_wait3A_201 = tpu.memref_slice %arg10[%add3A_46, %dma_wait3A_200] : memref<40064x32xf32, #tpu.memory_space<vmem_shared>> -> memref<128x32xf32, #tpu.memory_space<vmem_shared>>
      %dma_wait3A_202 = arith.constant 0 : i32
      %dma_wait3A_203 = tpu.memref_slice %arg10[%add3A_46, %dma_wait3A_202] : memref<40064x32xf32, #tpu.memory_space<vmem_shared>> -> memref<128x32xf32, #tpu.memory_space<vmem_shared>>
      tpu.wait_dma2 semaphore(%run_scoped3A : memref<!tpu.dma_semaphore, #tpu.memory_space<semaphore_mem>>) src(%arg9 : memref<128x32xf32, #tpu.memory_space<vmem>>) dst(%dma_wait3A_203 : memref<128x32xf32, #tpu.memory_space<vmem_shared>>)
      tpu.yield
    }) : () -> ()
    %mul3A_47 = arith.constant 2504 : i32
    %mul3A_48 = arith.muli %arg1, %mul3A_47 : i32
    %add3A_49 = arith.constant 1152 : i32
    %add3A_50 = arith.addi %mul3A_48, %add3A_49 : i32
    "tpu.region"() ({
      %run_scoped3A = tpu.sem_alloc : memref<!tpu.dma_semaphore, #tpu.memory_space<semaphore_mem>>
      %dma_start3A = arith.constant 0 : i32
      %dma_start3A_197 = tpu.memref_slice %arg10[%add3A_50, %dma_start3A] : memref<40064x32xf32, #tpu.memory_space<vmem_shared>> -> memref<128x32xf32, #tpu.memory_space<vmem_shared>>
      %dma_start3A_198 = arith.constant 0 : i32
      %dma_start3A_199 = tpu.memref_slice %arg10[%add3A_50, %dma_start3A_198] : memref<40064x32xf32, #tpu.memory_space<vmem_shared>> -> memref<128x32xf32, #tpu.memory_space<vmem_shared>>
      tpu.enqueue_dma source(%arg9 : memref<128x32xf32, #tpu.memory_space<vmem>>) target(%dma_start3A_199 : memref<128x32xf32, #tpu.memory_space<vmem_shared>>) target_semaphore(%run_scoped3A : memref<!tpu.dma_semaphore, #tpu.memory_space<semaphore_mem>>)
      %dma_wait3A_200 = arith.constant 0 : i32
      %dma_wait3A_201 = tpu.memref_slice %arg10[%add3A_50, %dma_wait3A_200] : memref<40064x32xf32, #tpu.memory_space<vmem_shared>> -> memref<128x32xf32, #tpu.memory_space<vmem_shared>>
      %dma_wait3A_202 = arith.constant 0 : i32
      %dma_wait3A_203 = tpu.memref_slice %arg10[%add3A_50, %dma_wait3A_202] : memref<40064x32xf32, #tpu.memory_space<vmem_shared>> -> memref<128x32xf32, #tpu.memory_space<vmem_shared>>
      tpu.wait_dma2 semaphore(%run_scoped3A : memref<!tpu.dma_semaphore, #tpu.memory_space<semaphore_mem>>) src(%arg9 : memref<128x32xf32, #tpu.memory_space<vmem>>) dst(%dma_wait3A_203 : memref<128x32xf32, #tpu.memory_space<vmem_shared>>)
      tpu.yield
    }) : () -> ()
    %mul3A_51 = arith.constant 2504 : i32
    %mul3A_52 = arith.muli %arg1, %mul3A_51 : i32
    %add3A_53 = arith.constant 1280 : i32
    %add3A_54 = arith.addi %mul3A_52, %add3A_53 : i32
    "tpu.region"() ({
      %run_scoped3A = tpu.sem_alloc : memref<!tpu.dma_semaphore, #tpu.memory_space<semaphore_mem>>
      %dma_start3A = arith.constant 0 : i32
      %dma_start3A_197 = tpu.memref_slice %arg10[%add3A_54, %dma_start3A] : memref<40064x32xf32, #tpu.memory_space<vmem_shared>> -> memref<128x32xf32, #tpu.memory_space<vmem_shared>>
      %dma_start3A_198 = arith.constant 0 : i32
      %dma_start3A_199 = tpu.memref_slice %arg10[%add3A_54, %dma_start3A_198] : memref<40064x32xf32, #tpu.memory_space<vmem_shared>> -> memref<128x32xf32, #tpu.memory_space<vmem_shared>>
      tpu.enqueue_dma source(%arg9 : memref<128x32xf32, #tpu.memory_space<vmem>>) target(%dma_start3A_199 : memref<128x32xf32, #tpu.memory_space<vmem_shared>>) target_semaphore(%run_scoped3A : memref<!tpu.dma_semaphore, #tpu.memory_space<semaphore_mem>>)
      %dma_wait3A_200 = arith.constant 0 : i32
      %dma_wait3A_201 = tpu.memref_slice %arg10[%add3A_54, %dma_wait3A_200] : memref<40064x32xf32, #tpu.memory_space<vmem_shared>> -> memref<128x32xf32, #tpu.memory_space<vmem_shared>>
      %dma_wait3A_202 = arith.constant 0 : i32
      %dma_wait3A_203 = tpu.memref_slice %arg10[%add3A_54, %dma_wait3A_202] : memref<40064x32xf32, #tpu.memory_space<vmem_shared>> -> memref<128x32xf32, #tpu.memory_space<vmem_shared>>
      tpu.wait_dma2 semaphore(%run_scoped3A : memref<!tpu.dma_semaphore, #tpu.memory_space<semaphore_mem>>) src(%arg9 : memref<128x32xf32, #tpu.memory_space<vmem>>) dst(%dma_wait3A_203 : memref<128x32xf32, #tpu.memory_space<vmem_shared>>)
      tpu.yield
    }) : () -> ()
    %mul3A_55 = arith.constant 2504 : i32
    %mul3A_56 = arith.muli %arg1, %mul3A_55 : i32
    %add3A_57 = arith.constant 1408 : i32
    %add3A_58 = arith.addi %mul3A_56, %add3A_57 : i32
    "tpu.region"() ({
      %run_scoped3A = tpu.sem_alloc : memref<!tpu.dma_semaphore, #tpu.memory_space<semaphore_mem>>
      %dma_start3A = arith.constant 0 : i32
      %dma_start3A_197 = tpu.memref_slice %arg10[%add3A_58, %dma_start3A] : memref<40064x32xf32, #tpu.memory_space<vmem_shared>> -> memref<128x32xf32, #tpu.memory_space<vmem_shared>>
      %dma_start3A_198 = arith.constant 0 : i32
      %dma_start3A_199 = tpu.memref_slice %arg10[%add3A_58, %dma_start3A_198] : memref<40064x32xf32, #tpu.memory_space<vmem_shared>> -> memref<128x32xf32, #tpu.memory_space<vmem_shared>>
      tpu.enqueue_dma source(%arg9 : memref<128x32xf32, #tpu.memory_space<vmem>>) target(%dma_start3A_199 : memref<128x32xf32, #tpu.memory_space<vmem_shared>>) target_semaphore(%run_scoped3A : memref<!tpu.dma_semaphore, #tpu.memory_space<semaphore_mem>>)
      %dma_wait3A_200 = arith.constant 0 : i32
      %dma_wait3A_201 = tpu.memref_slice %arg10[%add3A_58, %dma_wait3A_200] : memref<40064x32xf32, #tpu.memory_space<vmem_shared>> -> memref<128x32xf32, #tpu.memory_space<vmem_shared>>
      %dma_wait3A_202 = arith.constant 0 : i32
      %dma_wait3A_203 = tpu.memref_slice %arg10[%add3A_58, %dma_wait3A_202] : memref<40064x32xf32, #tpu.memory_space<vmem_shared>> -> memref<128x32xf32, #tpu.memory_space<vmem_shared>>
      tpu.wait_dma2 semaphore(%run_scoped3A : memref<!tpu.dma_semaphore, #tpu.memory_space<semaphore_mem>>) src(%arg9 : memref<128x32xf32, #tpu.memory_space<vmem>>) dst(%dma_wait3A_203 : memref<128x32xf32, #tpu.memory_space<vmem_shared>>)
      tpu.yield
    }) : () -> ()
    %mul3A_59 = arith.constant 2504 : i32
    %mul3A_60 = arith.muli %arg1, %mul3A_59 : i32
    %add3A_61 = arith.constant 1536 : i32
    %add3A_62 = arith.addi %mul3A_60, %add3A_61 : i32
    "tpu.region"() ({
      %run_scoped3A = tpu.sem_alloc : memref<!tpu.dma_semaphore, #tpu.memory_space<semaphore_mem>>
      %dma_start3A = arith.constant 0 : i32
      %dma_start3A_197 = tpu.memref_slice %arg10[%add3A_62, %dma_start3A] : memref<40064x32xf32, #tpu.memory_space<vmem_shared>> -> memref<128x32xf32, #tpu.memory_space<vmem_shared>>
      %dma_start3A_198 = arith.constant 0 : i32
      %dma_start3A_199 = tpu.memref_slice %arg10[%add3A_62, %dma_start3A_198] : memref<40064x32xf32, #tpu.memory_space<vmem_shared>> -> memref<128x32xf32, #tpu.memory_space<vmem_shared>>
      tpu.enqueue_dma source(%arg9 : memref<128x32xf32, #tpu.memory_space<vmem>>) target(%dma_start3A_199 : memref<128x32xf32, #tpu.memory_space<vmem_shared>>) target_semaphore(%run_scoped3A : memref<!tpu.dma_semaphore, #tpu.memory_space<semaphore_mem>>)
      %dma_wait3A_200 = arith.constant 0 : i32
      %dma_wait3A_201 = tpu.memref_slice %arg10[%add3A_62, %dma_wait3A_200] : memref<40064x32xf32, #tpu.memory_space<vmem_shared>> -> memref<128x32xf32, #tpu.memory_space<vmem_shared>>
      %dma_wait3A_202 = arith.constant 0 : i32
      %dma_wait3A_203 = tpu.memref_slice %arg10[%add3A_62, %dma_wait3A_202] : memref<40064x32xf32, #tpu.memory_space<vmem_shared>> -> memref<128x32xf32, #tpu.memory_space<vmem_shared>>
      tpu.wait_dma2 semaphore(%run_scoped3A : memref<!tpu.dma_semaphore, #tpu.memory_space<semaphore_mem>>) src(%arg9 : memref<128x32xf32, #tpu.memory_space<vmem>>) dst(%dma_wait3A_203 : memref<128x32xf32, #tpu.memory_space<vmem_shared>>)
      tpu.yield
    }) : () -> ()
    %mul3A_63 = arith.constant 2504 : i32
    %mul3A_64 = arith.muli %arg1, %mul3A_63 : i32
    %add3A_65 = arith.constant 1664 : i32
    %add3A_66 = arith.addi %mul3A_64, %add3A_65 : i32
    "tpu.region"() ({
      %run_scoped3A = tpu.sem_alloc : memref<!tpu.dma_semaphore, #tpu.memory_space<semaphore_mem>>
      %dma_start3A = arith.constant 0 : i32
      %dma_start3A_197 = tpu.memref_slice %arg10[%add3A_66, %dma_start3A] : memref<40064x32xf32, #tpu.memory_space<vmem_shared>> -> memref<128x32xf32, #tpu.memory_space<vmem_shared>>
      %dma_start3A_198 = arith.constant 0 : i32
      %dma_start3A_199 = tpu.memref_slice %arg10[%add3A_66, %dma_start3A_198] : memref<40064x32xf32, #tpu.memory_space<vmem_shared>> -> memref<128x32xf32, #tpu.memory_space<vmem_shared>>
      tpu.enqueue_dma source(%arg9 : memref<128x32xf32, #tpu.memory_space<vmem>>) target(%dma_start3A_199 : memref<128x32xf32, #tpu.memory_space<vmem_shared>>) target_semaphore(%run_scoped3A : memref<!tpu.dma_semaphore, #tpu.memory_space<semaphore_mem>>)
      %dma_wait3A_200 = arith.constant 0 : i32
      %dma_wait3A_201 = tpu.memref_slice %arg10[%add3A_66, %dma_wait3A_200] : memref<40064x32xf32, #tpu.memory_space<vmem_shared>> -> memref<128x32xf32, #tpu.memory_space<vmem_shared>>
      %dma_wait3A_202 = arith.constant 0 : i32
      %dma_wait3A_203 = tpu.memref_slice %arg10[%add3A_66, %dma_wait3A_202] : memref<40064x32xf32, #tpu.memory_space<vmem_shared>> -> memref<128x32xf32, #tpu.memory_space<vmem_shared>>
      tpu.wait_dma2 semaphore(%run_scoped3A : memref<!tpu.dma_semaphore, #tpu.memory_space<semaphore_mem>>) src(%arg9 : memref<128x32xf32, #tpu.memory_space<vmem>>) dst(%dma_wait3A_203 : memref<128x32xf32, #tpu.memory_space<vmem_shared>>)
      tpu.yield
    }) : () -> ()
    %mul3A_67 = arith.constant 2504 : i32
    %mul3A_68 = arith.muli %arg1, %mul3A_67 : i32
    %add3A_69 = arith.constant 1792 : i32
    %add3A_70 = arith.addi %mul3A_68, %add3A_69 : i32
    "tpu.region"() ({
      %run_scoped3A = tpu.sem_alloc : memref<!tpu.dma_semaphore, #tpu.memory_space<semaphore_mem>>
      %dma_start3A = arith.constant 0 : i32
      %dma_start3A_197 = tpu.memref_slice %arg10[%add3A_70, %dma_start3A] : memref<40064x32xf32, #tpu.memory_space<vmem_shared>> -> memref<128x32xf32, #tpu.memory_space<vmem_shared>>
      %dma_start3A_198 = arith.constant 0 : i32
      %dma_start3A_199 = tpu.memref_slice %arg10[%add3A_70, %dma_start3A_198] : memref<40064x32xf32, #tpu.memory_space<vmem_shared>> -> memref<128x32xf32, #tpu.memory_space<vmem_shared>>
      tpu.enqueue_dma source(%arg9 : memref<128x32xf32, #tpu.memory_space<vmem>>) target(%dma_start3A_199 : memref<128x32xf32, #tpu.memory_space<vmem_shared>>) target_semaphore(%run_scoped3A : memref<!tpu.dma_semaphore, #tpu.memory_space<semaphore_mem>>)
      %dma_wait3A_200 = arith.constant 0 : i32
      %dma_wait3A_201 = tpu.memref_slice %arg10[%add3A_70, %dma_wait3A_200] : memref<40064x32xf32, #tpu.memory_space<vmem_shared>> -> memref<128x32xf32, #tpu.memory_space<vmem_shared>>
      %dma_wait3A_202 = arith.constant 0 : i32
      %dma_wait3A_203 = tpu.memref_slice %arg10[%add3A_70, %dma_wait3A_202] : memref<40064x32xf32, #tpu.memory_space<vmem_shared>> -> memref<128x32xf32, #tpu.memory_space<vmem_shared>>
      tpu.wait_dma2 semaphore(%run_scoped3A : memref<!tpu.dma_semaphore, #tpu.memory_space<semaphore_mem>>) src(%arg9 : memref<128x32xf32, #tpu.memory_space<vmem>>) dst(%dma_wait3A_203 : memref<128x32xf32, #tpu.memory_space<vmem_shared>>)
      tpu.yield
    }) : () -> ()
    %mul3A_71 = arith.constant 2504 : i32
    %mul3A_72 = arith.muli %arg1, %mul3A_71 : i32
    %add3A_73 = arith.constant 1920 : i32
    %add3A_74 = arith.addi %mul3A_72, %add3A_73 : i32
    "tpu.region"() ({
      %run_scoped3A = tpu.sem_alloc : memref<!tpu.dma_semaphore, #tpu.memory_space<semaphore_mem>>
      %dma_start3A = arith.constant 0 : i32
      %dma_start3A_197 = tpu.memref_slice %arg10[%add3A_74, %dma_start3A] : memref<40064x32xf32, #tpu.memory_space<vmem_shared>> -> memref<128x32xf32, #tpu.memory_space<vmem_shared>>
      %dma_start3A_198 = arith.constant 0 : i32
      %dma_start3A_199 = tpu.memref_slice %arg10[%add3A_74, %dma_start3A_198] : memref<40064x32xf32, #tpu.memory_space<vmem_shared>> -> memref<128x32xf32, #tpu.memory_space<vmem_shared>>
      tpu.enqueue_dma source(%arg9 : memref<128x32xf32, #tpu.memory_space<vmem>>) target(%dma_start3A_199 : memref<128x32xf32, #tpu.memory_space<vmem_shared>>) target_semaphore(%run_scoped3A : memref<!tpu.dma_semaphore, #tpu.memory_space<semaphore_mem>>)
      %dma_wait3A_200 = arith.constant 0 : i32
      %dma_wait3A_201 = tpu.memref_slice %arg10[%add3A_74, %dma_wait3A_200] : memref<40064x32xf32, #tpu.memory_space<vmem_shared>> -> memref<128x32xf32, #tpu.memory_space<vmem_shared>>
      %dma_wait3A_202 = arith.constant 0 : i32
      %dma_wait3A_203 = tpu.memref_slice %arg10[%add3A_74, %dma_wait3A_202] : memref<40064x32xf32, #tpu.memory_space<vmem_shared>> -> memref<128x32xf32, #tpu.memory_space<vmem_shared>>
      tpu.wait_dma2 semaphore(%run_scoped3A : memref<!tpu.dma_semaphore, #tpu.memory_space<semaphore_mem>>) src(%arg9 : memref<128x32xf32, #tpu.memory_space<vmem>>) dst(%dma_wait3A_203 : memref<128x32xf32, #tpu.memory_space<vmem_shared>>)
      tpu.yield
    }) : () -> ()
    %mul3A_75 = arith.constant 2504 : i32
    %mul3A_76 = arith.muli %arg1, %mul3A_75 : i32
    %add3A_77 = arith.constant 2048 : i32
    %add3A_78 = arith.addi %mul3A_76, %add3A_77 : i32
    "tpu.region"() ({
      %run_scoped3A = tpu.sem_alloc : memref<!tpu.dma_semaphore, #tpu.memory_space<semaphore_mem>>
      %dma_start3A = arith.constant 0 : i32
      %dma_start3A_197 = tpu.memref_slice %arg10[%add3A_78, %dma_start3A] : memref<40064x32xf32, #tpu.memory_space<vmem_shared>> -> memref<128x32xf32, #tpu.memory_space<vmem_shared>>
      %dma_start3A_198 = arith.constant 0 : i32
      %dma_start3A_199 = tpu.memref_slice %arg10[%add3A_78, %dma_start3A_198] : memref<40064x32xf32, #tpu.memory_space<vmem_shared>> -> memref<128x32xf32, #tpu.memory_space<vmem_shared>>
      tpu.enqueue_dma source(%arg9 : memref<128x32xf32, #tpu.memory_space<vmem>>) target(%dma_start3A_199 : memref<128x32xf32, #tpu.memory_space<vmem_shared>>) target_semaphore(%run_scoped3A : memref<!tpu.dma_semaphore, #tpu.memory_space<semaphore_mem>>)
      %dma_wait3A_200 = arith.constant 0 : i32
      %dma_wait3A_201 = tpu.memref_slice %arg10[%add3A_78, %dma_wait3A_200] : memref<40064x32xf32, #tpu.memory_space<vmem_shared>> -> memref<128x32xf32, #tpu.memory_space<vmem_shared>>
      %dma_wait3A_202 = arith.constant 0 : i32
      %dma_wait3A_203 = tpu.memref_slice %arg10[%add3A_78, %dma_wait3A_202] : memref<40064x32xf32, #tpu.memory_space<vmem_shared>> -> memref<128x32xf32, #tpu.memory_space<vmem_shared>>
      tpu.wait_dma2 semaphore(%run_scoped3A : memref<!tpu.dma_semaphore, #tpu.memory_space<semaphore_mem>>) src(%arg9 : memref<128x32xf32, #tpu.memory_space<vmem>>) dst(%dma_wait3A_203 : memref<128x32xf32, #tpu.memory_space<vmem_shared>>)
      tpu.yield
    }) : () -> ()
    %mul3A_79 = arith.constant 2504 : i32
    %mul3A_80 = arith.muli %arg1, %mul3A_79 : i32
    %add3A_81 = arith.constant 2176 : i32
    %add3A_82 = arith.addi %mul3A_80, %add3A_81 : i32
    "tpu.region"() ({
      %run_scoped3A = tpu.sem_alloc : memref<!tpu.dma_semaphore, #tpu.memory_space<semaphore_mem>>
      %dma_start3A = arith.constant 0 : i32
      %dma_start3A_197 = tpu.memref_slice %arg10[%add3A_82, %dma_start3A] : memref<40064x32xf32, #tpu.memory_space<vmem_shared>> -> memref<128x32xf32, #tpu.memory_space<vmem_shared>>
      %dma_start3A_198 = arith.constant 0 : i32
      %dma_start3A_199 = tpu.memref_slice %arg10[%add3A_82, %dma_start3A_198] : memref<40064x32xf32, #tpu.memory_space<vmem_shared>> -> memref<128x32xf32, #tpu.memory_space<vmem_shared>>
      tpu.enqueue_dma source(%arg9 : memref<128x32xf32, #tpu.memory_space<vmem>>) target(%dma_start3A_199 : memref<128x32xf32, #tpu.memory_space<vmem_shared>>) target_semaphore(%run_scoped3A : memref<!tpu.dma_semaphore, #tpu.memory_space<semaphore_mem>>)
      %dma_wait3A_200 = arith.constant 0 : i32
      %dma_wait3A_201 = tpu.memref_slice %arg10[%add3A_82, %dma_wait3A_200] : memref<40064x32xf32, #tpu.memory_space<vmem_shared>> -> memref<128x32xf32, #tpu.memory_space<vmem_shared>>
      %dma_wait3A_202 = arith.constant 0 : i32
      %dma_wait3A_203 = tpu.memref_slice %arg10[%add3A_82, %dma_wait3A_202] : memref<40064x32xf32, #tpu.memory_space<vmem_shared>> -> memref<128x32xf32, #tpu.memory_space<vmem_shared>>
      tpu.wait_dma2 semaphore(%run_scoped3A : memref<!tpu.dma_semaphore, #tpu.memory_space<semaphore_mem>>) src(%arg9 : memref<128x32xf32, #tpu.memory_space<vmem>>) dst(%dma_wait3A_203 : memref<128x32xf32, #tpu.memory_space<vmem_shared>>)
      tpu.yield
    }) : () -> ()
    %mul3A_83 = arith.constant 2504 : i32
    %mul3A_84 = arith.muli %arg1, %mul3A_83 : i32
    %add3A_85 = arith.constant 2304 : i32
    %add3A_86 = arith.addi %mul3A_84, %add3A_85 : i32
    "tpu.region"() ({
      %run_scoped3A = tpu.sem_alloc : memref<!tpu.dma_semaphore, #tpu.memory_space<semaphore_mem>>
      %dma_start3A = arith.constant 0 : i32
      %dma_start3A_197 = tpu.memref_slice %arg10[%add3A_86, %dma_start3A] : memref<40064x32xf32, #tpu.memory_space<vmem_shared>> -> memref<128x32xf32, #tpu.memory_space<vmem_shared>>
      %dma_start3A_198 = arith.constant 0 : i32
      %dma_start3A_199 = tpu.memref_slice %arg10[%add3A_86, %dma_start3A_198] : memref<40064x32xf32, #tpu.memory_space<vmem_shared>> -> memref<128x32xf32, #tpu.memory_space<vmem_shared>>
      tpu.enqueue_dma source(%arg9 : memref<128x32xf32, #tpu.memory_space<vmem>>) target(%dma_start3A_199 : memref<128x32xf32, #tpu.memory_space<vmem_shared>>) target_semaphore(%run_scoped3A : memref<!tpu.dma_semaphore, #tpu.memory_space<semaphore_mem>>)
      %dma_wait3A_200 = arith.constant 0 : i32
      %dma_wait3A_201 = tpu.memref_slice %arg10[%add3A_86, %dma_wait3A_200] : memref<40064x32xf32, #tpu.memory_space<vmem_shared>> -> memref<128x32xf32, #tpu.memory_space<vmem_shared>>
      %dma_wait3A_202 = arith.constant 0 : i32
      %dma_wait3A_203 = tpu.memref_slice %arg10[%add3A_86, %dma_wait3A_202] : memref<40064x32xf32, #tpu.memory_space<vmem_shared>> -> memref<128x32xf32, #tpu.memory_space<vmem_shared>>
      tpu.wait_dma2 semaphore(%run_scoped3A : memref<!tpu.dma_semaphore, #tpu.memory_space<semaphore_mem>>) src(%arg9 : memref<128x32xf32, #tpu.memory_space<vmem>>) dst(%dma_wait3A_203 : memref<128x32xf32, #tpu.memory_space<vmem_shared>>)
      tpu.yield
    }) : () -> ()
    %mul3A_87 = arith.constant 2504 : i32
    %mul3A_88 = arith.muli %arg1, %mul3A_87 : i32
    %add3A_89 = arith.constant 2432 : i32
    %add3A_90 = arith.addi %mul3A_88, %add3A_89 : i32
    "tpu.region"() ({
      %run_scoped3A = tpu.sem_alloc : memref<!tpu.dma_semaphore, #tpu.memory_space<semaphore_mem>>
      %dma_start3A = arith.constant 0 : i32
      %dma_start3A_197 = arith.constant 0 : i32
      %dma_start3A_198 = tpu.memref_slice %arg9[%dma_start3A, %dma_start3A_197] : memref<128x32xf32, #tpu.memory_space<vmem>> -> memref<72x32xf32, #tpu.memory_space<vmem>>
      %dma_start3A_199 = arith.constant 0 : i32
      %dma_start3A_200 = tpu.memref_slice %arg10[%add3A_90, %dma_start3A_199] : memref<40064x32xf32, #tpu.memory_space<vmem_shared>> -> memref<72x32xf32, #tpu.memory_space<vmem_shared>>
      %dma_start3A_201 = arith.constant 0 : i32
      %dma_start3A_202 = tpu.memref_slice %arg10[%add3A_90, %dma_start3A_201] : memref<40064x32xf32, #tpu.memory_space<vmem_shared>> -> memref<72x32xf32, #tpu.memory_space<vmem_shared>>
      %dma_start3A_203 = arith.constant 0 : i32
      %dma_start3A_204 = arith.constant 0 : i32
      %dma_start3A_205 = tpu.memref_slice %arg9[%dma_start3A_203, %dma_start3A_204] : memref<128x32xf32, #tpu.memory_space<vmem>> -> memref<72x32xf32, #tpu.memory_space<vmem>>
      tpu.enqueue_dma source(%dma_start3A_205 : memref<72x32xf32, #tpu.memory_space<vmem>>) target(%dma_start3A_202 : memref<72x32xf32, #tpu.memory_space<vmem_shared>>) target_semaphore(%run_scoped3A : memref<!tpu.dma_semaphore, #tpu.memory_space<semaphore_mem>>)
      %dma_wait3A_206 = arith.constant 0 : i32
      %dma_wait3A_207 = arith.constant 0 : i32
      %dma_wait3A_208 = tpu.memref_slice %arg9[%dma_wait3A_206, %dma_wait3A_207] : memref<128x32xf32, #tpu.memory_space<vmem>> -> memref<72x32xf32, #tpu.memory_space<vmem>>
      %dma_wait3A_209 = arith.constant 0 : i32
      %dma_wait3A_210 = tpu.memref_slice %arg10[%add3A_90, %dma_wait3A_209] : memref<40064x32xf32, #tpu.memory_space<vmem_shared>> -> memref<72x32xf32, #tpu.memory_space<vmem_shared>>
      %dma_wait3A_211 = arith.constant 0 : i32
      %dma_wait3A_212 = tpu.memref_slice %arg10[%add3A_90, %dma_wait3A_211] : memref<40064x32xf32, #tpu.memory_space<vmem_shared>> -> memref<72x32xf32, #tpu.memory_space<vmem_shared>>
      %dma_wait3A_213 = arith.constant 0 : i32
      %dma_wait3A_214 = arith.constant 0 : i32
      %dma_wait3A_215 = tpu.memref_slice %arg9[%dma_wait3A_213, %dma_wait3A_214] : memref<128x32xf32, #tpu.memory_space<vmem>> -> memref<72x32xf32, #tpu.memory_space<vmem>>
      tpu.wait_dma2 semaphore(%run_scoped3A : memref<!tpu.dma_semaphore, #tpu.memory_space<semaphore_mem>>) src(%dma_wait3A_215 : memref<72x32xf32, #tpu.memory_space<vmem>>) dst(%dma_wait3A_212 : memref<72x32xf32, #tpu.memory_space<vmem_shared>>)
      tpu.yield
    }) : () -> ()
    %barrier3A = arith.constant 0 : index
    tpu.barrier barrier_id(%barrier3A)
    %scan3A_91 = arith.constant 0 : i32
    %scan3A_92 = arith.constant 0 : i32
    %scan3A_93 = arith.constant 5 : i32
    %scan3A_94 = arith.addi %scan3A_92, %scan3A_93 : i32
    %scan3A_95 = arith.constant 1 : i32
    scf.for %scan3A_197 = %scan3A_92 to %scan3A_94 step %scan3A_95  : i32 {
      %mul3A_198 = arith.constant 8 : i32
      %mul3A_199 = arith.muli %scan3A_197, %mul3A_198 : i32
      %add3A_200 = arith.constant 0 : i32
      %add3A_201 = arith.addi %mul3A_199, %add3A_200 : i32
      %ge3A = arith.constant 8 : i32
      %ge3A_202 = arith.cmpi sge, %add3A_201, %ge3A : i32
      %convert_element_type3A = arith.extui %ge3A_202 : i1 to i32
      %cond3A = arith.constant 0 : i32
      %cond3A_203 = arith.cmpi ne, %convert_element_type3A, %cond3A : i32
      scf.if %cond3A_203 {
        %add3A_564 = arith.constant 0 : i32
        %add3A_565 = arith.addi %mul3A_199, %add3A_564 : i32
        %sub3A = arith.constant 8 : i32
        %sub3A_566 = arith.subi %add3A_565, %sub3A : i32
        %dma_wait3A_567 = arith.constant 0 : i32
        %dma_wait3A_568 = arith.constant 0 : i32
        %dma_wait3A_569 = arith.constant 0 : i32
        %dma_wait3A_570 = tpu.memref_slice %arg8[%dma_wait3A_567, %dma_wait3A_568, %dma_wait3A_569] : memref<8x128x32xf32, #tpu.memory_space<vmem>> -> memref<1x128x32xf32, #tpu.memory_space<vmem>>
        %dma_wait3A_571 = tpu.memref_squeeze %dma_wait3A_570 : memref<1x128x32xf32, #tpu.memory_space<vmem>> -> memref<128x32xf32, #tpu.memory_space<vmem>>
        %dma_wait3A_572 = arith.constant 0 : i32
        %dma_wait3A_573 = tpu.memref_slice %arg7[%sub3A_566, %dma_wait3A_572] : memref<40x128xi32, #tpu.memory_space<vmem>> -> memref<1x128xi32, #tpu.memory_space<vmem>>
        %dma_wait3A_574 = tpu.memref_squeeze %dma_wait3A_573 : memref<1x128xi32, #tpu.memory_space<vmem>> -> memref<128xi32, #tpu.memory_space<vmem>>
        %dma_wait3A_575 = arith.constant 0 : i32
        %dma_wait3A_576 = arith.constant 0 : i32
        %dma_wait3A_577 = tpu.memref_slice %arg10[%dma_wait3A_575, %dma_wait3A_576] : memref<40064x32xf32, #tpu.memory_space<vmem_shared>> -> memref<40064x32xf32, #tpu.memory_space<vmem_shared>>
        tpu.wait_indirect_dma semaphore(%arg19 : memref<!tpu.dma_semaphore, #tpu.memory_space<semaphore_mem>>) src(%dma_wait3A_571 : memref<128x32xf32, #tpu.memory_space<vmem>>) dst(%dma_wait3A_577 : memref<40064x32xf32, #tpu.memory_space<vmem_shared>>)
      } else {
      }
      %add3A_204 = arith.constant 0 : i32
      %add3A_205 = arith.addi %mul3A_199, %add3A_204 : i32
      %dma_start3A = arith.constant 0 : i32
      %dma_start3A_206 = arith.constant 0 : i32
      %dma_start3A_207 = arith.constant 0 : i32
      %dma_start3A_208 = tpu.memref_slice %arg8[%dma_start3A, %dma_start3A_206, %dma_start3A_207] : memref<8x128x32xf32, #tpu.memory_space<vmem>> -> memref<1x128x32xf32, #tpu.memory_space<vmem>>
      %dma_start3A_209 = tpu.memref_squeeze %dma_start3A_208 : memref<1x128x32xf32, #tpu.memory_space<vmem>> -> memref<128x32xf32, #tpu.memory_space<vmem>>
      %dma_start3A_210 = arith.constant 0 : i32
      %dma_start3A_211 = tpu.memref_slice %arg6[%add3A_205, %dma_start3A_210] : memref<40x128xi32, #tpu.memory_space<vmem>> -> memref<1x128xi32, #tpu.memory_space<vmem>>
      %dma_start3A_212 = tpu.memref_squeeze %dma_start3A_211 : memref<1x128xi32, #tpu.memory_space<vmem>> -> memref<128xi32, #tpu.memory_space<vmem>>
      %dma_start3A_213 = arith.constant 0 : i32
      %dma_start3A_214 = arith.constant 0 : i32
      %dma_start3A_215 = tpu.memref_slice %arg2[%dma_start3A_213, %dma_start3A_214] : memref<10000x32xf32, #tpu.memory_space<hbm>> -> memref<10000x32xf32, #tpu.memory_space<hbm>>
      tpu.enqueue_indirect_dma source(%dma_start3A_215 : memref<10000x32xf32, #tpu.memory_space<hbm>>) target(%dma_start3A_209 : memref<128x32xf32, #tpu.memory_space<vmem>>) offsets(%dma_start3A_212 : memref<128xi32, #tpu.memory_space<vmem>>) semaphore(%arg11 : memref<!tpu.dma_semaphore, #tpu.memory_space<semaphore_mem>>)
      %add3A_216 = arith.constant 1 : i32
      %add3A_217 = arith.addi %mul3A_199, %add3A_216 : i32
      %ge3A_218 = arith.constant 8 : i32
      %ge3A_219 = arith.cmpi sge, %add3A_217, %ge3A_218 : i32
      %convert_element_type3A_220 = arith.extui %ge3A_219 : i1 to i32
      %cond3A_221 = arith.constant 0 : i32
      %cond3A_222 = arith.cmpi ne, %convert_element_type3A_220, %cond3A_221 : i32
      scf.if %cond3A_222 {
        %add3A_564 = arith.constant 1 : i32
        %add3A_565 = arith.addi %mul3A_199, %add3A_564 : i32
        %sub3A = arith.constant 8 : i32
        %sub3A_566 = arith.subi %add3A_565, %sub3A : i32
        %dma_wait3A_567 = arith.constant 1 : i32
        %dma_wait3A_568 = arith.constant 0 : i32
        %dma_wait3A_569 = arith.constant 0 : i32
        %dma_wait3A_570 = tpu.memref_slice %arg8[%dma_wait3A_567, %dma_wait3A_568, %dma_wait3A_569] : memref<8x128x32xf32, #tpu.memory_space<vmem>> -> memref<1x128x32xf32, #tpu.memory_space<vmem>>
        %dma_wait3A_571 = tpu.memref_squeeze %dma_wait3A_570 : memref<1x128x32xf32, #tpu.memory_space<vmem>> -> memref<128x32xf32, #tpu.memory_space<vmem>>
        %dma_wait3A_572 = arith.constant 0 : i32
        %dma_wait3A_573 = tpu.memref_slice %arg7[%sub3A_566, %dma_wait3A_572] : memref<40x128xi32, #tpu.memory_space<vmem>> -> memref<1x128xi32, #tpu.memory_space<vmem>>
        %dma_wait3A_574 = tpu.memref_squeeze %dma_wait3A_573 : memref<1x128xi32, #tpu.memory_space<vmem>> -> memref<128xi32, #tpu.memory_space<vmem>>
        %dma_wait3A_575 = arith.constant 0 : i32
        %dma_wait3A_576 = arith.constant 0 : i32
        %dma_wait3A_577 = tpu.memref_slice %arg10[%dma_wait3A_575, %dma_wait3A_576] : memref<40064x32xf32, #tpu.memory_space<vmem_shared>> -> memref<40064x32xf32, #tpu.memory_space<vmem_shared>>
        tpu.wait_indirect_dma semaphore(%arg20 : memref<!tpu.dma_semaphore, #tpu.memory_space<semaphore_mem>>) src(%dma_wait3A_571 : memref<128x32xf32, #tpu.memory_space<vmem>>) dst(%dma_wait3A_577 : memref<40064x32xf32, #tpu.memory_space<vmem_shared>>)
      } else {
      }
      %add3A_223 = arith.constant 1 : i32
      %add3A_224 = arith.addi %mul3A_199, %add3A_223 : i32
      %dma_start3A_225 = arith.constant 1 : i32
      %dma_start3A_226 = arith.constant 0 : i32
      %dma_start3A_227 = arith.constant 0 : i32
      %dma_start3A_228 = tpu.memref_slice %arg8[%dma_start3A_225, %dma_start3A_226, %dma_start3A_227] : memref<8x128x32xf32, #tpu.memory_space<vmem>> -> memref<1x128x32xf32, #tpu.memory_space<vmem>>
      %dma_start3A_229 = tpu.memref_squeeze %dma_start3A_228 : memref<1x128x32xf32, #tpu.memory_space<vmem>> -> memref<128x32xf32, #tpu.memory_space<vmem>>
      %dma_start3A_230 = arith.constant 0 : i32
      %dma_start3A_231 = tpu.memref_slice %arg6[%add3A_224, %dma_start3A_230] : memref<40x128xi32, #tpu.memory_space<vmem>> -> memref<1x128xi32, #tpu.memory_space<vmem>>
      %dma_start3A_232 = tpu.memref_squeeze %dma_start3A_231 : memref<1x128xi32, #tpu.memory_space<vmem>> -> memref<128xi32, #tpu.memory_space<vmem>>
      %dma_start3A_233 = arith.constant 0 : i32
      %dma_start3A_234 = arith.constant 0 : i32
      %dma_start3A_235 = tpu.memref_slice %arg2[%dma_start3A_233, %dma_start3A_234] : memref<10000x32xf32, #tpu.memory_space<hbm>> -> memref<10000x32xf32, #tpu.memory_space<hbm>>
      tpu.enqueue_indirect_dma source(%dma_start3A_235 : memref<10000x32xf32, #tpu.memory_space<hbm>>) target(%dma_start3A_229 : memref<128x32xf32, #tpu.memory_space<vmem>>) offsets(%dma_start3A_232 : memref<128xi32, #tpu.memory_space<vmem>>) semaphore(%arg12 : memref<!tpu.dma_semaphore, #tpu.memory_space<semaphore_mem>>)
      %add3A_236 = arith.constant 2 : i32
      %add3A_237 = arith.addi %mul3A_199, %add3A_236 : i32
      %ge3A_238 = arith.constant 8 : i32
      %ge3A_239 = arith.cmpi sge, %add3A_237, %ge3A_238 : i32
      %convert_element_type3A_240 = arith.extui %ge3A_239 : i1 to i32
      %cond3A_241 = arith.constant 0 : i32
      %cond3A_242 = arith.cmpi ne, %convert_element_type3A_240, %cond3A_241 : i32
      scf.if %cond3A_242 {
        %add3A_564 = arith.constant 2 : i32
        %add3A_565 = arith.addi %mul3A_199, %add3A_564 : i32
        %sub3A = arith.constant 8 : i32
        %sub3A_566 = arith.subi %add3A_565, %sub3A : i32
        %dma_wait3A_567 = arith.constant 2 : i32
        %dma_wait3A_568 = arith.constant 0 : i32
        %dma_wait3A_569 = arith.constant 0 : i32
        %dma_wait3A_570 = tpu.memref_slice %arg8[%dma_wait3A_567, %dma_wait3A_568, %dma_wait3A_569] : memref<8x128x32xf32, #tpu.memory_space<vmem>> -> memref<1x128x32xf32, #tpu.memory_space<vmem>>
        %dma_wait3A_571 = tpu.memref_squeeze %dma_wait3A_570 : memref<1x128x32xf32, #tpu.memory_space<vmem>> -> memref<128x32xf32, #tpu.memory_space<vmem>>
        %dma_wait3A_572 = arith.constant 0 : i32
        %dma_wait3A_573 = tpu.memref_slice %arg7[%sub3A_566, %dma_wait3A_572] : memref<40x128xi32, #tpu.memory_space<vmem>> -> memref<1x128xi32, #tpu.memory_space<vmem>>
        %dma_wait3A_574 = tpu.memref_squeeze %dma_wait3A_573 : memref<1x128xi32, #tpu.memory_space<vmem>> -> memref<128xi32, #tpu.memory_space<vmem>>
        %dma_wait3A_575 = arith.constant 0 : i32
        %dma_wait3A_576 = arith.constant 0 : i32
        %dma_wait3A_577 = tpu.memref_slice %arg10[%dma_wait3A_575, %dma_wait3A_576] : memref<40064x32xf32, #tpu.memory_space<vmem_shared>> -> memref<40064x32xf32, #tpu.memory_space<vmem_shared>>
        tpu.wait_indirect_dma semaphore(%arg21 : memref<!tpu.dma_semaphore, #tpu.memory_space<semaphore_mem>>) src(%dma_wait3A_571 : memref<128x32xf32, #tpu.memory_space<vmem>>) dst(%dma_wait3A_577 : memref<40064x32xf32, #tpu.memory_space<vmem_shared>>)
      } else {
      }
      %add3A_243 = arith.constant 2 : i32
      %add3A_244 = arith.addi %mul3A_199, %add3A_243 : i32
      %dma_start3A_245 = arith.constant 2 : i32
      %dma_start3A_246 = arith.constant 0 : i32
      %dma_start3A_247 = arith.constant 0 : i32
      %dma_start3A_248 = tpu.memref_slice %arg8[%dma_start3A_245, %dma_start3A_246, %dma_start3A_247] : memref<8x128x32xf32, #tpu.memory_space<vmem>> -> memref<1x128x32xf32, #tpu.memory_space<vmem>>
      %dma_start3A_249 = tpu.memref_squeeze %dma_start3A_248 : memref<1x128x32xf32, #tpu.memory_space<vmem>> -> memref<128x32xf32, #tpu.memory_space<vmem>>
      %dma_start3A_250 = arith.constant 0 : i32
      %dma_start3A_251 = tpu.memref_slice %arg6[%add3A_244, %dma_start3A_250] : memref<40x128xi32, #tpu.memory_space<vmem>> -> memref<1x128xi32, #tpu.memory_space<vmem>>
      %dma_start3A_252 = tpu.memref_squeeze %dma_start3A_251 : memref<1x128xi32, #tpu.memory_space<vmem>> -> memref<128xi32, #tpu.memory_space<vmem>>
      %dma_start3A_253 = arith.constant 0 : i32
      %dma_start3A_254 = arith.constant 0 : i32
      %dma_start3A_255 = tpu.memref_slice %arg2[%dma_start3A_253, %dma_start3A_254] : memref<10000x32xf32, #tpu.memory_space<hbm>> -> memref<10000x32xf32, #tpu.memory_space<hbm>>
      tpu.enqueue_indirect_dma source(%dma_start3A_255 : memref<10000x32xf32, #tpu.memory_space<hbm>>) target(%dma_start3A_249 : memref<128x32xf32, #tpu.memory_space<vmem>>) offsets(%dma_start3A_252 : memref<128xi32, #tpu.memory_space<vmem>>) semaphore(%arg13 : memref<!tpu.dma_semaphore, #tpu.memory_space<semaphore_mem>>)
      %add3A_256 = arith.constant 3 : i32
      %add3A_257 = arith.addi %mul3A_199, %add3A_256 : i32
      %ge3A_258 = arith.constant 8 : i32
      %ge3A_259 = arith.cmpi sge, %add3A_257, %ge3A_258 : i32
      %convert_element_type3A_260 = arith.extui %ge3A_259 : i1 to i32
      %cond3A_261 = arith.constant 0 : i32
      %cond3A_262 = arith.cmpi ne, %convert_element_type3A_260, %cond3A_261 : i32
      scf.if %cond3A_262 {
        %add3A_564 = arith.constant 3 : i32
        %add3A_565 = arith.addi %mul3A_199, %add3A_564 : i32
        %sub3A = arith.constant 8 : i32
        %sub3A_566 = arith.subi %add3A_565, %sub3A : i32
        %dma_wait3A_567 = arith.constant 3 : i32
        %dma_wait3A_568 = arith.constant 0 : i32
        %dma_wait3A_569 = arith.constant 0 : i32
        %dma_wait3A_570 = tpu.memref_slice %arg8[%dma_wait3A_567, %dma_wait3A_568, %dma_wait3A_569] : memref<8x128x32xf32, #tpu.memory_space<vmem>> -> memref<1x128x32xf32, #tpu.memory_space<vmem>>
        %dma_wait3A_571 = tpu.memref_squeeze %dma_wait3A_570 : memref<1x128x32xf32, #tpu.memory_space<vmem>> -> memref<128x32xf32, #tpu.memory_space<vmem>>
        %dma_wait3A_572 = arith.constant 0 : i32
        %dma_wait3A_573 = tpu.memref_slice %arg7[%sub3A_566, %dma_wait3A_572] : memref<40x128xi32, #tpu.memory_space<vmem>> -> memref<1x128xi32, #tpu.memory_space<vmem>>
        %dma_wait3A_574 = tpu.memref_squeeze %dma_wait3A_573 : memref<1x128xi32, #tpu.memory_space<vmem>> -> memref<128xi32, #tpu.memory_space<vmem>>
        %dma_wait3A_575 = arith.constant 0 : i32
        %dma_wait3A_576 = arith.constant 0 : i32
        %dma_wait3A_577 = tpu.memref_slice %arg10[%dma_wait3A_575, %dma_wait3A_576] : memref<40064x32xf32, #tpu.memory_space<vmem_shared>> -> memref<40064x32xf32, #tpu.memory_space<vmem_shared>>
        tpu.wait_indirect_dma semaphore(%arg22 : memref<!tpu.dma_semaphore, #tpu.memory_space<semaphore_mem>>) src(%dma_wait3A_571 : memref<128x32xf32, #tpu.memory_space<vmem>>) dst(%dma_wait3A_577 : memref<40064x32xf32, #tpu.memory_space<vmem_shared>>)
      } else {
      }
      %add3A_263 = arith.constant 3 : i32
      %add3A_264 = arith.addi %mul3A_199, %add3A_263 : i32
      %dma_start3A_265 = arith.constant 3 : i32
      %dma_start3A_266 = arith.constant 0 : i32
      %dma_start3A_267 = arith.constant 0 : i32
      %dma_start3A_268 = tpu.memref_slice %arg8[%dma_start3A_265, %dma_start3A_266, %dma_start3A_267] : memref<8x128x32xf32, #tpu.memory_space<vmem>> -> memref<1x128x32xf32, #tpu.memory_space<vmem>>
      %dma_start3A_269 = tpu.memref_squeeze %dma_start3A_268 : memref<1x128x32xf32, #tpu.memory_space<vmem>> -> memref<128x32xf32, #tpu.memory_space<vmem>>
      %dma_start3A_270 = arith.constant 0 : i32
      %dma_start3A_271 = tpu.memref_slice %arg6[%add3A_264, %dma_start3A_270] : memref<40x128xi32, #tpu.memory_space<vmem>> -> memref<1x128xi32, #tpu.memory_space<vmem>>
      %dma_start3A_272 = tpu.memref_squeeze %dma_start3A_271 : memref<1x128xi32, #tpu.memory_space<vmem>> -> memref<128xi32, #tpu.memory_space<vmem>>
      %dma_start3A_273 = arith.constant 0 : i32
      %dma_start3A_274 = arith.constant 0 : i32
      %dma_start3A_275 = tpu.memref_slice %arg2[%dma_start3A_273, %dma_start3A_274] : memref<10000x32xf32, #tpu.memory_space<hbm>> -> memref<10000x32xf32, #tpu.memory_space<hbm>>
      tpu.enqueue_indirect_dma source(%dma_start3A_275 : memref<10000x32xf32, #tpu.memory_space<hbm>>) target(%dma_start3A_269 : memref<128x32xf32, #tpu.memory_space<vmem>>) offsets(%dma_start3A_272 : memref<128xi32, #tpu.memory_space<vmem>>) semaphore(%arg14 : memref<!tpu.dma_semaphore, #tpu.memory_space<semaphore_mem>>)
      %add3A_276 = arith.constant 4 : i32
      %add3A_277 = arith.addi %mul3A_199, %add3A_276 : i32
      %ge3A_278 = arith.constant 8 : i32
      %ge3A_279 = arith.cmpi sge, %add3A_277, %ge3A_278 : i32
      %convert_element_type3A_280 = arith.extui %ge3A_279 : i1 to i32
      %cond3A_281 = arith.constant 0 : i32
      %cond3A_282 = arith.cmpi ne, %convert_element_type3A_280, %cond3A_281 : i32
      scf.if %cond3A_282 {
        %add3A_564 = arith.constant 4 : i32
        %add3A_565 = arith.addi %mul3A_199, %add3A_564 : i32
        %sub3A = arith.constant 8 : i32
        %sub3A_566 = arith.subi %add3A_565, %sub3A : i32
        %dma_wait3A_567 = arith.constant 4 : i32
        %dma_wait3A_568 = arith.constant 0 : i32
        %dma_wait3A_569 = arith.constant 0 : i32
        %dma_wait3A_570 = tpu.memref_slice %arg8[%dma_wait3A_567, %dma_wait3A_568, %dma_wait3A_569] : memref<8x128x32xf32, #tpu.memory_space<vmem>> -> memref<1x128x32xf32, #tpu.memory_space<vmem>>
        %dma_wait3A_571 = tpu.memref_squeeze %dma_wait3A_570 : memref<1x128x32xf32, #tpu.memory_space<vmem>> -> memref<128x32xf32, #tpu.memory_space<vmem>>
        %dma_wait3A_572 = arith.constant 0 : i32
        %dma_wait3A_573 = tpu.memref_slice %arg7[%sub3A_566, %dma_wait3A_572] : memref<40x128xi32, #tpu.memory_space<vmem>> -> memref<1x128xi32, #tpu.memory_space<vmem>>
        %dma_wait3A_574 = tpu.memref_squeeze %dma_wait3A_573 : memref<1x128xi32, #tpu.memory_space<vmem>> -> memref<128xi32, #tpu.memory_space<vmem>>
        %dma_wait3A_575 = arith.constant 0 : i32
        %dma_wait3A_576 = arith.constant 0 : i32
        %dma_wait3A_577 = tpu.memref_slice %arg10[%dma_wait3A_575, %dma_wait3A_576] : memref<40064x32xf32, #tpu.memory_space<vmem_shared>> -> memref<40064x32xf32, #tpu.memory_space<vmem_shared>>
        tpu.wait_indirect_dma semaphore(%arg23 : memref<!tpu.dma_semaphore, #tpu.memory_space<semaphore_mem>>) src(%dma_wait3A_571 : memref<128x32xf32, #tpu.memory_space<vmem>>) dst(%dma_wait3A_577 : memref<40064x32xf32, #tpu.memory_space<vmem_shared>>)
      } else {
      }
      %add3A_283 = arith.constant 4 : i32
      %add3A_284 = arith.addi %mul3A_199, %add3A_283 : i32
      %dma_start3A_285 = arith.constant 4 : i32
      %dma_start3A_286 = arith.constant 0 : i32
      %dma_start3A_287 = arith.constant 0 : i32
      %dma_start3A_288 = tpu.memref_slice %arg8[%dma_start3A_285, %dma_start3A_286, %dma_start3A_287] : memref<8x128x32xf32, #tpu.memory_space<vmem>> -> memref<1x128x32xf32, #tpu.memory_space<vmem>>
      %dma_start3A_289 = tpu.memref_squeeze %dma_start3A_288 : memref<1x128x32xf32, #tpu.memory_space<vmem>> -> memref<128x32xf32, #tpu.memory_space<vmem>>
      %dma_start3A_290 = arith.constant 0 : i32
      %dma_start3A_291 = tpu.memref_slice %arg6[%add3A_284, %dma_start3A_290] : memref<40x128xi32, #tpu.memory_space<vmem>> -> memref<1x128xi32, #tpu.memory_space<vmem>>
      %dma_start3A_292 = tpu.memref_squeeze %dma_start3A_291 : memref<1x128xi32, #tpu.memory_space<vmem>> -> memref<128xi32, #tpu.memory_space<vmem>>
      %dma_start3A_293 = arith.constant 0 : i32
      %dma_start3A_294 = arith.constant 0 : i32
      %dma_start3A_295 = tpu.memref_slice %arg2[%dma_start3A_293, %dma_start3A_294] : memref<10000x32xf32, #tpu.memory_space<hbm>> -> memref<10000x32xf32, #tpu.memory_space<hbm>>
      tpu.enqueue_indirect_dma source(%dma_start3A_295 : memref<10000x32xf32, #tpu.memory_space<hbm>>) target(%dma_start3A_289 : memref<128x32xf32, #tpu.memory_space<vmem>>) offsets(%dma_start3A_292 : memref<128xi32, #tpu.memory_space<vmem>>) semaphore(%arg15 : memref<!tpu.dma_semaphore, #tpu.memory_space<semaphore_mem>>)
      %add3A_296 = arith.constant 5 : i32
      %add3A_297 = arith.addi %mul3A_199, %add3A_296 : i32
      %ge3A_298 = arith.constant 8 : i32
      %ge3A_299 = arith.cmpi sge, %add3A_297, %ge3A_298 : i32
      %convert_element_type3A_300 = arith.extui %ge3A_299 : i1 to i32
      %cond3A_301 = arith.constant 0 : i32
      %cond3A_302 = arith.cmpi ne, %convert_element_type3A_300, %cond3A_301 : i32
      scf.if %cond3A_302 {
        %add3A_564 = arith.constant 5 : i32
        %add3A_565 = arith.addi %mul3A_199, %add3A_564 : i32
        %sub3A = arith.constant 8 : i32
        %sub3A_566 = arith.subi %add3A_565, %sub3A : i32
        %dma_wait3A_567 = arith.constant 5 : i32
        %dma_wait3A_568 = arith.constant 0 : i32
        %dma_wait3A_569 = arith.constant 0 : i32
        %dma_wait3A_570 = tpu.memref_slice %arg8[%dma_wait3A_567, %dma_wait3A_568, %dma_wait3A_569] : memref<8x128x32xf32, #tpu.memory_space<vmem>> -> memref<1x128x32xf32, #tpu.memory_space<vmem>>
        %dma_wait3A_571 = tpu.memref_squeeze %dma_wait3A_570 : memref<1x128x32xf32, #tpu.memory_space<vmem>> -> memref<128x32xf32, #tpu.memory_space<vmem>>
        %dma_wait3A_572 = arith.constant 0 : i32
        %dma_wait3A_573 = tpu.memref_slice %arg7[%sub3A_566, %dma_wait3A_572] : memref<40x128xi32, #tpu.memory_space<vmem>> -> memref<1x128xi32, #tpu.memory_space<vmem>>
        %dma_wait3A_574 = tpu.memref_squeeze %dma_wait3A_573 : memref<1x128xi32, #tpu.memory_space<vmem>> -> memref<128xi32, #tpu.memory_space<vmem>>
        %dma_wait3A_575 = arith.constant 0 : i32
        %dma_wait3A_576 = arith.constant 0 : i32
        %dma_wait3A_577 = tpu.memref_slice %arg10[%dma_wait3A_575, %dma_wait3A_576] : memref<40064x32xf32, #tpu.memory_space<vmem_shared>> -> memref<40064x32xf32, #tpu.memory_space<vmem_shared>>
        tpu.wait_indirect_dma semaphore(%arg24 : memref<!tpu.dma_semaphore, #tpu.memory_space<semaphore_mem>>) src(%dma_wait3A_571 : memref<128x32xf32, #tpu.memory_space<vmem>>) dst(%dma_wait3A_577 : memref<40064x32xf32, #tpu.memory_space<vmem_shared>>)
      } else {
      }
      %add3A_303 = arith.constant 5 : i32
      %add3A_304 = arith.addi %mul3A_199, %add3A_303 : i32
      %dma_start3A_305 = arith.constant 5 : i32
      %dma_start3A_306 = arith.constant 0 : i32
      %dma_start3A_307 = arith.constant 0 : i32
      %dma_start3A_308 = tpu.memref_slice %arg8[%dma_start3A_305, %dma_start3A_306, %dma_start3A_307] : memref<8x128x32xf32, #tpu.memory_space<vmem>> -> memref<1x128x32xf32, #tpu.memory_space<vmem>>
      %dma_start3A_309 = tpu.memref_squeeze %dma_start3A_308 : memref<1x128x32xf32, #tpu.memory_space<vmem>> -> memref<128x32xf32, #tpu.memory_space<vmem>>
      %dma_start3A_310 = arith.constant 0 : i32
      %dma_start3A_311 = tpu.memref_slice %arg6[%add3A_304, %dma_start3A_310] : memref<40x128xi32, #tpu.memory_space<vmem>> -> memref<1x128xi32, #tpu.memory_space<vmem>>
      %dma_start3A_312 = tpu.memref_squeeze %dma_start3A_311 : memref<1x128xi32, #tpu.memory_space<vmem>> -> memref<128xi32, #tpu.memory_space<vmem>>
      %dma_start3A_313 = arith.constant 0 : i32
      %dma_start3A_314 = arith.constant 0 : i32
      %dma_start3A_315 = tpu.memref_slice %arg2[%dma_start3A_313, %dma_start3A_314] : memref<10000x32xf32, #tpu.memory_space<hbm>> -> memref<10000x32xf32, #tpu.memory_space<hbm>>
      tpu.enqueue_indirect_dma source(%dma_start3A_315 : memref<10000x32xf32, #tpu.memory_space<hbm>>) target(%dma_start3A_309 : memref<128x32xf32, #tpu.memory_space<vmem>>) offsets(%dma_start3A_312 : memref<128xi32, #tpu.memory_space<vmem>>) semaphore(%arg16 : memref<!tpu.dma_semaphore, #tpu.memory_space<semaphore_mem>>)
      %add3A_316 = arith.constant 6 : i32
      %add3A_317 = arith.addi %mul3A_199, %add3A_316 : i32
      %ge3A_318 = arith.constant 8 : i32
      %ge3A_319 = arith.cmpi sge, %add3A_317, %ge3A_318 : i32
      %convert_element_type3A_320 = arith.extui %ge3A_319 : i1 to i32
      %cond3A_321 = arith.constant 0 : i32
      %cond3A_322 = arith.cmpi ne, %convert_element_type3A_320, %cond3A_321 : i32
      scf.if %cond3A_322 {
        %add3A_564 = arith.constant 6 : i32
        %add3A_565 = arith.addi %mul3A_199, %add3A_564 : i32
        %sub3A = arith.constant 8 : i32
        %sub3A_566 = arith.subi %add3A_565, %sub3A : i32
        %dma_wait3A_567 = arith.constant 6 : i32
        %dma_wait3A_568 = arith.constant 0 : i32
        %dma_wait3A_569 = arith.constant 0 : i32
        %dma_wait3A_570 = tpu.memref_slice %arg8[%dma_wait3A_567, %dma_wait3A_568, %dma_wait3A_569] : memref<8x128x32xf32, #tpu.memory_space<vmem>> -> memref<1x128x32xf32, #tpu.memory_space<vmem>>
        %dma_wait3A_571 = tpu.memref_squeeze %dma_wait3A_570 : memref<1x128x32xf32, #tpu.memory_space<vmem>> -> memref<128x32xf32, #tpu.memory_space<vmem>>
        %dma_wait3A_572 = arith.constant 0 : i32
        %dma_wait3A_573 = tpu.memref_slice %arg7[%sub3A_566, %dma_wait3A_572] : memref<40x128xi32, #tpu.memory_space<vmem>> -> memref<1x128xi32, #tpu.memory_space<vmem>>
        %dma_wait3A_574 = tpu.memref_squeeze %dma_wait3A_573 : memref<1x128xi32, #tpu.memory_space<vmem>> -> memref<128xi32, #tpu.memory_space<vmem>>
        %dma_wait3A_575 = arith.constant 0 : i32
        %dma_wait3A_576 = arith.constant 0 : i32
        %dma_wait3A_577 = tpu.memref_slice %arg10[%dma_wait3A_575, %dma_wait3A_576] : memref<40064x32xf32, #tpu.memory_space<vmem_shared>> -> memref<40064x32xf32, #tpu.memory_space<vmem_shared>>
        tpu.wait_indirect_dma semaphore(%arg25 : memref<!tpu.dma_semaphore, #tpu.memory_space<semaphore_mem>>) src(%dma_wait3A_571 : memref<128x32xf32, #tpu.memory_space<vmem>>) dst(%dma_wait3A_577 : memref<40064x32xf32, #tpu.memory_space<vmem_shared>>)
      } else {
      }
      %add3A_323 = arith.constant 6 : i32
      %add3A_324 = arith.addi %mul3A_199, %add3A_323 : i32
      %dma_start3A_325 = arith.constant 6 : i32
      %dma_start3A_326 = arith.constant 0 : i32
      %dma_start3A_327 = arith.constant 0 : i32
      %dma_start3A_328 = tpu.memref_slice %arg8[%dma_start3A_325, %dma_start3A_326, %dma_start3A_327] : memref<8x128x32xf32, #tpu.memory_space<vmem>> -> memref<1x128x32xf32, #tpu.memory_space<vmem>>
      %dma_start3A_329 = tpu.memref_squeeze %dma_start3A_328 : memref<1x128x32xf32, #tpu.memory_space<vmem>> -> memref<128x32xf32, #tpu.memory_space<vmem>>
      %dma_start3A_330 = arith.constant 0 : i32
      %dma_start3A_331 = tpu.memref_slice %arg6[%add3A_324, %dma_start3A_330] : memref<40x128xi32, #tpu.memory_space<vmem>> -> memref<1x128xi32, #tpu.memory_space<vmem>>
      %dma_start3A_332 = tpu.memref_squeeze %dma_start3A_331 : memref<1x128xi32, #tpu.memory_space<vmem>> -> memref<128xi32, #tpu.memory_space<vmem>>
      %dma_start3A_333 = arith.constant 0 : i32
      %dma_start3A_334 = arith.constant 0 : i32
      %dma_start3A_335 = tpu.memref_slice %arg2[%dma_start3A_333, %dma_start3A_334] : memref<10000x32xf32, #tpu.memory_space<hbm>> -> memref<10000x32xf32, #tpu.memory_space<hbm>>
      tpu.enqueue_indirect_dma source(%dma_start3A_335 : memref<10000x32xf32, #tpu.memory_space<hbm>>) target(%dma_start3A_329 : memref<128x32xf32, #tpu.memory_space<vmem>>) offsets(%dma_start3A_332 : memref<128xi32, #tpu.memory_space<vmem>>) semaphore(%arg17 : memref<!tpu.dma_semaphore, #tpu.memory_space<semaphore_mem>>)
      %add3A_336 = arith.constant 7 : i32
      %add3A_337 = arith.addi %mul3A_199, %add3A_336 : i32
      %ge3A_338 = arith.constant 8 : i32
      %ge3A_339 = arith.cmpi sge, %add3A_337, %ge3A_338 : i32
      %convert_element_type3A_340 = arith.extui %ge3A_339 : i1 to i32
      %cond3A_341 = arith.constant 0 : i32
      %cond3A_342 = arith.cmpi ne, %convert_element_type3A_340, %cond3A_341 : i32
      scf.if %cond3A_342 {
        %add3A_564 = arith.constant 7 : i32
        %add3A_565 = arith.addi %mul3A_199, %add3A_564 : i32
        %sub3A = arith.constant 8 : i32
        %sub3A_566 = arith.subi %add3A_565, %sub3A : i32
        %dma_wait3A_567 = arith.constant 7 : i32
        %dma_wait3A_568 = arith.constant 0 : i32
        %dma_wait3A_569 = arith.constant 0 : i32
        %dma_wait3A_570 = tpu.memref_slice %arg8[%dma_wait3A_567, %dma_wait3A_568, %dma_wait3A_569] : memref<8x128x32xf32, #tpu.memory_space<vmem>> -> memref<1x128x32xf32, #tpu.memory_space<vmem>>
        %dma_wait3A_571 = tpu.memref_squeeze %dma_wait3A_570 : memref<1x128x32xf32, #tpu.memory_space<vmem>> -> memref<128x32xf32, #tpu.memory_space<vmem>>
        %dma_wait3A_572 = arith.constant 0 : i32
        %dma_wait3A_573 = tpu.memref_slice %arg7[%sub3A_566, %dma_wait3A_572] : memref<40x128xi32, #tpu.memory_space<vmem>> -> memref<1x128xi32, #tpu.memory_space<vmem>>
        %dma_wait3A_574 = tpu.memref_squeeze %dma_wait3A_573 : memref<1x128xi32, #tpu.memory_space<vmem>> -> memref<128xi32, #tpu.memory_space<vmem>>
        %dma_wait3A_575 = arith.constant 0 : i32
        %dma_wait3A_576 = arith.constant 0 : i32
        %dma_wait3A_577 = tpu.memref_slice %arg10[%dma_wait3A_575, %dma_wait3A_576] : memref<40064x32xf32, #tpu.memory_space<vmem_shared>> -> memref<40064x32xf32, #tpu.memory_space<vmem_shared>>
        tpu.wait_indirect_dma semaphore(%arg26 : memref<!tpu.dma_semaphore, #tpu.memory_space<semaphore_mem>>) src(%dma_wait3A_571 : memref<128x32xf32, #tpu.memory_space<vmem>>) dst(%dma_wait3A_577 : memref<40064x32xf32, #tpu.memory_space<vmem_shared>>)
      } else {
      }
      %add3A_343 = arith.constant 7 : i32
      %add3A_344 = arith.addi %mul3A_199, %add3A_343 : i32
      %dma_start3A_345 = arith.constant 7 : i32
      %dma_start3A_346 = arith.constant 0 : i32
      %dma_start3A_347 = arith.constant 0 : i32
      %dma_start3A_348 = tpu.memref_slice %arg8[%dma_start3A_345, %dma_start3A_346, %dma_start3A_347] : memref<8x128x32xf32, #tpu.memory_space<vmem>> -> memref<1x128x32xf32, #tpu.memory_space<vmem>>
      %dma_start3A_349 = tpu.memref_squeeze %dma_start3A_348 : memref<1x128x32xf32, #tpu.memory_space<vmem>> -> memref<128x32xf32, #tpu.memory_space<vmem>>
      %dma_start3A_350 = arith.constant 0 : i32
      %dma_start3A_351 = tpu.memref_slice %arg6[%add3A_344, %dma_start3A_350] : memref<40x128xi32, #tpu.memory_space<vmem>> -> memref<1x128xi32, #tpu.memory_space<vmem>>
      %dma_start3A_352 = tpu.memref_squeeze %dma_start3A_351 : memref<1x128xi32, #tpu.memory_space<vmem>> -> memref<128xi32, #tpu.memory_space<vmem>>
      %dma_start3A_353 = arith.constant 0 : i32
      %dma_start3A_354 = arith.constant 0 : i32
      %dma_start3A_355 = tpu.memref_slice %arg2[%dma_start3A_353, %dma_start3A_354] : memref<10000x32xf32, #tpu.memory_space<hbm>> -> memref<10000x32xf32, #tpu.memory_space<hbm>>
      tpu.enqueue_indirect_dma source(%dma_start3A_355 : memref<10000x32xf32, #tpu.memory_space<hbm>>) target(%dma_start3A_349 : memref<128x32xf32, #tpu.memory_space<vmem>>) offsets(%dma_start3A_352 : memref<128xi32, #tpu.memory_space<vmem>>) semaphore(%arg18 : memref<!tpu.dma_semaphore, #tpu.memory_space<semaphore_mem>>)
      %add3A_356 = arith.constant 0 : i32
      %add3A_357 = arith.addi %mul3A_199, %add3A_356 : i32
      %dma_wait3A_358 = arith.constant 0 : i32
      %dma_wait3A_359 = arith.constant 0 : i32
      %dma_wait3A_360 = arith.constant 0 : i32
      %dma_wait3A_361 = tpu.memref_slice %arg8[%dma_wait3A_358, %dma_wait3A_359, %dma_wait3A_360] : memref<8x128x32xf32, #tpu.memory_space<vmem>> -> memref<1x128x32xf32, #tpu.memory_space<vmem>>
      %dma_wait3A_362 = tpu.memref_squeeze %dma_wait3A_361 : memref<1x128x32xf32, #tpu.memory_space<vmem>> -> memref<128x32xf32, #tpu.memory_space<vmem>>
      %dma_wait3A_363 = arith.constant 0 : i32
      %dma_wait3A_364 = tpu.memref_slice %arg6[%add3A_357, %dma_wait3A_363] : memref<40x128xi32, #tpu.memory_space<vmem>> -> memref<1x128xi32, #tpu.memory_space<vmem>>
      %dma_wait3A_365 = tpu.memref_squeeze %dma_wait3A_364 : memref<1x128xi32, #tpu.memory_space<vmem>> -> memref<128xi32, #tpu.memory_space<vmem>>
      %dma_wait3A_366 = arith.constant 0 : i32
      %dma_wait3A_367 = arith.constant 0 : i32
      %dma_wait3A_368 = tpu.memref_slice %arg2[%dma_wait3A_366, %dma_wait3A_367] : memref<10000x32xf32, #tpu.memory_space<hbm>> -> memref<10000x32xf32, #tpu.memory_space<hbm>>
      tpu.wait_indirect_dma semaphore(%arg11 : memref<!tpu.dma_semaphore, #tpu.memory_space<semaphore_mem>>) src(%dma_wait3A_368 : memref<10000x32xf32, #tpu.memory_space<hbm>>) dst(%dma_wait3A_362 : memref<128x32xf32, #tpu.memory_space<vmem>>)
      %add3A_369 = arith.constant 0 : i32
      %add3A_370 = arith.addi %mul3A_199, %add3A_369 : i32
      %dma_start3A_371 = arith.constant 0 : i32
      %dma_start3A_372 = arith.constant 0 : i32
      %dma_start3A_373 = arith.constant 0 : i32
      %dma_start3A_374 = tpu.memref_slice %arg8[%dma_start3A_371, %dma_start3A_372, %dma_start3A_373] : memref<8x128x32xf32, #tpu.memory_space<vmem>> -> memref<1x128x32xf32, #tpu.memory_space<vmem>>
      %dma_start3A_375 = tpu.memref_squeeze %dma_start3A_374 : memref<1x128x32xf32, #tpu.memory_space<vmem>> -> memref<128x32xf32, #tpu.memory_space<vmem>>
      %dma_start3A_376 = arith.constant 0 : i32
      %dma_start3A_377 = tpu.memref_slice %arg7[%add3A_370, %dma_start3A_376] : memref<40x128xi32, #tpu.memory_space<vmem>> -> memref<1x128xi32, #tpu.memory_space<vmem>>
      %dma_start3A_378 = tpu.memref_squeeze %dma_start3A_377 : memref<1x128xi32, #tpu.memory_space<vmem>> -> memref<128xi32, #tpu.memory_space<vmem>>
      %dma_start3A_379 = arith.constant 0 : i32
      %dma_start3A_380 = arith.constant 0 : i32
      %dma_start3A_381 = tpu.memref_slice %arg10[%dma_start3A_379, %dma_start3A_380] : memref<40064x32xf32, #tpu.memory_space<vmem_shared>> -> memref<40064x32xf32, #tpu.memory_space<vmem_shared>>
      tpu.enqueue_indirect_dma source(%dma_start3A_375 : memref<128x32xf32, #tpu.memory_space<vmem>>) target(%dma_start3A_381 : memref<40064x32xf32, #tpu.memory_space<vmem_shared>>) offsets(%dma_start3A_378 : memref<128xi32, #tpu.memory_space<vmem>>) semaphore(%arg19 : memref<!tpu.dma_semaphore, #tpu.memory_space<semaphore_mem>>) {add = true}
      %add3A_382 = arith.constant 1 : i32
      %add3A_383 = arith.addi %mul3A_199, %add3A_382 : i32
      %dma_wait3A_384 = arith.constant 1 : i32
      %dma_wait3A_385 = arith.constant 0 : i32
      %dma_wait3A_386 = arith.constant 0 : i32
      %dma_wait3A_387 = tpu.memref_slice %arg8[%dma_wait3A_384, %dma_wait3A_385, %dma_wait3A_386] : memref<8x128x32xf32, #tpu.memory_space<vmem>> -> memref<1x128x32xf32, #tpu.memory_space<vmem>>
      %dma_wait3A_388 = tpu.memref_squeeze %dma_wait3A_387 : memref<1x128x32xf32, #tpu.memory_space<vmem>> -> memref<128x32xf32, #tpu.memory_space<vmem>>
      %dma_wait3A_389 = arith.constant 0 : i32
      %dma_wait3A_390 = tpu.memref_slice %arg6[%add3A_383, %dma_wait3A_389] : memref<40x128xi32, #tpu.memory_space<vmem>> -> memref<1x128xi32, #tpu.memory_space<vmem>>
      %dma_wait3A_391 = tpu.memref_squeeze %dma_wait3A_390 : memref<1x128xi32, #tpu.memory_space<vmem>> -> memref<128xi32, #tpu.memory_space<vmem>>
      %dma_wait3A_392 = arith.constant 0 : i32
      %dma_wait3A_393 = arith.constant 0 : i32
      %dma_wait3A_394 = tpu.memref_slice %arg2[%dma_wait3A_392, %dma_wait3A_393] : memref<10000x32xf32, #tpu.memory_space<hbm>> -> memref<10000x32xf32, #tpu.memory_space<hbm>>
      tpu.wait_indirect_dma semaphore(%arg12 : memref<!tpu.dma_semaphore, #tpu.memory_space<semaphore_mem>>) src(%dma_wait3A_394 : memref<10000x32xf32, #tpu.memory_space<hbm>>) dst(%dma_wait3A_388 : memref<128x32xf32, #tpu.memory_space<vmem>>)
      %add3A_395 = arith.constant 1 : i32
      %add3A_396 = arith.addi %mul3A_199, %add3A_395 : i32
      %dma_start3A_397 = arith.constant 1 : i32
      %dma_start3A_398 = arith.constant 0 : i32
      %dma_start3A_399 = arith.constant 0 : i32
      %dma_start3A_400 = tpu.memref_slice %arg8[%dma_start3A_397, %dma_start3A_398, %dma_start3A_399] : memref<8x128x32xf32, #tpu.memory_space<vmem>> -> memref<1x128x32xf32, #tpu.memory_space<vmem>>
      %dma_start3A_401 = tpu.memref_squeeze %dma_start3A_400 : memref<1x128x32xf32, #tpu.memory_space<vmem>> -> memref<128x32xf32, #tpu.memory_space<vmem>>
      %dma_start3A_402 = arith.constant 0 : i32
      %dma_start3A_403 = tpu.memref_slice %arg7[%add3A_396, %dma_start3A_402] : memref<40x128xi32, #tpu.memory_space<vmem>> -> memref<1x128xi32, #tpu.memory_space<vmem>>
      %dma_start3A_404 = tpu.memref_squeeze %dma_start3A_403 : memref<1x128xi32, #tpu.memory_space<vmem>> -> memref<128xi32, #tpu.memory_space<vmem>>
      %dma_start3A_405 = arith.constant 0 : i32
      %dma_start3A_406 = arith.constant 0 : i32
      %dma_start3A_407 = tpu.memref_slice %arg10[%dma_start3A_405, %dma_start3A_406] : memref<40064x32xf32, #tpu.memory_space<vmem_shared>> -> memref<40064x32xf32, #tpu.memory_space<vmem_shared>>
      tpu.enqueue_indirect_dma source(%dma_start3A_401 : memref<128x32xf32, #tpu.memory_space<vmem>>) target(%dma_start3A_407 : memref<40064x32xf32, #tpu.memory_space<vmem_shared>>) offsets(%dma_start3A_404 : memref<128xi32, #tpu.memory_space<vmem>>) semaphore(%arg20 : memref<!tpu.dma_semaphore, #tpu.memory_space<semaphore_mem>>) {add = true}
      %add3A_408 = arith.constant 2 : i32
      %add3A_409 = arith.addi %mul3A_199, %add3A_408 : i32
      %dma_wait3A_410 = arith.constant 2 : i32
      %dma_wait3A_411 = arith.constant 0 : i32
      %dma_wait3A_412 = arith.constant 0 : i32
      %dma_wait3A_413 = tpu.memref_slice %arg8[%dma_wait3A_410, %dma_wait3A_411, %dma_wait3A_412] : memref<8x128x32xf32, #tpu.memory_space<vmem>> -> memref<1x128x32xf32, #tpu.memory_space<vmem>>
      %dma_wait3A_414 = tpu.memref_squeeze %dma_wait3A_413 : memref<1x128x32xf32, #tpu.memory_space<vmem>> -> memref<128x32xf32, #tpu.memory_space<vmem>>
      %dma_wait3A_415 = arith.constant 0 : i32
      %dma_wait3A_416 = tpu.memref_slice %arg6[%add3A_409, %dma_wait3A_415] : memref<40x128xi32, #tpu.memory_space<vmem>> -> memref<1x128xi32, #tpu.memory_space<vmem>>
      %dma_wait3A_417 = tpu.memref_squeeze %dma_wait3A_416 : memref<1x128xi32, #tpu.memory_space<vmem>> -> memref<128xi32, #tpu.memory_space<vmem>>
      %dma_wait3A_418 = arith.constant 0 : i32
      %dma_wait3A_419 = arith.constant 0 : i32
      %dma_wait3A_420 = tpu.memref_slice %arg2[%dma_wait3A_418, %dma_wait3A_419] : memref<10000x32xf32, #tpu.memory_space<hbm>> -> memref<10000x32xf32, #tpu.memory_space<hbm>>
      tpu.wait_indirect_dma semaphore(%arg13 : memref<!tpu.dma_semaphore, #tpu.memory_space<semaphore_mem>>) src(%dma_wait3A_420 : memref<10000x32xf32, #tpu.memory_space<hbm>>) dst(%dma_wait3A_414 : memref<128x32xf32, #tpu.memory_space<vmem>>)
      %add3A_421 = arith.constant 2 : i32
      %add3A_422 = arith.addi %mul3A_199, %add3A_421 : i32
      %dma_start3A_423 = arith.constant 2 : i32
      %dma_start3A_424 = arith.constant 0 : i32
      %dma_start3A_425 = arith.constant 0 : i32
      %dma_start3A_426 = tpu.memref_slice %arg8[%dma_start3A_423, %dma_start3A_424, %dma_start3A_425] : memref<8x128x32xf32, #tpu.memory_space<vmem>> -> memref<1x128x32xf32, #tpu.memory_space<vmem>>
      %dma_start3A_427 = tpu.memref_squeeze %dma_start3A_426 : memref<1x128x32xf32, #tpu.memory_space<vmem>> -> memref<128x32xf32, #tpu.memory_space<vmem>>
      %dma_start3A_428 = arith.constant 0 : i32
      %dma_start3A_429 = tpu.memref_slice %arg7[%add3A_422, %dma_start3A_428] : memref<40x128xi32, #tpu.memory_space<vmem>> -> memref<1x128xi32, #tpu.memory_space<vmem>>
      %dma_start3A_430 = tpu.memref_squeeze %dma_start3A_429 : memref<1x128xi32, #tpu.memory_space<vmem>> -> memref<128xi32, #tpu.memory_space<vmem>>
      %dma_start3A_431 = arith.constant 0 : i32
      %dma_start3A_432 = arith.constant 0 : i32
      %dma_start3A_433 = tpu.memref_slice %arg10[%dma_start3A_431, %dma_start3A_432] : memref<40064x32xf32, #tpu.memory_space<vmem_shared>> -> memref<40064x32xf32, #tpu.memory_space<vmem_shared>>
      tpu.enqueue_indirect_dma source(%dma_start3A_427 : memref<128x32xf32, #tpu.memory_space<vmem>>) target(%dma_start3A_433 : memref<40064x32xf32, #tpu.memory_space<vmem_shared>>) offsets(%dma_start3A_430 : memref<128xi32, #tpu.memory_space<vmem>>) semaphore(%arg21 : memref<!tpu.dma_semaphore, #tpu.memory_space<semaphore_mem>>) {add = true}
      %add3A_434 = arith.constant 3 : i32
      %add3A_435 = arith.addi %mul3A_199, %add3A_434 : i32
      %dma_wait3A_436 = arith.constant 3 : i32
      %dma_wait3A_437 = arith.constant 0 : i32
      %dma_wait3A_438 = arith.constant 0 : i32
      %dma_wait3A_439 = tpu.memref_slice %arg8[%dma_wait3A_436, %dma_wait3A_437, %dma_wait3A_438] : memref<8x128x32xf32, #tpu.memory_space<vmem>> -> memref<1x128x32xf32, #tpu.memory_space<vmem>>
      %dma_wait3A_440 = tpu.memref_squeeze %dma_wait3A_439 : memref<1x128x32xf32, #tpu.memory_space<vmem>> -> memref<128x32xf32, #tpu.memory_space<vmem>>
      %dma_wait3A_441 = arith.constant 0 : i32
      %dma_wait3A_442 = tpu.memref_slice %arg6[%add3A_435, %dma_wait3A_441] : memref<40x128xi32, #tpu.memory_space<vmem>> -> memref<1x128xi32, #tpu.memory_space<vmem>>
      %dma_wait3A_443 = tpu.memref_squeeze %dma_wait3A_442 : memref<1x128xi32, #tpu.memory_space<vmem>> -> memref<128xi32, #tpu.memory_space<vmem>>
      %dma_wait3A_444 = arith.constant 0 : i32
      %dma_wait3A_445 = arith.constant 0 : i32
      %dma_wait3A_446 = tpu.memref_slice %arg2[%dma_wait3A_444, %dma_wait3A_445] : memref<10000x32xf32, #tpu.memory_space<hbm>> -> memref<10000x32xf32, #tpu.memory_space<hbm>>
      tpu.wait_indirect_dma semaphore(%arg14 : memref<!tpu.dma_semaphore, #tpu.memory_space<semaphore_mem>>) src(%dma_wait3A_446 : memref<10000x32xf32, #tpu.memory_space<hbm>>) dst(%dma_wait3A_440 : memref<128x32xf32, #tpu.memory_space<vmem>>)
      %add3A_447 = arith.constant 3 : i32
      %add3A_448 = arith.addi %mul3A_199, %add3A_447 : i32
      %dma_start3A_449 = arith.constant 3 : i32
      %dma_start3A_450 = arith.constant 0 : i32
      %dma_start3A_451 = arith.constant 0 : i32
      %dma_start3A_452 = tpu.memref_slice %arg8[%dma_start3A_449, %dma_start3A_450, %dma_start3A_451] : memref<8x128x32xf32, #tpu.memory_space<vmem>> -> memref<1x128x32xf32, #tpu.memory_space<vmem>>
      %dma_start3A_453 = tpu.memref_squeeze %dma_start3A_452 : memref<1x128x32xf32, #tpu.memory_space<vmem>> -> memref<128x32xf32, #tpu.memory_space<vmem>>
      %dma_start3A_454 = arith.constant 0 : i32
      %dma_start3A_455 = tpu.memref_slice %arg7[%add3A_448, %dma_start3A_454] : memref<40x128xi32, #tpu.memory_space<vmem>> -> memref<1x128xi32, #tpu.memory_space<vmem>>
      %dma_start3A_456 = tpu.memref_squeeze %dma_start3A_455 : memref<1x128xi32, #tpu.memory_space<vmem>> -> memref<128xi32, #tpu.memory_space<vmem>>
      %dma_start3A_457 = arith.constant 0 : i32
      %dma_start3A_458 = arith.constant 0 : i32
      %dma_start3A_459 = tpu.memref_slice %arg10[%dma_start3A_457, %dma_start3A_458] : memref<40064x32xf32, #tpu.memory_space<vmem_shared>> -> memref<40064x32xf32, #tpu.memory_space<vmem_shared>>
      tpu.enqueue_indirect_dma source(%dma_start3A_453 : memref<128x32xf32, #tpu.memory_space<vmem>>) target(%dma_start3A_459 : memref<40064x32xf32, #tpu.memory_space<vmem_shared>>) offsets(%dma_start3A_456 : memref<128xi32, #tpu.memory_space<vmem>>) semaphore(%arg22 : memref<!tpu.dma_semaphore, #tpu.memory_space<semaphore_mem>>) {add = true}
      %add3A_460 = arith.constant 4 : i32
      %add3A_461 = arith.addi %mul3A_199, %add3A_460 : i32
      %dma_wait3A_462 = arith.constant 4 : i32
      %dma_wait3A_463 = arith.constant 0 : i32
      %dma_wait3A_464 = arith.constant 0 : i32
      %dma_wait3A_465 = tpu.memref_slice %arg8[%dma_wait3A_462, %dma_wait3A_463, %dma_wait3A_464] : memref<8x128x32xf32, #tpu.memory_space<vmem>> -> memref<1x128x32xf32, #tpu.memory_space<vmem>>
      %dma_wait3A_466 = tpu.memref_squeeze %dma_wait3A_465 : memref<1x128x32xf32, #tpu.memory_space<vmem>> -> memref<128x32xf32, #tpu.memory_space<vmem>>
      %dma_wait3A_467 = arith.constant 0 : i32
      %dma_wait3A_468 = tpu.memref_slice %arg6[%add3A_461, %dma_wait3A_467] : memref<40x128xi32, #tpu.memory_space<vmem>> -> memref<1x128xi32, #tpu.memory_space<vmem>>
      %dma_wait3A_469 = tpu.memref_squeeze %dma_wait3A_468 : memref<1x128xi32, #tpu.memory_space<vmem>> -> memref<128xi32, #tpu.memory_space<vmem>>
      %dma_wait3A_470 = arith.constant 0 : i32
      %dma_wait3A_471 = arith.constant 0 : i32
      %dma_wait3A_472 = tpu.memref_slice %arg2[%dma_wait3A_470, %dma_wait3A_471] : memref<10000x32xf32, #tpu.memory_space<hbm>> -> memref<10000x32xf32, #tpu.memory_space<hbm>>
      tpu.wait_indirect_dma semaphore(%arg15 : memref<!tpu.dma_semaphore, #tpu.memory_space<semaphore_mem>>) src(%dma_wait3A_472 : memref<10000x32xf32, #tpu.memory_space<hbm>>) dst(%dma_wait3A_466 : memref<128x32xf32, #tpu.memory_space<vmem>>)
      %add3A_473 = arith.constant 4 : i32
      %add3A_474 = arith.addi %mul3A_199, %add3A_473 : i32
      %dma_start3A_475 = arith.constant 4 : i32
      %dma_start3A_476 = arith.constant 0 : i32
      %dma_start3A_477 = arith.constant 0 : i32
      %dma_start3A_478 = tpu.memref_slice %arg8[%dma_start3A_475, %dma_start3A_476, %dma_start3A_477] : memref<8x128x32xf32, #tpu.memory_space<vmem>> -> memref<1x128x32xf32, #tpu.memory_space<vmem>>
      %dma_start3A_479 = tpu.memref_squeeze %dma_start3A_478 : memref<1x128x32xf32, #tpu.memory_space<vmem>> -> memref<128x32xf32, #tpu.memory_space<vmem>>
      %dma_start3A_480 = arith.constant 0 : i32
      %dma_start3A_481 = tpu.memref_slice %arg7[%add3A_474, %dma_start3A_480] : memref<40x128xi32, #tpu.memory_space<vmem>> -> memref<1x128xi32, #tpu.memory_space<vmem>>
      %dma_start3A_482 = tpu.memref_squeeze %dma_start3A_481 : memref<1x128xi32, #tpu.memory_space<vmem>> -> memref<128xi32, #tpu.memory_space<vmem>>
      %dma_start3A_483 = arith.constant 0 : i32
      %dma_start3A_484 = arith.constant 0 : i32
      %dma_start3A_485 = tpu.memref_slice %arg10[%dma_start3A_483, %dma_start3A_484] : memref<40064x32xf32, #tpu.memory_space<vmem_shared>> -> memref<40064x32xf32, #tpu.memory_space<vmem_shared>>
      tpu.enqueue_indirect_dma source(%dma_start3A_479 : memref<128x32xf32, #tpu.memory_space<vmem>>) target(%dma_start3A_485 : memref<40064x32xf32, #tpu.memory_space<vmem_shared>>) offsets(%dma_start3A_482 : memref<128xi32, #tpu.memory_space<vmem>>) semaphore(%arg23 : memref<!tpu.dma_semaphore, #tpu.memory_space<semaphore_mem>>) {add = true}
      %add3A_486 = arith.constant 5 : i32
      %add3A_487 = arith.addi %mul3A_199, %add3A_486 : i32
      %dma_wait3A_488 = arith.constant 5 : i32
      %dma_wait3A_489 = arith.constant 0 : i32
      %dma_wait3A_490 = arith.constant 0 : i32
      %dma_wait3A_491 = tpu.memref_slice %arg8[%dma_wait3A_488, %dma_wait3A_489, %dma_wait3A_490] : memref<8x128x32xf32, #tpu.memory_space<vmem>> -> memref<1x128x32xf32, #tpu.memory_space<vmem>>
      %dma_wait3A_492 = tpu.memref_squeeze %dma_wait3A_491 : memref<1x128x32xf32, #tpu.memory_space<vmem>> -> memref<128x32xf32, #tpu.memory_space<vmem>>
      %dma_wait3A_493 = arith.constant 0 : i32
      %dma_wait3A_494 = tpu.memref_slice %arg6[%add3A_487, %dma_wait3A_493] : memref<40x128xi32, #tpu.memory_space<vmem>> -> memref<1x128xi32, #tpu.memory_space<vmem>>
      %dma_wait3A_495 = tpu.memref_squeeze %dma_wait3A_494 : memref<1x128xi32, #tpu.memory_space<vmem>> -> memref<128xi32, #tpu.memory_space<vmem>>
      %dma_wait3A_496 = arith.constant 0 : i32
      %dma_wait3A_497 = arith.constant 0 : i32
      %dma_wait3A_498 = tpu.memref_slice %arg2[%dma_wait3A_496, %dma_wait3A_497] : memref<10000x32xf32, #tpu.memory_space<hbm>> -> memref<10000x32xf32, #tpu.memory_space<hbm>>
      tpu.wait_indirect_dma semaphore(%arg16 : memref<!tpu.dma_semaphore, #tpu.memory_space<semaphore_mem>>) src(%dma_wait3A_498 : memref<10000x32xf32, #tpu.memory_space<hbm>>) dst(%dma_wait3A_492 : memref<128x32xf32, #tpu.memory_space<vmem>>)
      %add3A_499 = arith.constant 5 : i32
      %add3A_500 = arith.addi %mul3A_199, %add3A_499 : i32
      %dma_start3A_501 = arith.constant 5 : i32
      %dma_start3A_502 = arith.constant 0 : i32
      %dma_start3A_503 = arith.constant 0 : i32
      %dma_start3A_504 = tpu.memref_slice %arg8[%dma_start3A_501, %dma_start3A_502, %dma_start3A_503] : memref<8x128x32xf32, #tpu.memory_space<vmem>> -> memref<1x128x32xf32, #tpu.memory_space<vmem>>
      %dma_start3A_505 = tpu.memref_squeeze %dma_start3A_504 : memref<1x128x32xf32, #tpu.memory_space<vmem>> -> memref<128x32xf32, #tpu.memory_space<vmem>>
      %dma_start3A_506 = arith.constant 0 : i32
      %dma_start3A_507 = tpu.memref_slice %arg7[%add3A_500, %dma_start3A_506] : memref<40x128xi32, #tpu.memory_space<vmem>> -> memref<1x128xi32, #tpu.memory_space<vmem>>
      %dma_start3A_508 = tpu.memref_squeeze %dma_start3A_507 : memref<1x128xi32, #tpu.memory_space<vmem>> -> memref<128xi32, #tpu.memory_space<vmem>>
      %dma_start3A_509 = arith.constant 0 : i32
      %dma_start3A_510 = arith.constant 0 : i32
      %dma_start3A_511 = tpu.memref_slice %arg10[%dma_start3A_509, %dma_start3A_510] : memref<40064x32xf32, #tpu.memory_space<vmem_shared>> -> memref<40064x32xf32, #tpu.memory_space<vmem_shared>>
      tpu.enqueue_indirect_dma source(%dma_start3A_505 : memref<128x32xf32, #tpu.memory_space<vmem>>) target(%dma_start3A_511 : memref<40064x32xf32, #tpu.memory_space<vmem_shared>>) offsets(%dma_start3A_508 : memref<128xi32, #tpu.memory_space<vmem>>) semaphore(%arg24 : memref<!tpu.dma_semaphore, #tpu.memory_space<semaphore_mem>>) {add = true}
      %add3A_512 = arith.constant 6 : i32
      %add3A_513 = arith.addi %mul3A_199, %add3A_512 : i32
      %dma_wait3A_514 = arith.constant 6 : i32
      %dma_wait3A_515 = arith.constant 0 : i32
      %dma_wait3A_516 = arith.constant 0 : i32
      %dma_wait3A_517 = tpu.memref_slice %arg8[%dma_wait3A_514, %dma_wait3A_515, %dma_wait3A_516] : memref<8x128x32xf32, #tpu.memory_space<vmem>> -> memref<1x128x32xf32, #tpu.memory_space<vmem>>
      %dma_wait3A_518 = tpu.memref_squeeze %dma_wait3A_517 : memref<1x128x32xf32, #tpu.memory_space<vmem>> -> memref<128x32xf32, #tpu.memory_space<vmem>>
      %dma_wait3A_519 = arith.constant 0 : i32
      %dma_wait3A_520 = tpu.memref_slice %arg6[%add3A_513, %dma_wait3A_519] : memref<40x128xi32, #tpu.memory_space<vmem>> -> memref<1x128xi32, #tpu.memory_space<vmem>>
      %dma_wait3A_521 = tpu.memref_squeeze %dma_wait3A_520 : memref<1x128xi32, #tpu.memory_space<vmem>> -> memref<128xi32, #tpu.memory_space<vmem>>
      %dma_wait3A_522 = arith.constant 0 : i32
      %dma_wait3A_523 = arith.constant 0 : i32
      %dma_wait3A_524 = tpu.memref_slice %arg2[%dma_wait3A_522, %dma_wait3A_523] : memref<10000x32xf32, #tpu.memory_space<hbm>> -> memref<10000x32xf32, #tpu.memory_space<hbm>>
      tpu.wait_indirect_dma semaphore(%arg17 : memref<!tpu.dma_semaphore, #tpu.memory_space<semaphore_mem>>) src(%dma_wait3A_524 : memref<10000x32xf32, #tpu.memory_space<hbm>>) dst(%dma_wait3A_518 : memref<128x32xf32, #tpu.memory_space<vmem>>)
      %add3A_525 = arith.constant 6 : i32
      %add3A_526 = arith.addi %mul3A_199, %add3A_525 : i32
      %dma_start3A_527 = arith.constant 6 : i32
      %dma_start3A_528 = arith.constant 0 : i32
      %dma_start3A_529 = arith.constant 0 : i32
      %dma_start3A_530 = tpu.memref_slice %arg8[%dma_start3A_527, %dma_start3A_528, %dma_start3A_529] : memref<8x128x32xf32, #tpu.memory_space<vmem>> -> memref<1x128x32xf32, #tpu.memory_space<vmem>>
      %dma_start3A_531 = tpu.memref_squeeze %dma_start3A_530 : memref<1x128x32xf32, #tpu.memory_space<vmem>> -> memref<128x32xf32, #tpu.memory_space<vmem>>
      %dma_start3A_532 = arith.constant 0 : i32
      %dma_start3A_533 = tpu.memref_slice %arg7[%add3A_526, %dma_start3A_532] : memref<40x128xi32, #tpu.memory_space<vmem>> -> memref<1x128xi32, #tpu.memory_space<vmem>>
      %dma_start3A_534 = tpu.memref_squeeze %dma_start3A_533 : memref<1x128xi32, #tpu.memory_space<vmem>> -> memref<128xi32, #tpu.memory_space<vmem>>
      %dma_start3A_535 = arith.constant 0 : i32
      %dma_start3A_536 = arith.constant 0 : i32
      %dma_start3A_537 = tpu.memref_slice %arg10[%dma_start3A_535, %dma_start3A_536] : memref<40064x32xf32, #tpu.memory_space<vmem_shared>> -> memref<40064x32xf32, #tpu.memory_space<vmem_shared>>
      tpu.enqueue_indirect_dma source(%dma_start3A_531 : memref<128x32xf32, #tpu.memory_space<vmem>>) target(%dma_start3A_537 : memref<40064x32xf32, #tpu.memory_space<vmem_shared>>) offsets(%dma_start3A_534 : memref<128xi32, #tpu.memory_space<vmem>>) semaphore(%arg25 : memref<!tpu.dma_semaphore, #tpu.memory_space<semaphore_mem>>) {add = true}
      %add3A_538 = arith.constant 7 : i32
      %add3A_539 = arith.addi %mul3A_199, %add3A_538 : i32
      %dma_wait3A_540 = arith.constant 7 : i32
      %dma_wait3A_541 = arith.constant 0 : i32
      %dma_wait3A_542 = arith.constant 0 : i32
      %dma_wait3A_543 = tpu.memref_slice %arg8[%dma_wait3A_540, %dma_wait3A_541, %dma_wait3A_542] : memref<8x128x32xf32, #tpu.memory_space<vmem>> -> memref<1x128x32xf32, #tpu.memory_space<vmem>>
      %dma_wait3A_544 = tpu.memref_squeeze %dma_wait3A_543 : memref<1x128x32xf32, #tpu.memory_space<vmem>> -> memref<128x32xf32, #tpu.memory_space<vmem>>
      %dma_wait3A_545 = arith.constant 0 : i32
      %dma_wait3A_546 = tpu.memref_slice %arg6[%add3A_539, %dma_wait3A_545] : memref<40x128xi32, #tpu.memory_space<vmem>> -> memref<1x128xi32, #tpu.memory_space<vmem>>
      %dma_wait3A_547 = tpu.memref_squeeze %dma_wait3A_546 : memref<1x128xi32, #tpu.memory_space<vmem>> -> memref<128xi32, #tpu.memory_space<vmem>>
      %dma_wait3A_548 = arith.constant 0 : i32
      %dma_wait3A_549 = arith.constant 0 : i32
      %dma_wait3A_550 = tpu.memref_slice %arg2[%dma_wait3A_548, %dma_wait3A_549] : memref<10000x32xf32, #tpu.memory_space<hbm>> -> memref<10000x32xf32, #tpu.memory_space<hbm>>
      tpu.wait_indirect_dma semaphore(%arg18 : memref<!tpu.dma_semaphore, #tpu.memory_space<semaphore_mem>>) src(%dma_wait3A_550 : memref<10000x32xf32, #tpu.memory_space<hbm>>) dst(%dma_wait3A_544 : memref<128x32xf32, #tpu.memory_space<vmem>>)
      %add3A_551 = arith.constant 7 : i32
      %add3A_552 = arith.addi %mul3A_199, %add3A_551 : i32
      %dma_start3A_553 = arith.constant 7 : i32
      %dma_start3A_554 = arith.constant 0 : i32
      %dma_start3A_555 = arith.constant 0 : i32
      %dma_start3A_556 = tpu.memref_slice %arg8[%dma_start3A_553, %dma_start3A_554, %dma_start3A_555] : memref<8x128x32xf32, #tpu.memory_space<vmem>> -> memref<1x128x32xf32, #tpu.memory_space<vmem>>
      %dma_start3A_557 = tpu.memref_squeeze %dma_start3A_556 : memref<1x128x32xf32, #tpu.memory_space<vmem>> -> memref<128x32xf32, #tpu.memory_space<vmem>>
      %dma_start3A_558 = arith.constant 0 : i32
      %dma_start3A_559 = tpu.memref_slice %arg7[%add3A_552, %dma_start3A_558] : memref<40x128xi32, #tpu.memory_space<vmem>> -> memref<1x128xi32, #tpu.memory_space<vmem>>
      %dma_start3A_560 = tpu.memref_squeeze %dma_start3A_559 : memref<1x128xi32, #tpu.memory_space<vmem>> -> memref<128xi32, #tpu.memory_space<vmem>>
      %dma_start3A_561 = arith.constant 0 : i32
      %dma_start3A_562 = arith.constant 0 : i32
      %dma_start3A_563 = tpu.memref_slice %arg10[%dma_start3A_561, %dma_start3A_562] : memref<40064x32xf32, #tpu.memory_space<vmem_shared>> -> memref<40064x32xf32, #tpu.memory_space<vmem_shared>>
      tpu.enqueue_indirect_dma source(%dma_start3A_557 : memref<128x32xf32, #tpu.memory_space<vmem>>) target(%dma_start3A_563 : memref<40064x32xf32, #tpu.memory_space<vmem_shared>>) offsets(%dma_start3A_560 : memref<128xi32, #tpu.memory_space<vmem>>) semaphore(%arg26 : memref<!tpu.dma_semaphore, #tpu.memory_space<semaphore_mem>>) {add = true}
    }
    %scan3A_96 = arith.constant 5 : i32
    %dma_wait3A = arith.constant 0 : i32
    %dma_wait3A_97 = arith.constant 32 : i32
    %dma_wait3A_98 = arith.constant 0 : i32
    %dma_wait3A_99 = arith.constant 0 : i32
    %dma_wait3A_100 = tpu.memref_slice %arg8[%dma_wait3A, %dma_wait3A_98, %dma_wait3A_99] : memref<8x128x32xf32, #tpu.memory_space<vmem>> -> memref<1x128x32xf32, #tpu.memory_space<vmem>>
    %dma_wait3A_101 = tpu.memref_squeeze %dma_wait3A_100 : memref<1x128x32xf32, #tpu.memory_space<vmem>> -> memref<128x32xf32, #tpu.memory_space<vmem>>
    %dma_wait3A_102 = arith.constant 0 : i32
    %dma_wait3A_103 = tpu.memref_slice %arg7[%dma_wait3A_97, %dma_wait3A_102] : memref<40x128xi32, #tpu.memory_space<vmem>> -> memref<1x128xi32, #tpu.memory_space<vmem>>
    %dma_wait3A_104 = tpu.memref_squeeze %dma_wait3A_103 : memref<1x128xi32, #tpu.memory_space<vmem>> -> memref<128xi32, #tpu.memory_space<vmem>>
    %dma_wait3A_105 = arith.constant 0 : i32
    %dma_wait3A_106 = arith.constant 0 : i32
    %dma_wait3A_107 = tpu.memref_slice %arg10[%dma_wait3A_105, %dma_wait3A_106] : memref<40064x32xf32, #tpu.memory_space<vmem_shared>> -> memref<40064x32xf32, #tpu.memory_space<vmem_shared>>
    tpu.wait_indirect_dma semaphore(%arg19 : memref<!tpu.dma_semaphore, #tpu.memory_space<semaphore_mem>>) src(%dma_wait3A_101 : memref<128x32xf32, #tpu.memory_space<vmem>>) dst(%dma_wait3A_107 : memref<40064x32xf32, #tpu.memory_space<vmem_shared>>)
    %dma_wait3A_108 = arith.constant 1 : i32
    %dma_wait3A_109 = arith.constant 33 : i32
    %dma_wait3A_110 = arith.constant 0 : i32
    %dma_wait3A_111 = arith.constant 0 : i32
    %dma_wait3A_112 = tpu.memref_slice %arg8[%dma_wait3A_108, %dma_wait3A_110, %dma_wait3A_111] : memref<8x128x32xf32, #tpu.memory_space<vmem>> -> memref<1x128x32xf32, #tpu.memory_space<vmem>>
    %dma_wait3A_113 = tpu.memref_squeeze %dma_wait3A_112 : memref<1x128x32xf32, #tpu.memory_space<vmem>> -> memref<128x32xf32, #tpu.memory_space<vmem>>
    %dma_wait3A_114 = arith.constant 0 : i32
    %dma_wait3A_115 = tpu.memref_slice %arg7[%dma_wait3A_109, %dma_wait3A_114] : memref<40x128xi32, #tpu.memory_space<vmem>> -> memref<1x128xi32, #tpu.memory_space<vmem>>
    %dma_wait3A_116 = tpu.memref_squeeze %dma_wait3A_115 : memref<1x128xi32, #tpu.memory_space<vmem>> -> memref<128xi32, #tpu.memory_space<vmem>>
    %dma_wait3A_117 = arith.constant 0 : i32
    %dma_wait3A_118 = arith.constant 0 : i32
    %dma_wait3A_119 = tpu.memref_slice %arg10[%dma_wait3A_117, %dma_wait3A_118] : memref<40064x32xf32, #tpu.memory_space<vmem_shared>> -> memref<40064x32xf32, #tpu.memory_space<vmem_shared>>
    tpu.wait_indirect_dma semaphore(%arg20 : memref<!tpu.dma_semaphore, #tpu.memory_space<semaphore_mem>>) src(%dma_wait3A_113 : memref<128x32xf32, #tpu.memory_space<vmem>>) dst(%dma_wait3A_119 : memref<40064x32xf32, #tpu.memory_space<vmem_shared>>)
    %dma_wait3A_120 = arith.constant 2 : i32
    %dma_wait3A_121 = arith.constant 34 : i32
    %dma_wait3A_122 = arith.constant 0 : i32
    %dma_wait3A_123 = arith.constant 0 : i32
    %dma_wait3A_124 = tpu.memref_slice %arg8[%dma_wait3A_120, %dma_wait3A_122, %dma_wait3A_123] : memref<8x128x32xf32, #tpu.memory_space<vmem>> -> memref<1x128x32xf32, #tpu.memory_space<vmem>>
    %dma_wait3A_125 = tpu.memref_squeeze %dma_wait3A_124 : memref<1x128x32xf32, #tpu.memory_space<vmem>> -> memref<128x32xf32, #tpu.memory_space<vmem>>
    %dma_wait3A_126 = arith.constant 0 : i32
    %dma_wait3A_127 = tpu.memref_slice %arg7[%dma_wait3A_121, %dma_wait3A_126] : memref<40x128xi32, #tpu.memory_space<vmem>> -> memref<1x128xi32, #tpu.memory_space<vmem>>
    %dma_wait3A_128 = tpu.memref_squeeze %dma_wait3A_127 : memref<1x128xi32, #tpu.memory_space<vmem>> -> memref<128xi32, #tpu.memory_space<vmem>>
    %dma_wait3A_129 = arith.constant 0 : i32
    %dma_wait3A_130 = arith.constant 0 : i32
    %dma_wait3A_131 = tpu.memref_slice %arg10[%dma_wait3A_129, %dma_wait3A_130] : memref<40064x32xf32, #tpu.memory_space<vmem_shared>> -> memref<40064x32xf32, #tpu.memory_space<vmem_shared>>
    tpu.wait_indirect_dma semaphore(%arg21 : memref<!tpu.dma_semaphore, #tpu.memory_space<semaphore_mem>>) src(%dma_wait3A_125 : memref<128x32xf32, #tpu.memory_space<vmem>>) dst(%dma_wait3A_131 : memref<40064x32xf32, #tpu.memory_space<vmem_shared>>)
    %dma_wait3A_132 = arith.constant 3 : i32
    %dma_wait3A_133 = arith.constant 35 : i32
    %dma_wait3A_134 = arith.constant 0 : i32
    %dma_wait3A_135 = arith.constant 0 : i32
    %dma_wait3A_136 = tpu.memref_slice %arg8[%dma_wait3A_132, %dma_wait3A_134, %dma_wait3A_135] : memref<8x128x32xf32, #tpu.memory_space<vmem>> -> memref<1x128x32xf32, #tpu.memory_space<vmem>>
    %dma_wait3A_137 = tpu.memref_squeeze %dma_wait3A_136 : memref<1x128x32xf32, #tpu.memory_space<vmem>> -> memref<128x32xf32, #tpu.memory_space<vmem>>
    %dma_wait3A_138 = arith.constant 0 : i32
    %dma_wait3A_139 = tpu.memref_slice %arg7[%dma_wait3A_133, %dma_wait3A_138] : memref<40x128xi32, #tpu.memory_space<vmem>> -> memref<1x128xi32, #tpu.memory_space<vmem>>
    %dma_wait3A_140 = tpu.memref_squeeze %dma_wait3A_139 : memref<1x128xi32, #tpu.memory_space<vmem>> -> memref<128xi32, #tpu.memory_space<vmem>>
    %dma_wait3A_141 = arith.constant 0 : i32
    %dma_wait3A_142 = arith.constant 0 : i32
    %dma_wait3A_143 = tpu.memref_slice %arg10[%dma_wait3A_141, %dma_wait3A_142] : memref<40064x32xf32, #tpu.memory_space<vmem_shared>> -> memref<40064x32xf32, #tpu.memory_space<vmem_shared>>
    tpu.wait_indirect_dma semaphore(%arg22 : memref<!tpu.dma_semaphore, #tpu.memory_space<semaphore_mem>>) src(%dma_wait3A_137 : memref<128x32xf32, #tpu.memory_space<vmem>>) dst(%dma_wait3A_143 : memref<40064x32xf32, #tpu.memory_space<vmem_shared>>)
    %dma_wait3A_144 = arith.constant 4 : i32
    %dma_wait3A_145 = arith.constant 36 : i32
    %dma_wait3A_146 = arith.constant 0 : i32
    %dma_wait3A_147 = arith.constant 0 : i32
    %dma_wait3A_148 = tpu.memref_slice %arg8[%dma_wait3A_144, %dma_wait3A_146, %dma_wait3A_147] : memref<8x128x32xf32, #tpu.memory_space<vmem>> -> memref<1x128x32xf32, #tpu.memory_space<vmem>>
    %dma_wait3A_149 = tpu.memref_squeeze %dma_wait3A_148 : memref<1x128x32xf32, #tpu.memory_space<vmem>> -> memref<128x32xf32, #tpu.memory_space<vmem>>
    %dma_wait3A_150 = arith.constant 0 : i32
    %dma_wait3A_151 = tpu.memref_slice %arg7[%dma_wait3A_145, %dma_wait3A_150] : memref<40x128xi32, #tpu.memory_space<vmem>> -> memref<1x128xi32, #tpu.memory_space<vmem>>
    %dma_wait3A_152 = tpu.memref_squeeze %dma_wait3A_151 : memref<1x128xi32, #tpu.memory_space<vmem>> -> memref<128xi32, #tpu.memory_space<vmem>>
    %dma_wait3A_153 = arith.constant 0 : i32
    %dma_wait3A_154 = arith.constant 0 : i32
    %dma_wait3A_155 = tpu.memref_slice %arg10[%dma_wait3A_153, %dma_wait3A_154] : memref<40064x32xf32, #tpu.memory_space<vmem_shared>> -> memref<40064x32xf32, #tpu.memory_space<vmem_shared>>
    tpu.wait_indirect_dma semaphore(%arg23 : memref<!tpu.dma_semaphore, #tpu.memory_space<semaphore_mem>>) src(%dma_wait3A_149 : memref<128x32xf32, #tpu.memory_space<vmem>>) dst(%dma_wait3A_155 : memref<40064x32xf32, #tpu.memory_space<vmem_shared>>)
    %dma_wait3A_156 = arith.constant 5 : i32
    %dma_wait3A_157 = arith.constant 37 : i32
    %dma_wait3A_158 = arith.constant 0 : i32
    %dma_wait3A_159 = arith.constant 0 : i32
    %dma_wait3A_160 = tpu.memref_slice %arg8[%dma_wait3A_156, %dma_wait3A_158, %dma_wait3A_159] : memref<8x128x32xf32, #tpu.memory_space<vmem>> -> memref<1x128x32xf32, #tpu.memory_space<vmem>>
    %dma_wait3A_161 = tpu.memref_squeeze %dma_wait3A_160 : memref<1x128x32xf32, #tpu.memory_space<vmem>> -> memref<128x32xf32, #tpu.memory_space<vmem>>
    %dma_wait3A_162 = arith.constant 0 : i32
    %dma_wait3A_163 = tpu.memref_slice %arg7[%dma_wait3A_157, %dma_wait3A_162] : memref<40x128xi32, #tpu.memory_space<vmem>> -> memref<1x128xi32, #tpu.memory_space<vmem>>
    %dma_wait3A_164 = tpu.memref_squeeze %dma_wait3A_163 : memref<1x128xi32, #tpu.memory_space<vmem>> -> memref<128xi32, #tpu.memory_space<vmem>>
    %dma_wait3A_165 = arith.constant 0 : i32
    %dma_wait3A_166 = arith.constant 0 : i32
    %dma_wait3A_167 = tpu.memref_slice %arg10[%dma_wait3A_165, %dma_wait3A_166] : memref<40064x32xf32, #tpu.memory_space<vmem_shared>> -> memref<40064x32xf32, #tpu.memory_space<vmem_shared>>
    tpu.wait_indirect_dma semaphore(%arg24 : memref<!tpu.dma_semaphore, #tpu.memory_space<semaphore_mem>>) src(%dma_wait3A_161 : memref<128x32xf32, #tpu.memory_space<vmem>>) dst(%dma_wait3A_167 : memref<40064x32xf32, #tpu.memory_space<vmem_shared>>)
    %dma_wait3A_168 = arith.constant 6 : i32
    %dma_wait3A_169 = arith.constant 38 : i32
    %dma_wait3A_170 = arith.constant 0 : i32
    %dma_wait3A_171 = arith.constant 0 : i32
    %dma_wait3A_172 = tpu.memref_slice %arg8[%dma_wait3A_168, %dma_wait3A_170, %dma_wait3A_171] : memref<8x128x32xf32, #tpu.memory_space<vmem>> -> memref<1x128x32xf32, #tpu.memory_space<vmem>>
    %dma_wait3A_173 = tpu.memref_squeeze %dma_wait3A_172 : memref<1x128x32xf32, #tpu.memory_space<vmem>> -> memref<128x32xf32, #tpu.memory_space<vmem>>
    %dma_wait3A_174 = arith.constant 0 : i32
    %dma_wait3A_175 = tpu.memref_slice %arg7[%dma_wait3A_169, %dma_wait3A_174] : memref<40x128xi32, #tpu.memory_space<vmem>> -> memref<1x128xi32, #tpu.memory_space<vmem>>
    %dma_wait3A_176 = tpu.memref_squeeze %dma_wait3A_175 : memref<1x128xi32, #tpu.memory_space<vmem>> -> memref<128xi32, #tpu.memory_space<vmem>>
    %dma_wait3A_177 = arith.constant 0 : i32
    %dma_wait3A_178 = arith.constant 0 : i32
    %dma_wait3A_179 = tpu.memref_slice %arg10[%dma_wait3A_177, %dma_wait3A_178] : memref<40064x32xf32, #tpu.memory_space<vmem_shared>> -> memref<40064x32xf32, #tpu.memory_space<vmem_shared>>
    tpu.wait_indirect_dma semaphore(%arg25 : memref<!tpu.dma_semaphore, #tpu.memory_space<semaphore_mem>>) src(%dma_wait3A_173 : memref<128x32xf32, #tpu.memory_space<vmem>>) dst(%dma_wait3A_179 : memref<40064x32xf32, #tpu.memory_space<vmem_shared>>)
    %dma_wait3A_180 = arith.constant 7 : i32
    %dma_wait3A_181 = arith.constant 39 : i32
    %dma_wait3A_182 = arith.constant 0 : i32
    %dma_wait3A_183 = arith.constant 0 : i32
    %dma_wait3A_184 = tpu.memref_slice %arg8[%dma_wait3A_180, %dma_wait3A_182, %dma_wait3A_183] : memref<8x128x32xf32, #tpu.memory_space<vmem>> -> memref<1x128x32xf32, #tpu.memory_space<vmem>>
    %dma_wait3A_185 = tpu.memref_squeeze %dma_wait3A_184 : memref<1x128x32xf32, #tpu.memory_space<vmem>> -> memref<128x32xf32, #tpu.memory_space<vmem>>
    %dma_wait3A_186 = arith.constant 0 : i32
    %dma_wait3A_187 = tpu.memref_slice %arg7[%dma_wait3A_181, %dma_wait3A_186] : memref<40x128xi32, #tpu.memory_space<vmem>> -> memref<1x128xi32, #tpu.memory_space<vmem>>
    %dma_wait3A_188 = tpu.memref_squeeze %dma_wait3A_187 : memref<1x128xi32, #tpu.memory_space<vmem>> -> memref<128xi32, #tpu.memory_space<vmem>>
    %dma_wait3A_189 = arith.constant 0 : i32
    %dma_wait3A_190 = arith.constant 0 : i32
    %dma_wait3A_191 = tpu.memref_slice %arg10[%dma_wait3A_189, %dma_wait3A_190] : memref<40064x32xf32, #tpu.memory_space<vmem_shared>> -> memref<40064x32xf32, #tpu.memory_space<vmem_shared>>
    tpu.wait_indirect_dma semaphore(%arg26 : memref<!tpu.dma_semaphore, #tpu.memory_space<semaphore_mem>>) src(%dma_wait3A_185 : memref<128x32xf32, #tpu.memory_space<vmem>>) dst(%dma_wait3A_191 : memref<40064x32xf32, #tpu.memory_space<vmem_shared>>)
    %barrier3A_192 = arith.constant 0 : index
    tpu.barrier barrier_id(%barrier3A_192)
    %mul3A_193 = arith.constant 2504 : i32
    %mul3A_194 = arith.muli %arg1, %mul3A_193 : i32
    %mul3A_195 = arith.constant 2504 : i32
    %mul3A_196 = arith.muli %arg1, %mul3A_195 : i32
    "tpu.region"() ({
      %run_scoped3A = tpu.sem_alloc : memref<!tpu.dma_semaphore, #tpu.memory_space<semaphore_mem>>
      %dma_start3A = arith.constant 0 : i32
      %dma_start3A_197 = tpu.memref_slice %arg5[%arg0, %mul3A_196, %dma_start3A] : memref<2x40064x32xf32, #tpu.memory_space<hbm>> -> memref<1x2504x32xf32, #tpu.memory_space<hbm>>
      %dma_start3A_198 = tpu.memref_squeeze %dma_start3A_197 : memref<1x2504x32xf32, #tpu.memory_space<hbm>> -> memref<2504x32xf32, #tpu.memory_space<hbm>>
      %dma_start3A_199 = arith.constant 0 : i32
      %dma_start3A_200 = tpu.memref_slice %arg10[%mul3A_194, %dma_start3A_199] : memref<40064x32xf32, #tpu.memory_space<vmem_shared>> -> memref<2504x32xf32, #tpu.memory_space<vmem_shared>>
      tpu.enqueue_dma source(%dma_start3A_200 : memref<2504x32xf32, #tpu.memory_space<vmem_shared>>) target(%dma_start3A_198 : memref<2504x32xf32, #tpu.memory_space<hbm>>) target_semaphore(%run_scoped3A : memref<!tpu.dma_semaphore, #tpu.memory_space<semaphore_mem>>)
      %dma_wait3A_201 = arith.constant 0 : i32
      %dma_wait3A_202 = tpu.memref_slice %arg5[%arg0, %mul3A_196, %dma_wait3A_201] : memref<2x40064x32xf32, #tpu.memory_space<hbm>> -> memref<1x2504x32xf32, #tpu.memory_space<hbm>>
      %dma_wait3A_203 = tpu.memref_squeeze %dma_wait3A_202 : memref<1x2504x32xf32, #tpu.memory_space<hbm>> -> memref<2504x32xf32, #tpu.memory_space<hbm>>
      %dma_wait3A_204 = arith.constant 0 : i32
      %dma_wait3A_205 = tpu.memref_slice %arg10[%mul3A_194, %dma_wait3A_204] : memref<40064x32xf32, #tpu.memory_space<vmem_shared>> -> memref<2504x32xf32, #tpu.memory_space<vmem_shared>>
      tpu.wait_dma2 semaphore(%run_scoped3A : memref<!tpu.dma_semaphore, #tpu.memory_space<semaphore_mem>>) src(%dma_wait3A_205 : memref<2504x32xf32, #tpu.memory_space<vmem_shared>>) dst(%dma_wait3A_203 : memref<2504x32xf32, #tpu.memory_space<hbm>>)
      tpu.yield
    }) : () -> ()
    return
  }
}

#map = affine_map<(d0, d1) -> (0, 0)>
#map1 = affine_map<(d0, d1) -> (0, 0, 0)>
module attributes {stable_mosaic.version = 14 : i64} {
  func.func @sc_fn(%arg0: i32, %arg1: i32, %arg2: memref<10000x32xf32, #tpu.memory_space<hbm>>, %arg3: memref<1280x128xi32, #tpu.memory_space<hbm>>, %arg4: memref<1280x128xi32, #tpu.memory_space<hbm>>, %arg5: memref<2x40064x32xf32, #tpu.memory_space<hbm>>, %arg6: memref<40x128xi32, #tpu.memory_space<vmem>>, %arg7: memref<40x128xi32, #tpu.memory_space<vmem>>, %arg8: memref<8x128x32xf32, #tpu.memory_space<vmem>>, %arg9: memref<128x32xf32, #tpu.memory_space<vmem>>, %arg10: memref<40064x32xf32, #tpu.memory_space<vmem_shared>>, %arg11: memref<!tpu.dma_semaphore, #tpu.memory_space<semaphore_mem>>, %arg12: memref<!tpu.dma_semaphore, #tpu.memory_space<semaphore_mem>>, %arg13: memref<!tpu.dma_semaphore, #tpu.memory_space<semaphore_mem>>, %arg14: memref<!tpu.dma_semaphore, #tpu.memory_space<semaphore_mem>>, %arg15: memref<!tpu.dma_semaphore, #tpu.memory_space<semaphore_mem>>, %arg16: memref<!tpu.dma_semaphore, #tpu.memory_space<semaphore_mem>>, %arg17: memref<!tpu.dma_semaphore, #tpu.memory_space<semaphore_mem>>, %arg18: memref<!tpu.dma_semaphore, #tpu.memory_space<semaphore_mem>>, %arg19: memref<!tpu.dma_semaphore, #tpu.memory_space<semaphore_mem>>, %arg20: memref<!tpu.dma_semaphore, #tpu.memory_space<semaphore_mem>>, %arg21: memref<!tpu.dma_semaphore, #tpu.memory_space<semaphore_mem>>, %arg22: memref<!tpu.dma_semaphore, #tpu.memory_space<semaphore_mem>>, %arg23: memref<!tpu.dma_semaphore, #tpu.memory_space<semaphore_mem>>, %arg24: memref<!tpu.dma_semaphore, #tpu.memory_space<semaphore_mem>>, %arg25: memref<!tpu.dma_semaphore, #tpu.memory_space<semaphore_mem>>, %arg26: memref<!tpu.dma_semaphore, #tpu.memory_space<semaphore_mem>>) attributes {dimension_semantics = [#tpu.dimension_semantics<core_parallel>, #tpu.dimension_semantics<subcore_parallel>], iteration_bounds = array<i64: 2, 16>, scalar_prefetch = 0 : i64, scratch_operands = 21 : i64, tpu.core_type = #tpu.core_type<sc_vector_subcore>, window_params = [{transform_indices = #map}, {transform_indices = #map}, {transform_indices = #map}, {transform_indices = #map1}]} {
    %mul3A = arith.constant 2 : i32
    %mul3A_0 = arith.muli %arg1, %mul3A : i32
    %add3A = arith.addi %mul3A_0, %arg0 : i32
    %mul3A_1 = arith.constant 40 : i32
    %mul3A_2 = arith.muli %add3A, %mul3A_1 : i32
    "tpu.region"() ({
      %run_scoped3A = tpu.sem_alloc : memref<!tpu.dma_semaphore, #tpu.memory_space<semaphore_mem>>
      %dma_start3A = arith.constant 0 : i32
      %dma_start3A_197 = tpu.memref_slice %arg3[%mul3A_2, %dma_start3A] : memref<1280x128xi32, #tpu.memory_space<hbm>> -> memref<40x128xi32, #tpu.memory_space<hbm>>
      %dma_start3A_198 = arith.constant 0 : i32
      %dma_start3A_199 = tpu.memref_slice %arg3[%mul3A_2, %dma_start3A_198] : memref<1280x128xi32, #tpu.memory_space<hbm>> -> memref<40x128xi32, #tpu.memory_space<hbm>>
      tpu.enqueue_dma source(%dma_start3A_199 : memref<40x128xi32, #tpu.memory_space<hbm>>) target(%arg6 : memref<40x128xi32, #tpu.memory_space<vmem>>) target_semaphore(%run_scoped3A : memref<!tpu.dma_semaphore, #tpu.memory_space<semaphore_mem>>)
      %dma_wait3A_200 = arith.constant 0 : i32
      %dma_wait3A_201 = tpu.memref_slice %arg3[%mul3A_2, %dma_wait3A_200] : memref<1280x128xi32, #tpu.memory_space<hbm>> -> memref<40x128xi32, #tpu.memory_space<hbm>>
      %dma_wait3A_202 = arith.constant 0 : i32
      %dma_wait3A_203 = tpu.memref_slice %arg3[%mul3A_2, %dma_wait3A_202] : memref<1280x128xi32, #tpu.memory_space<hbm>> -> memref<40x128xi32, #tpu.memory_space<hbm>>
      tpu.wait_dma2 semaphore(%run_scoped3A : memref<!tpu.dma_semaphore, #tpu.memory_space<semaphore_mem>>) src(%dma_wait3A_203 : memref<40x128xi32, #tpu.memory_space<hbm>>) dst(%arg6 : memref<40x128xi32, #tpu.memory_space<vmem>>)
      tpu.yield
    }) : () -> ()
    %mul3A_3 = arith.constant 40 : i32
    %mul3A_4 = arith.muli %add3A, %mul3A_3 : i32
    "tpu.region"() ({
      %run_scoped3A = tpu.sem_alloc : memref<!tpu.dma_semaphore, #tpu.memory_space<semaphore_mem>>
      %dma_start3A = arith.constant 0 : i32
      %dma_start3A_197 = tpu.memref_slice %arg4[%mul3A_4, %dma_start3A] : memref<1280x128xi32, #tpu.memory_space<hbm>> -> memref<40x128xi32, #tpu.memory_space<hbm>>
      %dma_start3A_198 = arith.constant 0 : i32
      %dma_start3A_199 = tpu.memref_slice %arg4[%mul3A_4, %dma_start3A_198] : memref<1280x128xi32, #tpu.memory_space<hbm>> -> memref<40x128xi32, #tpu.memory_space<hbm>>
      tpu.enqueue_dma source(%dma_start3A_199 : memref<40x128xi32, #tpu.memory_space<hbm>>) target(%arg7 : memref<40x128xi32, #tpu.memory_space<vmem>>) target_semaphore(%run_scoped3A : memref<!tpu.dma_semaphore, #tpu.memory_space<semaphore_mem>>)
      %dma_wait3A_200 = arith.constant 0 : i32
      %dma_wait3A_201 = tpu.memref_slice %arg4[%mul3A_4, %dma_wait3A_200] : memref<1280x128xi32, #tpu.memory_space<hbm>> -> memref<40x128xi32, #tpu.memory_space<hbm>>
      %dma_wait3A_202 = arith.constant 0 : i32
      %dma_wait3A_203 = tpu.memref_slice %arg4[%mul3A_4, %dma_wait3A_202] : memref<1280x128xi32, #tpu.memory_space<hbm>> -> memref<40x128xi32, #tpu.memory_space<hbm>>
      tpu.wait_dma2 semaphore(%run_scoped3A : memref<!tpu.dma_semaphore, #tpu.memory_space<semaphore_mem>>) src(%dma_wait3A_203 : memref<40x128xi32, #tpu.memory_space<hbm>>) dst(%arg7 : memref<40x128xi32, #tpu.memory_space<vmem>>)
      tpu.yield
    }) : () -> ()
    %broadcast_in_dim3A = arith.constant 0.000000e+00 : f32
    %broadcast_in_dim3A_5 = vector.broadcast %broadcast_in_dim3A : f32 to vector<16xf32>
    %scan3A = arith.constant 0 : i32
    %scan3A_6 = arith.constant 0 : i32
    %scan3A_7 = arith.constant 128 : i32
    %scan3A_8 = arith.addi %scan3A_6, %scan3A_7 : i32
    %scan3A_9 = arith.constant 8 : i32
    scf.for %scan3A_197 = %scan3A_6 to %scan3A_8 step %scan3A_9  : i32 {
      %swap3A = arith.index_cast %scan3A_197 : i32 to index
      %swap3A_198 = arith.constant 0 : index
      %swap3A_199 = tpu.vector_load %arg9[%swap3A, %swap3A_198] {strides = array<i32>} : memref<128x32xf32, #tpu.memory_space<vmem>>, vector<1x16xf32>,
      %swap3A_200 = vector.shape_cast %swap3A_199 : vector<1x16xf32> to vector<16xf32>
      %swap3A_201 = vector.shape_cast %broadcast_in_dim3A_5 : vector<16xf32> to vector<1x16xf32>
      tpu.vector_store %arg9[%swap3A, %swap3A_198], %swap3A_201 {strides = array<i32>} : memref<128x32xf32, #tpu.memory_space<vmem>>, vector<1x16xf32>,
      %swap3A_202 = arith.index_cast %scan3A_197 : i32 to index
      %swap3A_203 = arith.constant 16 : index
      %swap3A_204 = tpu.vector_load %arg9[%swap3A_202, %swap3A_203] {strides = array<i32>} : memref<128x32xf32, #tpu.memory_space<vmem>>, vector<1x16xf32>,
      %swap3A_205 = vector.shape_cast %swap3A_204 : vector<1x16xf32> to vector<16xf32>
      %swap3A_206 = vector.shape_cast %broadcast_in_dim3A_5 : vector<16xf32> to vector<1x16xf32>
      tpu.vector_store %arg9[%swap3A_202, %swap3A_203], %swap3A_206 {strides = array<i32>} : memref<128x32xf32, #tpu.memory_space<vmem>>, vector<1x16xf32>,
      %scan3A_207 = arith.constant 1 : i32
      %scan3A_208 = arith.addi %scan3A_197, %scan3A_207 : i32
      %swap3A_209 = arith.index_cast %scan3A_208 : i32 to index
      %swap3A_210 = arith.constant 0 : index
      %swap3A_211 = tpu.vector_load %arg9[%swap3A_209, %swap3A_210] {strides = array<i32>} : memref<128x32xf32, #tpu.memory_space<vmem>>, vector<1x16xf32>,
      %swap3A_212 = vector.shape_cast %swap3A_211 : vector<1x16xf32> to vector<16xf32>
      %swap3A_213 = vector.shape_cast %broadcast_in_dim3A_5 : vector<16xf32> to vector<1x16xf32>
      tpu.vector_store %arg9[%swap3A_209, %swap3A_210], %swap3A_213 {strides = array<i32>} : memref<128x32xf32, #tpu.memory_space<vmem>>, vector<1x16xf32>,
      %swap3A_214 = arith.index_cast %scan3A_208 : i32 to index
      %swap3A_215 = arith.constant 16 : index
      %swap3A_216 = tpu.vector_load %arg9[%swap3A_214, %swap3A_215] {strides = array<i32>} : memref<128x32xf32, #tpu.memory_space<vmem>>, vector<1x16xf32>,
      %swap3A_217 = vector.shape_cast %swap3A_216 : vector<1x16xf32> to vector<16xf32>
      %swap3A_218 = vector.shape_cast %broadcast_in_dim3A_5 : vector<16xf32> to vector<1x16xf32>
      tpu.vector_store %arg9[%swap3A_214, %swap3A_215], %swap3A_218 {strides = array<i32>} : memref<128x32xf32, #tpu.memory_space<vmem>>, vector<1x16xf32>,
      %scan3A_219 = arith.constant 2 : i32
      %scan3A_220 = arith.addi %scan3A_197, %scan3A_219 : i32
      %swap3A_221 = arith.index_cast %scan3A_220 : i32 to index
      %swap3A_222 = arith.constant 0 : index
      %swap3A_223 = tpu.vector_load %arg9[%swap3A_221, %swap3A_222] {strides = array<i32>} : memref<128x32xf32, #tpu.memory_space<vmem>>, vector<1x16xf32>,
      %swap3A_224 = vector.shape_cast %swap3A_223 : vector<1x16xf32> to vector<16xf32>
      %swap3A_225 = vector.shape_cast %broadcast_in_dim3A_5 : vector<16xf32> to vector<1x16xf32>
      tpu.vector_store %arg9[%swap3A_221, %swap3A_222], %swap3A_225 {strides = array<i32>} : memref<128x32xf32, #tpu.memory_space<vmem>>, vector<1x16xf32>,
      %swap3A_226 = arith.index_cast %scan3A_220 : i32 to index
      %swap3A_227 = arith.constant 16 : index
      %swap3A_228 = tpu.vector_load %arg9[%swap3A_226, %swap3A_227] {strides = array<i32>} : memref<128x32xf32, #tpu.memory_space<vmem>>, vector<1x16xf32>,
      %swap3A_229 = vector.shape_cast %swap3A_228 : vector<1x16xf32> to vector<16xf32>
      %swap3A_230 = vector.shape_cast %broadcast_in_dim3A_5 : vector<16xf32> to vector<1x16xf32>
      tpu.vector_store %arg9[%swap3A_226, %swap3A_227], %swap3A_230 {strides = array<i32>} : memref<128x32xf32, #tpu.memory_space<vmem>>, vector<1x16xf32>,
      %scan3A_231 = arith.constant 3 : i32
      %scan3A_232 = arith.addi %scan3A_197, %scan3A_231 : i32
      %swap3A_233 = arith.index_cast %scan3A_232 : i32 to index
      %swap3A_234 = arith.constant 0 : index
      %swap3A_235 = tpu.vector_load %arg9[%swap3A_233, %swap3A_234] {strides = array<i32>} : memref<128x32xf32, #tpu.memory_space<vmem>>, vector<1x16xf32>,
      %swap3A_236 = vector.shape_cast %swap3A_235 : vector<1x16xf32> to vector<16xf32>
      %swap3A_237 = vector.shape_cast %broadcast_in_dim3A_5 : vector<16xf32> to vector<1x16xf32>
      tpu.vector_store %arg9[%swap3A_233, %swap3A_234], %swap3A_237 {strides = array<i32>} : memref<128x32xf32, #tpu.memory_space<vmem>>, vector<1x16xf32>,
      %swap3A_238 = arith.index_cast %scan3A_232 : i32 to index
      %swap3A_239 = arith.constant 16 : index
      %swap3A_240 = tpu.vector_load %arg9[%swap3A_238, %swap3A_239] {strides = array<i32>} : memref<128x32xf32, #tpu.memory_space<vmem>>, vector<1x16xf32>,
      %swap3A_241 = vector.shape_cast %swap3A_240 : vector<1x16xf32> to vector<16xf32>
      %swap3A_242 = vector.shape_cast %broadcast_in_dim3A_5 : vector<16xf32> to vector<1x16xf32>
      tpu.vector_store %arg9[%swap3A_238, %swap3A_239], %swap3A_242 {strides = array<i32>} : memref<128x32xf32, #tpu.memory_space<vmem>>, vector<1x16xf32>,
      %scan3A_243 = arith.constant 4 : i32
      %scan3A_244 = arith.addi %scan3A_197, %scan3A_243 : i32
      %swap3A_245 = arith.index_cast %scan3A_244 : i32 to index
      %swap3A_246 = arith.constant 0 : index
      %swap3A_247 = tpu.vector_load %arg9[%swap3A_245, %swap3A_246] {strides = array<i32>} : memref<128x32xf32, #tpu.memory_space<vmem>>, vector<1x16xf32>,
      %swap3A_248 = vector.shape_cast %swap3A_247 : vector<1x16xf32> to vector<16xf32>
      %swap3A_249 = vector.shape_cast %broadcast_in_dim3A_5 : vector<16xf32> to vector<1x16xf32>
      tpu.vector_store %arg9[%swap3A_245, %swap3A_246], %swap3A_249 {strides = array<i32>} : memref<128x32xf32, #tpu.memory_space<vmem>>, vector<1x16xf32>,
      %swap3A_250 = arith.index_cast %scan3A_244 : i32 to index
      %swap3A_251 = arith.constant 16 : index
      %swap3A_252 = tpu.vector_load %arg9[%swap3A_250, %swap3A_251] {strides = array<i32>} : memref<128x32xf32, #tpu.memory_space<vmem>>, vector<1x16xf32>,
      %swap3A_253 = vector.shape_cast %swap3A_252 : vector<1x16xf32> to vector<16xf32>
      %swap3A_254 = vector.shape_cast %broadcast_in_dim3A_5 : vector<16xf32> to vector<1x16xf32>
      tpu.vector_store %arg9[%swap3A_250, %swap3A_251], %swap3A_254 {strides = array<i32>} : memref<128x32xf32, #tpu.memory_space<vmem>>, vector<1x16xf32>,
      %scan3A_255 = arith.constant 5 : i32
      %scan3A_256 = arith.addi %scan3A_197, %scan3A_255 : i32
      %swap3A_257 = arith.index_cast %scan3A_256 : i32 to index
      %swap3A_258 = arith.constant 0 : index
      %swap3A_259 = tpu.vector_load %arg9[%swap3A_257, %swap3A_258] {strides = array<i32>} : memref<128x32xf32, #tpu.memory_space<vmem>>, vector<1x16xf32>,
      %swap3A_260 = vector.shape_cast %swap3A_259 : vector<1x16xf32> to vector<16xf32>
      %swap3A_261 = vector.shape_cast %broadcast_in_dim3A_5 : vector<16xf32> to vector<1x16xf32>
      tpu.vector_store %arg9[%swap3A_257, %swap3A_258], %swap3A_261 {strides = array<i32>} : memref<128x32xf32, #tpu.memory_space<vmem>>, vector<1x16xf32>,
      %swap3A_262 = arith.index_cast %scan3A_256 : i32 to index
      %swap3A_263 = arith.constant 16 : index
      %swap3A_264 = tpu.vector_load %arg9[%swap3A_262, %swap3A_263] {strides = array<i32>} : memref<128x32xf32, #tpu.memory_space<vmem>>, vector<1x16xf32>,
      %swap3A_265 = vector.shape_cast %swap3A_264 : vector<1x16xf32> to vector<16xf32>
      %swap3A_266 = vector.shape_cast %broadcast_in_dim3A_5 : vector<16xf32> to vector<1x16xf32>
      tpu.vector_store %arg9[%swap3A_262, %swap3A_263], %swap3A_266 {strides = array<i32>} : memref<128x32xf32, #tpu.memory_space<vmem>>, vector<1x16xf32>,
      %scan3A_267 = arith.constant 6 : i32
      %scan3A_268 = arith.addi %scan3A_197, %scan3A_267 : i32
      %swap3A_269 = arith.index_cast %scan3A_268 : i32 to index
      %swap3A_270 = arith.constant 0 : index
      %swap3A_271 = tpu.vector_load %arg9[%swap3A_269, %swap3A_270] {strides = array<i32>} : memref<128x32xf32, #tpu.memory_space<vmem>>, vector<1x16xf32>,
      %swap3A_272 = vector.shape_cast %swap3A_271 : vector<1x16xf32> to vector<16xf32>
      %swap3A_273 = vector.shape_cast %broadcast_in_dim3A_5 : vector<16xf32> to vector<1x16xf32>
      tpu.vector_store %arg9[%swap3A_269, %swap3A_270], %swap3A_273 {strides = array<i32>} : memref<128x32xf32, #tpu.memory_space<vmem>>, vector<1x16xf32>,
      %swap3A_274 = arith.index_cast %scan3A_268 : i32 to index
      %swap3A_275 = arith.constant 16 : index
      %swap3A_276 = tpu.vector_load %arg9[%swap3A_274, %swap3A_275] {strides = array<i32>} : memref<128x32xf32, #tpu.memory_space<vmem>>, vector<1x16xf32>,
      %swap3A_277 = vector.shape_cast %swap3A_276 : vector<1x16xf32> to vector<16xf32>
      %swap3A_278 = vector.shape_cast %broadcast_in_dim3A_5 : vector<16xf32> to vector<1x16xf32>
      tpu.vector_store %arg9[%swap3A_274, %swap3A_275], %swap3A_278 {strides = array<i32>} : memref<128x32xf32, #tpu.memory_space<vmem>>, vector<1x16xf32>,
      %scan3A_279 = arith.constant 7 : i32
      %scan3A_280 = arith.addi %scan3A_197, %scan3A_279 : i32
      %swap3A_281 = arith.index_cast %scan3A_280 : i32 to index
      %swap3A_282 = arith.constant 0 : index
      %swap3A_283 = tpu.vector_load %arg9[%swap3A_281, %swap3A_282] {strides = array<i32>} : memref<128x32xf32, #tpu.memory_space<vmem>>, vector<1x16xf32>,
      %swap3A_284 = vector.shape_cast %swap3A_283 : vector<1x16xf32> to vector<16xf32>
      %swap3A_285 = vector.shape_cast %broadcast_in_dim3A_5 : vector<16xf32> to vector<1x16xf32>
      tpu.vector_store %arg9[%swap3A_281, %swap3A_282], %swap3A_285 {strides = array<i32>} : memref<128x32xf32, #tpu.memory_space<vmem>>, vector<1x16xf32>,
      %swap3A_286 = arith.index_cast %scan3A_280 : i32 to index
      %swap3A_287 = arith.constant 16 : index
      %swap3A_288 = tpu.vector_load %arg9[%swap3A_286, %swap3A_287] {strides = array<i32>} : memref<128x32xf32, #tpu.memory_space<vmem>>, vector<1x16xf32>,
      %swap3A_289 = vector.shape_cast %swap3A_288 : vector<1x16xf32> to vector<16xf32>
      %swap3A_290 = vector.shape_cast %broadcast_in_dim3A_5 : vector<16xf32> to vector<1x16xf32>
      tpu.vector_store %arg9[%swap3A_286, %swap3A_287], %swap3A_290 {strides = array<i32>} : memref<128x32xf32, #tpu.memory_space<vmem>>, vector<1x16xf32>,
    }
    %scan3A_10 = arith.constant 128 : i32
    %mul3A_11 = arith.constant 2504 : i32
    %mul3A_12 = arith.muli %arg1, %mul3A_11 : i32
    %add3A_13 = arith.constant 0 : i32
    %add3A_14 = arith.addi %mul3A_12, %add3A_13 : i32
    "tpu.region"() ({
      %run_scoped3A = tpu.sem_alloc : memref<!tpu.dma_semaphore, #tpu.memory_space<semaphore_mem>>
      %dma_start3A = arith.constant 0 : i32
      %dma_start3A_197 = tpu.memref_slice %arg10[%add3A_14, %dma_start3A] : memref<40064x32xf32, #tpu.memory_space<vmem_shared>> -> memref<128x32xf32, #tpu.memory_space<vmem_shared>>
      %dma_start3A_198 = arith.constant 0 : i32
      %dma_start3A_199 = tpu.memref_slice %arg10[%add3A_14, %dma_start3A_198] : memref<40064x32xf32, #tpu.memory_space<vmem_shared>> -> memref<128x32xf32, #tpu.memory_space<vmem_shared>>
      tpu.enqueue_dma source(%arg9 : memref<128x32xf32, #tpu.memory_space<vmem>>) target(%dma_start3A_199 : memref<128x32xf32, #tpu.memory_space<vmem_shared>>) target_semaphore(%run_scoped3A : memref<!tpu.dma_semaphore, #tpu.memory_space<semaphore_mem>>)
      %dma_wait3A_200 = arith.constant 0 : i32
      %dma_wait3A_201 = tpu.memref_slice %arg10[%add3A_14, %dma_wait3A_200] : memref<40064x32xf32, #tpu.memory_space<vmem_shared>> -> memref<128x32xf32, #tpu.memory_space<vmem_shared>>
      %dma_wait3A_202 = arith.constant 0 : i32
      %dma_wait3A_203 = tpu.memref_slice %arg10[%add3A_14, %dma_wait3A_202] : memref<40064x32xf32, #tpu.memory_space<vmem_shared>> -> memref<128x32xf32, #tpu.memory_space<vmem_shared>>
      tpu.wait_dma2 semaphore(%run_scoped3A : memref<!tpu.dma_semaphore, #tpu.memory_space<semaphore_mem>>) src(%arg9 : memref<128x32xf32, #tpu.memory_space<vmem>>) dst(%dma_wait3A_203 : memref<128x32xf32, #tpu.memory_space<vmem_shared>>)
      tpu.yield
    }) : () -> ()
    %mul3A_15 = arith.constant 2504 : i32
    %mul3A_16 = arith.muli %arg1, %mul3A_15 : i32
    %add3A_17 = arith.constant 128 : i32
    %add3A_18 = arith.addi %mul3A_16, %add3A_17 : i32
    "tpu.region"() ({
      %run_scoped3A = tpu.sem_alloc : memref<!tpu.dma_semaphore, #tpu.memory_space<semaphore_mem>>
      %dma_start3A = arith.constant 0 : i32
      %dma_start3A_197 = tpu.memref_slice %arg10[%add3A_18, %dma_start3A] : memref<40064x32xf32, #tpu.memory_space<vmem_shared>> -> memref<128x32xf32, #tpu.memory_space<vmem_shared>>
      %dma_start3A_198 = arith.constant 0 : i32
      %dma_start3A_199 = tpu.memref_slice %arg10[%add3A_18, %dma_start3A_198] : memref<40064x32xf32, #tpu.memory_space<vmem_shared>> -> memref<128x32xf32, #tpu.memory_space<vmem_shared>>
      tpu.enqueue_dma source(%arg9 : memref<128x32xf32, #tpu.memory_space<vmem>>) target(%dma_start3A_199 : memref<128x32xf32, #tpu.memory_space<vmem_shared>>) target_semaphore(%run_scoped3A : memref<!tpu.dma_semaphore, #tpu.memory_space<semaphore_mem>>)
      %dma_wait3A_200 = arith.constant 0 : i32
      %dma_wait3A_201 = tpu.memref_slice %arg10[%add3A_18, %dma_wait3A_200] : memref<40064x32xf32, #tpu.memory_space<vmem_shared>> -> memref<128x32xf32, #tpu.memory_space<vmem_shared>>
      %dma_wait3A_202 = arith.constant 0 : i32
      %dma_wait3A_203 = tpu.memref_slice %arg10[%add3A_18, %dma_wait3A_202] : memref<40064x32xf32, #tpu.memory_space<vmem_shared>> -> memref<128x32xf32, #tpu.memory_space<vmem_shared>>
      tpu.wait_dma2 semaphore(%run_scoped3A : memref<!tpu.dma_semaphore, #tpu.memory_space<semaphore_mem>>) src(%arg9 : memref<128x32xf32, #tpu.memory_space<vmem>>) dst(%dma_wait3A_203 : memref<128x32xf32, #tpu.memory_space<vmem_shared>>)
      tpu.yield
    }) : () -> ()
    %mul3A_19 = arith.constant 2504 : i32
    %mul3A_20 = arith.muli %arg1, %mul3A_19 : i32
    %add3A_21 = arith.constant 256 : i32
    %add3A_22 = arith.addi %mul3A_20, %add3A_21 : i32
    "tpu.region"() ({
      %run_scoped3A = tpu.sem_alloc : memref<!tpu.dma_semaphore, #tpu.memory_space<semaphore_mem>>
      %dma_start3A = arith.constant 0 : i32
      %dma_start3A_197 = tpu.memref_slice %arg10[%add3A_22, %dma_start3A] : memref<40064x32xf32, #tpu.memory_space<vmem_shared>> -> memref<128x32xf32, #tpu.memory_space<vmem_shared>>
      %dma_start3A_198 = arith.constant 0 : i32
      %dma_start3A_199 = tpu.memref_slice %arg10[%add3A_22, %dma_start3A_198] : memref<40064x32xf32, #tpu.memory_space<vmem_shared>> -> memref<128x32xf32, #tpu.memory_space<vmem_shared>>
      tpu.enqueue_dma source(%arg9 : memref<128x32xf32, #tpu.memory_space<vmem>>) target(%dma_start3A_199 : memref<128x32xf32, #tpu.memory_space<vmem_shared>>) target_semaphore(%run_scoped3A : memref<!tpu.dma_semaphore, #tpu.memory_space<semaphore_mem>>)
      %dma_wait3A_200 = arith.constant 0 : i32
      %dma_wait3A_201 = tpu.memref_slice %arg10[%add3A_22, %dma_wait3A_200] : memref<40064x32xf32, #tpu.memory_space<vmem_shared>> -> memref<128x32xf32, #tpu.memory_space<vmem_shared>>
      %dma_wait3A_202 = arith.constant 0 : i32
      %dma_wait3A_203 = tpu.memref_slice %arg10[%add3A_22, %dma_wait3A_202] : memref<40064x32xf32, #tpu.memory_space<vmem_shared>> -> memref<128x32xf32, #tpu.memory_space<vmem_shared>>
      tpu.wait_dma2 semaphore(%run_scoped3A : memref<!tpu.dma_semaphore, #tpu.memory_space<semaphore_mem>>) src(%arg9 : memref<128x32xf32, #tpu.memory_space<vmem>>) dst(%dma_wait3A_203 : memref<128x32xf32, #tpu.memory_space<vmem_shared>>)
      tpu.yield
    }) : () -> ()
    %mul3A_23 = arith.constant 2504 : i32
    %mul3A_24 = arith.muli %arg1, %mul3A_23 : i32
    %add3A_25 = arith.constant 384 : i32
    %add3A_26 = arith.addi %mul3A_24, %add3A_25 : i32
    "tpu.region"() ({
      %run_scoped3A = tpu.sem_alloc : memref<!tpu.dma_semaphore, #tpu.memory_space<semaphore_mem>>
      %dma_start3A = arith.constant 0 : i32
      %dma_start3A_197 = tpu.memref_slice %arg10[%add3A_26, %dma_start3A] : memref<40064x32xf32, #tpu.memory_space<vmem_shared>> -> memref<128x32xf32, #tpu.memory_space<vmem_shared>>
      %dma_start3A_198 = arith.constant 0 : i32
      %dma_start3A_199 = tpu.memref_slice %arg10[%add3A_26, %dma_start3A_198] : memref<40064x32xf32, #tpu.memory_space<vmem_shared>> -> memref<128x32xf32, #tpu.memory_space<vmem_shared>>
      tpu.enqueue_dma source(%arg9 : memref<128x32xf32, #tpu.memory_space<vmem>>) target(%dma_start3A_199 : memref<128x32xf32, #tpu.memory_space<vmem_shared>>) target_semaphore(%run_scoped3A : memref<!tpu.dma_semaphore, #tpu.memory_space<semaphore_mem>>)
      %dma_wait3A_200 = arith.constant 0 : i32
      %dma_wait3A_201 = tpu.memref_slice %arg10[%add3A_26, %dma_wait3A_200] : memref<40064x32xf32, #tpu.memory_space<vmem_shared>> -> memref<128x32xf32, #tpu.memory_space<vmem_shared>>
      %dma_wait3A_202 = arith.constant 0 : i32
      %dma_wait3A_203 = tpu.memref_slice %arg10[%add3A_26, %dma_wait3A_202] : memref<40064x32xf32, #tpu.memory_space<vmem_shared>> -> memref<128x32xf32, #tpu.memory_space<vmem_shared>>
      tpu.wait_dma2 semaphore(%run_scoped3A : memref<!tpu.dma_semaphore, #tpu.memory_space<semaphore_mem>>) src(%arg9 : memref<128x32xf32, #tpu.memory_space<vmem>>) dst(%dma_wait3A_203 : memref<128x32xf32, #tpu.memory_space<vmem_shared>>)
      tpu.yield
    }) : () -> ()
    %mul3A_27 = arith.constant 2504 : i32
    %mul3A_28 = arith.muli %arg1, %mul3A_27 : i32
    %add3A_29 = arith.constant 512 : i32
    %add3A_30 = arith.addi %mul3A_28, %add3A_29 : i32
    "tpu.region"() ({
      %run_scoped3A = tpu.sem_alloc : memref<!tpu.dma_semaphore, #tpu.memory_space<semaphore_mem>>
      %dma_start3A = arith.constant 0 : i32
      %dma_start3A_197 = tpu.memref_slice %arg10[%add3A_30, %dma_start3A] : memref<40064x32xf32, #tpu.memory_space<vmem_shared>> -> memref<128x32xf32, #tpu.memory_space<vmem_shared>>
      %dma_start3A_198 = arith.constant 0 : i32
      %dma_start3A_199 = tpu.memref_slice %arg10[%add3A_30, %dma_start3A_198] : memref<40064x32xf32, #tpu.memory_space<vmem_shared>> -> memref<128x32xf32, #tpu.memory_space<vmem_shared>>
      tpu.enqueue_dma source(%arg9 : memref<128x32xf32, #tpu.memory_space<vmem>>) target(%dma_start3A_199 : memref<128x32xf32, #tpu.memory_space<vmem_shared>>) target_semaphore(%run_scoped3A : memref<!tpu.dma_semaphore, #tpu.memory_space<semaphore_mem>>)
      %dma_wait3A_200 = arith.constant 0 : i32
      %dma_wait3A_201 = tpu.memref_slice %arg10[%add3A_30, %dma_wait3A_200] : memref<40064x32xf32, #tpu.memory_space<vmem_shared>> -> memref<128x32xf32, #tpu.memory_space<vmem_shared>>
      %dma_wait3A_202 = arith.constant 0 : i32
      %dma_wait3A_203 = tpu.memref_slice %arg10[%add3A_30, %dma_wait3A_202] : memref<40064x32xf32, #tpu.memory_space<vmem_shared>> -> memref<128x32xf32, #tpu.memory_space<vmem_shared>>
      tpu.wait_dma2 semaphore(%run_scoped3A : memref<!tpu.dma_semaphore, #tpu.memory_space<semaphore_mem>>) src(%arg9 : memref<128x32xf32, #tpu.memory_space<vmem>>) dst(%dma_wait3A_203 : memref<128x32xf32, #tpu.memory_space<vmem_shared>>)
      tpu.yield
    }) : () -> ()
    %mul3A_31 = arith.constant 2504 : i32
    %mul3A_32 = arith.muli %arg1, %mul3A_31 : i32
    %add3A_33 = arith.constant 640 : i32
    %add3A_34 = arith.addi %mul3A_32, %add3A_33 : i32
    "tpu.region"() ({
      %run_scoped3A = tpu.sem_alloc : memref<!tpu.dma_semaphore, #tpu.memory_space<semaphore_mem>>
      %dma_start3A = arith.constant 0 : i32
      %dma_start3A_197 = tpu.memref_slice %arg10[%add3A_34, %dma_start3A] : memref<40064x32xf32, #tpu.memory_space<vmem_shared>> -> memref<128x32xf32, #tpu.memory_space<vmem_shared>>
      %dma_start3A_198 = arith.constant 0 : i32
      %dma_start3A_199 = tpu.memref_slice %arg10[%add3A_34, %dma_start3A_198] : memref<40064x32xf32, #tpu.memory_space<vmem_shared>> -> memref<128x32xf32, #tpu.memory_space<vmem_shared>>
      tpu.enqueue_dma source(%arg9 : memref<128x32xf32, #tpu.memory_space<vmem>>) target(%dma_start3A_199 : memref<128x32xf32, #tpu.memory_space<vmem_shared>>) target_semaphore(%run_scoped3A : memref<!tpu.dma_semaphore, #tpu.memory_space<semaphore_mem>>)
      %dma_wait3A_200 = arith.constant 0 : i32
      %dma_wait3A_201 = tpu.memref_slice %arg10[%add3A_34, %dma_wait3A_200] : memref<40064x32xf32, #tpu.memory_space<vmem_shared>> -> memref<128x32xf32, #tpu.memory_space<vmem_shared>>
      %dma_wait3A_202 = arith.constant 0 : i32
      %dma_wait3A_203 = tpu.memref_slice %arg10[%add3A_34, %dma_wait3A_202] : memref<40064x32xf32, #tpu.memory_space<vmem_shared>> -> memref<128x32xf32, #tpu.memory_space<vmem_shared>>
      tpu.wait_dma2 semaphore(%run_scoped3A : memref<!tpu.dma_semaphore, #tpu.memory_space<semaphore_mem>>) src(%arg9 : memref<128x32xf32, #tpu.memory_space<vmem>>) dst(%dma_wait3A_203 : memref<128x32xf32, #tpu.memory_space<vmem_shared>>)
      tpu.yield
    }) : () -> ()
    %mul3A_35 = arith.constant 2504 : i32
    %mul3A_36 = arith.muli %arg1, %mul3A_35 : i32
    %add3A_37 = arith.constant 768 : i32
    %add3A_38 = arith.addi %mul3A_36, %add3A_37 : i32
    "tpu.region"() ({
      %run_scoped3A = tpu.sem_alloc : memref<!tpu.dma_semaphore, #tpu.memory_space<semaphore_mem>>
      %dma_start3A = arith.constant 0 : i32
      %dma_start3A_197 = tpu.memref_slice %arg10[%add3A_38, %dma_start3A] : memref<40064x32xf32, #tpu.memory_space<vmem_shared>> -> memref<128x32xf32, #tpu.memory_space<vmem_shared>>
      %dma_start3A_198 = arith.constant 0 : i32
      %dma_start3A_199 = tpu.memref_slice %arg10[%add3A_38, %dma_start3A_198] : memref<40064x32xf32, #tpu.memory_space<vmem_shared>> -> memref<128x32xf32, #tpu.memory_space<vmem_shared>>
      tpu.enqueue_dma source(%arg9 : memref<128x32xf32, #tpu.memory_space<vmem>>) target(%dma_start3A_199 : memref<128x32xf32, #tpu.memory_space<vmem_shared>>) target_semaphore(%run_scoped3A : memref<!tpu.dma_semaphore, #tpu.memory_space<semaphore_mem>>)
      %dma_wait3A_200 = arith.constant 0 : i32
      %dma_wait3A_201 = tpu.memref_slice %arg10[%add3A_38, %dma_wait3A_200] : memref<40064x32xf32, #tpu.memory_space<vmem_shared>> -> memref<128x32xf32, #tpu.memory_space<vmem_shared>>
      %dma_wait3A_202 = arith.constant 0 : i32
      %dma_wait3A_203 = tpu.memref_slice %arg10[%add3A_38, %dma_wait3A_202] : memref<40064x32xf32, #tpu.memory_space<vmem_shared>> -> memref<128x32xf32, #tpu.memory_space<vmem_shared>>
      tpu.wait_dma2 semaphore(%run_scoped3A : memref<!tpu.dma_semaphore, #tpu.memory_space<semaphore_mem>>) src(%arg9 : memref<128x32xf32, #tpu.memory_space<vmem>>) dst(%dma_wait3A_203 : memref<128x32xf32, #tpu.memory_space<vmem_shared>>)
      tpu.yield
    }) : () -> ()
    %mul3A_39 = arith.constant 2504 : i32
    %mul3A_40 = arith.muli %arg1, %mul3A_39 : i32
    %add3A_41 = arith.constant 896 : i32
    %add3A_42 = arith.addi %mul3A_40, %add3A_41 : i32
    "tpu.region"() ({
      %run_scoped3A = tpu.sem_alloc : memref<!tpu.dma_semaphore, #tpu.memory_space<semaphore_mem>>
      %dma_start3A = arith.constant 0 : i32
      %dma_start3A_197 = tpu.memref_slice %arg10[%add3A_42, %dma_start3A] : memref<40064x32xf32, #tpu.memory_space<vmem_shared>> -> memref<128x32xf32, #tpu.memory_space<vmem_shared>>
      %dma_start3A_198 = arith.constant 0 : i32
      %dma_start3A_199 = tpu.memref_slice %arg10[%add3A_42, %dma_start3A_198] : memref<40064x32xf32, #tpu.memory_space<vmem_shared>> -> memref<128x32xf32, #tpu.memory_space<vmem_shared>>
      tpu.enqueue_dma source(%arg9 : memref<128x32xf32, #tpu.memory_space<vmem>>) target(%dma_start3A_199 : memref<128x32xf32, #tpu.memory_space<vmem_shared>>) target_semaphore(%run_scoped3A : memref<!tpu.dma_semaphore, #tpu.memory_space<semaphore_mem>>)
      %dma_wait3A_200 = arith.constant 0 : i32
      %dma_wait3A_201 = tpu.memref_slice %arg10[%add3A_42, %dma_wait3A_200] : memref<40064x32xf32, #tpu.memory_space<vmem_shared>> -> memref<128x32xf32, #tpu.memory_space<vmem_shared>>
      %dma_wait3A_202 = arith.constant 0 : i32
      %dma_wait3A_203 = tpu.memref_slice %arg10[%add3A_42, %dma_wait3A_202] : memref<40064x32xf32, #tpu.memory_space<vmem_shared>> -> memref<128x32xf32, #tpu.memory_space<vmem_shared>>
      tpu.wait_dma2 semaphore(%run_scoped3A : memref<!tpu.dma_semaphore, #tpu.memory_space<semaphore_mem>>) src(%arg9 : memref<128x32xf32, #tpu.memory_space<vmem>>) dst(%dma_wait3A_203 : memref<128x32xf32, #tpu.memory_space<vmem_shared>>)
      tpu.yield
    }) : () -> ()
    %mul3A_43 = arith.constant 2504 : i32
    %mul3A_44 = arith.muli %arg1, %mul3A_43 : i32
    %add3A_45 = arith.constant 1024 : i32
    %add3A_46 = arith.addi %mul3A_44, %add3A_45 : i32
    "tpu.region"() ({
      %run_scoped3A = tpu.sem_alloc : memref<!tpu.dma_semaphore, #tpu.memory_space<semaphore_mem>>
      %dma_start3A = arith.constant 0 : i32
      %dma_start3A_197 = tpu.memref_slice %arg10[%add3A_46, %dma_start3A] : memref<40064x32xf32, #tpu.memory_space<vmem_shared>> -> memref<128x32xf32, #tpu.memory_space<vmem_shared>>
      %dma_start3A_198 = arith.constant 0 : i32
      %dma_start3A_199 = tpu.memref_slice %arg10[%add3A_46, %dma_start3A_198] : memref<40064x32xf32, #tpu.memory_space<vmem_shared>> -> memref<128x32xf32, #tpu.memory_space<vmem_shared>>
      tpu.enqueue_dma source(%arg9 : memref<128x32xf32, #tpu.memory_space<vmem>>) target(%dma_start3A_199 : memref<128x32xf32, #tpu.memory_space<vmem_shared>>) target_semaphore(%run_scoped3A : memref<!tpu.dma_semaphore, #tpu.memory_space<semaphore_mem>>)
      %dma_wait3A_200 = arith.constant 0 : i32
      %dma_wait3A_201 = tpu.memref_slice %arg10[%add3A_46, %dma_wait3A_200] : memref<40064x32xf32, #tpu.memory_space<vmem_shared>> -> memref<128x32xf32, #tpu.memory_space<vmem_shared>>
      %dma_wait3A_202 = arith.constant 0 : i32
      %dma_wait3A_203 = tpu.memref_slice %arg10[%add3A_46, %dma_wait3A_202] : memref<40064x32xf32, #tpu.memory_space<vmem_shared>> -> memref<128x32xf32, #tpu.memory_space<vmem_shared>>
      tpu.wait_dma2 semaphore(%run_scoped3A : memref<!tpu.dma_semaphore, #tpu.memory_space<semaphore_mem>>) src(%arg9 : memref<128x32xf32, #tpu.memory_space<vmem>>) dst(%dma_wait3A_203 : memref<128x32xf32, #tpu.memory_space<vmem_shared>>)
      tpu.yield
    }) : () -> ()
    %mul3A_47 = arith.constant 2504 : i32
    %mul3A_48 = arith.muli %arg1, %mul3A_47 : i32
    %add3A_49 = arith.constant 1152 : i32
    %add3A_50 = arith.addi %mul3A_48, %add3A_49 : i32
    "tpu.region"() ({
      %run_scoped3A = tpu.sem_alloc : memref<!tpu.dma_semaphore, #tpu.memory_space<semaphore_mem>>
      %dma_start3A = arith.constant 0 : i32
      %dma_start3A_197 = tpu.memref_slice %arg10[%add3A_50, %dma_start3A] : memref<40064x32xf32, #tpu.memory_space<vmem_shared>> -> memref<128x32xf32, #tpu.memory_space<vmem_shared>>
      %dma_start3A_198 = arith.constant 0 : i32
      %dma_start3A_199 = tpu.memref_slice %arg10[%add3A_50, %dma_start3A_198] : memref<40064x32xf32, #tpu.memory_space<vmem_shared>> -> memref<128x32xf32, #tpu.memory_space<vmem_shared>>
      tpu.enqueue_dma source(%arg9 : memref<128x32xf32, #tpu.memory_space<vmem>>) target(%dma_start3A_199 : memref<128x32xf32, #tpu.memory_space<vmem_shared>>) target_semaphore(%run_scoped3A : memref<!tpu.dma_semaphore, #tpu.memory_space<semaphore_mem>>)
      %dma_wait3A_200 = arith.constant 0 : i32
      %dma_wait3A_201 = tpu.memref_slice %arg10[%add3A_50, %dma_wait3A_200] : memref<40064x32xf32, #tpu.memory_space<vmem_shared>> -> memref<128x32xf32, #tpu.memory_space<vmem_shared>>
      %dma_wait3A_202 = arith.constant 0 : i32
      %dma_wait3A_203 = tpu.memref_slice %arg10[%add3A_50, %dma_wait3A_202] : memref<40064x32xf32, #tpu.memory_space<vmem_shared>> -> memref<128x32xf32, #tpu.memory_space<vmem_shared>>
      tpu.wait_dma2 semaphore(%run_scoped3A : memref<!tpu.dma_semaphore, #tpu.memory_space<semaphore_mem>>) src(%arg9 : memref<128x32xf32, #tpu.memory_space<vmem>>) dst(%dma_wait3A_203 : memref<128x32xf32, #tpu.memory_space<vmem_shared>>)
      tpu.yield
    }) : () -> ()
    %mul3A_51 = arith.constant 2504 : i32
    %mul3A_52 = arith.muli %arg1, %mul3A_51 : i32
    %add3A_53 = arith.constant 1280 : i32
    %add3A_54 = arith.addi %mul3A_52, %add3A_53 : i32
    "tpu.region"() ({
      %run_scoped3A = tpu.sem_alloc : memref<!tpu.dma_semaphore, #tpu.memory_space<semaphore_mem>>
      %dma_start3A = arith.constant 0 : i32
      %dma_start3A_197 = tpu.memref_slice %arg10[%add3A_54, %dma_start3A] : memref<40064x32xf32, #tpu.memory_space<vmem_shared>> -> memref<128x32xf32, #tpu.memory_space<vmem_shared>>
      %dma_start3A_198 = arith.constant 0 : i32
      %dma_start3A_199 = tpu.memref_slice %arg10[%add3A_54, %dma_start3A_198] : memref<40064x32xf32, #tpu.memory_space<vmem_shared>> -> memref<128x32xf32, #tpu.memory_space<vmem_shared>>
      tpu.enqueue_dma source(%arg9 : memref<128x32xf32, #tpu.memory_space<vmem>>) target(%dma_start3A_199 : memref<128x32xf32, #tpu.memory_space<vmem_shared>>) target_semaphore(%run_scoped3A : memref<!tpu.dma_semaphore, #tpu.memory_space<semaphore_mem>>)
      %dma_wait3A_200 = arith.constant 0 : i32
      %dma_wait3A_201 = tpu.memref_slice %arg10[%add3A_54, %dma_wait3A_200] : memref<40064x32xf32, #tpu.memory_space<vmem_shared>> -> memref<128x32xf32, #tpu.memory_space<vmem_shared>>
      %dma_wait3A_202 = arith.constant 0 : i32
      %dma_wait3A_203 = tpu.memref_slice %arg10[%add3A_54, %dma_wait3A_202] : memref<40064x32xf32, #tpu.memory_space<vmem_shared>> -> memref<128x32xf32, #tpu.memory_space<vmem_shared>>
      tpu.wait_dma2 semaphore(%run_scoped3A : memref<!tpu.dma_semaphore, #tpu.memory_space<semaphore_mem>>) src(%arg9 : memref<128x32xf32, #tpu.memory_space<vmem>>) dst(%dma_wait3A_203 : memref<128x32xf32, #tpu.memory_space<vmem_shared>>)
      tpu.yield
    }) : () -> ()
    %mul3A_55 = arith.constant 2504 : i32
    %mul3A_56 = arith.muli %arg1, %mul3A_55 : i32
    %add3A_57 = arith.constant 1408 : i32
    %add3A_58 = arith.addi %mul3A_56, %add3A_57 : i32
    "tpu.region"() ({
      %run_scoped3A = tpu.sem_alloc : memref<!tpu.dma_semaphore, #tpu.memory_space<semaphore_mem>>
      %dma_start3A = arith.constant 0 : i32
      %dma_start3A_197 = tpu.memref_slice %arg10[%add3A_58, %dma_start3A] : memref<40064x32xf32, #tpu.memory_space<vmem_shared>> -> memref<128x32xf32, #tpu.memory_space<vmem_shared>>
      %dma_start3A_198 = arith.constant 0 : i32
      %dma_start3A_199 = tpu.memref_slice %arg10[%add3A_58, %dma_start3A_198] : memref<40064x32xf32, #tpu.memory_space<vmem_shared>> -> memref<128x32xf32, #tpu.memory_space<vmem_shared>>
      tpu.enqueue_dma source(%arg9 : memref<128x32xf32, #tpu.memory_space<vmem>>) target(%dma_start3A_199 : memref<128x32xf32, #tpu.memory_space<vmem_shared>>) target_semaphore(%run_scoped3A : memref<!tpu.dma_semaphore, #tpu.memory_space<semaphore_mem>>)
      %dma_wait3A_200 = arith.constant 0 : i32
      %dma_wait3A_201 = tpu.memref_slice %arg10[%add3A_58, %dma_wait3A_200] : memref<40064x32xf32, #tpu.memory_space<vmem_shared>> -> memref<128x32xf32, #tpu.memory_space<vmem_shared>>
      %dma_wait3A_202 = arith.constant 0 : i32
      %dma_wait3A_203 = tpu.memref_slice %arg10[%add3A_58, %dma_wait3A_202] : memref<40064x32xf32, #tpu.memory_space<vmem_shared>> -> memref<128x32xf32, #tpu.memory_space<vmem_shared>>
      tpu.wait_dma2 semaphore(%run_scoped3A : memref<!tpu.dma_semaphore, #tpu.memory_space<semaphore_mem>>) src(%arg9 : memref<128x32xf32, #tpu.memory_space<vmem>>) dst(%dma_wait3A_203 : memref<128x32xf32, #tpu.memory_space<vmem_shared>>)
      tpu.yield
    }) : () -> ()
    %mul3A_59 = arith.constant 2504 : i32
    %mul3A_60 = arith.muli %arg1, %mul3A_59 : i32
    %add3A_61 = arith.constant 1536 : i32
    %add3A_62 = arith.addi %mul3A_60, %add3A_61 : i32
    "tpu.region"() ({
      %run_scoped3A = tpu.sem_alloc : memref<!tpu.dma_semaphore, #tpu.memory_space<semaphore_mem>>
      %dma_start3A = arith.constant 0 : i32
      %dma_start3A_197 = tpu.memref_slice %arg10[%add3A_62, %dma_start3A] : memref<40064x32xf32, #tpu.memory_space<vmem_shared>> -> memref<128x32xf32, #tpu.memory_space<vmem_shared>>
      %dma_start3A_198 = arith.constant 0 : i32
      %dma_start3A_199 = tpu.memref_slice %arg10[%add3A_62, %dma_start3A_198] : memref<40064x32xf32, #tpu.memory_space<vmem_shared>> -> memref<128x32xf32, #tpu.memory_space<vmem_shared>>
      tpu.enqueue_dma source(%arg9 : memref<128x32xf32, #tpu.memory_space<vmem>>) target(%dma_start3A_199 : memref<128x32xf32, #tpu.memory_space<vmem_shared>>) target_semaphore(%run_scoped3A : memref<!tpu.dma_semaphore, #tpu.memory_space<semaphore_mem>>)
      %dma_wait3A_200 = arith.constant 0 : i32
      %dma_wait3A_201 = tpu.memref_slice %arg10[%add3A_62, %dma_wait3A_200] : memref<40064x32xf32, #tpu.memory_space<vmem_shared>> -> memref<128x32xf32, #tpu.memory_space<vmem_shared>>
      %dma_wait3A_202 = arith.constant 0 : i32
      %dma_wait3A_203 = tpu.memref_slice %arg10[%add3A_62, %dma_wait3A_202] : memref<40064x32xf32, #tpu.memory_space<vmem_shared>> -> memref<128x32xf32, #tpu.memory_space<vmem_shared>>
      tpu.wait_dma2 semaphore(%run_scoped3A : memref<!tpu.dma_semaphore, #tpu.memory_space<semaphore_mem>>) src(%arg9 : memref<128x32xf32, #tpu.memory_space<vmem>>) dst(%dma_wait3A_203 : memref<128x32xf32, #tpu.memory_space<vmem_shared>>)
      tpu.yield
    }) : () -> ()
    %mul3A_63 = arith.constant 2504 : i32
    %mul3A_64 = arith.muli %arg1, %mul3A_63 : i32
    %add3A_65 = arith.constant 1664 : i32
    %add3A_66 = arith.addi %mul3A_64, %add3A_65 : i32
    "tpu.region"() ({
      %run_scoped3A = tpu.sem_alloc : memref<!tpu.dma_semaphore, #tpu.memory_space<semaphore_mem>>
      %dma_start3A = arith.constant 0 : i32
      %dma_start3A_197 = tpu.memref_slice %arg10[%add3A_66, %dma_start3A] : memref<40064x32xf32, #tpu.memory_space<vmem_shared>> -> memref<128x32xf32, #tpu.memory_space<vmem_shared>>
      %dma_start3A_198 = arith.constant 0 : i32
      %dma_start3A_199 = tpu.memref_slice %arg10[%add3A_66, %dma_start3A_198] : memref<40064x32xf32, #tpu.memory_space<vmem_shared>> -> memref<128x32xf32, #tpu.memory_space<vmem_shared>>
      tpu.enqueue_dma source(%arg9 : memref<128x32xf32, #tpu.memory_space<vmem>>) target(%dma_start3A_199 : memref<128x32xf32, #tpu.memory_space<vmem_shared>>) target_semaphore(%run_scoped3A : memref<!tpu.dma_semaphore, #tpu.memory_space<semaphore_mem>>)
      %dma_wait3A_200 = arith.constant 0 : i32
      %dma_wait3A_201 = tpu.memref_slice %arg10[%add3A_66, %dma_wait3A_200] : memref<40064x32xf32, #tpu.memory_space<vmem_shared>> -> memref<128x32xf32, #tpu.memory_space<vmem_shared>>
      %dma_wait3A_202 = arith.constant 0 : i32
      %dma_wait3A_203 = tpu.memref_slice %arg10[%add3A_66, %dma_wait3A_202] : memref<40064x32xf32, #tpu.memory_space<vmem_shared>> -> memref<128x32xf32, #tpu.memory_space<vmem_shared>>
      tpu.wait_dma2 semaphore(%run_scoped3A : memref<!tpu.dma_semaphore, #tpu.memory_space<semaphore_mem>>) src(%arg9 : memref<128x32xf32, #tpu.memory_space<vmem>>) dst(%dma_wait3A_203 : memref<128x32xf32, #tpu.memory_space<vmem_shared>>)
      tpu.yield
    }) : () -> ()
    %mul3A_67 = arith.constant 2504 : i32
    %mul3A_68 = arith.muli %arg1, %mul3A_67 : i32
    %add3A_69 = arith.constant 1792 : i32
    %add3A_70 = arith.addi %mul3A_68, %add3A_69 : i32
    "tpu.region"() ({
      %run_scoped3A = tpu.sem_alloc : memref<!tpu.dma_semaphore, #tpu.memory_space<semaphore_mem>>
      %dma_start3A = arith.constant 0 : i32
      %dma_start3A_197 = tpu.memref_slice %arg10[%add3A_70, %dma_start3A] : memref<40064x32xf32, #tpu.memory_space<vmem_shared>> -> memref<128x32xf32, #tpu.memory_space<vmem_shared>>
      %dma_start3A_198 = arith.constant 0 : i32
      %dma_start3A_199 = tpu.memref_slice %arg10[%add3A_70, %dma_start3A_198] : memref<40064x32xf32, #tpu.memory_space<vmem_shared>> -> memref<128x32xf32, #tpu.memory_space<vmem_shared>>
      tpu.enqueue_dma source(%arg9 : memref<128x32xf32, #tpu.memory_space<vmem>>) target(%dma_start3A_199 : memref<128x32xf32, #tpu.memory_space<vmem_shared>>) target_semaphore(%run_scoped3A : memref<!tpu.dma_semaphore, #tpu.memory_space<semaphore_mem>>)
      %dma_wait3A_200 = arith.constant 0 : i32
      %dma_wait3A_201 = tpu.memref_slice %arg10[%add3A_70, %dma_wait3A_200] : memref<40064x32xf32, #tpu.memory_space<vmem_shared>> -> memref<128x32xf32, #tpu.memory_space<vmem_shared>>
      %dma_wait3A_202 = arith.constant 0 : i32
      %dma_wait3A_203 = tpu.memref_slice %arg10[%add3A_70, %dma_wait3A_202] : memref<40064x32xf32, #tpu.memory_space<vmem_shared>> -> memref<128x32xf32, #tpu.memory_space<vmem_shared>>
      tpu.wait_dma2 semaphore(%run_scoped3A : memref<!tpu.dma_semaphore, #tpu.memory_space<semaphore_mem>>) src(%arg9 : memref<128x32xf32, #tpu.memory_space<vmem>>) dst(%dma_wait3A_203 : memref<128x32xf32, #tpu.memory_space<vmem_shared>>)
      tpu.yield
    }) : () -> ()
    %mul3A_71 = arith.constant 2504 : i32
    %mul3A_72 = arith.muli %arg1, %mul3A_71 : i32
    %add3A_73 = arith.constant 1920 : i32
    %add3A_74 = arith.addi %mul3A_72, %add3A_73 : i32
    "tpu.region"() ({
      %run_scoped3A = tpu.sem_alloc : memref<!tpu.dma_semaphore, #tpu.memory_space<semaphore_mem>>
      %dma_start3A = arith.constant 0 : i32
      %dma_start3A_197 = tpu.memref_slice %arg10[%add3A_74, %dma_start3A] : memref<40064x32xf32, #tpu.memory_space<vmem_shared>> -> memref<128x32xf32, #tpu.memory_space<vmem_shared>>
      %dma_start3A_198 = arith.constant 0 : i32
      %dma_start3A_199 = tpu.memref_slice %arg10[%add3A_74, %dma_start3A_198] : memref<40064x32xf32, #tpu.memory_space<vmem_shared>> -> memref<128x32xf32, #tpu.memory_space<vmem_shared>>
      tpu.enqueue_dma source(%arg9 : memref<128x32xf32, #tpu.memory_space<vmem>>) target(%dma_start3A_199 : memref<128x32xf32, #tpu.memory_space<vmem_shared>>) target_semaphore(%run_scoped3A : memref<!tpu.dma_semaphore, #tpu.memory_space<semaphore_mem>>)
      %dma_wait3A_200 = arith.constant 0 : i32
      %dma_wait3A_201 = tpu.memref_slice %arg10[%add3A_74, %dma_wait3A_200] : memref<40064x32xf32, #tpu.memory_space<vmem_shared>> -> memref<128x32xf32, #tpu.memory_space<vmem_shared>>
      %dma_wait3A_202 = arith.constant 0 : i32
      %dma_wait3A_203 = tpu.memref_slice %arg10[%add3A_74, %dma_wait3A_202] : memref<40064x32xf32, #tpu.memory_space<vmem_shared>> -> memref<128x32xf32, #tpu.memory_space<vmem_shared>>
      tpu.wait_dma2 semaphore(%run_scoped3A : memref<!tpu.dma_semaphore, #tpu.memory_space<semaphore_mem>>) src(%arg9 : memref<128x32xf32, #tpu.memory_space<vmem>>) dst(%dma_wait3A_203 : memref<128x32xf32, #tpu.memory_space<vmem_shared>>)
      tpu.yield
    }) : () -> ()
    %mul3A_75 = arith.constant 2504 : i32
    %mul3A_76 = arith.muli %arg1, %mul3A_75 : i32
    %add3A_77 = arith.constant 2048 : i32
    %add3A_78 = arith.addi %mul3A_76, %add3A_77 : i32
    "tpu.region"() ({
      %run_scoped3A = tpu.sem_alloc : memref<!tpu.dma_semaphore, #tpu.memory_space<semaphore_mem>>
      %dma_start3A = arith.constant 0 : i32
      %dma_start3A_197 = tpu.memref_slice %arg10[%add3A_78, %dma_start3A] : memref<40064x32xf32, #tpu.memory_space<vmem_shared>> -> memref<128x32xf32, #tpu.memory_space<vmem_shared>>
      %dma_start3A_198 = arith.constant 0 : i32
      %dma_start3A_199 = tpu.memref_slice %arg10[%add3A_78, %dma_start3A_198] : memref<40064x32xf32, #tpu.memory_space<vmem_shared>> -> memref<128x32xf32, #tpu.memory_space<vmem_shared>>
      tpu.enqueue_dma source(%arg9 : memref<128x32xf32, #tpu.memory_space<vmem>>) target(%dma_start3A_199 : memref<128x32xf32, #tpu.memory_space<vmem_shared>>) target_semaphore(%run_scoped3A : memref<!tpu.dma_semaphore, #tpu.memory_space<semaphore_mem>>)
      %dma_wait3A_200 = arith.constant 0 : i32
      %dma_wait3A_201 = tpu.memref_slice %arg10[%add3A_78, %dma_wait3A_200] : memref<40064x32xf32, #tpu.memory_space<vmem_shared>> -> memref<128x32xf32, #tpu.memory_space<vmem_shared>>
      %dma_wait3A_202 = arith.constant 0 : i32
      %dma_wait3A_203 = tpu.memref_slice %arg10[%add3A_78, %dma_wait3A_202] : memref<40064x32xf32, #tpu.memory_space<vmem_shared>> -> memref<128x32xf32, #tpu.memory_space<vmem_shared>>
      tpu.wait_dma2 semaphore(%run_scoped3A : memref<!tpu.dma_semaphore, #tpu.memory_space<semaphore_mem>>) src(%arg9 : memref<128x32xf32, #tpu.memory_space<vmem>>) dst(%dma_wait3A_203 : memref<128x32xf32, #tpu.memory_space<vmem_shared>>)
      tpu.yield
    }) : () -> ()
    %mul3A_79 = arith.constant 2504 : i32
    %mul3A_80 = arith.muli %arg1, %mul3A_79 : i32
    %add3A_81 = arith.constant 2176 : i32
    %add3A_82 = arith.addi %mul3A_80, %add3A_81 : i32
    "tpu.region"() ({
      %run_scoped3A = tpu.sem_alloc : memref<!tpu.dma_semaphore, #tpu.memory_space<semaphore_mem>>
      %dma_start3A = arith.constant 0 : i32
      %dma_start3A_197 = tpu.memref_slice %arg10[%add3A_82, %dma_start3A] : memref<40064x32xf32, #tpu.memory_space<vmem_shared>> -> memref<128x32xf32, #tpu.memory_space<vmem_shared>>
      %dma_start3A_198 = arith.constant 0 : i32
      %dma_start3A_199 = tpu.memref_slice %arg10[%add3A_82, %dma_start3A_198] : memref<40064x32xf32, #tpu.memory_space<vmem_shared>> -> memref<128x32xf32, #tpu.memory_space<vmem_shared>>
      tpu.enqueue_dma source(%arg9 : memref<128x32xf32, #tpu.memory_space<vmem>>) target(%dma_start3A_199 : memref<128x32xf32, #tpu.memory_space<vmem_shared>>) target_semaphore(%run_scoped3A : memref<!tpu.dma_semaphore, #tpu.memory_space<semaphore_mem>>)
      %dma_wait3A_200 = arith.constant 0 : i32
      %dma_wait3A_201 = tpu.memref_slice %arg10[%add3A_82, %dma_wait3A_200] : memref<40064x32xf32, #tpu.memory_space<vmem_shared>> -> memref<128x32xf32, #tpu.memory_space<vmem_shared>>
      %dma_wait3A_202 = arith.constant 0 : i32
      %dma_wait3A_203 = tpu.memref_slice %arg10[%add3A_82, %dma_wait3A_202] : memref<40064x32xf32, #tpu.memory_space<vmem_shared>> -> memref<128x32xf32, #tpu.memory_space<vmem_shared>>
      tpu.wait_dma2 semaphore(%run_scoped3A : memref<!tpu.dma_semaphore, #tpu.memory_space<semaphore_mem>>) src(%arg9 : memref<128x32xf32, #tpu.memory_space<vmem>>) dst(%dma_wait3A_203 : memref<128x32xf32, #tpu.memory_space<vmem_shared>>)
      tpu.yield
    }) : () -> ()
    %mul3A_83 = arith.constant 2504 : i32
    %mul3A_84 = arith.muli %arg1, %mul3A_83 : i32
    %add3A_85 = arith.constant 2304 : i32
    %add3A_86 = arith.addi %mul3A_84, %add3A_85 : i32
    "tpu.region"() ({
      %run_scoped3A = tpu.sem_alloc : memref<!tpu.dma_semaphore, #tpu.memory_space<semaphore_mem>>
      %dma_start3A = arith.constant 0 : i32
      %dma_start3A_197 = tpu.memref_slice %arg10[%add3A_86, %dma_start3A] : memref<40064x32xf32, #tpu.memory_space<vmem_shared>> -> memref<128x32xf32, #tpu.memory_space<vmem_shared>>
      %dma_start3A_198 = arith.constant 0 : i32
      %dma_start3A_199 = tpu.memref_slice %arg10[%add3A_86, %dma_start3A_198] : memref<40064x32xf32, #tpu.memory_space<vmem_shared>> -> memref<128x32xf32, #tpu.memory_space<vmem_shared>>
      tpu.enqueue_dma source(%arg9 : memref<128x32xf32, #tpu.memory_space<vmem>>) target(%dma_start3A_199 : memref<128x32xf32, #tpu.memory_space<vmem_shared>>) target_semaphore(%run_scoped3A : memref<!tpu.dma_semaphore, #tpu.memory_space<semaphore_mem>>)
      %dma_wait3A_200 = arith.constant 0 : i32
      %dma_wait3A_201 = tpu.memref_slice %arg10[%add3A_86, %dma_wait3A_200] : memref<40064x32xf32, #tpu.memory_space<vmem_shared>> -> memref<128x32xf32, #tpu.memory_space<vmem_shared>>
      %dma_wait3A_202 = arith.constant 0 : i32
      %dma_wait3A_203 = tpu.memref_slice %arg10[%add3A_86, %dma_wait3A_202] : memref<40064x32xf32, #tpu.memory_space<vmem_shared>> -> memref<128x32xf32, #tpu.memory_space<vmem_shared>>
      tpu.wait_dma2 semaphore(%run_scoped3A : memref<!tpu.dma_semaphore, #tpu.memory_space<semaphore_mem>>) src(%arg9 : memref<128x32xf32, #tpu.memory_space<vmem>>) dst(%dma_wait3A_203 : memref<128x32xf32, #tpu.memory_space<vmem_shared>>)
      tpu.yield
    }) : () -> ()
    %mul3A_87 = arith.constant 2504 : i32
    %mul3A_88 = arith.muli %arg1, %mul3A_87 : i32
    %add3A_89 = arith.constant 2432 : i32
    %add3A_90 = arith.addi %mul3A_88, %add3A_89 : i32
    "tpu.region"() ({
      %run_scoped3A = tpu.sem_alloc : memref<!tpu.dma_semaphore, #tpu.memory_space<semaphore_mem>>
      %dma_start3A = arith.constant 0 : i32
      %dma_start3A_197 = arith.constant 0 : i32
      %dma_start3A_198 = tpu.memref_slice %arg9[%dma_start3A, %dma_start3A_197] : memref<128x32xf32, #tpu.memory_space<vmem>> -> memref<72x32xf32, #tpu.memory_space<vmem>>
      %dma_start3A_199 = arith.constant 0 : i32
      %dma_start3A_200 = tpu.memref_slice %arg10[%add3A_90, %dma_start3A_199] : memref<40064x32xf32, #tpu.memory_space<vmem_shared>> -> memref<72x32xf32, #tpu.memory_space<vmem_shared>>
      %dma_start3A_201 = arith.constant 0 : i32
      %dma_start3A_202 = tpu.memref_slice %arg10[%add3A_90, %dma_start3A_201] : memref<40064x32xf32, #tpu.memory_space<vmem_shared>> -> memref<72x32xf32, #tpu.memory_space<vmem_shared>>
      %dma_start3A_203 = arith.constant 0 : i32
      %dma_start3A_204 = arith.constant 0 : i32
      %dma_start3A_205 = tpu.memref_slice %arg9[%dma_start3A_203, %dma_start3A_204] : memref<128x32xf32, #tpu.memory_space<vmem>> -> memref<72x32xf32, #tpu.memory_space<vmem>>
      tpu.enqueue_dma source(%dma_start3A_205 : memref<72x32xf32, #tpu.memory_space<vmem>>) target(%dma_start3A_202 : memref<72x32xf32, #tpu.memory_space<vmem_shared>>) target_semaphore(%run_scoped3A : memref<!tpu.dma_semaphore, #tpu.memory_space<semaphore_mem>>)
      %dma_wait3A_206 = arith.constant 0 : i32
      %dma_wait3A_207 = arith.constant 0 : i32
      %dma_wait3A_208 = tpu.memref_slice %arg9[%dma_wait3A_206, %dma_wait3A_207] : memref<128x32xf32, #tpu.memory_space<vmem>> -> memref<72x32xf32, #tpu.memory_space<vmem>>
      %dma_wait3A_209 = arith.constant 0 : i32
      %dma_wait3A_210 = tpu.memref_slice %arg10[%add3A_90, %dma_wait3A_209] : memref<40064x32xf32, #tpu.memory_space<vmem_shared>> -> memref<72x32xf32, #tpu.memory_space<vmem_shared>>
      %dma_wait3A_211 = arith.constant 0 : i32
      %dma_wait3A_212 = tpu.memref_slice %arg10[%add3A_90, %dma_wait3A_211] : memref<40064x32xf32, #tpu.memory_space<vmem_shared>> -> memref<72x32xf32, #tpu.memory_space<vmem_shared>>
      %dma_wait3A_213 = arith.constant 0 : i32
      %dma_wait3A_214 = arith.constant 0 : i32
      %dma_wait3A_215 = tpu.memref_slice %arg9[%dma_wait3A_213, %dma_wait3A_214] : memref<128x32xf32, #tpu.memory_space<vmem>> -> memref<72x32xf32, #tpu.memory_space<vmem>>
      tpu.wait_dma2 semaphore(%run_scoped3A : memref<!tpu.dma_semaphore, #tpu.memory_space<semaphore_mem>>) src(%dma_wait3A_215 : memref<72x32xf32, #tpu.memory_space<vmem>>) dst(%dma_wait3A_212 : memref<72x32xf32, #tpu.memory_space<vmem_shared>>)
      tpu.yield
    }) : () -> ()
    %barrier3A = arith.constant 0 : index
    tpu.barrier barrier_id(%barrier3A)
    %scan3A_91 = arith.constant 0 : i32
    %scan3A_92 = arith.constant 0 : i32
    %scan3A_93 = arith.constant 5 : i32
    %scan3A_94 = arith.addi %scan3A_92, %scan3A_93 : i32
    %scan3A_95 = arith.constant 1 : i32
    scf.for %scan3A_197 = %scan3A_92 to %scan3A_94 step %scan3A_95  : i32 {
      %mul3A_198 = arith.constant 8 : i32
      %mul3A_199 = arith.muli %scan3A_197, %mul3A_198 : i32
      %add3A_200 = arith.constant 0 : i32
      %add3A_201 = arith.addi %mul3A_199, %add3A_200 : i32
      %ge3A = arith.constant 8 : i32
      %ge3A_202 = arith.cmpi sge, %add3A_201, %ge3A : i32
      %convert_element_type3A = arith.extui %ge3A_202 : i1 to i32
      %cond3A = arith.constant 0 : i32
      %cond3A_203 = arith.cmpi ne, %convert_element_type3A, %cond3A : i32
      scf.if %cond3A_203 {
        %add3A_564 = arith.constant 0 : i32
        %add3A_565 = arith.addi %mul3A_199, %add3A_564 : i32
        %sub3A = arith.constant 8 : i32
        %sub3A_566 = arith.subi %add3A_565, %sub3A : i32
        %dma_wait3A_567 = arith.constant 0 : i32
        %dma_wait3A_568 = arith.constant 0 : i32
        %dma_wait3A_569 = arith.constant 0 : i32
        %dma_wait3A_570 = tpu.memref_slice %arg8[%dma_wait3A_567, %dma_wait3A_568, %dma_wait3A_569] : memref<8x128x32xf32, #tpu.memory_space<vmem>> -> memref<1x128x32xf32, #tpu.memory_space<vmem>>
        %dma_wait3A_571 = tpu.memref_squeeze %dma_wait3A_570 : memref<1x128x32xf32, #tpu.memory_space<vmem>> -> memref<128x32xf32, #tpu.memory_space<vmem>>
        %dma_wait3A_572 = arith.constant 0 : i32
        %dma_wait3A_573 = tpu.memref_slice %arg7[%sub3A_566, %dma_wait3A_572] : memref<40x128xi32, #tpu.memory_space<vmem>> -> memref<1x128xi32, #tpu.memory_space<vmem>>
        %dma_wait3A_574 = tpu.memref_squeeze %dma_wait3A_573 : memref<1x128xi32, #tpu.memory_space<vmem>> -> memref<128xi32, #tpu.memory_space<vmem>>
        %dma_wait3A_575 = arith.constant 0 : i32
        %dma_wait3A_576 = arith.constant 0 : i32
        %dma_wait3A_577 = tpu.memref_slice %arg10[%dma_wait3A_575, %dma_wait3A_576] : memref<40064x32xf32, #tpu.memory_space<vmem_shared>> -> memref<40064x32xf32, #tpu.memory_space<vmem_shared>>
        tpu.wait_indirect_dma semaphore(%arg19 : memref<!tpu.dma_semaphore, #tpu.memory_space<semaphore_mem>>) src(%dma_wait3A_571 : memref<128x32xf32, #tpu.memory_space<vmem>>) dst(%dma_wait3A_577 : memref<40064x32xf32, #tpu.memory_space<vmem_shared>>)
      } else {
      }
      %add3A_204 = arith.constant 0 : i32
      %add3A_205 = arith.addi %mul3A_199, %add3A_204 : i32
      %dma_start3A = arith.constant 0 : i32
      %dma_start3A_206 = arith.constant 0 : i32
      %dma_start3A_207 = arith.constant 0 : i32
      %dma_start3A_208 = tpu.memref_slice %arg8[%dma_start3A, %dma_start3A_206, %dma_start3A_207] : memref<8x128x32xf32, #tpu.memory_space<vmem>> -> memref<1x128x32xf32, #tpu.memory_space<vmem>>
      %dma_start3A_209 = tpu.memref_squeeze %dma_start3A_208 : memref<1x128x32xf32, #tpu.memory_space<vmem>> -> memref<128x32xf32, #tpu.memory_space<vmem>>
      %dma_start3A_210 = arith.constant 0 : i32
      %dma_start3A_211 = tpu.memref_slice %arg6[%add3A_205, %dma_start3A_210] : memref<40x128xi32, #tpu.memory_space<vmem>> -> memref<1x128xi32, #tpu.memory_space<vmem>>
      %dma_start3A_212 = tpu.memref_squeeze %dma_start3A_211 : memref<1x128xi32, #tpu.memory_space<vmem>> -> memref<128xi32, #tpu.memory_space<vmem>>
      %dma_start3A_213 = arith.constant 0 : i32
      %dma_start3A_214 = arith.constant 0 : i32
      %dma_start3A_215 = tpu.memref_slice %arg2[%dma_start3A_213, %dma_start3A_214] : memref<10000x32xf32, #tpu.memory_space<hbm>> -> memref<10000x32xf32, #tpu.memory_space<hbm>>
      tpu.enqueue_indirect_dma source(%dma_start3A_215 : memref<10000x32xf32, #tpu.memory_space<hbm>>) target(%dma_start3A_209 : memref<128x32xf32, #tpu.memory_space<vmem>>) offsets(%dma_start3A_212 : memref<128xi32, #tpu.memory_space<vmem>>) semaphore(%arg11 : memref<!tpu.dma_semaphore, #tpu.memory_space<semaphore_mem>>)
      %add3A_216 = arith.constant 1 : i32
      %add3A_217 = arith.addi %mul3A_199, %add3A_216 : i32
      %ge3A_218 = arith.constant 8 : i32
      %ge3A_219 = arith.cmpi sge, %add3A_217, %ge3A_218 : i32
      %convert_element_type3A_220 = arith.extui %ge3A_219 : i1 to i32
      %cond3A_221 = arith.constant 0 : i32
      %cond3A_222 = arith.cmpi ne, %convert_element_type3A_220, %cond3A_221 : i32
      scf.if %cond3A_222 {
        %add3A_564 = arith.constant 1 : i32
        %add3A_565 = arith.addi %mul3A_199, %add3A_564 : i32
        %sub3A = arith.constant 8 : i32
        %sub3A_566 = arith.subi %add3A_565, %sub3A : i32
        %dma_wait3A_567 = arith.constant 1 : i32
        %dma_wait3A_568 = arith.constant 0 : i32
        %dma_wait3A_569 = arith.constant 0 : i32
        %dma_wait3A_570 = tpu.memref_slice %arg8[%dma_wait3A_567, %dma_wait3A_568, %dma_wait3A_569] : memref<8x128x32xf32, #tpu.memory_space<vmem>> -> memref<1x128x32xf32, #tpu.memory_space<vmem>>
        %dma_wait3A_571 = tpu.memref_squeeze %dma_wait3A_570 : memref<1x128x32xf32, #tpu.memory_space<vmem>> -> memref<128x32xf32, #tpu.memory_space<vmem>>
        %dma_wait3A_572 = arith.constant 0 : i32
        %dma_wait3A_573 = tpu.memref_slice %arg7[%sub3A_566, %dma_wait3A_572] : memref<40x128xi32, #tpu.memory_space<vmem>> -> memref<1x128xi32, #tpu.memory_space<vmem>>
        %dma_wait3A_574 = tpu.memref_squeeze %dma_wait3A_573 : memref<1x128xi32, #tpu.memory_space<vmem>> -> memref<128xi32, #tpu.memory_space<vmem>>
        %dma_wait3A_575 = arith.constant 0 : i32
        %dma_wait3A_576 = arith.constant 0 : i32
        %dma_wait3A_577 = tpu.memref_slice %arg10[%dma_wait3A_575, %dma_wait3A_576] : memref<40064x32xf32, #tpu.memory_space<vmem_shared>> -> memref<40064x32xf32, #tpu.memory_space<vmem_shared>>
        tpu.wait_indirect_dma semaphore(%arg20 : memref<!tpu.dma_semaphore, #tpu.memory_space<semaphore_mem>>) src(%dma_wait3A_571 : memref<128x32xf32, #tpu.memory_space<vmem>>) dst(%dma_wait3A_577 : memref<40064x32xf32, #tpu.memory_space<vmem_shared>>)
      } else {
      }
      %add3A_223 = arith.constant 1 : i32
      %add3A_224 = arith.addi %mul3A_199, %add3A_223 : i32
      %dma_start3A_225 = arith.constant 1 : i32
      %dma_start3A_226 = arith.constant 0 : i32
      %dma_start3A_227 = arith.constant 0 : i32
      %dma_start3A_228 = tpu.memref_slice %arg8[%dma_start3A_225, %dma_start3A_226, %dma_start3A_227] : memref<8x128x32xf32, #tpu.memory_space<vmem>> -> memref<1x128x32xf32, #tpu.memory_space<vmem>>
      %dma_start3A_229 = tpu.memref_squeeze %dma_start3A_228 : memref<1x128x32xf32, #tpu.memory_space<vmem>> -> memref<128x32xf32, #tpu.memory_space<vmem>>
      %dma_start3A_230 = arith.constant 0 : i32
      %dma_start3A_231 = tpu.memref_slice %arg6[%add3A_224, %dma_start3A_230] : memref<40x128xi32, #tpu.memory_space<vmem>> -> memref<1x128xi32, #tpu.memory_space<vmem>>
      %dma_start3A_232 = tpu.memref_squeeze %dma_start3A_231 : memref<1x128xi32, #tpu.memory_space<vmem>> -> memref<128xi32, #tpu.memory_space<vmem>>
      %dma_start3A_233 = arith.constant 0 : i32
      %dma_start3A_234 = arith.constant 0 : i32
      %dma_start3A_235 = tpu.memref_slice %arg2[%dma_start3A_233, %dma_start3A_234] : memref<10000x32xf32, #tpu.memory_space<hbm>> -> memref<10000x32xf32, #tpu.memory_space<hbm>>
      tpu.enqueue_indirect_dma source(%dma_start3A_235 : memref<10000x32xf32, #tpu.memory_space<hbm>>) target(%dma_start3A_229 : memref<128x32xf32, #tpu.memory_space<vmem>>) offsets(%dma_start3A_232 : memref<128xi32, #tpu.memory_space<vmem>>) semaphore(%arg12 : memref<!tpu.dma_semaphore, #tpu.memory_space<semaphore_mem>>)
      %add3A_236 = arith.constant 2 : i32
      %add3A_237 = arith.addi %mul3A_199, %add3A_236 : i32
      %ge3A_238 = arith.constant 8 : i32
      %ge3A_239 = arith.cmpi sge, %add3A_237, %ge3A_238 : i32
      %convert_element_type3A_240 = arith.extui %ge3A_239 : i1 to i32
      %cond3A_241 = arith.constant 0 : i32
      %cond3A_242 = arith.cmpi ne, %convert_element_type3A_240, %cond3A_241 : i32
      scf.if %cond3A_242 {
        %add3A_564 = arith.constant 2 : i32
        %add3A_565 = arith.addi %mul3A_199, %add3A_564 : i32
        %sub3A = arith.constant 8 : i32
        %sub3A_566 = arith.subi %add3A_565, %sub3A : i32
        %dma_wait3A_567 = arith.constant 2 : i32
        %dma_wait3A_568 = arith.constant 0 : i32
        %dma_wait3A_569 = arith.constant 0 : i32
        %dma_wait3A_570 = tpu.memref_slice %arg8[%dma_wait3A_567, %dma_wait3A_568, %dma_wait3A_569] : memref<8x128x32xf32, #tpu.memory_space<vmem>> -> memref<1x128x32xf32, #tpu.memory_space<vmem>>
        %dma_wait3A_571 = tpu.memref_squeeze %dma_wait3A_570 : memref<1x128x32xf32, #tpu.memory_space<vmem>> -> memref<128x32xf32, #tpu.memory_space<vmem>>
        %dma_wait3A_572 = arith.constant 0 : i32
        %dma_wait3A_573 = tpu.memref_slice %arg7[%sub3A_566, %dma_wait3A_572] : memref<40x128xi32, #tpu.memory_space<vmem>> -> memref<1x128xi32, #tpu.memory_space<vmem>>
        %dma_wait3A_574 = tpu.memref_squeeze %dma_wait3A_573 : memref<1x128xi32, #tpu.memory_space<vmem>> -> memref<128xi32, #tpu.memory_space<vmem>>
        %dma_wait3A_575 = arith.constant 0 : i32
        %dma_wait3A_576 = arith.constant 0 : i32
        %dma_wait3A_577 = tpu.memref_slice %arg10[%dma_wait3A_575, %dma_wait3A_576] : memref<40064x32xf32, #tpu.memory_space<vmem_shared>> -> memref<40064x32xf32, #tpu.memory_space<vmem_shared>>
        tpu.wait_indirect_dma semaphore(%arg21 : memref<!tpu.dma_semaphore, #tpu.memory_space<semaphore_mem>>) src(%dma_wait3A_571 : memref<128x32xf32, #tpu.memory_space<vmem>>) dst(%dma_wait3A_577 : memref<40064x32xf32, #tpu.memory_space<vmem_shared>>)
      } else {
      }
      %add3A_243 = arith.constant 2 : i32
      %add3A_244 = arith.addi %mul3A_199, %add3A_243 : i32
      %dma_start3A_245 = arith.constant 2 : i32
      %dma_start3A_246 = arith.constant 0 : i32
      %dma_start3A_247 = arith.constant 0 : i32
      %dma_start3A_248 = tpu.memref_slice %arg8[%dma_start3A_245, %dma_start3A_246, %dma_start3A_247] : memref<8x128x32xf32, #tpu.memory_space<vmem>> -> memref<1x128x32xf32, #tpu.memory_space<vmem>>
      %dma_start3A_249 = tpu.memref_squeeze %dma_start3A_248 : memref<1x128x32xf32, #tpu.memory_space<vmem>> -> memref<128x32xf32, #tpu.memory_space<vmem>>
      %dma_start3A_250 = arith.constant 0 : i32
      %dma_start3A_251 = tpu.memref_slice %arg6[%add3A_244, %dma_start3A_250] : memref<40x128xi32, #tpu.memory_space<vmem>> -> memref<1x128xi32, #tpu.memory_space<vmem>>
      %dma_start3A_252 = tpu.memref_squeeze %dma_start3A_251 : memref<1x128xi32, #tpu.memory_space<vmem>> -> memref<128xi32, #tpu.memory_space<vmem>>
      %dma_start3A_253 = arith.constant 0 : i32
      %dma_start3A_254 = arith.constant 0 : i32
      %dma_start3A_255 = tpu.memref_slice %arg2[%dma_start3A_253, %dma_start3A_254] : memref<10000x32xf32, #tpu.memory_space<hbm>> -> memref<10000x32xf32, #tpu.memory_space<hbm>>
      tpu.enqueue_indirect_dma source(%dma_start3A_255 : memref<10000x32xf32, #tpu.memory_space<hbm>>) target(%dma_start3A_249 : memref<128x32xf32, #tpu.memory_space<vmem>>) offsets(%dma_start3A_252 : memref<128xi32, #tpu.memory_space<vmem>>) semaphore(%arg13 : memref<!tpu.dma_semaphore, #tpu.memory_space<semaphore_mem>>)
      %add3A_256 = arith.constant 3 : i32
      %add3A_257 = arith.addi %mul3A_199, %add3A_256 : i32
      %ge3A_258 = arith.constant 8 : i32
      %ge3A_259 = arith.cmpi sge, %add3A_257, %ge3A_258 : i32
      %convert_element_type3A_260 = arith.extui %ge3A_259 : i1 to i32
      %cond3A_261 = arith.constant 0 : i32
      %cond3A_262 = arith.cmpi ne, %convert_element_type3A_260, %cond3A_261 : i32
      scf.if %cond3A_262 {
        %add3A_564 = arith.constant 3 : i32
        %add3A_565 = arith.addi %mul3A_199, %add3A_564 : i32
        %sub3A = arith.constant 8 : i32
        %sub3A_566 = arith.subi %add3A_565, %sub3A : i32
        %dma_wait3A_567 = arith.constant 3 : i32
        %dma_wait3A_568 = arith.constant 0 : i32
        %dma_wait3A_569 = arith.constant 0 : i32
        %dma_wait3A_570 = tpu.memref_slice %arg8[%dma_wait3A_567, %dma_wait3A_568, %dma_wait3A_569] : memref<8x128x32xf32, #tpu.memory_space<vmem>> -> memref<1x128x32xf32, #tpu.memory_space<vmem>>
        %dma_wait3A_571 = tpu.memref_squeeze %dma_wait3A_570 : memref<1x128x32xf32, #tpu.memory_space<vmem>> -> memref<128x32xf32, #tpu.memory_space<vmem>>
        %dma_wait3A_572 = arith.constant 0 : i32
        %dma_wait3A_573 = tpu.memref_slice %arg7[%sub3A_566, %dma_wait3A_572] : memref<40x128xi32, #tpu.memory_space<vmem>> -> memref<1x128xi32, #tpu.memory_space<vmem>>
        %dma_wait3A_574 = tpu.memref_squeeze %dma_wait3A_573 : memref<1x128xi32, #tpu.memory_space<vmem>> -> memref<128xi32, #tpu.memory_space<vmem>>
        %dma_wait3A_575 = arith.constant 0 : i32
        %dma_wait3A_576 = arith.constant 0 : i32
        %dma_wait3A_577 = tpu.memref_slice %arg10[%dma_wait3A_575, %dma_wait3A_576] : memref<40064x32xf32, #tpu.memory_space<vmem_shared>> -> memref<40064x32xf32, #tpu.memory_space<vmem_shared>>
        tpu.wait_indirect_dma semaphore(%arg22 : memref<!tpu.dma_semaphore, #tpu.memory_space<semaphore_mem>>) src(%dma_wait3A_571 : memref<128x32xf32, #tpu.memory_space<vmem>>) dst(%dma_wait3A_577 : memref<40064x32xf32, #tpu.memory_space<vmem_shared>>)
      } else {
      }
      %add3A_263 = arith.constant 3 : i32
      %add3A_264 = arith.addi %mul3A_199, %add3A_263 : i32
      %dma_start3A_265 = arith.constant 3 : i32
      %dma_start3A_266 = arith.constant 0 : i32
      %dma_start3A_267 = arith.constant 0 : i32
      %dma_start3A_268 = tpu.memref_slice %arg8[%dma_start3A_265, %dma_start3A_266, %dma_start3A_267] : memref<8x128x32xf32, #tpu.memory_space<vmem>> -> memref<1x128x32xf32, #tpu.memory_space<vmem>>
      %dma_start3A_269 = tpu.memref_squeeze %dma_start3A_268 : memref<1x128x32xf32, #tpu.memory_space<vmem>> -> memref<128x32xf32, #tpu.memory_space<vmem>>
      %dma_start3A_270 = arith.constant 0 : i32
      %dma_start3A_271 = tpu.memref_slice %arg6[%add3A_264, %dma_start3A_270] : memref<40x128xi32, #tpu.memory_space<vmem>> -> memref<1x128xi32, #tpu.memory_space<vmem>>
      %dma_start3A_272 = tpu.memref_squeeze %dma_start3A_271 : memref<1x128xi32, #tpu.memory_space<vmem>> -> memref<128xi32, #tpu.memory_space<vmem>>
      %dma_start3A_273 = arith.constant 0 : i32
      %dma_start3A_274 = arith.constant 0 : i32
      %dma_start3A_275 = tpu.memref_slice %arg2[%dma_start3A_273, %dma_start3A_274] : memref<10000x32xf32, #tpu.memory_space<hbm>> -> memref<10000x32xf32, #tpu.memory_space<hbm>>
      tpu.enqueue_indirect_dma source(%dma_start3A_275 : memref<10000x32xf32, #tpu.memory_space<hbm>>) target(%dma_start3A_269 : memref<128x32xf32, #tpu.memory_space<vmem>>) offsets(%dma_start3A_272 : memref<128xi32, #tpu.memory_space<vmem>>) semaphore(%arg14 : memref<!tpu.dma_semaphore, #tpu.memory_space<semaphore_mem>>)
      %add3A_276 = arith.constant 4 : i32
      %add3A_277 = arith.addi %mul3A_199, %add3A_276 : i32
      %ge3A_278 = arith.constant 8 : i32
      %ge3A_279 = arith.cmpi sge, %add3A_277, %ge3A_278 : i32
      %convert_element_type3A_280 = arith.extui %ge3A_279 : i1 to i32
      %cond3A_281 = arith.constant 0 : i32
      %cond3A_282 = arith.cmpi ne, %convert_element_type3A_280, %cond3A_281 : i32
      scf.if %cond3A_282 {
        %add3A_564 = arith.constant 4 : i32
        %add3A_565 = arith.addi %mul3A_199, %add3A_564 : i32
        %sub3A = arith.constant 8 : i32
        %sub3A_566 = arith.subi %add3A_565, %sub3A : i32
        %dma_wait3A_567 = arith.constant 4 : i32
        %dma_wait3A_568 = arith.constant 0 : i32
        %dma_wait3A_569 = arith.constant 0 : i32
        %dma_wait3A_570 = tpu.memref_slice %arg8[%dma_wait3A_567, %dma_wait3A_568, %dma_wait3A_569] : memref<8x128x32xf32, #tpu.memory_space<vmem>> -> memref<1x128x32xf32, #tpu.memory_space<vmem>>
        %dma_wait3A_571 = tpu.memref_squeeze %dma_wait3A_570 : memref<1x128x32xf32, #tpu.memory_space<vmem>> -> memref<128x32xf32, #tpu.memory_space<vmem>>
        %dma_wait3A_572 = arith.constant 0 : i32
        %dma_wait3A_573 = tpu.memref_slice %arg7[%sub3A_566, %dma_wait3A_572] : memref<40x128xi32, #tpu.memory_space<vmem>> -> memref<1x128xi32, #tpu.memory_space<vmem>>
        %dma_wait3A_574 = tpu.memref_squeeze %dma_wait3A_573 : memref<1x128xi32, #tpu.memory_space<vmem>> -> memref<128xi32, #tpu.memory_space<vmem>>
        %dma_wait3A_575 = arith.constant 0 : i32
        %dma_wait3A_576 = arith.constant 0 : i32
        %dma_wait3A_577 = tpu.memref_slice %arg10[%dma_wait3A_575, %dma_wait3A_576] : memref<40064x32xf32, #tpu.memory_space<vmem_shared>> -> memref<40064x32xf32, #tpu.memory_space<vmem_shared>>
        tpu.wait_indirect_dma semaphore(%arg23 : memref<!tpu.dma_semaphore, #tpu.memory_space<semaphore_mem>>) src(%dma_wait3A_571 : memref<128x32xf32, #tpu.memory_space<vmem>>) dst(%dma_wait3A_577 : memref<40064x32xf32, #tpu.memory_space<vmem_shared>>)
      } else {
      }
      %add3A_283 = arith.constant 4 : i32
      %add3A_284 = arith.addi %mul3A_199, %add3A_283 : i32
      %dma_start3A_285 = arith.constant 4 : i32
      %dma_start3A_286 = arith.constant 0 : i32
      %dma_start3A_287 = arith.constant 0 : i32
      %dma_start3A_288 = tpu.memref_slice %arg8[%dma_start3A_285, %dma_start3A_286, %dma_start3A_287] : memref<8x128x32xf32, #tpu.memory_space<vmem>> -> memref<1x128x32xf32, #tpu.memory_space<vmem>>
      %dma_start3A_289 = tpu.memref_squeeze %dma_start3A_288 : memref<1x128x32xf32, #tpu.memory_space<vmem>> -> memref<128x32xf32, #tpu.memory_space<vmem>>
      %dma_start3A_290 = arith.constant 0 : i32
      %dma_start3A_291 = tpu.memref_slice %arg6[%add3A_284, %dma_start3A_290] : memref<40x128xi32, #tpu.memory_space<vmem>> -> memref<1x128xi32, #tpu.memory_space<vmem>>
      %dma_start3A_292 = tpu.memref_squeeze %dma_start3A_291 : memref<1x128xi32, #tpu.memory_space<vmem>> -> memref<128xi32, #tpu.memory_space<vmem>>
      %dma_start3A_293 = arith.constant 0 : i32
      %dma_start3A_294 = arith.constant 0 : i32
      %dma_start3A_295 = tpu.memref_slice %arg2[%dma_start3A_293, %dma_start3A_294] : memref<10000x32xf32, #tpu.memory_space<hbm>> -> memref<10000x32xf32, #tpu.memory_space<hbm>>
      tpu.enqueue_indirect_dma source(%dma_start3A_295 : memref<10000x32xf32, #tpu.memory_space<hbm>>) target(%dma_start3A_289 : memref<128x32xf32, #tpu.memory_space<vmem>>) offsets(%dma_start3A_292 : memref<128xi32, #tpu.memory_space<vmem>>) semaphore(%arg15 : memref<!tpu.dma_semaphore, #tpu.memory_space<semaphore_mem>>)
      %add3A_296 = arith.constant 5 : i32
      %add3A_297 = arith.addi %mul3A_199, %add3A_296 : i32
      %ge3A_298 = arith.constant 8 : i32
      %ge3A_299 = arith.cmpi sge, %add3A_297, %ge3A_298 : i32
      %convert_element_type3A_300 = arith.extui %ge3A_299 : i1 to i32
      %cond3A_301 = arith.constant 0 : i32
      %cond3A_302 = arith.cmpi ne, %convert_element_type3A_300, %cond3A_301 : i32
      scf.if %cond3A_302 {
        %add3A_564 = arith.constant 5 : i32
        %add3A_565 = arith.addi %mul3A_199, %add3A_564 : i32
        %sub3A = arith.constant 8 : i32
        %sub3A_566 = arith.subi %add3A_565, %sub3A : i32
        %dma_wait3A_567 = arith.constant 5 : i32
        %dma_wait3A_568 = arith.constant 0 : i32
        %dma_wait3A_569 = arith.constant 0 : i32
        %dma_wait3A_570 = tpu.memref_slice %arg8[%dma_wait3A_567, %dma_wait3A_568, %dma_wait3A_569] : memref<8x128x32xf32, #tpu.memory_space<vmem>> -> memref<1x128x32xf32, #tpu.memory_space<vmem>>
        %dma_wait3A_571 = tpu.memref_squeeze %dma_wait3A_570 : memref<1x128x32xf32, #tpu.memory_space<vmem>> -> memref<128x32xf32, #tpu.memory_space<vmem>>
        %dma_wait3A_572 = arith.constant 0 : i32
        %dma_wait3A_573 = tpu.memref_slice %arg7[%sub3A_566, %dma_wait3A_572] : memref<40x128xi32, #tpu.memory_space<vmem>> -> memref<1x128xi32, #tpu.memory_space<vmem>>
        %dma_wait3A_574 = tpu.memref_squeeze %dma_wait3A_573 : memref<1x128xi32, #tpu.memory_space<vmem>> -> memref<128xi32, #tpu.memory_space<vmem>>
        %dma_wait3A_575 = arith.constant 0 : i32
        %dma_wait3A_576 = arith.constant 0 : i32
        %dma_wait3A_577 = tpu.memref_slice %arg10[%dma_wait3A_575, %dma_wait3A_576] : memref<40064x32xf32, #tpu.memory_space<vmem_shared>> -> memref<40064x32xf32, #tpu.memory_space<vmem_shared>>
        tpu.wait_indirect_dma semaphore(%arg24 : memref<!tpu.dma_semaphore, #tpu.memory_space<semaphore_mem>>) src(%dma_wait3A_571 : memref<128x32xf32, #tpu.memory_space<vmem>>) dst(%dma_wait3A_577 : memref<40064x32xf32, #tpu.memory_space<vmem_shared>>)
      } else {
      }
      %add3A_303 = arith.constant 5 : i32
      %add3A_304 = arith.addi %mul3A_199, %add3A_303 : i32
      %dma_start3A_305 = arith.constant 5 : i32
      %dma_start3A_306 = arith.constant 0 : i32
      %dma_start3A_307 = arith.constant 0 : i32
      %dma_start3A_308 = tpu.memref_slice %arg8[%dma_start3A_305, %dma_start3A_306, %dma_start3A_307] : memref<8x128x32xf32, #tpu.memory_space<vmem>> -> memref<1x128x32xf32, #tpu.memory_space<vmem>>
      %dma_start3A_309 = tpu.memref_squeeze %dma_start3A_308 : memref<1x128x32xf32, #tpu.memory_space<vmem>> -> memref<128x32xf32, #tpu.memory_space<vmem>>
      %dma_start3A_310 = arith.constant 0 : i32
      %dma_start3A_311 = tpu.memref_slice %arg6[%add3A_304, %dma_start3A_310] : memref<40x128xi32, #tpu.memory_space<vmem>> -> memref<1x128xi32, #tpu.memory_space<vmem>>
      %dma_start3A_312 = tpu.memref_squeeze %dma_start3A_311 : memref<1x128xi32, #tpu.memory_space<vmem>> -> memref<128xi32, #tpu.memory_space<vmem>>
      %dma_start3A_313 = arith.constant 0 : i32
      %dma_start3A_314 = arith.constant 0 : i32
      %dma_start3A_315 = tpu.memref_slice %arg2[%dma_start3A_313, %dma_start3A_314] : memref<10000x32xf32, #tpu.memory_space<hbm>> -> memref<10000x32xf32, #tpu.memory_space<hbm>>
      tpu.enqueue_indirect_dma source(%dma_start3A_315 : memref<10000x32xf32, #tpu.memory_space<hbm>>) target(%dma_start3A_309 : memref<128x32xf32, #tpu.memory_space<vmem>>) offsets(%dma_start3A_312 : memref<128xi32, #tpu.memory_space<vmem>>) semaphore(%arg16 : memref<!tpu.dma_semaphore, #tpu.memory_space<semaphore_mem>>)
      %add3A_316 = arith.constant 6 : i32
      %add3A_317 = arith.addi %mul3A_199, %add3A_316 : i32
      %ge3A_318 = arith.constant 8 : i32
      %ge3A_319 = arith.cmpi sge, %add3A_317, %ge3A_318 : i32
      %convert_element_type3A_320 = arith.extui %ge3A_319 : i1 to i32
      %cond3A_321 = arith.constant 0 : i32
      %cond3A_322 = arith.cmpi ne, %convert_element_type3A_320, %cond3A_321 : i32
      scf.if %cond3A_322 {
        %add3A_564 = arith.constant 6 : i32
        %add3A_565 = arith.addi %mul3A_199, %add3A_564 : i32
        %sub3A = arith.constant 8 : i32
        %sub3A_566 = arith.subi %add3A_565, %sub3A : i32
        %dma_wait3A_567 = arith.constant 6 : i32
        %dma_wait3A_568 = arith.constant 0 : i32
        %dma_wait3A_569 = arith.constant 0 : i32
        %dma_wait3A_570 = tpu.memref_slice %arg8[%dma_wait3A_567, %dma_wait3A_568, %dma_wait3A_569] : memref<8x128x32xf32, #tpu.memory_space<vmem>> -> memref<1x128x32xf32, #tpu.memory_space<vmem>>
        %dma_wait3A_571 = tpu.memref_squeeze %dma_wait3A_570 : memref<1x128x32xf32, #tpu.memory_space<vmem>> -> memref<128x32xf32, #tpu.memory_space<vmem>>
        %dma_wait3A_572 = arith.constant 0 : i32
        %dma_wait3A_573 = tpu.memref_slice %arg7[%sub3A_566, %dma_wait3A_572] : memref<40x128xi32, #tpu.memory_space<vmem>> -> memref<1x128xi32, #tpu.memory_space<vmem>>
        %dma_wait3A_574 = tpu.memref_squeeze %dma_wait3A_573 : memref<1x128xi32, #tpu.memory_space<vmem>> -> memref<128xi32, #tpu.memory_space<vmem>>
        %dma_wait3A_575 = arith.constant 0 : i32
        %dma_wait3A_576 = arith.constant 0 : i32
        %dma_wait3A_577 = tpu.memref_slice %arg10[%dma_wait3A_575, %dma_wait3A_576] : memref<40064x32xf32, #tpu.memory_space<vmem_shared>> -> memref<40064x32xf32, #tpu.memory_space<vmem_shared>>
        tpu.wait_indirect_dma semaphore(%arg25 : memref<!tpu.dma_semaphore, #tpu.memory_space<semaphore_mem>>) src(%dma_wait3A_571 : memref<128x32xf32, #tpu.memory_space<vmem>>) dst(%dma_wait3A_577 : memref<40064x32xf32, #tpu.memory_space<vmem_shared>>)
      } else {
      }
      %add3A_323 = arith.constant 6 : i32
      %add3A_324 = arith.addi %mul3A_199, %add3A_323 : i32
      %dma_start3A_325 = arith.constant 6 : i32
      %dma_start3A_326 = arith.constant 0 : i32
      %dma_start3A_327 = arith.constant 0 : i32
      %dma_start3A_328 = tpu.memref_slice %arg8[%dma_start3A_325, %dma_start3A_326, %dma_start3A_327] : memref<8x128x32xf32, #tpu.memory_space<vmem>> -> memref<1x128x32xf32, #tpu.memory_space<vmem>>
      %dma_start3A_329 = tpu.memref_squeeze %dma_start3A_328 : memref<1x128x32xf32, #tpu.memory_space<vmem>> -> memref<128x32xf32, #tpu.memory_space<vmem>>
      %dma_start3A_330 = arith.constant 0 : i32
      %dma_start3A_331 = tpu.memref_slice %arg6[%add3A_324, %dma_start3A_330] : memref<40x128xi32, #tpu.memory_space<vmem>> -> memref<1x128xi32, #tpu.memory_space<vmem>>
      %dma_start3A_332 = tpu.memref_squeeze %dma_start3A_331 : memref<1x128xi32, #tpu.memory_space<vmem>> -> memref<128xi32, #tpu.memory_space<vmem>>
      %dma_start3A_333 = arith.constant 0 : i32
      %dma_start3A_334 = arith.constant 0 : i32
      %dma_start3A_335 = tpu.memref_slice %arg2[%dma_start3A_333, %dma_start3A_334] : memref<10000x32xf32, #tpu.memory_space<hbm>> -> memref<10000x32xf32, #tpu.memory_space<hbm>>
      tpu.enqueue_indirect_dma source(%dma_start3A_335 : memref<10000x32xf32, #tpu.memory_space<hbm>>) target(%dma_start3A_329 : memref<128x32xf32, #tpu.memory_space<vmem>>) offsets(%dma_start3A_332 : memref<128xi32, #tpu.memory_space<vmem>>) semaphore(%arg17 : memref<!tpu.dma_semaphore, #tpu.memory_space<semaphore_mem>>)
      %add3A_336 = arith.constant 7 : i32
      %add3A_337 = arith.addi %mul3A_199, %add3A_336 : i32
      %ge3A_338 = arith.constant 8 : i32
      %ge3A_339 = arith.cmpi sge, %add3A_337, %ge3A_338 : i32
      %convert_element_type3A_340 = arith.extui %ge3A_339 : i1 to i32
      %cond3A_341 = arith.constant 0 : i32
      %cond3A_342 = arith.cmpi ne, %convert_element_type3A_340, %cond3A_341 : i32
      scf.if %cond3A_342 {
        %add3A_564 = arith.constant 7 : i32
        %add3A_565 = arith.addi %mul3A_199, %add3A_564 : i32
        %sub3A = arith.constant 8 : i32
        %sub3A_566 = arith.subi %add3A_565, %sub3A : i32
        %dma_wait3A_567 = arith.constant 7 : i32
        %dma_wait3A_568 = arith.constant 0 : i32
        %dma_wait3A_569 = arith.constant 0 : i32
        %dma_wait3A_570 = tpu.memref_slice %arg8[%dma_wait3A_567, %dma_wait3A_568, %dma_wait3A_569] : memref<8x128x32xf32, #tpu.memory_space<vmem>> -> memref<1x128x32xf32, #tpu.memory_space<vmem>>
        %dma_wait3A_571 = tpu.memref_squeeze %dma_wait3A_570 : memref<1x128x32xf32, #tpu.memory_space<vmem>> -> memref<128x32xf32, #tpu.memory_space<vmem>>
        %dma_wait3A_572 = arith.constant 0 : i32
        %dma_wait3A_573 = tpu.memref_slice %arg7[%sub3A_566, %dma_wait3A_572] : memref<40x128xi32, #tpu.memory_space<vmem>> -> memref<1x128xi32, #tpu.memory_space<vmem>>
        %dma_wait3A_574 = tpu.memref_squeeze %dma_wait3A_573 : memref<1x128xi32, #tpu.memory_space<vmem>> -> memref<128xi32, #tpu.memory_space<vmem>>
        %dma_wait3A_575 = arith.constant 0 : i32
        %dma_wait3A_576 = arith.constant 0 : i32
        %dma_wait3A_577 = tpu.memref_slice %arg10[%dma_wait3A_575, %dma_wait3A_576] : memref<40064x32xf32, #tpu.memory_space<vmem_shared>> -> memref<40064x32xf32, #tpu.memory_space<vmem_shared>>
        tpu.wait_indirect_dma semaphore(%arg26 : memref<!tpu.dma_semaphore, #tpu.memory_space<semaphore_mem>>) src(%dma_wait3A_571 : memref<128x32xf32, #tpu.memory_space<vmem>>) dst(%dma_wait3A_577 : memref<40064x32xf32, #tpu.memory_space<vmem_shared>>)
      } else {
      }
      %add3A_343 = arith.constant 7 : i32
      %add3A_344 = arith.addi %mul3A_199, %add3A_343 : i32
      %dma_start3A_345 = arith.constant 7 : i32
      %dma_start3A_346 = arith.constant 0 : i32
      %dma_start3A_347 = arith.constant 0 : i32
      %dma_start3A_348 = tpu.memref_slice %arg8[%dma_start3A_345, %dma_start3A_346, %dma_start3A_347] : memref<8x128x32xf32, #tpu.memory_space<vmem>> -> memref<1x128x32xf32, #tpu.memory_space<vmem>>
      %dma_start3A_349 = tpu.memref_squeeze %dma_start3A_348 : memref<1x128x32xf32, #tpu.memory_space<vmem>> -> memref<128x32xf32, #tpu.memory_space<vmem>>
      %dma_start3A_350 = arith.constant 0 : i32
      %dma_start3A_351 = tpu.memref_slice %arg6[%add3A_344, %dma_start3A_350] : memref<40x128xi32, #tpu.memory_space<vmem>> -> memref<1x128xi32, #tpu.memory_space<vmem>>
      %dma_start3A_352 = tpu.memref_squeeze %dma_start3A_351 : memref<1x128xi32, #tpu.memory_space<vmem>> -> memref<128xi32, #tpu.memory_space<vmem>>
      %dma_start3A_353 = arith.constant 0 : i32
      %dma_start3A_354 = arith.constant 0 : i32
      %dma_start3A_355 = tpu.memref_slice %arg2[%dma_start3A_353, %dma_start3A_354] : memref<10000x32xf32, #tpu.memory_space<hbm>> -> memref<10000x32xf32, #tpu.memory_space<hbm>>
      tpu.enqueue_indirect_dma source(%dma_start3A_355 : memref<10000x32xf32, #tpu.memory_space<hbm>>) target(%dma_start3A_349 : memref<128x32xf32, #tpu.memory_space<vmem>>) offsets(%dma_start3A_352 : memref<128xi32, #tpu.memory_space<vmem>>) semaphore(%arg18 : memref<!tpu.dma_semaphore, #tpu.memory_space<semaphore_mem>>)
      %add3A_356 = arith.constant 0 : i32
      %add3A_357 = arith.addi %mul3A_199, %add3A_356 : i32
      %dma_wait3A_358 = arith.constant 0 : i32
      %dma_wait3A_359 = arith.constant 0 : i32
      %dma_wait3A_360 = arith.constant 0 : i32
      %dma_wait3A_361 = tpu.memref_slice %arg8[%dma_wait3A_358, %dma_wait3A_359, %dma_wait3A_360] : memref<8x128x32xf32, #tpu.memory_space<vmem>> -> memref<1x128x32xf32, #tpu.memory_space<vmem>>
      %dma_wait3A_362 = tpu.memref_squeeze %dma_wait3A_361 : memref<1x128x32xf32, #tpu.memory_space<vmem>> -> memref<128x32xf32, #tpu.memory_space<vmem>>
      %dma_wait3A_363 = arith.constant 0 : i32
      %dma_wait3A_364 = tpu.memref_slice %arg6[%add3A_357, %dma_wait3A_363] : memref<40x128xi32, #tpu.memory_space<vmem>> -> memref<1x128xi32, #tpu.memory_space<vmem>>
      %dma_wait3A_365 = tpu.memref_squeeze %dma_wait3A_364 : memref<1x128xi32, #tpu.memory_space<vmem>> -> memref<128xi32, #tpu.memory_space<vmem>>
      %dma_wait3A_366 = arith.constant 0 : i32
      %dma_wait3A_367 = arith.constant 0 : i32
      %dma_wait3A_368 = tpu.memref_slice %arg2[%dma_wait3A_366, %dma_wait3A_367] : memref<10000x32xf32, #tpu.memory_space<hbm>> -> memref<10000x32xf32, #tpu.memory_space<hbm>>
      tpu.wait_indirect_dma semaphore(%arg11 : memref<!tpu.dma_semaphore, #tpu.memory_space<semaphore_mem>>) src(%dma_wait3A_368 : memref<10000x32xf32, #tpu.memory_space<hbm>>) dst(%dma_wait3A_362 : memref<128x32xf32, #tpu.memory_space<vmem>>)
      %add3A_369 = arith.constant 0 : i32
      %add3A_370 = arith.addi %mul3A_199, %add3A_369 : i32
      %dma_start3A_371 = arith.constant 0 : i32
      %dma_start3A_372 = arith.constant 0 : i32
      %dma_start3A_373 = arith.constant 0 : i32
      %dma_start3A_374 = tpu.memref_slice %arg8[%dma_start3A_371, %dma_start3A_372, %dma_start3A_373] : memref<8x128x32xf32, #tpu.memory_space<vmem>> -> memref<1x128x32xf32, #tpu.memory_space<vmem>>
      %dma_start3A_375 = tpu.memref_squeeze %dma_start3A_374 : memref<1x128x32xf32, #tpu.memory_space<vmem>> -> memref<128x32xf32, #tpu.memory_space<vmem>>
      %dma_start3A_376 = arith.constant 0 : i32
      %dma_start3A_377 = tpu.memref_slice %arg7[%add3A_370, %dma_start3A_376] : memref<40x128xi32, #tpu.memory_space<vmem>> -> memref<1x128xi32, #tpu.memory_space<vmem>>
      %dma_start3A_378 = tpu.memref_squeeze %dma_start3A_377 : memref<1x128xi32, #tpu.memory_space<vmem>> -> memref<128xi32, #tpu.memory_space<vmem>>
      %dma_start3A_379 = arith.constant 0 : i32
      %dma_start3A_380 = arith.constant 0 : i32
      %dma_start3A_381 = tpu.memref_slice %arg10[%dma_start3A_379, %dma_start3A_380] : memref<40064x32xf32, #tpu.memory_space<vmem_shared>> -> memref<40064x32xf32, #tpu.memory_space<vmem_shared>>
      tpu.enqueue_indirect_dma source(%dma_start3A_375 : memref<128x32xf32, #tpu.memory_space<vmem>>) target(%dma_start3A_381 : memref<40064x32xf32, #tpu.memory_space<vmem_shared>>) offsets(%dma_start3A_378 : memref<128xi32, #tpu.memory_space<vmem>>) semaphore(%arg19 : memref<!tpu.dma_semaphore, #tpu.memory_space<semaphore_mem>>) {add = true}
      %add3A_382 = arith.constant 1 : i32
      %add3A_383 = arith.addi %mul3A_199, %add3A_382 : i32
      %dma_wait3A_384 = arith.constant 1 : i32
      %dma_wait3A_385 = arith.constant 0 : i32
      %dma_wait3A_386 = arith.constant 0 : i32
      %dma_wait3A_387 = tpu.memref_slice %arg8[%dma_wait3A_384, %dma_wait3A_385, %dma_wait3A_386] : memref<8x128x32xf32, #tpu.memory_space<vmem>> -> memref<1x128x32xf32, #tpu.memory_space<vmem>>
      %dma_wait3A_388 = tpu.memref_squeeze %dma_wait3A_387 : memref<1x128x32xf32, #tpu.memory_space<vmem>> -> memref<128x32xf32, #tpu.memory_space<vmem>>
      %dma_wait3A_389 = arith.constant 0 : i32
      %dma_wait3A_390 = tpu.memref_slice %arg6[%add3A_383, %dma_wait3A_389] : memref<40x128xi32, #tpu.memory_space<vmem>> -> memref<1x128xi32, #tpu.memory_space<vmem>>
      %dma_wait3A_391 = tpu.memref_squeeze %dma_wait3A_390 : memref<1x128xi32, #tpu.memory_space<vmem>> -> memref<128xi32, #tpu.memory_space<vmem>>
      %dma_wait3A_392 = arith.constant 0 : i32
      %dma_wait3A_393 = arith.constant 0 : i32
      %dma_wait3A_394 = tpu.memref_slice %arg2[%dma_wait3A_392, %dma_wait3A_393] : memref<10000x32xf32, #tpu.memory_space<hbm>> -> memref<10000x32xf32, #tpu.memory_space<hbm>>
      tpu.wait_indirect_dma semaphore(%arg12 : memref<!tpu.dma_semaphore, #tpu.memory_space<semaphore_mem>>) src(%dma_wait3A_394 : memref<10000x32xf32, #tpu.memory_space<hbm>>) dst(%dma_wait3A_388 : memref<128x32xf32, #tpu.memory_space<vmem>>)
      %add3A_395 = arith.constant 1 : i32
      %add3A_396 = arith.addi %mul3A_199, %add3A_395 : i32
      %dma_start3A_397 = arith.constant 1 : i32
      %dma_start3A_398 = arith.constant 0 : i32
      %dma_start3A_399 = arith.constant 0 : i32
      %dma_start3A_400 = tpu.memref_slice %arg8[%dma_start3A_397, %dma_start3A_398, %dma_start3A_399] : memref<8x128x32xf32, #tpu.memory_space<vmem>> -> memref<1x128x32xf32, #tpu.memory_space<vmem>>
      %dma_start3A_401 = tpu.memref_squeeze %dma_start3A_400 : memref<1x128x32xf32, #tpu.memory_space<vmem>> -> memref<128x32xf32, #tpu.memory_space<vmem>>
      %dma_start3A_402 = arith.constant 0 : i32
      %dma_start3A_403 = tpu.memref_slice %arg7[%add3A_396, %dma_start3A_402] : memref<40x128xi32, #tpu.memory_space<vmem>> -> memref<1x128xi32, #tpu.memory_space<vmem>>
      %dma_start3A_404 = tpu.memref_squeeze %dma_start3A_403 : memref<1x128xi32, #tpu.memory_space<vmem>> -> memref<128xi32, #tpu.memory_space<vmem>>
      %dma_start3A_405 = arith.constant 0 : i32
      %dma_start3A_406 = arith.constant 0 : i32
      %dma_start3A_407 = tpu.memref_slice %arg10[%dma_start3A_405, %dma_start3A_406] : memref<40064x32xf32, #tpu.memory_space<vmem_shared>> -> memref<40064x32xf32, #tpu.memory_space<vmem_shared>>
      tpu.enqueue_indirect_dma source(%dma_start3A_401 : memref<128x32xf32, #tpu.memory_space<vmem>>) target(%dma_start3A_407 : memref<40064x32xf32, #tpu.memory_space<vmem_shared>>) offsets(%dma_start3A_404 : memref<128xi32, #tpu.memory_space<vmem>>) semaphore(%arg20 : memref<!tpu.dma_semaphore, #tpu.memory_space<semaphore_mem>>) {add = true}
      %add3A_408 = arith.constant 2 : i32
      %add3A_409 = arith.addi %mul3A_199, %add3A_408 : i32
      %dma_wait3A_410 = arith.constant 2 : i32
      %dma_wait3A_411 = arith.constant 0 : i32
      %dma_wait3A_412 = arith.constant 0 : i32
      %dma_wait3A_413 = tpu.memref_slice %arg8[%dma_wait3A_410, %dma_wait3A_411, %dma_wait3A_412] : memref<8x128x32xf32, #tpu.memory_space<vmem>> -> memref<1x128x32xf32, #tpu.memory_space<vmem>>
      %dma_wait3A_414 = tpu.memref_squeeze %dma_wait3A_413 : memref<1x128x32xf32, #tpu.memory_space<vmem>> -> memref<128x32xf32, #tpu.memory_space<vmem>>
      %dma_wait3A_415 = arith.constant 0 : i32
      %dma_wait3A_416 = tpu.memref_slice %arg6[%add3A_409, %dma_wait3A_415] : memref<40x128xi32, #tpu.memory_space<vmem>> -> memref<1x128xi32, #tpu.memory_space<vmem>>
      %dma_wait3A_417 = tpu.memref_squeeze %dma_wait3A_416 : memref<1x128xi32, #tpu.memory_space<vmem>> -> memref<128xi32, #tpu.memory_space<vmem>>
      %dma_wait3A_418 = arith.constant 0 : i32
      %dma_wait3A_419 = arith.constant 0 : i32
      %dma_wait3A_420 = tpu.memref_slice %arg2[%dma_wait3A_418, %dma_wait3A_419] : memref<10000x32xf32, #tpu.memory_space<hbm>> -> memref<10000x32xf32, #tpu.memory_space<hbm>>
      tpu.wait_indirect_dma semaphore(%arg13 : memref<!tpu.dma_semaphore, #tpu.memory_space<semaphore_mem>>) src(%dma_wait3A_420 : memref<10000x32xf32, #tpu.memory_space<hbm>>) dst(%dma_wait3A_414 : memref<128x32xf32, #tpu.memory_space<vmem>>)
      %add3A_421 = arith.constant 2 : i32
      %add3A_422 = arith.addi %mul3A_199, %add3A_421 : i32
      %dma_start3A_423 = arith.constant 2 : i32
      %dma_start3A_424 = arith.constant 0 : i32
      %dma_start3A_425 = arith.constant 0 : i32
      %dma_start3A_426 = tpu.memref_slice %arg8[%dma_start3A_423, %dma_start3A_424, %dma_start3A_425] : memref<8x128x32xf32, #tpu.memory_space<vmem>> -> memref<1x128x32xf32, #tpu.memory_space<vmem>>
      %dma_start3A_427 = tpu.memref_squeeze %dma_start3A_426 : memref<1x128x32xf32, #tpu.memory_space<vmem>> -> memref<128x32xf32, #tpu.memory_space<vmem>>
      %dma_start3A_428 = arith.constant 0 : i32
      %dma_start3A_429 = tpu.memref_slice %arg7[%add3A_422, %dma_start3A_428] : memref<40x128xi32, #tpu.memory_space<vmem>> -> memref<1x128xi32, #tpu.memory_space<vmem>>
      %dma_start3A_430 = tpu.memref_squeeze %dma_start3A_429 : memref<1x128xi32, #tpu.memory_space<vmem>> -> memref<128xi32, #tpu.memory_space<vmem>>
      %dma_start3A_431 = arith.constant 0 : i32
      %dma_start3A_432 = arith.constant 0 : i32
      %dma_start3A_433 = tpu.memref_slice %arg10[%dma_start3A_431, %dma_start3A_432] : memref<40064x32xf32, #tpu.memory_space<vmem_shared>> -> memref<40064x32xf32, #tpu.memory_space<vmem_shared>>
      tpu.enqueue_indirect_dma source(%dma_start3A_427 : memref<128x32xf32, #tpu.memory_space<vmem>>) target(%dma_start3A_433 : memref<40064x32xf32, #tpu.memory_space<vmem_shared>>) offsets(%dma_start3A_430 : memref<128xi32, #tpu.memory_space<vmem>>) semaphore(%arg21 : memref<!tpu.dma_semaphore, #tpu.memory_space<semaphore_mem>>) {add = true}
      %add3A_434 = arith.constant 3 : i32
      %add3A_435 = arith.addi %mul3A_199, %add3A_434 : i32
      %dma_wait3A_436 = arith.constant 3 : i32
      %dma_wait3A_437 = arith.constant 0 : i32
      %dma_wait3A_438 = arith.constant 0 : i32
      %dma_wait3A_439 = tpu.memref_slice %arg8[%dma_wait3A_436, %dma_wait3A_437, %dma_wait3A_438] : memref<8x128x32xf32, #tpu.memory_space<vmem>> -> memref<1x128x32xf32, #tpu.memory_space<vmem>>
      %dma_wait3A_440 = tpu.memref_squeeze %dma_wait3A_439 : memref<1x128x32xf32, #tpu.memory_space<vmem>> -> memref<128x32xf32, #tpu.memory_space<vmem>>
      %dma_wait3A_441 = arith.constant 0 : i32
      %dma_wait3A_442 = tpu.memref_slice %arg6[%add3A_435, %dma_wait3A_441] : memref<40x128xi32, #tpu.memory_space<vmem>> -> memref<1x128xi32, #tpu.memory_space<vmem>>
      %dma_wait3A_443 = tpu.memref_squeeze %dma_wait3A_442 : memref<1x128xi32, #tpu.memory_space<vmem>> -> memref<128xi32, #tpu.memory_space<vmem>>
      %dma_wait3A_444 = arith.constant 0 : i32
      %dma_wait3A_445 = arith.constant 0 : i32
      %dma_wait3A_446 = tpu.memref_slice %arg2[%dma_wait3A_444, %dma_wait3A_445] : memref<10000x32xf32, #tpu.memory_space<hbm>> -> memref<10000x32xf32, #tpu.memory_space<hbm>>
      tpu.wait_indirect_dma semaphore(%arg14 : memref<!tpu.dma_semaphore, #tpu.memory_space<semaphore_mem>>) src(%dma_wait3A_446 : memref<10000x32xf32, #tpu.memory_space<hbm>>) dst(%dma_wait3A_440 : memref<128x32xf32, #tpu.memory_space<vmem>>)
      %add3A_447 = arith.constant 3 : i32
      %add3A_448 = arith.addi %mul3A_199, %add3A_447 : i32
      %dma_start3A_449 = arith.constant 3 : i32
      %dma_start3A_450 = arith.constant 0 : i32
      %dma_start3A_451 = arith.constant 0 : i32
      %dma_start3A_452 = tpu.memref_slice %arg8[%dma_start3A_449, %dma_start3A_450, %dma_start3A_451] : memref<8x128x32xf32, #tpu.memory_space<vmem>> -> memref<1x128x32xf32, #tpu.memory_space<vmem>>
      %dma_start3A_453 = tpu.memref_squeeze %dma_start3A_452 : memref<1x128x32xf32, #tpu.memory_space<vmem>> -> memref<128x32xf32, #tpu.memory_space<vmem>>
      %dma_start3A_454 = arith.constant 0 : i32
      %dma_start3A_455 = tpu.memref_slice %arg7[%add3A_448, %dma_start3A_454] : memref<40x128xi32, #tpu.memory_space<vmem>> -> memref<1x128xi32, #tpu.memory_space<vmem>>
      %dma_start3A_456 = tpu.memref_squeeze %dma_start3A_455 : memref<1x128xi32, #tpu.memory_space<vmem>> -> memref<128xi32, #tpu.memory_space<vmem>>
      %dma_start3A_457 = arith.constant 0 : i32
      %dma_start3A_458 = arith.constant 0 : i32
      %dma_start3A_459 = tpu.memref_slice %arg10[%dma_start3A_457, %dma_start3A_458] : memref<40064x32xf32, #tpu.memory_space<vmem_shared>> -> memref<40064x32xf32, #tpu.memory_space<vmem_shared>>
      tpu.enqueue_indirect_dma source(%dma_start3A_453 : memref<128x32xf32, #tpu.memory_space<vmem>>) target(%dma_start3A_459 : memref<40064x32xf32, #tpu.memory_space<vmem_shared>>) offsets(%dma_start3A_456 : memref<128xi32, #tpu.memory_space<vmem>>) semaphore(%arg22 : memref<!tpu.dma_semaphore, #tpu.memory_space<semaphore_mem>>) {add = true}
      %add3A_460 = arith.constant 4 : i32
      %add3A_461 = arith.addi %mul3A_199, %add3A_460 : i32
      %dma_wait3A_462 = arith.constant 4 : i32
      %dma_wait3A_463 = arith.constant 0 : i32
      %dma_wait3A_464 = arith.constant 0 : i32
      %dma_wait3A_465 = tpu.memref_slice %arg8[%dma_wait3A_462, %dma_wait3A_463, %dma_wait3A_464] : memref<8x128x32xf32, #tpu.memory_space<vmem>> -> memref<1x128x32xf32, #tpu.memory_space<vmem>>
      %dma_wait3A_466 = tpu.memref_squeeze %dma_wait3A_465 : memref<1x128x32xf32, #tpu.memory_space<vmem>> -> memref<128x32xf32, #tpu.memory_space<vmem>>
      %dma_wait3A_467 = arith.constant 0 : i32
      %dma_wait3A_468 = tpu.memref_slice %arg6[%add3A_461, %dma_wait3A_467] : memref<40x128xi32, #tpu.memory_space<vmem>> -> memref<1x128xi32, #tpu.memory_space<vmem>>
      %dma_wait3A_469 = tpu.memref_squeeze %dma_wait3A_468 : memref<1x128xi32, #tpu.memory_space<vmem>> -> memref<128xi32, #tpu.memory_space<vmem>>
      %dma_wait3A_470 = arith.constant 0 : i32
      %dma_wait3A_471 = arith.constant 0 : i32
      %dma_wait3A_472 = tpu.memref_slice %arg2[%dma_wait3A_470, %dma_wait3A_471] : memref<10000x32xf32, #tpu.memory_space<hbm>> -> memref<10000x32xf32, #tpu.memory_space<hbm>>
      tpu.wait_indirect_dma semaphore(%arg15 : memref<!tpu.dma_semaphore, #tpu.memory_space<semaphore_mem>>) src(%dma_wait3A_472 : memref<10000x32xf32, #tpu.memory_space<hbm>>) dst(%dma_wait3A_466 : memref<128x32xf32, #tpu.memory_space<vmem>>)
      %add3A_473 = arith.constant 4 : i32
      %add3A_474 = arith.addi %mul3A_199, %add3A_473 : i32
      %dma_start3A_475 = arith.constant 4 : i32
      %dma_start3A_476 = arith.constant 0 : i32
      %dma_start3A_477 = arith.constant 0 : i32
      %dma_start3A_478 = tpu.memref_slice %arg8[%dma_start3A_475, %dma_start3A_476, %dma_start3A_477] : memref<8x128x32xf32, #tpu.memory_space<vmem>> -> memref<1x128x32xf32, #tpu.memory_space<vmem>>
      %dma_start3A_479 = tpu.memref_squeeze %dma_start3A_478 : memref<1x128x32xf32, #tpu.memory_space<vmem>> -> memref<128x32xf32, #tpu.memory_space<vmem>>
      %dma_start3A_480 = arith.constant 0 : i32
      %dma_start3A_481 = tpu.memref_slice %arg7[%add3A_474, %dma_start3A_480] : memref<40x128xi32, #tpu.memory_space<vmem>> -> memref<1x128xi32, #tpu.memory_space<vmem>>
      %dma_start3A_482 = tpu.memref_squeeze %dma_start3A_481 : memref<1x128xi32, #tpu.memory_space<vmem>> -> memref<128xi32, #tpu.memory_space<vmem>>
      %dma_start3A_483 = arith.constant 0 : i32
      %dma_start3A_484 = arith.constant 0 : i32
      %dma_start3A_485 = tpu.memref_slice %arg10[%dma_start3A_483, %dma_start3A_484] : memref<40064x32xf32, #tpu.memory_space<vmem_shared>> -> memref<40064x32xf32, #tpu.memory_space<vmem_shared>>
      tpu.enqueue_indirect_dma source(%dma_start3A_479 : memref<128x32xf32, #tpu.memory_space<vmem>>) target(%dma_start3A_485 : memref<40064x32xf32, #tpu.memory_space<vmem_shared>>) offsets(%dma_start3A_482 : memref<128xi32, #tpu.memory_space<vmem>>) semaphore(%arg23 : memref<!tpu.dma_semaphore, #tpu.memory_space<semaphore_mem>>) {add = true}
      %add3A_486 = arith.constant 5 : i32
      %add3A_487 = arith.addi %mul3A_199, %add3A_486 : i32
      %dma_wait3A_488 = arith.constant 5 : i32
      %dma_wait3A_489 = arith.constant 0 : i32
      %dma_wait3A_490 = arith.constant 0 : i32
      %dma_wait3A_491 = tpu.memref_slice %arg8[%dma_wait3A_488, %dma_wait3A_489, %dma_wait3A_490] : memref<8x128x32xf32, #tpu.memory_space<vmem>> -> memref<1x128x32xf32, #tpu.memory_space<vmem>>
      %dma_wait3A_492 = tpu.memref_squeeze %dma_wait3A_491 : memref<1x128x32xf32, #tpu.memory_space<vmem>> -> memref<128x32xf32, #tpu.memory_space<vmem>>
      %dma_wait3A_493 = arith.constant 0 : i32
      %dma_wait3A_494 = tpu.memref_slice %arg6[%add3A_487, %dma_wait3A_493] : memref<40x128xi32, #tpu.memory_space<vmem>> -> memref<1x128xi32, #tpu.memory_space<vmem>>
      %dma_wait3A_495 = tpu.memref_squeeze %dma_wait3A_494 : memref<1x128xi32, #tpu.memory_space<vmem>> -> memref<128xi32, #tpu.memory_space<vmem>>
      %dma_wait3A_496 = arith.constant 0 : i32
      %dma_wait3A_497 = arith.constant 0 : i32
      %dma_wait3A_498 = tpu.memref_slice %arg2[%dma_wait3A_496, %dma_wait3A_497] : memref<10000x32xf32, #tpu.memory_space<hbm>> -> memref<10000x32xf32, #tpu.memory_space<hbm>>
      tpu.wait_indirect_dma semaphore(%arg16 : memref<!tpu.dma_semaphore, #tpu.memory_space<semaphore_mem>>) src(%dma_wait3A_498 : memref<10000x32xf32, #tpu.memory_space<hbm>>) dst(%dma_wait3A_492 : memref<128x32xf32, #tpu.memory_space<vmem>>)
      %add3A_499 = arith.constant 5 : i32
      %add3A_500 = arith.addi %mul3A_199, %add3A_499 : i32
      %dma_start3A_501 = arith.constant 5 : i32
      %dma_start3A_502 = arith.constant 0 : i32
      %dma_start3A_503 = arith.constant 0 : i32
      %dma_start3A_504 = tpu.memref_slice %arg8[%dma_start3A_501, %dma_start3A_502, %dma_start3A_503] : memref<8x128x32xf32, #tpu.memory_space<vmem>> -> memref<1x128x32xf32, #tpu.memory_space<vmem>>
      %dma_start3A_505 = tpu.memref_squeeze %dma_start3A_504 : memref<1x128x32xf32, #tpu.memory_space<vmem>> -> memref<128x32xf32, #tpu.memory_space<vmem>>
      %dma_start3A_506 = arith.constant 0 : i32
      %dma_start3A_507 = tpu.memref_slice %arg7[%add3A_500, %dma_start3A_506] : memref<40x128xi32, #tpu.memory_space<vmem>> -> memref<1x128xi32, #tpu.memory_space<vmem>>
      %dma_start3A_508 = tpu.memref_squeeze %dma_start3A_507 : memref<1x128xi32, #tpu.memory_space<vmem>> -> memref<128xi32, #tpu.memory_space<vmem>>
      %dma_start3A_509 = arith.constant 0 : i32
      %dma_start3A_510 = arith.constant 0 : i32
      %dma_start3A_511 = tpu.memref_slice %arg10[%dma_start3A_509, %dma_start3A_510] : memref<40064x32xf32, #tpu.memory_space<vmem_shared>> -> memref<40064x32xf32, #tpu.memory_space<vmem_shared>>
      tpu.enqueue_indirect_dma source(%dma_start3A_505 : memref<128x32xf32, #tpu.memory_space<vmem>>) target(%dma_start3A_511 : memref<40064x32xf32, #tpu.memory_space<vmem_shared>>) offsets(%dma_start3A_508 : memref<128xi32, #tpu.memory_space<vmem>>) semaphore(%arg24 : memref<!tpu.dma_semaphore, #tpu.memory_space<semaphore_mem>>) {add = true}
      %add3A_512 = arith.constant 6 : i32
      %add3A_513 = arith.addi %mul3A_199, %add3A_512 : i32
      %dma_wait3A_514 = arith.constant 6 : i32
      %dma_wait3A_515 = arith.constant 0 : i32
      %dma_wait3A_516 = arith.constant 0 : i32
      %dma_wait3A_517 = tpu.memref_slice %arg8[%dma_wait3A_514, %dma_wait3A_515, %dma_wait3A_516] : memref<8x128x32xf32, #tpu.memory_space<vmem>> -> memref<1x128x32xf32, #tpu.memory_space<vmem>>
      %dma_wait3A_518 = tpu.memref_squeeze %dma_wait3A_517 : memref<1x128x32xf32, #tpu.memory_space<vmem>> -> memref<128x32xf32, #tpu.memory_space<vmem>>
      %dma_wait3A_519 = arith.constant 0 : i32
      %dma_wait3A_520 = tpu.memref_slice %arg6[%add3A_513, %dma_wait3A_519] : memref<40x128xi32, #tpu.memory_space<vmem>> -> memref<1x128xi32, #tpu.memory_space<vmem>>
      %dma_wait3A_521 = tpu.memref_squeeze %dma_wait3A_520 : memref<1x128xi32, #tpu.memory_space<vmem>> -> memref<128xi32, #tpu.memory_space<vmem>>
      %dma_wait3A_522 = arith.constant 0 : i32
      %dma_wait3A_523 = arith.constant 0 : i32
      %dma_wait3A_524 = tpu.memref_slice %arg2[%dma_wait3A_522, %dma_wait3A_523] : memref<10000x32xf32, #tpu.memory_space<hbm>> -> memref<10000x32xf32, #tpu.memory_space<hbm>>
      tpu.wait_indirect_dma semaphore(%arg17 : memref<!tpu.dma_semaphore, #tpu.memory_space<semaphore_mem>>) src(%dma_wait3A_524 : memref<10000x32xf32, #tpu.memory_space<hbm>>) dst(%dma_wait3A_518 : memref<128x32xf32, #tpu.memory_space<vmem>>)
      %add3A_525 = arith.constant 6 : i32
      %add3A_526 = arith.addi %mul3A_199, %add3A_525 : i32
      %dma_start3A_527 = arith.constant 6 : i32
      %dma_start3A_528 = arith.constant 0 : i32
      %dma_start3A_529 = arith.constant 0 : i32
      %dma_start3A_530 = tpu.memref_slice %arg8[%dma_start3A_527, %dma_start3A_528, %dma_start3A_529] : memref<8x128x32xf32, #tpu.memory_space<vmem>> -> memref<1x128x32xf32, #tpu.memory_space<vmem>>
      %dma_start3A_531 = tpu.memref_squeeze %dma_start3A_530 : memref<1x128x32xf32, #tpu.memory_space<vmem>> -> memref<128x32xf32, #tpu.memory_space<vmem>>
      %dma_start3A_532 = arith.constant 0 : i32
      %dma_start3A_533 = tpu.memref_slice %arg7[%add3A_526, %dma_start3A_532] : memref<40x128xi32, #tpu.memory_space<vmem>> -> memref<1x128xi32, #tpu.memory_space<vmem>>
      %dma_start3A_534 = tpu.memref_squeeze %dma_start3A_533 : memref<1x128xi32, #tpu.memory_space<vmem>> -> memref<128xi32, #tpu.memory_space<vmem>>
      %dma_start3A_535 = arith.constant 0 : i32
      %dma_start3A_536 = arith.constant 0 : i32
      %dma_start3A_537 = tpu.memref_slice %arg10[%dma_start3A_535, %dma_start3A_536] : memref<40064x32xf32, #tpu.memory_space<vmem_shared>> -> memref<40064x32xf32, #tpu.memory_space<vmem_shared>>
      tpu.enqueue_indirect_dma source(%dma_start3A_531 : memref<128x32xf32, #tpu.memory_space<vmem>>) target(%dma_start3A_537 : memref<40064x32xf32, #tpu.memory_space<vmem_shared>>) offsets(%dma_start3A_534 : memref<128xi32, #tpu.memory_space<vmem>>) semaphore(%arg25 : memref<!tpu.dma_semaphore, #tpu.memory_space<semaphore_mem>>) {add = true}
      %add3A_538 = arith.constant 7 : i32
      %add3A_539 = arith.addi %mul3A_199, %add3A_538 : i32
      %dma_wait3A_540 = arith.constant 7 : i32
      %dma_wait3A_541 = arith.constant 0 : i32
      %dma_wait3A_542 = arith.constant 0 : i32
      %dma_wait3A_543 = tpu.memref_slice %arg8[%dma_wait3A_540, %dma_wait3A_541, %dma_wait3A_542] : memref<8x128x32xf32, #tpu.memory_space<vmem>> -> memref<1x128x32xf32, #tpu.memory_space<vmem>>
      %dma_wait3A_544 = tpu.memref_squeeze %dma_wait3A_543 : memref<1x128x32xf32, #tpu.memory_space<vmem>> -> memref<128x32xf32, #tpu.memory_space<vmem>>
      %dma_wait3A_545 = arith.constant 0 : i32
      %dma_wait3A_546 = tpu.memref_slice %arg6[%add3A_539, %dma_wait3A_545] : memref<40x128xi32, #tpu.memory_space<vmem>> -> memref<1x128xi32, #tpu.memory_space<vmem>>
      %dma_wait3A_547 = tpu.memref_squeeze %dma_wait3A_546 : memref<1x128xi32, #tpu.memory_space<vmem>> -> memref<128xi32, #tpu.memory_space<vmem>>
      %dma_wait3A_548 = arith.constant 0 : i32
      %dma_wait3A_549 = arith.constant 0 : i32
      %dma_wait3A_550 = tpu.memref_slice %arg2[%dma_wait3A_548, %dma_wait3A_549] : memref<10000x32xf32, #tpu.memory_space<hbm>> -> memref<10000x32xf32, #tpu.memory_space<hbm>>
      tpu.wait_indirect_dma semaphore(%arg18 : memref<!tpu.dma_semaphore, #tpu.memory_space<semaphore_mem>>) src(%dma_wait3A_550 : memref<10000x32xf32, #tpu.memory_space<hbm>>) dst(%dma_wait3A_544 : memref<128x32xf32, #tpu.memory_space<vmem>>)
      %add3A_551 = arith.constant 7 : i32
      %add3A_552 = arith.addi %mul3A_199, %add3A_551 : i32
      %dma_start3A_553 = arith.constant 7 : i32
      %dma_start3A_554 = arith.constant 0 : i32
      %dma_start3A_555 = arith.constant 0 : i32
      %dma_start3A_556 = tpu.memref_slice %arg8[%dma_start3A_553, %dma_start3A_554, %dma_start3A_555] : memref<8x128x32xf32, #tpu.memory_space<vmem>> -> memref<1x128x32xf32, #tpu.memory_space<vmem>>
      %dma_start3A_557 = tpu.memref_squeeze %dma_start3A_556 : memref<1x128x32xf32, #tpu.memory_space<vmem>> -> memref<128x32xf32, #tpu.memory_space<vmem>>
      %dma_start3A_558 = arith.constant 0 : i32
      %dma_start3A_559 = tpu.memref_slice %arg7[%add3A_552, %dma_start3A_558] : memref<40x128xi32, #tpu.memory_space<vmem>> -> memref<1x128xi32, #tpu.memory_space<vmem>>
      %dma_start3A_560 = tpu.memref_squeeze %dma_start3A_559 : memref<1x128xi32, #tpu.memory_space<vmem>> -> memref<128xi32, #tpu.memory_space<vmem>>
      %dma_start3A_561 = arith.constant 0 : i32
      %dma_start3A_562 = arith.constant 0 : i32
      %dma_start3A_563 = tpu.memref_slice %arg10[%dma_start3A_561, %dma_start3A_562] : memref<40064x32xf32, #tpu.memory_space<vmem_shared>> -> memref<40064x32xf32, #tpu.memory_space<vmem_shared>>
      tpu.enqueue_indirect_dma source(%dma_start3A_557 : memref<128x32xf32, #tpu.memory_space<vmem>>) target(%dma_start3A_563 : memref<40064x32xf32, #tpu.memory_space<vmem_shared>>) offsets(%dma_start3A_560 : memref<128xi32, #tpu.memory_space<vmem>>) semaphore(%arg26 : memref<!tpu.dma_semaphore, #tpu.memory_space<semaphore_mem>>) {add = true}
    }
    %scan3A_96 = arith.constant 5 : i32
    %dma_wait3A = arith.constant 0 : i32
    %dma_wait3A_97 = arith.constant 32 : i32
    %dma_wait3A_98 = arith.constant 0 : i32
    %dma_wait3A_99 = arith.constant 0 : i32
    %dma_wait3A_100 = tpu.memref_slice %arg8[%dma_wait3A, %dma_wait3A_98, %dma_wait3A_99] : memref<8x128x32xf32, #tpu.memory_space<vmem>> -> memref<1x128x32xf32, #tpu.memory_space<vmem>>
    %dma_wait3A_101 = tpu.memref_squeeze %dma_wait3A_100 : memref<1x128x32xf32, #tpu.memory_space<vmem>> -> memref<128x32xf32, #tpu.memory_space<vmem>>
    %dma_wait3A_102 = arith.constant 0 : i32
    %dma_wait3A_103 = tpu.memref_slice %arg7[%dma_wait3A_97, %dma_wait3A_102] : memref<40x128xi32, #tpu.memory_space<vmem>> -> memref<1x128xi32, #tpu.memory_space<vmem>>
    %dma_wait3A_104 = tpu.memref_squeeze %dma_wait3A_103 : memref<1x128xi32, #tpu.memory_space<vmem>> -> memref<128xi32, #tpu.memory_space<vmem>>
    %dma_wait3A_105 = arith.constant 0 : i32
    %dma_wait3A_106 = arith.constant 0 : i32
    %dma_wait3A_107 = tpu.memref_slice %arg10[%dma_wait3A_105, %dma_wait3A_106] : memref<40064x32xf32, #tpu.memory_space<vmem_shared>> -> memref<40064x32xf32, #tpu.memory_space<vmem_shared>>
    tpu.wait_indirect_dma semaphore(%arg19 : memref<!tpu.dma_semaphore, #tpu.memory_space<semaphore_mem>>) src(%dma_wait3A_101 : memref<128x32xf32, #tpu.memory_space<vmem>>) dst(%dma_wait3A_107 : memref<40064x32xf32, #tpu.memory_space<vmem_shared>>)
    %dma_wait3A_108 = arith.constant 1 : i32
    %dma_wait3A_109 = arith.constant 33 : i32
    %dma_wait3A_110 = arith.constant 0 : i32
    %dma_wait3A_111 = arith.constant 0 : i32
    %dma_wait3A_112 = tpu.memref_slice %arg8[%dma_wait3A_108, %dma_wait3A_110, %dma_wait3A_111] : memref<8x128x32xf32, #tpu.memory_space<vmem>> -> memref<1x128x32xf32, #tpu.memory_space<vmem>>
    %dma_wait3A_113 = tpu.memref_squeeze %dma_wait3A_112 : memref<1x128x32xf32, #tpu.memory_space<vmem>> -> memref<128x32xf32, #tpu.memory_space<vmem>>
    %dma_wait3A_114 = arith.constant 0 : i32
    %dma_wait3A_115 = tpu.memref_slice %arg7[%dma_wait3A_109, %dma_wait3A_114] : memref<40x128xi32, #tpu.memory_space<vmem>> -> memref<1x128xi32, #tpu.memory_space<vmem>>
    %dma_wait3A_116 = tpu.memref_squeeze %dma_wait3A_115 : memref<1x128xi32, #tpu.memory_space<vmem>> -> memref<128xi32, #tpu.memory_space<vmem>>
    %dma_wait3A_117 = arith.constant 0 : i32
    %dma_wait3A_118 = arith.constant 0 : i32
    %dma_wait3A_119 = tpu.memref_slice %arg10[%dma_wait3A_117, %dma_wait3A_118] : memref<40064x32xf32, #tpu.memory_space<vmem_shared>> -> memref<40064x32xf32, #tpu.memory_space<vmem_shared>>
    tpu.wait_indirect_dma semaphore(%arg20 : memref<!tpu.dma_semaphore, #tpu.memory_space<semaphore_mem>>) src(%dma_wait3A_113 : memref<128x32xf32, #tpu.memory_space<vmem>>) dst(%dma_wait3A_119 : memref<40064x32xf32, #tpu.memory_space<vmem_shared>>)
    %dma_wait3A_120 = arith.constant 2 : i32
    %dma_wait3A_121 = arith.constant 34 : i32
    %dma_wait3A_122 = arith.constant 0 : i32
    %dma_wait3A_123 = arith.constant 0 : i32
    %dma_wait3A_124 = tpu.memref_slice %arg8[%dma_wait3A_120, %dma_wait3A_122, %dma_wait3A_123] : memref<8x128x32xf32, #tpu.memory_space<vmem>> -> memref<1x128x32xf32, #tpu.memory_space<vmem>>
    %dma_wait3A_125 = tpu.memref_squeeze %dma_wait3A_124 : memref<1x128x32xf32, #tpu.memory_space<vmem>> -> memref<128x32xf32, #tpu.memory_space<vmem>>
    %dma_wait3A_126 = arith.constant 0 : i32
    %dma_wait3A_127 = tpu.memref_slice %arg7[%dma_wait3A_121, %dma_wait3A_126] : memref<40x128xi32, #tpu.memory_space<vmem>> -> memref<1x128xi32, #tpu.memory_space<vmem>>
    %dma_wait3A_128 = tpu.memref_squeeze %dma_wait3A_127 : memref<1x128xi32, #tpu.memory_space<vmem>> -> memref<128xi32, #tpu.memory_space<vmem>>
    %dma_wait3A_129 = arith.constant 0 : i32
    %dma_wait3A_130 = arith.constant 0 : i32
    %dma_wait3A_131 = tpu.memref_slice %arg10[%dma_wait3A_129, %dma_wait3A_130] : memref<40064x32xf32, #tpu.memory_space<vmem_shared>> -> memref<40064x32xf32, #tpu.memory_space<vmem_shared>>
    tpu.wait_indirect_dma semaphore(%arg21 : memref<!tpu.dma_semaphore, #tpu.memory_space<semaphore_mem>>) src(%dma_wait3A_125 : memref<128x32xf32, #tpu.memory_space<vmem>>) dst(%dma_wait3A_131 : memref<40064x32xf32, #tpu.memory_space<vmem_shared>>)
    %dma_wait3A_132 = arith.constant 3 : i32
    %dma_wait3A_133 = arith.constant 35 : i32
    %dma_wait3A_134 = arith.constant 0 : i32
    %dma_wait3A_135 = arith.constant 0 : i32
    %dma_wait3A_136 = tpu.memref_slice %arg8[%dma_wait3A_132, %dma_wait3A_134, %dma_wait3A_135] : memref<8x128x32xf32, #tpu.memory_space<vmem>> -> memref<1x128x32xf32, #tpu.memory_space<vmem>>
    %dma_wait3A_137 = tpu.memref_squeeze %dma_wait3A_136 : memref<1x128x32xf32, #tpu.memory_space<vmem>> -> memref<128x32xf32, #tpu.memory_space<vmem>>
    %dma_wait3A_138 = arith.constant 0 : i32
    %dma_wait3A_139 = tpu.memref_slice %arg7[%dma_wait3A_133, %dma_wait3A_138] : memref<40x128xi32, #tpu.memory_space<vmem>> -> memref<1x128xi32, #tpu.memory_space<vmem>>
    %dma_wait3A_140 = tpu.memref_squeeze %dma_wait3A_139 : memref<1x128xi32, #tpu.memory_space<vmem>> -> memref<128xi32, #tpu.memory_space<vmem>>
    %dma_wait3A_141 = arith.constant 0 : i32
    %dma_wait3A_142 = arith.constant 0 : i32
    %dma_wait3A_143 = tpu.memref_slice %arg10[%dma_wait3A_141, %dma_wait3A_142] : memref<40064x32xf32, #tpu.memory_space<vmem_shared>> -> memref<40064x32xf32, #tpu.memory_space<vmem_shared>>
    tpu.wait_indirect_dma semaphore(%arg22 : memref<!tpu.dma_semaphore, #tpu.memory_space<semaphore_mem>>) src(%dma_wait3A_137 : memref<128x32xf32, #tpu.memory_space<vmem>>) dst(%dma_wait3A_143 : memref<40064x32xf32, #tpu.memory_space<vmem_shared>>)
    %dma_wait3A_144 = arith.constant 4 : i32
    %dma_wait3A_145 = arith.constant 36 : i32
    %dma_wait3A_146 = arith.constant 0 : i32
    %dma_wait3A_147 = arith.constant 0 : i32
    %dma_wait3A_148 = tpu.memref_slice %arg8[%dma_wait3A_144, %dma_wait3A_146, %dma_wait3A_147] : memref<8x128x32xf32, #tpu.memory_space<vmem>> -> memref<1x128x32xf32, #tpu.memory_space<vmem>>
    %dma_wait3A_149 = tpu.memref_squeeze %dma_wait3A_148 : memref<1x128x32xf32, #tpu.memory_space<vmem>> -> memref<128x32xf32, #tpu.memory_space<vmem>>
    %dma_wait3A_150 = arith.constant 0 : i32
    %dma_wait3A_151 = tpu.memref_slice %arg7[%dma_wait3A_145, %dma_wait3A_150] : memref<40x128xi32, #tpu.memory_space<vmem>> -> memref<1x128xi32, #tpu.memory_space<vmem>>
    %dma_wait3A_152 = tpu.memref_squeeze %dma_wait3A_151 : memref<1x128xi32, #tpu.memory_space<vmem>> -> memref<128xi32, #tpu.memory_space<vmem>>
    %dma_wait3A_153 = arith.constant 0 : i32
    %dma_wait3A_154 = arith.constant 0 : i32
    %dma_wait3A_155 = tpu.memref_slice %arg10[%dma_wait3A_153, %dma_wait3A_154] : memref<40064x32xf32, #tpu.memory_space<vmem_shared>> -> memref<40064x32xf32, #tpu.memory_space<vmem_shared>>
    tpu.wait_indirect_dma semaphore(%arg23 : memref<!tpu.dma_semaphore, #tpu.memory_space<semaphore_mem>>) src(%dma_wait3A_149 : memref<128x32xf32, #tpu.memory_space<vmem>>) dst(%dma_wait3A_155 : memref<40064x32xf32, #tpu.memory_space<vmem_shared>>)
    %dma_wait3A_156 = arith.constant 5 : i32
    %dma_wait3A_157 = arith.constant 37 : i32
    %dma_wait3A_158 = arith.constant 0 : i32
    %dma_wait3A_159 = arith.constant 0 : i32
    %dma_wait3A_160 = tpu.memref_slice %arg8[%dma_wait3A_156, %dma_wait3A_158, %dma_wait3A_159] : memref<8x128x32xf32, #tpu.memory_space<vmem>> -> memref<1x128x32xf32, #tpu.memory_space<vmem>>
    %dma_wait3A_161 = tpu.memref_squeeze %dma_wait3A_160 : memref<1x128x32xf32, #tpu.memory_space<vmem>> -> memref<128x32xf32, #tpu.memory_space<vmem>>
    %dma_wait3A_162 = arith.constant 0 : i32
    %dma_wait3A_163 = tpu.memref_slice %arg7[%dma_wait3A_157, %dma_wait3A_162] : memref<40x128xi32, #tpu.memory_space<vmem>> -> memref<1x128xi32, #tpu.memory_space<vmem>>
    %dma_wait3A_164 = tpu.memref_squeeze %dma_wait3A_163 : memref<1x128xi32, #tpu.memory_space<vmem>> -> memref<128xi32, #tpu.memory_space<vmem>>
    %dma_wait3A_165 = arith.constant 0 : i32
    %dma_wait3A_166 = arith.constant 0 : i32
    %dma_wait3A_167 = tpu.memref_slice %arg10[%dma_wait3A_165, %dma_wait3A_166] : memref<40064x32xf32, #tpu.memory_space<vmem_shared>> -> memref<40064x32xf32, #tpu.memory_space<vmem_shared>>
    tpu.wait_indirect_dma semaphore(%arg24 : memref<!tpu.dma_semaphore, #tpu.memory_space<semaphore_mem>>) src(%dma_wait3A_161 : memref<128x32xf32, #tpu.memory_space<vmem>>) dst(%dma_wait3A_167 : memref<40064x32xf32, #tpu.memory_space<vmem_shared>>)
    %dma_wait3A_168 = arith.constant 6 : i32
    %dma_wait3A_169 = arith.constant 38 : i32
    %dma_wait3A_170 = arith.constant 0 : i32
    %dma_wait3A_171 = arith.constant 0 : i32
    %dma_wait3A_172 = tpu.memref_slice %arg8[%dma_wait3A_168, %dma_wait3A_170, %dma_wait3A_171] : memref<8x128x32xf32, #tpu.memory_space<vmem>> -> memref<1x128x32xf32, #tpu.memory_space<vmem>>
    %dma_wait3A_173 = tpu.memref_squeeze %dma_wait3A_172 : memref<1x128x32xf32, #tpu.memory_space<vmem>> -> memref<128x32xf32, #tpu.memory_space<vmem>>
    %dma_wait3A_174 = arith.constant 0 : i32
    %dma_wait3A_175 = tpu.memref_slice %arg7[%dma_wait3A_169, %dma_wait3A_174] : memref<40x128xi32, #tpu.memory_space<vmem>> -> memref<1x128xi32, #tpu.memory_space<vmem>>
    %dma_wait3A_176 = tpu.memref_squeeze %dma_wait3A_175 : memref<1x128xi32, #tpu.memory_space<vmem>> -> memref<128xi32, #tpu.memory_space<vmem>>
    %dma_wait3A_177 = arith.constant 0 : i32
    %dma_wait3A_178 = arith.constant 0 : i32
    %dma_wait3A_179 = tpu.memref_slice %arg10[%dma_wait3A_177, %dma_wait3A_178] : memref<40064x32xf32, #tpu.memory_space<vmem_shared>> -> memref<40064x32xf32, #tpu.memory_space<vmem_shared>>
    tpu.wait_indirect_dma semaphore(%arg25 : memref<!tpu.dma_semaphore, #tpu.memory_space<semaphore_mem>>) src(%dma_wait3A_173 : memref<128x32xf32, #tpu.memory_space<vmem>>) dst(%dma_wait3A_179 : memref<40064x32xf32, #tpu.memory_space<vmem_shared>>)
    %dma_wait3A_180 = arith.constant 7 : i32
    %dma_wait3A_181 = arith.constant 39 : i32
    %dma_wait3A_182 = arith.constant 0 : i32
    %dma_wait3A_183 = arith.constant 0 : i32
    %dma_wait3A_184 = tpu.memref_slice %arg8[%dma_wait3A_180, %dma_wait3A_182, %dma_wait3A_183] : memref<8x128x32xf32, #tpu.memory_space<vmem>> -> memref<1x128x32xf32, #tpu.memory_space<vmem>>
    %dma_wait3A_185 = tpu.memref_squeeze %dma_wait3A_184 : memref<1x128x32xf32, #tpu.memory_space<vmem>> -> memref<128x32xf32, #tpu.memory_space<vmem>>
    %dma_wait3A_186 = arith.constant 0 : i32
    %dma_wait3A_187 = tpu.memref_slice %arg7[%dma_wait3A_181, %dma_wait3A_186] : memref<40x128xi32, #tpu.memory_space<vmem>> -> memref<1x128xi32, #tpu.memory_space<vmem>>
    %dma_wait3A_188 = tpu.memref_squeeze %dma_wait3A_187 : memref<1x128xi32, #tpu.memory_space<vmem>> -> memref<128xi32, #tpu.memory_space<vmem>>
    %dma_wait3A_189 = arith.constant 0 : i32
    %dma_wait3A_190 = arith.constant 0 : i32
    %dma_wait3A_191 = tpu.memref_slice %arg10[%dma_wait3A_189, %dma_wait3A_190] : memref<40064x32xf32, #tpu.memory_space<vmem_shared>> -> memref<40064x32xf32, #tpu.memory_space<vmem_shared>>
    tpu.wait_indirect_dma semaphore(%arg26 : memref<!tpu.dma_semaphore, #tpu.memory_space<semaphore_mem>>) src(%dma_wait3A_185 : memref<128x32xf32, #tpu.memory_space<vmem>>) dst(%dma_wait3A_191 : memref<40064x32xf32, #tpu.memory_space<vmem_shared>>)
    %barrier3A_192 = arith.constant 0 : index
    tpu.barrier barrier_id(%barrier3A_192)
    %mul3A_193 = arith.constant 2504 : i32
    %mul3A_194 = arith.muli %arg1, %mul3A_193 : i32
    %mul3A_195 = arith.constant 2504 : i32
    %mul3A_196 = arith.muli %arg1, %mul3A_195 : i32
    "tpu.region"() ({
      %run_scoped3A = tpu.sem_alloc : memref<!tpu.dma_semaphore, #tpu.memory_space<semaphore_mem>>
      %dma_start3A = arith.constant 0 : i32
      %dma_start3A_197 = tpu.memref_slice %arg5[%arg0, %mul3A_196, %dma_start3A] : memref<2x40064x32xf32, #tpu.memory_space<hbm>> -> memref<1x2504x32xf32, #tpu.memory_space<hbm>>
      %dma_start3A_198 = tpu.memref_squeeze %dma_start3A_197 : memref<1x2504x32xf32, #tpu.memory_space<hbm>> -> memref<2504x32xf32, #tpu.memory_space<hbm>>
      %dma_start3A_199 = arith.constant 0 : i32
      %dma_start3A_200 = tpu.memref_slice %arg10[%mul3A_194, %dma_start3A_199] : memref<40064x32xf32, #tpu.memory_space<vmem_shared>> -> memref<2504x32xf32, #tpu.memory_space<vmem_shared>>
      tpu.enqueue_dma source(%dma_start3A_200 : memref<2504x32xf32, #tpu.memory_space<vmem_shared>>) target(%dma_start3A_198 : memref<2504x32xf32, #tpu.memory_space<hbm>>) target_semaphore(%run_scoped3A : memref<!tpu.dma_semaphore, #tpu.memory_space<semaphore_mem>>)
      %dma_wait3A_201 = arith.constant 0 : i32
      %dma_wait3A_202 = tpu.memref_slice %arg5[%arg0, %mul3A_196, %dma_wait3A_201] : memref<2x40064x32xf32, #tpu.memory_space<hbm>> -> memref<1x2504x32xf32, #tpu.memory_space<hbm>>
      %dma_wait3A_203 = tpu.memref_squeeze %dma_wait3A_202 : memref<1x2504x32xf32, #tpu.memory_space<hbm>> -> memref<2504x32xf32, #tpu.memory_space<hbm>>
      %dma_wait3A_204 = arith.constant 0 : i32
      %dma_wait3A_205 = tpu.memref_slice %arg10[%mul3A_194, %dma_wait3A_204] : memref<40064x32xf32, #tpu.memory_space<vmem_shared>> -> memref<2504x32xf32, #tpu.memory_space<vmem_shared>>
      tpu.wait_dma2 semaphore(%run_scoped3A : memref<!tpu.dma_semaphore, #tpu.memory_space<semaphore_mem>>) src(%dma_wait3A_205 : memref<2504x32xf32, #tpu.memory_space<vmem_shared>>) dst(%dma_wait3A_203 : memref<2504x32xf32, #tpu.memory_space<hbm>>)
      tpu.yield
    }) : () -> ()
    return
  }
}

module attributes {stable_mosaic.version = 14 : i64} {
  func.func @body(%arg0: i32, %arg1: memref<2000x128xf32, #tpu.memory_space<vmem>>, %arg2: memref<128x32xf32, #tpu.memory_space<vmem>>, %arg3: memref<1x32xf32, #tpu.memory_space<vmem>>, %arg4: memref<32x32xf32, #tpu.memory_space<vmem>>, %arg5: memref<32x32xf32, #tpu.memory_space<vmem>>, %arg6: memref<32x32xf32, #tpu.memory_space<vmem>>, %arg7: memref<1x32xf32, #tpu.memory_space<vmem>>, %arg8: memref<1x32xf32, #tpu.memory_space<vmem>>, %arg9: memref<1x32xf32, #tpu.memory_space<vmem>>, %arg10: memref<256x128xf32, #tpu.memory_space<vmem>>, %arg11: memref<256x128xf32, #tpu.memory_space<vmem>>, %arg12: memref<256x128xf32, #tpu.memory_space<vmem>>, %arg13: memref<256x128xf32, #tpu.memory_space<vmem>>, %arg14: memref<256x128xi32, #tpu.memory_space<vmem>>, %arg15: memref<2000x32xf32, #tpu.memory_space<vmem>>, %arg16: memref<2000x32xf32, #tpu.memory_space<vmem>>, %arg17: memref<2000x32xf32, #tpu.memory_space<vmem>>, %arg18: memref<2000x32xf32, #tpu.memory_space<vmem>>, %arg19: memref<2000x32xf32, #tpu.memory_space<vmem>>, %arg20: memref<256x128xi32, #tpu.memory_space<vmem>>) attributes {dimension_semantics = [#tpu.dimension_semantics<arbitrary>], iteration_bounds = array<i64: 5>, scalar_prefetch = 0 : i64, scratch_operands = 0 : i64, tpu.core_type = #tpu.core_type<tc>, window_params = [{transform_indices = @transform_0, window_bounds = array<i64: 2000, 128>}, {pipeline_mode = #tpu.pipeline_mode<synchronous>, transform_indices = @transform_1, window_bounds = array<i64: 128, 32>}, {pipeline_mode = #tpu.pipeline_mode<synchronous>, transform_indices = @transform_2, window_bounds = array<i64: 1, 32>}, {pipeline_mode = #tpu.pipeline_mode<synchronous>, transform_indices = @transform_3, window_bounds = array<i64: 32, 32>}, {pipeline_mode = #tpu.pipeline_mode<synchronous>, transform_indices = @transform_4, window_bounds = array<i64: 32, 32>}, {pipeline_mode = #tpu.pipeline_mode<synchronous>, transform_indices = @transform_5, window_bounds = array<i64: 32, 32>}, {pipeline_mode = #tpu.pipeline_mode<synchronous>, transform_indices = @transform_6, window_bounds = array<i64: 1, 32>}, {pipeline_mode = #tpu.pipeline_mode<synchronous>, transform_indices = @transform_7, window_bounds = array<i64: 1, 32>}, {pipeline_mode = #tpu.pipeline_mode<synchronous>, transform_indices = @transform_8, window_bounds = array<i64: 1, 32>}, {transform_indices = @transform_9, window_bounds = array<i64: 256, 128>}, {transform_indices = @transform_10, window_bounds = array<i64: 256, 128>}, {transform_indices = @transform_11, window_bounds = array<i64: 256, 128>}, {transform_indices = @transform_12, window_bounds = array<i64: 256, 128>}, {transform_indices = @transform_13, window_bounds = array<i64: 256, 128>}, {transform_indices = @transform_14, window_bounds = array<i64: 2000, 32>}, {transform_indices = @transform_15, window_bounds = array<i64: 2000, 32>}, {transform_indices = @transform_16, window_bounds = array<i64: 2000, 32>}, {transform_indices = @transform_17, window_bounds = array<i64: 2000, 32>}, {transform_indices = @transform_18, window_bounds = array<i64: 2000, 32>}, {transform_indices = @transform_19, window_bounds = array<i64: 256, 128>}]} {
    %get3A = arith.constant 0 : index
    %get3A_0 = arith.constant 0 : index
    %get3A_1 = vector.load %arg1[%get3A, %get3A_0] : memref<2000x128xf32, #tpu.memory_space<vmem>>, vector<2000x128xf32>
    %get3A_2 = arith.constant 0 : index
    %get3A_3 = arith.constant 0 : index
    %get3A_4 = vector.load %arg2[%get3A_2, %get3A_3] : memref<128x32xf32, #tpu.memory_space<vmem>>, vector<128x32xf32>
    %dot_general3A = arith.constant dense<0.000000e+00> : vector<2000x32xf32>
    %dot_general3A_5 = tpu.matmul %get3A_1, %get3A_4, %dot_general3A {dimension_numbers = #tpu.dot_dimension_numbers<[1], [0], [0], [1], [0, 0, 1, 1], [], []>, transpose_lhs_hint = false} : vector<2000x128xf32>, vector<128x32xf32>, vector<2000x32xf32> -> vector<2000x32xf32>
    %get3A_6 = arith.constant 0 : index
    %get3A_7 = arith.constant 0 : index
    %get3A_8 = vector.load %arg3[%get3A_6, %get3A_7] : memref<1x32xf32, #tpu.memory_space<vmem>>, vector<1x32xf32>
    %add3A = vector.broadcast %get3A_8 : vector<1x32xf32> to vector<2000x32xf32>
    %add3A_9 = arith.addf %dot_general3A_5, %add3A : vector<2000x32xf32>
    %max3A = arith.constant 0.000000e+00 : f32
    %max3A_10 = vector.broadcast %max3A : f32 to vector<2000x32xf32>
    %max3A_11 = arith.maximumf %add3A_9, %max3A_10 : vector<2000x32xf32>
    %swap3A = arith.constant 0 : index
    %swap3A_12 = arith.constant 0 : index
    %swap3A_13 = vector.load %arg15[%swap3A, %swap3A_12] : memref<2000x32xf32, #tpu.memory_space<vmem>>, vector<2000x32xf32>
    tpu.vector_store %arg15[%swap3A, %swap3A_12], %max3A_11 {strides = array<i32>} : memref<2000x32xf32, #tpu.memory_space<vmem>>, vector<2000x32xf32>,
    %convert_element_type3A = arith.truncf %max3A_11 : vector<2000x32xf32> to vector<2000x32xbf16>
    %convert_element_type3A_14 = arith.extf %convert_element_type3A : vector<2000x32xbf16> to vector<2000x32xf32>
    %swap3A_15 = arith.constant 0 : index
    %swap3A_16 = arith.constant 0 : index
    %swap3A_17 = vector.load %arg16[%swap3A_15, %swap3A_16] : memref<2000x32xf32, #tpu.memory_space<vmem>>, vector<2000x32xf32>
    tpu.vector_store %arg16[%swap3A_15, %swap3A_16], %convert_element_type3A_14 {strides = array<i32>} : memref<2000x32xf32, #tpu.memory_space<vmem>>, vector<2000x32xf32>,
    %get3A_18 = arith.constant 0 : index
    %get3A_19 = arith.constant 0 : index
    %get3A_20 = vector.load %arg4[%get3A_18, %get3A_19] : memref<32x32xf32, #tpu.memory_space<vmem>>, vector<32x32xf32>
    %dot_general3A_21 = arith.constant dense<0.000000e+00> : vector<2000x32xf32>
    %dot_general3A_22 = tpu.matmul %max3A_11, %get3A_20, %dot_general3A_21 {dimension_numbers = #tpu.dot_dimension_numbers<[1], [0], [0], [1], [0, 0, 1, 1], [], []>, transpose_lhs_hint = false} : vector<2000x32xf32>, vector<32x32xf32>, vector<2000x32xf32> -> vector<2000x32xf32>
    %get3A_23 = arith.constant 0 : index
    %get3A_24 = arith.constant 0 : index
    %get3A_25 = vector.load %arg7[%get3A_23, %get3A_24] : memref<1x32xf32, #tpu.memory_space<vmem>>, vector<1x32xf32>
    %add3A_26 = vector.broadcast %get3A_25 : vector<1x32xf32> to vector<2000x32xf32>
    %add3A_27 = arith.addf %dot_general3A_22, %add3A_26 : vector<2000x32xf32>
    %swap3A_28 = arith.constant 0 : index
    %swap3A_29 = arith.constant 0 : index
    %swap3A_30 = vector.load %arg17[%swap3A_28, %swap3A_29] : memref<2000x32xf32, #tpu.memory_space<vmem>>, vector<2000x32xf32>
    tpu.vector_store %arg17[%swap3A_28, %swap3A_29], %add3A_27 {strides = array<i32>} : memref<2000x32xf32, #tpu.memory_space<vmem>>, vector<2000x32xf32>,
    %get3A_31 = arith.constant 0 : index
    %get3A_32 = arith.constant 0 : index
    %get3A_33 = vector.load %arg5[%get3A_31, %get3A_32] : memref<32x32xf32, #tpu.memory_space<vmem>>, vector<32x32xf32>
    %dot_general3A_34 = arith.constant dense<0.000000e+00> : vector<2000x32xf32>
    %dot_general3A_35 = tpu.matmul %max3A_11, %get3A_33, %dot_general3A_34 {dimension_numbers = #tpu.dot_dimension_numbers<[1], [0], [0], [1], [0, 0, 1, 1], [], []>, transpose_lhs_hint = false} : vector<2000x32xf32>, vector<32x32xf32>, vector<2000x32xf32> -> vector<2000x32xf32>
    %get3A_36 = arith.constant 0 : index
    %get3A_37 = arith.constant 0 : index
    %get3A_38 = vector.load %arg8[%get3A_36, %get3A_37] : memref<1x32xf32, #tpu.memory_space<vmem>>, vector<1x32xf32>
    %add3A_39 = vector.broadcast %get3A_38 : vector<1x32xf32> to vector<2000x32xf32>
    %add3A_40 = arith.addf %dot_general3A_35, %add3A_39 : vector<2000x32xf32>
    %swap3A_41 = arith.constant 0 : index
    %swap3A_42 = arith.constant 0 : index
    %swap3A_43 = vector.load %arg18[%swap3A_41, %swap3A_42] : memref<2000x32xf32, #tpu.memory_space<vmem>>, vector<2000x32xf32>
    tpu.vector_store %arg18[%swap3A_41, %swap3A_42], %add3A_40 {strides = array<i32>} : memref<2000x32xf32, #tpu.memory_space<vmem>>, vector<2000x32xf32>,
    %get3A_44 = arith.constant 0 : index
    %get3A_45 = arith.constant 0 : index
    %get3A_46 = vector.load %arg6[%get3A_44, %get3A_45] : memref<32x32xf32, #tpu.memory_space<vmem>>, vector<32x32xf32>
    %dot_general3A_47 = arith.constant dense<0.000000e+00> : vector<2000x32xf32>
    %dot_general3A_48 = tpu.matmul %max3A_11, %get3A_46, %dot_general3A_47 {dimension_numbers = #tpu.dot_dimension_numbers<[1], [0], [0], [1], [0, 0, 1, 1], [], []>, transpose_lhs_hint = false} : vector<2000x32xf32>, vector<32x32xf32>, vector<2000x32xf32> -> vector<2000x32xf32>
    %get3A_49 = arith.constant 0 : index
    %get3A_50 = arith.constant 0 : index
    %get3A_51 = vector.load %arg9[%get3A_49, %get3A_50] : memref<1x32xf32, #tpu.memory_space<vmem>>, vector<1x32xf32>
    %add3A_52 = vector.broadcast %get3A_51 : vector<1x32xf32> to vector<2000x32xf32>
    %add3A_53 = arith.addf %dot_general3A_48, %add3A_52 : vector<2000x32xf32>
    %swap3A_54 = arith.constant 0 : index
    %swap3A_55 = arith.constant 0 : index
    %swap3A_56 = vector.load %arg19[%swap3A_54, %swap3A_55] : memref<2000x32xf32, #tpu.memory_space<vmem>>, vector<2000x32xf32>
    tpu.vector_store %arg19[%swap3A_54, %swap3A_55], %add3A_53 {strides = array<i32>} : memref<2000x32xf32, #tpu.memory_space<vmem>>, vector<2000x32xf32>,
    %get3A_57 = arith.constant 0 : index
    %get3A_58 = arith.constant 0 : index
    %get3A_59 = vector.load %arg10[%get3A_57, %get3A_58] : memref<256x128xf32, #tpu.memory_space<vmem>>, vector<256x128xf32>
    %broadcast_in_dim3A = arith.constant 0 : i32
    %broadcast_in_dim3A_60 = vector.broadcast %broadcast_in_dim3A : i32 to vector<256x128xi32>
    %get3A_61 = arith.constant 0 : index
    %get3A_62 = arith.constant 0 : index
    %get3A_63 = vector.load %arg11[%get3A_61, %get3A_62] : memref<256x128xf32, #tpu.memory_space<vmem>>, vector<256x128xf32>
    %gt3A = arith.cmpf ogt, %get3A_63, %get3A_59 : vector<256x128xf32>
    %select_n3A = arith.select %gt3A, %get3A_63, %get3A_59 : vector<256x128xi1>, vector<256x128xf32>
    %jit3A = arith.constant 1 : i32
    %broadcast_in_dim3A_64 = vector.broadcast %jit3A : i32 to vector<256x128xi32>
    %select_n3A_65 = arith.select %gt3A, %broadcast_in_dim3A_64, %broadcast_in_dim3A_60 : vector<256x128xi1>, vector<256x128xi32>
    %get3A_66 = arith.constant 0 : index
    %get3A_67 = arith.constant 0 : index
    %get3A_68 = vector.load %arg12[%get3A_66, %get3A_67] : memref<256x128xf32, #tpu.memory_space<vmem>>, vector<256x128xf32>
    %gt3A_69 = arith.cmpf ogt, %get3A_68, %select_n3A : vector<256x128xf32>
    %select_n3A_70 = arith.select %gt3A_69, %get3A_68, %select_n3A : vector<256x128xi1>, vector<256x128xf32>
    %jit3A_71 = arith.constant 2 : i32
    %broadcast_in_dim3A_72 = vector.broadcast %jit3A_71 : i32 to vector<256x128xi32>
    %select_n3A_73 = arith.select %gt3A_69, %broadcast_in_dim3A_72, %select_n3A_65 : vector<256x128xi1>, vector<256x128xi32>
    %get3A_74 = arith.constant 0 : index
    %get3A_75 = arith.constant 0 : index
    %get3A_76 = vector.load %arg13[%get3A_74, %get3A_75] : memref<256x128xf32, #tpu.memory_space<vmem>>, vector<256x128xf32>
    %gt3A_77 = arith.cmpf ogt, %get3A_76, %select_n3A_70 : vector<256x128xf32>
    %jit3A_78 = arith.constant 3 : i32
    %broadcast_in_dim3A_79 = vector.broadcast %jit3A_78 : i32 to vector<256x128xi32>
    %select_n3A_80 = arith.select %gt3A_77, %broadcast_in_dim3A_79, %select_n3A_73 : vector<256x128xi1>, vector<256x128xi32>
    %get3A_81 = arith.constant 0 : index
    %get3A_82 = arith.constant 0 : index
    %get3A_83 = vector.load %arg14[%get3A_81, %get3A_82] : memref<256x128xi32, #tpu.memory_space<vmem>>, vector<256x128xi32>
    %mul3A = arith.constant 4 : i32
    %mul3A_84 = vector.broadcast %mul3A : i32 to vector<256x128xi32>
    %mul3A_85 = arith.muli %get3A_83, %mul3A_84 : vector<256x128xi32>
    %add3A_86 = arith.addi %mul3A_85, %select_n3A_80 : vector<256x128xi32>
    %swap3A_87 = arith.constant 0 : index
    %swap3A_88 = arith.constant 0 : index
    %swap3A_89 = vector.load %arg20[%swap3A_87, %swap3A_88] : memref<256x128xi32, #tpu.memory_space<vmem>>, vector<256x128xi32>
    tpu.vector_store %arg20[%swap3A_87, %swap3A_88], %add3A_86 {strides = array<i32>} : memref<256x128xi32, #tpu.memory_space<vmem>>, vector<256x128xi32>,
    return
  }
  func.func @transform_0(%arg0: i32) -> (i32, i32) {
    %c0_i32 = arith.constant 0 : i32
    %c0_i32_0 = arith.constant 0 : i32
    return %arg0, %c0_i32 : i32, i32
  }
  func.func @transform_1(%arg0: i32) -> (i32, i32) {
    %c0_i32 = arith.constant 0 : i32
    %c0_i32_0 = arith.constant 0 : i32
    %c0_i32_1 = arith.constant 0 : i32
    return %c0_i32, %c0_i32_0 : i32, i32
  }
  func.func @transform_2(%arg0: i32) -> (i32, i32) {
    %c0_i32 = arith.constant 0 : i32
    %c0_i32_0 = arith.constant 0 : i32
    %c0_i32_1 = arith.constant 0 : i32
    return %c0_i32, %c0_i32_0 : i32, i32
  }
  func.func @transform_3(%arg0: i32) -> (i32, i32) {
    %c0_i32 = arith.constant 0 : i32
    %c0_i32_0 = arith.constant 0 : i32
    %c0_i32_1 = arith.constant 0 : i32
    return %c0_i32, %c0_i32_0 : i32, i32
  }
  func.func @transform_4(%arg0: i32) -> (i32, i32) {
    %c0_i32 = arith.constant 0 : i32
    %c0_i32_0 = arith.constant 0 : i32
    %c0_i32_1 = arith.constant 0 : i32
    return %c0_i32, %c0_i32_0 : i32, i32
  }
  func.func @transform_5(%arg0: i32) -> (i32, i32) {
    %c0_i32 = arith.constant 0 : i32
    %c0_i32_0 = arith.constant 0 : i32
    %c0_i32_1 = arith.constant 0 : i32
    return %c0_i32, %c0_i32_0 : i32, i32
  }
  func.func @transform_6(%arg0: i32) -> (i32, i32) {
    %c0_i32 = arith.constant 0 : i32
    %c0_i32_0 = arith.constant 0 : i32
    %c0_i32_1 = arith.constant 0 : i32
    return %c0_i32, %c0_i32_0 : i32, i32
  }
  func.func @transform_7(%arg0: i32) -> (i32, i32) {
    %c0_i32 = arith.constant 0 : i32
    %c0_i32_0 = arith.constant 0 : i32
    %c0_i32_1 = arith.constant 0 : i32
    return %c0_i32, %c0_i32_0 : i32, i32
  }
  func.func @transform_8(%arg0: i32) -> (i32, i32) {
    %c0_i32 = arith.constant 0 : i32
    %c0_i32_0 = arith.constant 0 : i32
    %c0_i32_1 = arith.constant 0 : i32
    return %c0_i32, %c0_i32_0 : i32, i32
  }
  func.func @transform_9(%arg0: i32) -> (i32, i32) {
    %c0_i32 = arith.constant 0 : i32
    %c0_i32_0 = arith.constant 0 : i32
    return %arg0, %c0_i32 : i32, i32
  }
  func.func @transform_10(%arg0: i32) -> (i32, i32) {
    %c0_i32 = arith.constant 0 : i32
    %c0_i32_0 = arith.constant 0 : i32
    return %arg0, %c0_i32 : i32, i32
  }
  func.func @transform_11(%arg0: i32) -> (i32, i32) {
    %c0_i32 = arith.constant 0 : i32
    %c0_i32_0 = arith.constant 0 : i32
    return %arg0, %c0_i32 : i32, i32
  }
  func.func @transform_12(%arg0: i32) -> (i32, i32) {
    %c0_i32 = arith.constant 0 : i32
    %c0_i32_0 = arith.constant 0 : i32
    return %arg0, %c0_i32 : i32, i32
  }
  func.func @transform_13(%arg0: i32) -> (i32, i32) {
    %c0_i32 = arith.constant 0 : i32
    %c0_i32_0 = arith.constant 0 : i32
    return %arg0, %c0_i32 : i32, i32
  }
  func.func @transform_14(%arg0: i32) -> (i32, i32) {
    %c0_i32 = arith.constant 0 : i32
    %c0_i32_0 = arith.constant 0 : i32
    return %arg0, %c0_i32 : i32, i32
  }
  func.func @transform_15(%arg0: i32) -> (i32, i32) {
    %c0_i32 = arith.constant 0 : i32
    %c0_i32_0 = arith.constant 0 : i32
    return %arg0, %c0_i32 : i32, i32
  }
  func.func @transform_16(%arg0: i32) -> (i32, i32) {
    %c0_i32 = arith.constant 0 : i32
    %c0_i32_0 = arith.constant 0 : i32
    return %arg0, %c0_i32 : i32, i32
  }
  func.func @transform_17(%arg0: i32) -> (i32, i32) {
    %c0_i32 = arith.constant 0 : i32
    %c0_i32_0 = arith.constant 0 : i32
    return %arg0, %c0_i32 : i32, i32
  }
  func.func @transform_18(%arg0: i32) -> (i32, i32) {
    %c0_i32 = arith.constant 0 : i32
    %c0_i32_0 = arith.constant 0 : i32
    return %arg0, %c0_i32 : i32, i32
  }
  func.func @transform_19(%arg0: i32) -> (i32, i32) {
    %c0_i32 = arith.constant 0 : i32
    %c0_i32_0 = arith.constant 0 : i32
    return %arg0, %c0_i32 : i32, i32
  }
}

module attributes {stable_mosaic.version = 14 : i64} {
  func.func @body(%arg0: i32, %arg1: memref<2x2000x128xf32, #tpu.memory_space<vmem>>, %arg2: memref<2000x32xf32, #tpu.memory_space<vmem>>, %arg3: memref<2000x32xf32, #tpu.memory_space<vmem>>, %arg4: memref<2000x32xf32, #tpu.memory_space<vmem>>, %arg5: memref<2000x32xf32, #tpu.memory_space<vmem>>, %arg6: memref<128x32xf32, #tpu.memory_space<vmem>>, %arg7: memref<32x32xf32, #tpu.memory_space<vmem>>, %arg8: memref<32x32xf32, #tpu.memory_space<vmem>>, %arg9: memref<32x32xf32, #tpu.memory_space<vmem>>, %arg10: memref<1x32xf32, #tpu.memory_space<vmem>>, %arg11: memref<1x32xf32, #tpu.memory_space<vmem>>, %arg12: memref<1x32xf32, #tpu.memory_space<vmem>>, %arg13: memref<2000x32xf32, #tpu.memory_space<vmem>>) attributes {dimension_semantics = [#tpu.dimension_semantics<arbitrary>], iteration_bounds = array<i64: 5>, scalar_prefetch = 0 : i64, scratch_operands = 0 : i64, tpu.core_type = #tpu.core_type<tc>, window_params = [{transform_indices = @transform_0, window_bounds = array<i64: 2, 2000, 128>}, {transform_indices = @transform_1, window_bounds = array<i64: 2000, 32>}, {transform_indices = @transform_2, window_bounds = array<i64: 2000, 32>}, {transform_indices = @transform_3, window_bounds = array<i64: 2000, 32>}, {transform_indices = @transform_4, window_bounds = array<i64: 2000, 32>}, {pipeline_mode = #tpu.pipeline_mode<synchronous>, transform_indices = @transform_5, window_bounds = array<i64: 128, 32>}, {pipeline_mode = #tpu.pipeline_mode<synchronous>, transform_indices = @transform_6, window_bounds = array<i64: 32, 32>}, {pipeline_mode = #tpu.pipeline_mode<synchronous>, transform_indices = @transform_7, window_bounds = array<i64: 32, 32>}, {pipeline_mode = #tpu.pipeline_mode<synchronous>, transform_indices = @transform_8, window_bounds = array<i64: 32, 32>}, {pipeline_mode = #tpu.pipeline_mode<synchronous>, transform_indices = @transform_9, window_bounds = array<i64: 1, 32>}, {pipeline_mode = #tpu.pipeline_mode<synchronous>, transform_indices = @transform_10, window_bounds = array<i64: 1, 32>}, {pipeline_mode = #tpu.pipeline_mode<synchronous>, transform_indices = @transform_11, window_bounds = array<i64: 1, 32>}, {transform_indices = @transform_12, window_bounds = array<i64: 2000, 32>}]} {
    %get3A = arith.constant 0 : index
    %get3A_0 = arith.constant 0 : index
    %get3A_1 = arith.constant 0 : index
    %get3A_2 = vector.load %arg1[%get3A, %get3A_0, %get3A_1] : memref<2x2000x128xf32, #tpu.memory_space<vmem>>, vector<1x2000x128xf32>
    %get3A_3 = vector.shape_cast %get3A_2 : vector<1x2000x128xf32> to vector<2000x128xf32>
    %get3A_4 = arith.constant 1 : index
    %get3A_5 = arith.constant 0 : index
    %get3A_6 = arith.constant 0 : index
    %get3A_7 = vector.load %arg1[%get3A_4, %get3A_5, %get3A_6] : memref<2x2000x128xf32, #tpu.memory_space<vmem>>, vector<1x2000x128xf32>
    %get3A_8 = vector.shape_cast %get3A_7 : vector<1x2000x128xf32> to vector<2000x128xf32>
    %add3A = arith.addf %get3A_3, %get3A_8 : vector<2000x128xf32>
    %get3A_9 = arith.constant 0 : index
    %get3A_10 = arith.constant 0 : index
    %get3A_11 = vector.load %arg6[%get3A_9, %get3A_10] : memref<128x32xf32, #tpu.memory_space<vmem>>, vector<128x32xf32>
    %dot_general3A = arith.constant dense<0.000000e+00> : vector<2000x32xf32>
    %dot_general3A_12 = tpu.matmul %add3A, %get3A_11, %dot_general3A {dimension_numbers = #tpu.dot_dimension_numbers<[1], [0], [0], [1], [0, 0, 1, 1], [], []>, precision = #tpu.contract_precision<fp32>, transpose_lhs_hint = false} : vector<2000x128xf32>, vector<128x32xf32>, vector<2000x32xf32> -> vector<2000x32xf32>
    %get3A_13 = arith.constant 0 : index
    %get3A_14 = arith.constant 0 : index
    %get3A_15 = vector.load %arg7[%get3A_13, %get3A_14] : memref<32x32xf32, #tpu.memory_space<vmem>>, vector<32x32xf32>
    %dot_general3A_16 = arith.constant dense<0.000000e+00> : vector<2000x32xf32>
    %dot_general3A_17 = tpu.matmul %dot_general3A_12, %get3A_15, %dot_general3A_16 {dimension_numbers = #tpu.dot_dimension_numbers<[1], [0], [0], [1], [0, 0, 1, 1], [], []>, transpose_lhs_hint = false} : vector<2000x32xf32>, vector<32x32xf32>, vector<2000x32xf32> -> vector<2000x32xf32>
    %get3A_18 = arith.constant 0 : index
    %get3A_19 = arith.constant 0 : index
    %get3A_20 = vector.load %arg10[%get3A_18, %get3A_19] : memref<1x32xf32, #tpu.memory_space<vmem>>, vector<1x32xf32>
    %add3A_21 = vector.broadcast %get3A_20 : vector<1x32xf32> to vector<2000x32xf32>
    %add3A_22 = arith.addf %dot_general3A_17, %add3A_21 : vector<2000x32xf32>
    %get3A_23 = arith.constant 0 : index
    %get3A_24 = arith.constant 0 : index
    %get3A_25 = vector.load %arg8[%get3A_23, %get3A_24] : memref<32x32xf32, #tpu.memory_space<vmem>>, vector<32x32xf32>
    %dot_general3A_26 = arith.constant dense<0.000000e+00> : vector<2000x32xf32>
    %dot_general3A_27 = tpu.matmul %dot_general3A_12, %get3A_25, %dot_general3A_26 {dimension_numbers = #tpu.dot_dimension_numbers<[1], [0], [0], [1], [0, 0, 1, 1], [], []>, transpose_lhs_hint = false} : vector<2000x32xf32>, vector<32x32xf32>, vector<2000x32xf32> -> vector<2000x32xf32>
    %get3A_28 = arith.constant 0 : index
    %get3A_29 = arith.constant 0 : index
    %get3A_30 = vector.load %arg11[%get3A_28, %get3A_29] : memref<1x32xf32, #tpu.memory_space<vmem>>, vector<1x32xf32>
    %add3A_31 = vector.broadcast %get3A_30 : vector<1x32xf32> to vector<2000x32xf32>
    %add3A_32 = arith.addf %dot_general3A_27, %add3A_31 : vector<2000x32xf32>
    %get3A_33 = arith.constant 0 : index
    %get3A_34 = arith.constant 0 : index
    %get3A_35 = vector.load %arg9[%get3A_33, %get3A_34] : memref<32x32xf32, #tpu.memory_space<vmem>>, vector<32x32xf32>
    %dot_general3A_36 = arith.constant dense<0.000000e+00> : vector<2000x32xf32>
    %dot_general3A_37 = tpu.matmul %dot_general3A_12, %get3A_35, %dot_general3A_36 {dimension_numbers = #tpu.dot_dimension_numbers<[1], [0], [0], [1], [0, 0, 1, 1], [], []>, transpose_lhs_hint = false} : vector<2000x32xf32>, vector<32x32xf32>, vector<2000x32xf32> -> vector<2000x32xf32>
    %get3A_38 = arith.constant 0 : index
    %get3A_39 = arith.constant 0 : index
    %get3A_40 = vector.load %arg12[%get3A_38, %get3A_39] : memref<1x32xf32, #tpu.memory_space<vmem>>, vector<1x32xf32>
    %add3A_41 = vector.broadcast %get3A_40 : vector<1x32xf32> to vector<2000x32xf32>
    %add3A_42 = arith.addf %dot_general3A_37, %add3A_41 : vector<2000x32xf32>
    %get3A_43 = arith.constant 0 : index
    %get3A_44 = arith.constant 0 : index
    %get3A_45 = vector.load %arg3[%get3A_43, %get3A_44] : memref<2000x32xf32, #tpu.memory_space<vmem>>, vector<2000x32xf32>
    %add3A_46 = arith.addf %add3A_22, %get3A_45 : vector<2000x32xf32>
    %logistic3A = arith.negf %add3A_46 : vector<2000x32xf32>
    %logistic3A_47 = math.exp %logistic3A : vector<2000x32xf32>
    %logistic3A_48 = arith.constant 1.000000e+00 : f32
    %logistic3A_49 = vector.broadcast %logistic3A_48 : f32 to vector<2000x32xf32>
    %logistic3A_50 = arith.addf %logistic3A_49, %logistic3A_47 : vector<2000x32xf32>
    %logistic3A_51 = arith.divf %logistic3A_49, %logistic3A_50 : vector<2000x32xf32>
    %get3A_52 = arith.constant 0 : index
    %get3A_53 = arith.constant 0 : index
    %get3A_54 = vector.load %arg4[%get3A_52, %get3A_53] : memref<2000x32xf32, #tpu.memory_space<vmem>>, vector<2000x32xf32>
    %add3A_55 = arith.addf %add3A_32, %get3A_54 : vector<2000x32xf32>
    %logistic3A_56 = arith.negf %add3A_55 : vector<2000x32xf32>
    %logistic3A_57 = math.exp %logistic3A_56 : vector<2000x32xf32>
    %logistic3A_58 = arith.constant 1.000000e+00 : f32
    %logistic3A_59 = vector.broadcast %logistic3A_58 : f32 to vector<2000x32xf32>
    %logistic3A_60 = arith.addf %logistic3A_59, %logistic3A_57 : vector<2000x32xf32>
    %logistic3A_61 = arith.divf %logistic3A_59, %logistic3A_60 : vector<2000x32xf32>
    %get3A_62 = arith.constant 0 : index
    %get3A_63 = arith.constant 0 : index
    %get3A_64 = vector.load %arg5[%get3A_62, %get3A_63] : memref<2000x32xf32, #tpu.memory_space<vmem>>, vector<2000x32xf32>
    %mul3A = arith.mulf %logistic3A_51, %get3A_64 : vector<2000x32xf32>
    %add3A_65 = arith.addf %add3A_42, %mul3A : vector<2000x32xf32>
    %tanh3A = math.tanh %add3A_65 : vector<2000x32xf32>
    %get3A_66 = arith.constant 0 : index
    %get3A_67 = arith.constant 0 : index
    %get3A_68 = vector.load %arg2[%get3A_66, %get3A_67] : memref<2000x32xf32, #tpu.memory_space<vmem>>, vector<2000x32xf32>
    %sub3A = arith.constant 1.000000e+00 : f32
    %sub3A_69 = vector.broadcast %sub3A : f32 to vector<2000x32xf32>
    %sub3A_70 = arith.subf %sub3A_69, %logistic3A_61 : vector<2000x32xf32>
    %mul3A_71 = arith.mulf %sub3A_70, %tanh3A : vector<2000x32xf32>
    %mul3A_72 = arith.mulf %logistic3A_61, %get3A_68 : vector<2000x32xf32>
    %add3A_73 = arith.addf %mul3A_71, %mul3A_72 : vector<2000x32xf32>
    %max3A = arith.constant 0.000000e+00 : f32
    %max3A_74 = vector.broadcast %max3A : f32 to vector<2000x32xf32>
    %max3A_75 = arith.maximumf %add3A_73, %max3A_74 : vector<2000x32xf32>
    %convert_element_type3A = arith.truncf %max3A_75 : vector<2000x32xf32> to vector<2000x32xbf16>
    %convert_element_type3A_76 = arith.extf %convert_element_type3A : vector<2000x32xbf16> to vector<2000x32xf32>
    %swap3A = arith.constant 0 : index
    %swap3A_77 = arith.constant 0 : index
    %swap3A_78 = vector.load %arg13[%swap3A, %swap3A_77] : memref<2000x32xf32, #tpu.memory_space<vmem>>, vector<2000x32xf32>
    tpu.vector_store %arg13[%swap3A, %swap3A_77], %convert_element_type3A_76 {strides = array<i32>} : memref<2000x32xf32, #tpu.memory_space<vmem>>, vector<2000x32xf32>,
    return
  }
  func.func @transform_0(%arg0: i32) -> (i32, i32, i32) {
    %c0_i32 = arith.constant 0 : i32
    %c0_i32_0 = arith.constant 0 : i32
    %c0_i32_1 = arith.constant 0 : i32
    return %c0_i32, %arg0, %c0_i32_0 : i32, i32, i32
  }
  func.func @transform_1(%arg0: i32) -> (i32, i32) {
    %c0_i32 = arith.constant 0 : i32
    %c0_i32_0 = arith.constant 0 : i32
    return %arg0, %c0_i32 : i32, i32
  }
  func.func @transform_2(%arg0: i32) -> (i32, i32) {
    %c0_i32 = arith.constant 0 : i32
    %c0_i32_0 = arith.constant 0 : i32
    return %arg0, %c0_i32 : i32, i32
  }
  func.func @transform_3(%arg0: i32) -> (i32, i32) {
    %c0_i32 = arith.constant 0 : i32
    %c0_i32_0 = arith.constant 0 : i32
    return %arg0, %c0_i32 : i32, i32
  }
  func.func @transform_4(%arg0: i32) -> (i32, i32) {
    %c0_i32 = arith.constant 0 : i32
    %c0_i32_0 = arith.constant 0 : i32
    return %arg0, %c0_i32 : i32, i32
  }
  func.func @transform_5(%arg0: i32) -> (i32, i32) {
    %c0_i32 = arith.constant 0 : i32
    %c0_i32_0 = arith.constant 0 : i32
    %c0_i32_1 = arith.constant 0 : i32
    return %c0_i32, %c0_i32_0 : i32, i32
  }
  func.func @transform_6(%arg0: i32) -> (i32, i32) {
    %c0_i32 = arith.constant 0 : i32
    %c0_i32_0 = arith.constant 0 : i32
    %c0_i32_1 = arith.constant 0 : i32
    return %c0_i32, %c0_i32_0 : i32, i32
  }
  func.func @transform_7(%arg0: i32) -> (i32, i32) {
    %c0_i32 = arith.constant 0 : i32
    %c0_i32_0 = arith.constant 0 : i32
    %c0_i32_1 = arith.constant 0 : i32
    return %c0_i32, %c0_i32_0 : i32, i32
  }
  func.func @transform_8(%arg0: i32) -> (i32, i32) {
    %c0_i32 = arith.constant 0 : i32
    %c0_i32_0 = arith.constant 0 : i32
    %c0_i32_1 = arith.constant 0 : i32
    return %c0_i32, %c0_i32_0 : i32, i32
  }
  func.func @transform_9(%arg0: i32) -> (i32, i32) {
    %c0_i32 = arith.constant 0 : i32
    %c0_i32_0 = arith.constant 0 : i32
    %c0_i32_1 = arith.constant 0 : i32
    return %c0_i32, %c0_i32_0 : i32, i32
  }
  func.func @transform_10(%arg0: i32) -> (i32, i32) {
    %c0_i32 = arith.constant 0 : i32
    %c0_i32_0 = arith.constant 0 : i32
    %c0_i32_1 = arith.constant 0 : i32
    return %c0_i32, %c0_i32_0 : i32, i32
  }
  func.func @transform_11(%arg0: i32) -> (i32, i32) {
    %c0_i32 = arith.constant 0 : i32
    %c0_i32_0 = arith.constant 0 : i32
    %c0_i32_1 = arith.constant 0 : i32
    return %c0_i32, %c0_i32_0 : i32, i32
  }
  func.func @transform_12(%arg0: i32) -> (i32, i32) {
    %c0_i32 = arith.constant 0 : i32
    %c0_i32_0 = arith.constant 0 : i32
    return %arg0, %c0_i32 : i32, i32
  }
}

module attributes {stable_mosaic.version = 14 : i64} {
  func.func @body(%arg0: i32, %arg1: memref<2x2000x128xf32, #tpu.memory_space<vmem>>, %arg2: memref<2000x32xf32, #tpu.memory_space<vmem>>, %arg3: memref<2000x32xf32, #tpu.memory_space<vmem>>, %arg4: memref<2000x32xf32, #tpu.memory_space<vmem>>, %arg5: memref<2000x32xf32, #tpu.memory_space<vmem>>, %arg6: memref<128x32xf32, #tpu.memory_space<vmem>>, %arg7: memref<32x32xf32, #tpu.memory_space<vmem>>, %arg8: memref<32x32xf32, #tpu.memory_space<vmem>>, %arg9: memref<32x32xf32, #tpu.memory_space<vmem>>, %arg10: memref<1x32xf32, #tpu.memory_space<vmem>>, %arg11: memref<1x32xf32, #tpu.memory_space<vmem>>, %arg12: memref<1x32xf32, #tpu.memory_space<vmem>>, %arg13: memref<32x32xf32, #tpu.memory_space<vmem>>, %arg14: memref<1x32xf32, #tpu.memory_space<vmem>>, %arg15: memref<32x32xf32, #tpu.memory_space<vmem>>, %arg16: memref<1x32xf32, #tpu.memory_space<vmem>>, %arg17: memref<2000x32xf32, #tpu.memory_space<vmem>>, %arg18: memref<2000x32xf32, #tpu.memory_space<vmem>>) attributes {dimension_semantics = [#tpu.dimension_semantics<arbitrary>], iteration_bounds = array<i64: 5>, scalar_prefetch = 0 : i64, scratch_operands = 0 : i64, tpu.core_type = #tpu.core_type<tc>, window_params = [{transform_indices = @transform_0, window_bounds = array<i64: 2, 2000, 128>}, {transform_indices = @transform_1, window_bounds = array<i64: 2000, 32>}, {transform_indices = @transform_2, window_bounds = array<i64: 2000, 32>}, {transform_indices = @transform_3, window_bounds = array<i64: 2000, 32>}, {transform_indices = @transform_4, window_bounds = array<i64: 2000, 32>}, {pipeline_mode = #tpu.pipeline_mode<synchronous>, transform_indices = @transform_5, window_bounds = array<i64: 128, 32>}, {pipeline_mode = #tpu.pipeline_mode<synchronous>, transform_indices = @transform_6, window_bounds = array<i64: 32, 32>}, {pipeline_mode = #tpu.pipeline_mode<synchronous>, transform_indices = @transform_7, window_bounds = array<i64: 32, 32>}, {pipeline_mode = #tpu.pipeline_mode<synchronous>, transform_indices = @transform_8, window_bounds = array<i64: 32, 32>}, {pipeline_mode = #tpu.pipeline_mode<synchronous>, transform_indices = @transform_9, window_bounds = array<i64: 1, 32>}, {pipeline_mode = #tpu.pipeline_mode<synchronous>, transform_indices = @transform_10, window_bounds = array<i64: 1, 32>}, {pipeline_mode = #tpu.pipeline_mode<synchronous>, transform_indices = @transform_11, window_bounds = array<i64: 1, 32>}, {pipeline_mode = #tpu.pipeline_mode<synchronous>, transform_indices = @transform_12, window_bounds = array<i64: 32, 32>}, {pipeline_mode = #tpu.pipeline_mode<synchronous>, transform_indices = @transform_13, window_bounds = array<i64: 1, 32>}, {pipeline_mode = #tpu.pipeline_mode<synchronous>, transform_indices = @transform_14, window_bounds = array<i64: 32, 32>}, {pipeline_mode = #tpu.pipeline_mode<synchronous>, transform_indices = @transform_15, window_bounds = array<i64: 1, 32>}, {transform_indices = @transform_16, window_bounds = array<i64: 2000, 32>}, {transform_indices = @transform_17, window_bounds = array<i64: 2000, 32>}]} {
    %get3A = arith.constant 0 : index
    %get3A_0 = arith.constant 0 : index
    %get3A_1 = arith.constant 0 : index
    %get3A_2 = vector.load %arg1[%get3A, %get3A_0, %get3A_1] : memref<2x2000x128xf32, #tpu.memory_space<vmem>>, vector<1x2000x128xf32>
    %get3A_3 = vector.shape_cast %get3A_2 : vector<1x2000x128xf32> to vector<2000x128xf32>
    %get3A_4 = arith.constant 1 : index
    %get3A_5 = arith.constant 0 : index
    %get3A_6 = arith.constant 0 : index
    %get3A_7 = vector.load %arg1[%get3A_4, %get3A_5, %get3A_6] : memref<2x2000x128xf32, #tpu.memory_space<vmem>>, vector<1x2000x128xf32>
    %get3A_8 = vector.shape_cast %get3A_7 : vector<1x2000x128xf32> to vector<2000x128xf32>
    %add3A = arith.addf %get3A_3, %get3A_8 : vector<2000x128xf32>
    %get3A_9 = arith.constant 0 : index
    %get3A_10 = arith.constant 0 : index
    %get3A_11 = vector.load %arg6[%get3A_9, %get3A_10] : memref<128x32xf32, #tpu.memory_space<vmem>>, vector<128x32xf32>
    %dot_general3A = arith.constant dense<0.000000e+00> : vector<2000x32xf32>
    %dot_general3A_12 = tpu.matmul %add3A, %get3A_11, %dot_general3A {dimension_numbers = #tpu.dot_dimension_numbers<[1], [0], [0], [1], [0, 0, 1, 1], [], []>, precision = #tpu.contract_precision<fp32>, transpose_lhs_hint = false} : vector<2000x128xf32>, vector<128x32xf32>, vector<2000x32xf32> -> vector<2000x32xf32>
    %get3A_13 = arith.constant 0 : index
    %get3A_14 = arith.constant 0 : index
    %get3A_15 = vector.load %arg7[%get3A_13, %get3A_14] : memref<32x32xf32, #tpu.memory_space<vmem>>, vector<32x32xf32>
    %dot_general3A_16 = arith.constant dense<0.000000e+00> : vector<2000x32xf32>
    %dot_general3A_17 = tpu.matmul %dot_general3A_12, %get3A_15, %dot_general3A_16 {dimension_numbers = #tpu.dot_dimension_numbers<[1], [0], [0], [1], [0, 0, 1, 1], [], []>, transpose_lhs_hint = false} : vector<2000x32xf32>, vector<32x32xf32>, vector<2000x32xf32> -> vector<2000x32xf32>
    %get3A_18 = arith.constant 0 : index
    %get3A_19 = arith.constant 0 : index
    %get3A_20 = vector.load %arg10[%get3A_18, %get3A_19] : memref<1x32xf32, #tpu.memory_space<vmem>>, vector<1x32xf32>
    %add3A_21 = vector.broadcast %get3A_20 : vector<1x32xf32> to vector<2000x32xf32>
    %add3A_22 = arith.addf %dot_general3A_17, %add3A_21 : vector<2000x32xf32>
    %get3A_23 = arith.constant 0 : index
    %get3A_24 = arith.constant 0 : index
    %get3A_25 = vector.load %arg8[%get3A_23, %get3A_24] : memref<32x32xf32, #tpu.memory_space<vmem>>, vector<32x32xf32>
    %dot_general3A_26 = arith.constant dense<0.000000e+00> : vector<2000x32xf32>
    %dot_general3A_27 = tpu.matmul %dot_general3A_12, %get3A_25, %dot_general3A_26 {dimension_numbers = #tpu.dot_dimension_numbers<[1], [0], [0], [1], [0, 0, 1, 1], [], []>, transpose_lhs_hint = false} : vector<2000x32xf32>, vector<32x32xf32>, vector<2000x32xf32> -> vector<2000x32xf32>
    %get3A_28 = arith.constant 0 : index
    %get3A_29 = arith.constant 0 : index
    %get3A_30 = vector.load %arg11[%get3A_28, %get3A_29] : memref<1x32xf32, #tpu.memory_space<vmem>>, vector<1x32xf32>
    %add3A_31 = vector.broadcast %get3A_30 : vector<1x32xf32> to vector<2000x32xf32>
    %add3A_32 = arith.addf %dot_general3A_27, %add3A_31 : vector<2000x32xf32>
    %get3A_33 = arith.constant 0 : index
    %get3A_34 = arith.constant 0 : index
    %get3A_35 = vector.load %arg9[%get3A_33, %get3A_34] : memref<32x32xf32, #tpu.memory_space<vmem>>, vector<32x32xf32>
    %dot_general3A_36 = arith.constant dense<0.000000e+00> : vector<2000x32xf32>
    %dot_general3A_37 = tpu.matmul %dot_general3A_12, %get3A_35, %dot_general3A_36 {dimension_numbers = #tpu.dot_dimension_numbers<[1], [0], [0], [1], [0, 0, 1, 1], [], []>, transpose_lhs_hint = false} : vector<2000x32xf32>, vector<32x32xf32>, vector<2000x32xf32> -> vector<2000x32xf32>
    %get3A_38 = arith.constant 0 : index
    %get3A_39 = arith.constant 0 : index
    %get3A_40 = vector.load %arg12[%get3A_38, %get3A_39] : memref<1x32xf32, #tpu.memory_space<vmem>>, vector<1x32xf32>
    %add3A_41 = vector.broadcast %get3A_40 : vector<1x32xf32> to vector<2000x32xf32>
    %add3A_42 = arith.addf %dot_general3A_37, %add3A_41 : vector<2000x32xf32>
    %get3A_43 = arith.constant 0 : index
    %get3A_44 = arith.constant 0 : index
    %get3A_45 = vector.load %arg3[%get3A_43, %get3A_44] : memref<2000x32xf32, #tpu.memory_space<vmem>>, vector<2000x32xf32>
    %add3A_46 = arith.addf %add3A_22, %get3A_45 : vector<2000x32xf32>
    %logistic3A = arith.negf %add3A_46 : vector<2000x32xf32>
    %logistic3A_47 = math.exp %logistic3A : vector<2000x32xf32>
    %logistic3A_48 = arith.constant 1.000000e+00 : f32
    %logistic3A_49 = vector.broadcast %logistic3A_48 : f32 to vector<2000x32xf32>
    %logistic3A_50 = arith.addf %logistic3A_49, %logistic3A_47 : vector<2000x32xf32>
    %logistic3A_51 = arith.divf %logistic3A_49, %logistic3A_50 : vector<2000x32xf32>
    %get3A_52 = arith.constant 0 : index
    %get3A_53 = arith.constant 0 : index
    %get3A_54 = vector.load %arg4[%get3A_52, %get3A_53] : memref<2000x32xf32, #tpu.memory_space<vmem>>, vector<2000x32xf32>
    %add3A_55 = arith.addf %add3A_32, %get3A_54 : vector<2000x32xf32>
    %logistic3A_56 = arith.negf %add3A_55 : vector<2000x32xf32>
    %logistic3A_57 = math.exp %logistic3A_56 : vector<2000x32xf32>
    %logistic3A_58 = arith.constant 1.000000e+00 : f32
    %logistic3A_59 = vector.broadcast %logistic3A_58 : f32 to vector<2000x32xf32>
    %logistic3A_60 = arith.addf %logistic3A_59, %logistic3A_57 : vector<2000x32xf32>
    %logistic3A_61 = arith.divf %logistic3A_59, %logistic3A_60 : vector<2000x32xf32>
    %get3A_62 = arith.constant 0 : index
    %get3A_63 = arith.constant 0 : index
    %get3A_64 = vector.load %arg5[%get3A_62, %get3A_63] : memref<2000x32xf32, #tpu.memory_space<vmem>>, vector<2000x32xf32>
    %mul3A = arith.mulf %logistic3A_51, %get3A_64 : vector<2000x32xf32>
    %add3A_65 = arith.addf %add3A_42, %mul3A : vector<2000x32xf32>
    %tanh3A = math.tanh %add3A_65 : vector<2000x32xf32>
    %get3A_66 = arith.constant 0 : index
    %get3A_67 = arith.constant 0 : index
    %get3A_68 = vector.load %arg2[%get3A_66, %get3A_67] : memref<2000x32xf32, #tpu.memory_space<vmem>>, vector<2000x32xf32>
    %sub3A = arith.constant 1.000000e+00 : f32
    %sub3A_69 = vector.broadcast %sub3A : f32 to vector<2000x32xf32>
    %sub3A_70 = arith.subf %sub3A_69, %logistic3A_61 : vector<2000x32xf32>
    %mul3A_71 = arith.mulf %sub3A_70, %tanh3A : vector<2000x32xf32>
    %mul3A_72 = arith.mulf %logistic3A_61, %get3A_68 : vector<2000x32xf32>
    %add3A_73 = arith.addf %mul3A_71, %mul3A_72 : vector<2000x32xf32>
    %max3A = arith.constant 0.000000e+00 : f32
    %max3A_74 = vector.broadcast %max3A : f32 to vector<2000x32xf32>
    %max3A_75 = arith.maximumf %add3A_73, %max3A_74 : vector<2000x32xf32>
    %get3A_76 = arith.constant 0 : index
    %get3A_77 = arith.constant 0 : index
    %get3A_78 = vector.load %arg13[%get3A_76, %get3A_77] : memref<32x32xf32, #tpu.memory_space<vmem>>, vector<32x32xf32>
    %dot_general3A_79 = arith.constant dense<0.000000e+00> : vector<2000x32xf32>
    %dot_general3A_80 = tpu.matmul %max3A_75, %get3A_78, %dot_general3A_79 {dimension_numbers = #tpu.dot_dimension_numbers<[1], [0], [0], [1], [0, 0, 1, 1], [], []>, transpose_lhs_hint = false} : vector<2000x32xf32>, vector<32x32xf32>, vector<2000x32xf32> -> vector<2000x32xf32>
    %get3A_81 = arith.constant 0 : index
    %get3A_82 = arith.constant 0 : index
    %get3A_83 = vector.load %arg14[%get3A_81, %get3A_82] : memref<1x32xf32, #tpu.memory_space<vmem>>, vector<1x32xf32>
    %add3A_84 = vector.broadcast %get3A_83 : vector<1x32xf32> to vector<2000x32xf32>
    %add3A_85 = arith.addf %dot_general3A_80, %add3A_84 : vector<2000x32xf32>
    %swap3A = arith.constant 0 : index
    %swap3A_86 = arith.constant 0 : index
    %swap3A_87 = vector.load %arg17[%swap3A, %swap3A_86] : memref<2000x32xf32, #tpu.memory_space<vmem>>, vector<2000x32xf32>
    tpu.vector_store %arg17[%swap3A, %swap3A_86], %add3A_85 {strides = array<i32>} : memref<2000x32xf32, #tpu.memory_space<vmem>>, vector<2000x32xf32>,
    %get3A_88 = arith.constant 0 : index
    %get3A_89 = arith.constant 0 : index
    %get3A_90 = vector.load %arg15[%get3A_88, %get3A_89] : memref<32x32xf32, #tpu.memory_space<vmem>>, vector<32x32xf32>
    %dot_general3A_91 = arith.constant dense<0.000000e+00> : vector<2000x32xf32>
    %dot_general3A_92 = tpu.matmul %max3A_75, %get3A_90, %dot_general3A_91 {dimension_numbers = #tpu.dot_dimension_numbers<[1], [0], [0], [1], [0, 0, 1, 1], [], []>, transpose_lhs_hint = false} : vector<2000x32xf32>, vector<32x32xf32>, vector<2000x32xf32> -> vector<2000x32xf32>
    %get3A_93 = arith.constant 0 : index
    %get3A_94 = arith.constant 0 : index
    %get3A_95 = vector.load %arg16[%get3A_93, %get3A_94] : memref<1x32xf32, #tpu.memory_space<vmem>>, vector<1x32xf32>
    %add3A_96 = vector.broadcast %get3A_95 : vector<1x32xf32> to vector<2000x32xf32>
    %add3A_97 = arith.addf %dot_general3A_92, %add3A_96 : vector<2000x32xf32>
    %swap3A_98 = arith.constant 0 : index
    %swap3A_99 = arith.constant 0 : index
    %swap3A_100 = vector.load %arg18[%swap3A_98, %swap3A_99] : memref<2000x32xf32, #tpu.memory_space<vmem>>, vector<2000x32xf32>
    tpu.vector_store %arg18[%swap3A_98, %swap3A_99], %add3A_97 {strides = array<i32>} : memref<2000x32xf32, #tpu.memory_space<vmem>>, vector<2000x32xf32>,
    return
  }
  func.func @transform_0(%arg0: i32) -> (i32, i32, i32) {
    %c0_i32 = arith.constant 0 : i32
    %c0_i32_0 = arith.constant 0 : i32
    %c0_i32_1 = arith.constant 0 : i32
    return %c0_i32, %arg0, %c0_i32_0 : i32, i32, i32
  }
  func.func @transform_1(%arg0: i32) -> (i32, i32) {
    %c0_i32 = arith.constant 0 : i32
    %c0_i32_0 = arith.constant 0 : i32
    return %arg0, %c0_i32 : i32, i32
  }
  func.func @transform_2(%arg0: i32) -> (i32, i32) {
    %c0_i32 = arith.constant 0 : i32
    %c0_i32_0 = arith.constant 0 : i32
    return %arg0, %c0_i32 : i32, i32
  }
  func.func @transform_3(%arg0: i32) -> (i32, i32) {
    %c0_i32 = arith.constant 0 : i32
    %c0_i32_0 = arith.constant 0 : i32
    return %arg0, %c0_i32 : i32, i32
  }
  func.func @transform_4(%arg0: i32) -> (i32, i32) {
    %c0_i32 = arith.constant 0 : i32
    %c0_i32_0 = arith.constant 0 : i32
    return %arg0, %c0_i32 : i32, i32
  }
  func.func @transform_5(%arg0: i32) -> (i32, i32) {
    %c0_i32 = arith.constant 0 : i32
    %c0_i32_0 = arith.constant 0 : i32
    %c0_i32_1 = arith.constant 0 : i32
    return %c0_i32, %c0_i32_0 : i32, i32
  }
  func.func @transform_6(%arg0: i32) -> (i32, i32) {
    %c0_i32 = arith.constant 0 : i32
    %c0_i32_0 = arith.constant 0 : i32
    %c0_i32_1 = arith.constant 0 : i32
    return %c0_i32, %c0_i32_0 : i32, i32
  }
  func.func @transform_7(%arg0: i32) -> (i32, i32) {
    %c0_i32 = arith.constant 0 : i32
    %c0_i32_0 = arith.constant 0 : i32
    %c0_i32_1 = arith.constant 0 : i32
    return %c0_i32, %c0_i32_0 : i32, i32
  }
  func.func @transform_8(%arg0: i32) -> (i32, i32) {
    %c0_i32 = arith.constant 0 : i32
    %c0_i32_0 = arith.constant 0 : i32
    %c0_i32_1 = arith.constant 0 : i32
    return %c0_i32, %c0_i32_0 : i32, i32
  }
  func.func @transform_9(%arg0: i32) -> (i32, i32) {
    %c0_i32 = arith.constant 0 : i32
    %c0_i32_0 = arith.constant 0 : i32
    %c0_i32_1 = arith.constant 0 : i32
    return %c0_i32, %c0_i32_0 : i32, i32
  }
  func.func @transform_10(%arg0: i32) -> (i32, i32) {
    %c0_i32 = arith.constant 0 : i32
    %c0_i32_0 = arith.constant 0 : i32
    %c0_i32_1 = arith.constant 0 : i32
    return %c0_i32, %c0_i32_0 : i32, i32
  }
  func.func @transform_11(%arg0: i32) -> (i32, i32) {
    %c0_i32 = arith.constant 0 : i32
    %c0_i32_0 = arith.constant 0 : i32
    %c0_i32_1 = arith.constant 0 : i32
    return %c0_i32, %c0_i32_0 : i32, i32
  }
  func.func @transform_12(%arg0: i32) -> (i32, i32) {
    %c0_i32 = arith.constant 0 : i32
    %c0_i32_0 = arith.constant 0 : i32
    %c0_i32_1 = arith.constant 0 : i32
    return %c0_i32, %c0_i32_0 : i32, i32
  }
  func.func @transform_13(%arg0: i32) -> (i32, i32) {
    %c0_i32 = arith.constant 0 : i32
    %c0_i32_0 = arith.constant 0 : i32
    %c0_i32_1 = arith.constant 0 : i32
    return %c0_i32, %c0_i32_0 : i32, i32
  }
  func.func @transform_14(%arg0: i32) -> (i32, i32) {
    %c0_i32 = arith.constant 0 : i32
    %c0_i32_0 = arith.constant 0 : i32
    %c0_i32_1 = arith.constant 0 : i32
    return %c0_i32, %c0_i32_0 : i32, i32
  }
  func.func @transform_15(%arg0: i32) -> (i32, i32) {
    %c0_i32 = arith.constant 0 : i32
    %c0_i32_0 = arith.constant 0 : i32
    %c0_i32_1 = arith.constant 0 : i32
    return %c0_i32, %c0_i32_0 : i32, i32
  }
  func.func @transform_16(%arg0: i32) -> (i32, i32) {
    %c0_i32 = arith.constant 0 : i32
    %c0_i32_0 = arith.constant 0 : i32
    return %arg0, %c0_i32 : i32, i32
  }
  func.func @transform_17(%arg0: i32) -> (i32, i32) {
    %c0_i32 = arith.constant 0 : i32
    %c0_i32_0 = arith.constant 0 : i32
    return %arg0, %c0_i32 : i32, i32
  }
}

</mosaic_0001>

<sc_bundles>
// kernel: kernel.10.cloned.1.call-start
scs
__scs_entry_jumppad:
0x0: {  	(pc) =	sbr.rel $0x88, $3  }
0x1: {  	(tag) =	ssettag $0x0;
	lr =	simm.s32 $0x1  }
0x2: {  	[smem:$0x3F93] =	sst lr;
	_ =	strace $0xD0000000  }
0x3: {  	_ = 	snop  }
0x4: {  	_ = 	snop  }
0x5: {  	_ = 	snop  }
0x6: {  	_ = 	snop  }
0x7: {  	_ = 	snop  }
__scs_overlays_trampoline_lowered:
0x8: {  	[smem:$0x3FA2] =	sst s0  }
0x9: {  	[smem:$0x3FA3] =	sst s1  }
0xa: {  	[smem:$0x3FA4] =	sst s2  }
0xb: {  	[smem:$0x3FA5] =	sst s3  }
0xc: {  	[smem:$0x3FA6] =	sst s4  }
0xd: {  	[smem:$0x3FA7] =	sst s5  }
0xe: {  	[smem:$0x3FA8] =	sst s6  }
0xf: {  	[smem:$0x3FA9] =	sst s7  }
0x10: {  	[smem:$0x3FAA] =	sst s8  }
0x11: {  	[smem:$0x3FAB] =	sst s9;
	s0 =	simm.s32 @!p0 $0x0  }
0x12: {  	s1 =	sld [smem:$0x3F91];
	s0 =	simm.s32 @p0 $0x1  }
0x13: {  	[smem:$0x3FAC] =	sst s0;
	s0 =	simm.s32 @!p1 $0x0  }
0x14: {  	s2 =	sld [smem:$0x3F90];
	s0 =	simm.s32 @p1 $0x1  }
0x15: {  	[smem:$0x3FAD] =	sst s0;
	s0 =	simm.s32 @!p2 $0x0  }
0x16: {  	s3 =	sld [smem:$0x3FDB];
	s0 =	simm.s32 @p2 $0x1  }
0x17: {  	s4 =	simm.s32 $0x1BF5;
	[smem:$0x3FAF] =	sst s0  }
0x18: {  	s0 =	sld [smem:$0x3F92];
	_ =	swait.ge [sflag:s4], $0x0  }
0x19: {  	s7 =	sld [smem:$0x3F93]  }
0x1a: {  	s8 =	sadd.s32 $0xFFFFE003, lr  }
0x1b: {  	s9 =	sadd.s32 $0xFFFFFEF7, lr;
	s5 =	simm.s32 $0xFFFFFFFF;
	p2 =	slt.u32 s8, $0xFFFFF086  }
0x1c: {  	p1 =	slt.u32 s9, $0xF7A;
	s5 =	simm.s32 @!p2 $0x0  }
0x1d: {  	s5 =	simm.s32 @p1 $0x1;
	p0 =	seq.s32 s7, s2  }
0x1e: {  	s7 =	smul.u32 @!p0 $0xF7A, s2;
	p2 =	seq.s32 @!p0 s5, $0x0  }
0x1f: {  	s9 =	smul.u32 $0xF7A, s1;
	s8 =	simm.s32 @!p0 $0x1BF5;
	p2 =	por !p2, p0  }
0x20: {  	[sflag:s8] =	ssyncset.s32 @!p0 $0xFFFFF086;
	s6 =	sadd.s32 @!p0 s3, s7;
	s7 =	simm.s32 @!p0 $0x108  }
0x21: {  	s3 =	sadd.s32 s3, s9;
	s6 =	sadd.s32 @!p0 $0x88, s6;
	s7 =	simm.s32 @p2 $0x1082  }
0x22: {  	[simem:s7], [sflag:s8] =	dma.local @!p0 [hbm:s6], $0xF7A  }
0x23: {  	s9 =	sor.u32 $0xD0000000, s2;
	s6 =	simm.s32 $0x108;
	_ =	swait.ge @!p0 [sflag:s8], $0x0  }
0x24: {  	s3 =	sadd.s32 $0x88, s3;
	s6 =	simm.s32 @!p1 $0x1082;
	[sflag:s4] =	ssyncset.s32 $0xFFFFF086  }
0x25: {  	[simem:s6], [sflag:s4] =	dma.local [hbm:s3], $0xF7A  }
0x26: {  	[smem:$0x3F93] =	sst s1;
	(tag) =	ssettag s2;
	_ =	strace s9  }
0x27: {  	s1 =	sld [smem:$0x3FA3]  }
0x28: {  	s2 =	sld [smem:$0x3FA4]  }
0x29: {  	s4 =	sld [smem:$0x3FA6]  }
0x2a: {  	p0 =	seq.s32 s5, $0x0;
	s5 =	sld [smem:$0x3FA7]  }
0x2b: {  	s6 =	sld [smem:$0x3FA8]  }
0x2c: {  	s7 =	sld [smem:$0x3FA9]  }
0x2d: {  	s3 =	simm.s32 $0x108;
	s8 =	sld [smem:$0x3FAA]  }
0x2e: {  	s3 =	simm.s32 @!p0 $0x1082;
	s9 =	sld [smem:$0x3FAB]  }
0x2f: {  	lr =	sadd.s32 s0, s3;
	s0 =	sld [smem:$0x3FA2]  }
0x30: {  	s3 =	sld [smem:$0x3FA5]  }
0x31: {  	[smem:$0x3FAE] =	sst s10  }
0x32: {  	s10 =	sld [smem:$0x3FAC];
	_ =	sdelay $0x3  }
0x33: {  	p0 =	seq.s32 s10, $0x1;
	s10 =	sld [smem:$0x3FAE];
	_ =	sdelay $0x3  }
0x34: {  	[smem:$0x3FAE] =	sst s10  }
0x35: {  	s10 =	sld [smem:$0x3FAD];
	_ =	sdelay $0x3  }
0x36: {  	p1 =	seq.s32 s10, $0x1;
	s10 =	sld [smem:$0x3FAE];
	_ =	sdelay $0x3  }
0x37: {  	[smem:$0x3FAE] =	sst s10  }
0x38: {  	s10 =	sld [smem:$0x3FAF]  }
0x39: {  	_ = 	snop;
	(pc) =	sbr.ind lr, $3  }
0x3a: {  	_ = 	snop  }
0x3b: {  	_ = 	snop  }
0x3c: {  	p2 =	seq.s32 s10, $0x1;
	s10 =	sld [smem:$0x3FAE]  }
0x3d: {  	_ =	shalt  }
0x3e: {  	_ =	shalt  }
0x3f: {  	_ =	shalt  }
0x40: {  	_ =	shalt  }
0x41: {  	_ =	shalt  }
0x42: {  	_ =	shalt  }
0x43: {  	_ =	shalt  }
0x44: {  	_ =	shalt  }
0x45: {  	_ =	shalt  }
0x46: {  	_ =	shalt  }
0x47: {  	_ =	shalt  }
0x48: {  	_ =	shalt  }
0x49: {  	_ =	shalt  }
0x4a: {  	_ =	shalt  }
0x4b: {  	_ =	shalt  }
0x4c: {  	_ =	shalt  }
0x4d: {  	_ =	shalt  }
0x4e: {  	_ =	shalt  }
0x4f: {  	_ =	shalt  }
0x50: {  	_ =	shalt  }
0x51: {  	_ =	shalt  }
0x52: {  	_ =	shalt  }
0x53: {  	_ =	shalt  }
0x54: {  	_ =	shalt  }
0x55: {  	_ =	shalt  }
0x56: {  	_ =	shalt  }
0x57: {  	_ =	shalt  }
0x58: {  	_ =	shalt  }
0x59: {  	_ =	shalt  }
0x5a: {  	_ =	shalt  }
0x5b: {  	_ =	shalt  }
0x5c: {  	_ =	shalt  }
0x5d: {  	_ =	shalt  }
0x5e: {  	_ =	shalt  }
0x5f: {  	_ =	shalt  }
0x60: {  	_ =	shalt  }
0x61: {  	_ =	shalt  }
0x62: {  	_ =	shalt  }
0x63: {  	_ =	shalt  }
0x64: {  	_ =	shalt  }
0x65: {  	_ =	shalt  }
0x66: {  	_ =	shalt  }
0x67: {  	_ =	shalt  }
0x68: {  	_ =	shalt  }
0x69: {  	_ =	shalt  }
0x6a: {  	_ =	shalt  }
0x6b: {  	_ =	shalt  }
0x6c: {  	_ =	shalt  }
0x6d: {  	_ =	shalt  }
0x6e: {  	_ =	shalt  }
0x6f: {  	_ =	shalt  }
0x70: {  	_ =	shalt  }
0x71: {  	_ =	shalt  }
0x72: {  	_ =	shalt  }
0x73: {  	_ =	shalt  }
0x74: {  	_ =	shalt  }
0x75: {  	_ =	shalt  }
0x76: {  	_ =	shalt  }
0x77: {  	_ =	shalt  }
0x78: {  	_ =	shalt  }
0x79: {  	_ =	shalt  }
0x7a: {  	_ =	shalt  }
0x7b: {  	_ =	shalt  }
0x7c: {  	_ =	shalt  }
0x7d: {  	_ =	shalt  }
0x7e: {  	_ =	shalt  }
0x7f: {  	_ =	shalt  }
0x80: {  	_ =	shalt  }
0x81: {  	_ =	shalt  }
0x82: {  	_ =	shalt  }
0x83: {  	_ =	shalt  }
0x84: {  	_ =	shalt  }
0x85: {  	_ =	shalt  }
0x86: {  	_ =	shalt  }
0x87: {  	_ =	shalt  }
.Lfunc_end0:
.L_simem_size_0:
called_computation.1_lowered:
.L_overlay_start_0:
0x88: {  	s2 =	sld [smem:$0x3FD9]  }
0x89: {  	s3 =	sld [smem:$0x3FFE];
	_ =	sdelay $0x1  }
0x8a: {  	s1 =	srdreg.scid  }
0x8b: {  	s0 =	sand.u32 $0x1, s1  }
0x8c: {  	s14 =	sshll.u32 s0, $0xA;
	s2 =	sadd.s32 s3, s2  }
0x8d: {  	s2 =	sadd.s32 s2, s14  }
0x8e: {  	[smem:$0x3FBA] =	sst s2  }
0x8f: {  	_ = 	snop  }
0x90: {  	s2 =	sld [smem:$0x3FD0];
	_ =	sdelay $0x2  }
0x91: {  	s15 =	simm.s32 $0xA;
	s4 =	simm.s32 $0x10  }
0x92: {  	[smem:s4], [sflag:s15] =	dma.local [hbm:s2], $0x1  }
0x93: {  	_ =	swait.eq [sflag:s15], $0x1  }
0x94: {  	[sflag:s15] =	ssyncset.done $0x0  }
0x95: {  	s16 =	sld [smem:$0x10];
	[sflag:s15] =	ssyncadd.s32 $0xFFFFFFFF  }
0x96: {  	s17 =	sld [smem:$0x11];
	(tm) =	ssettm $0x1  }
0x97: {  	s18 =	sld [smem:$0x3FFB];
	_ =	sdelay $0x3  }
0x98: {  	_ =	strace s18  }
0x99: {  	s4 =	sld [smem:$0x3FFC];
	_ =	sdelay $0x3  }
0x9a: {  	_ =	strace s4  }
0x9b: {  	s4 =	sld [smem:$0x3FFD];
	_ =	sdelay $0x3  }
0x9c: {  	_ =	strace s4  }
0x9d: {  	_ =	strace $0x8FFFFFFF  }
0x9e: {  	s19 =	sld [smem:$0x3FDB];
	_ =	sdelay $0x1  }
0x9f: {  	s5 =	simm.s32 $_scs_section_size  }
0xa0: {  	s6 =	simm.s32 $_size__tile_overlayer_lowered;
	s7 =	simm.s32 $_tile_overlayer_lowered  }
0xa1: {  	s22 =	simm.s32 $0x1BFF;
	s21 =	sshll.u32 s7, $0x1;
	s4 =	sadd.s32 s5, s19  }
0xa2: {  	s8 =	simm.s32 $0x0;
	s20 =	sshll.u32 s6, $0x1;
	s6 =	sadd.s32 s21, s4  }
0xa3: {  	[timem:s8], [sflag:s22] =	dma.local [hbm:s6], s20  }
0xa4: {  	_ =	swait.ge [sflag:s22], s20  }
0xa5: {  	s5 =	ssub.s32 $0x0, s20;
	[sflag:s22] =	ssyncset.done $0x0  }
0xa6: {  	[sflag:s22] =	ssyncadd.s32 s5;
	_ =	sdelay $0x1  }
0xa7: {  	s23 =	simm.s32 $0x1B8B  }
0xa8: {  	_ =	swait.ge [sflag:s23], $0x1  }
0xa9: {  	[sflag:s23] =	ssyncset.done $0x0  }
0xaa: {  	s25 =	simm.s32 $0x1B8E;
	s24 =	sld [smem:$0x3FFE];
	[sflag:s23] =	ssyncadd.s32 $0xFFFFFFFF  }
0xab: {  	s26 =	simm.s32 $execute0_lowered;
	[smem:$0x3FD2] =	sst s25  }
0xac: {  	s6 =	sshll.u32 s26, $0x1;
	_ =	strace $0x80000049;
	[dreg:$0x1] =	wrdreg $0xFFFFFFFF  }
0xad: {  	s28 =	simm.s32 $_size_execute0_lowered;
	s4 =	sadd.s32 s4, s6;
	[dreg:$0x0] =	wrdreg $0x0  }
0xae: {  	s6 =	sshll.u32 s28, $0x1;
	[dreg:$0x2] =	wrdreg s4  }
0xaf: {  	[dreg:$0x3] =	wrdreg s6  }
0xb0: {  	[dreg:$0x4] =	wrdreg $0xC0  }
0xb1: {  	_ =	task [dreg:s8], $0x5FFFF  }
0xb2: {  	[dreg:$0x1] =	wrdreg $0xFFFFFFFF  }
0xb3: {  	[dreg:$0x0] =	wrdreg $0x60  }
0xb4: {  	[dreg:$0x2] =	wrdreg s17  }
0xb5: {  	[dreg:$0x3] =	wrdreg s16  }
0xb6: {  	[dreg:$0x4] =	wrdreg s24  }
0xb7: {  	[dreg:$0x5] =	wrdreg $0xB8000  }
0xb8: {  	[dreg:$0x6] =	wrdreg $0x9  }
0xb9: {  	_ =	task.clear_ibuf [dreg:s8], $0x7FFFF;
	_ =	strace $0x90000049  }
0xba: {  	s29 =	simm.s32 $0x9;
	_ =	strace $0x8000004B  }
0xbb: {  	_ =	swait.ge [sflag:s29], $0x1  }
0xbc: {  	[sflag:s29] =	ssyncadd.s32 $0xFFFFFFFF  }
0xbd: {  	_ =	strace $0x9000004B  }
0xbe: {  	_ =	sfence  }
0xbf: {  	s30 =	sld [smem:$0x0];
	_ =	sdelay $0x2  }
0xc0: {  	s31 =	sshll.u32 s1, $0xD;
	s1 =	sshrl.u32 s1, $0x2  }
0xc1: {  	s3 =	sand.u32 $0x4000, s31;
	s1 =	sadd.s32 s1, s30  }
0xc2: {  	s0 =	sor.u32 s3, s0;
	s1 =	sshll.u32 s1, $0x11  }
0xc3: {  	s0 =	sor.u32 s1, s0  }
0xc4: {  	s0 =	sadd.s32 $0x8F2B, s0  }
0xc5: {  	[sflag:s0] =	ssyncadd.remote.s32 $0x1  }
0xc6: {  	_ =	sfence.sel $0xFFFF  }
0xc7: {  	[dreg:$0x0] =	wrdreg $0xFFFFFFFF;
	(pc) =	sbr.abs _section_cstart, $3  }
0xc8: {  	[dreg:$0x1] =	wrdreg $0xFFFFFFFF  }
0xc9: {  	_ =	task.clear_ibuf [dreg:s8], $0x2FFFF;
	_ =	strace $0x9FFFFFFF  }
0xca: {  	(tm) =	ssettm $0x7FFFFFFF  }
0xcb: {  	_ =	shalt  }
tec
execute0_lowered:
.L_overlay_start_1:
0x0: {  	(tag) =	ssettag $0x1  }
0x1: {  	s1 =	rddreg [dreg:$0x0]  }
0x2: {  	s0 =	rddreg [dreg:$0x1]  }
0x3: {  	s2 =	rddreg [dreg:$0x2]  }
0x4: {  	s3 =	rddreg [dreg:$0x3]  }
0x5: {  	s4 =	srdreg.scid;
	s8 =	stileid.u32  }
0x6: {  	s9 =	simm.s32 $0x0;
	s10 =	simm.s32 $0x2800;
	s12 =	simm.s32 $0x3800  }
0x7: {  	s14 =	simm.s32 $0x4800;
	s4 =	sand.u32 $0x1, s4;
	[smem:$0x7FF] =	sst s9  }
0x8: {  	s6 =	sshll.u32 s8, $0x1;
	_ =	strace $0x8000004A;
	[dreg:$0x5] =	wrdreg s10  }
0x9: {  	s5 =	smul.u32 $0x13900, s8;
	s6 =	sor.u32 s4, s6;
	[dreg:$0x6] =	wrdreg s12  }
0xa: {  	s16 =	simm.s32 $0x5800;
	[dreg:$0x7] =	wrdreg s14;
	s6 =	smul.u32 $0x280, s6  }
0xb: {  	s18 =	simm.s32 $0x6800;
	s8 =	smul.u32 $0x4E400, s8;
	[dreg:$0x8] =	wrdreg s16  }
0xc: {  	[dreg:$0x9] =	wrdreg s18;
	s20 =	sadd.s32 s6, s2;
	s0 =	sadd.s32 s0, s6  }
0xd: {  	[dreg:$0xc] =	wrdreg s0;
	s23 =	sadd.s32 $0x4FC00, s20  }
0xe: {  	s22 =	sshrl.u32 s8, $0x2;
	s20 =	simm.s32 $0x7800;
	[dreg:$0xd] =	wrdreg s23  }
0xf: {  	s0 =	sadd.s32 s22, s3;
	s22 =	simm.s32 $0x8800;
	[dreg:$0xa] =	wrdreg s20  }
0x10: {  	s24 =	sadd.s32 $0x1000, s0;
	[dreg:$0xb] =	wrdreg s22  }
0x11: {  	s30 =	simm.s32 $0x11;
	s25 =	sadd.s32 $0x2000, s0;
	[dreg:$0xe] =	wrdreg s24  }
0x12: {  	s31 =	simm.s32 $0x80;
	s26 =	sadd.s32 $0x3000, s0;
	[dreg:$0xf] =	wrdreg s25  }
0x13: {  	s7 =	smul.u32 $0x139000, s4;
	s28 =	sadd.s32 $0x4000, s0;
	[dreg:$0x10] =	wrdreg s26  }
0x14: {  	s4 =	ssub.s32 $0x2, s4;
	s29 =	sadd.s32 $0x5000, s0;
	[dreg:$0x11] =	wrdreg s28  }
0x15: {  	s10 =	simm.s32 $0x6;
	s6 =	sadd.s32 $0x6000, s0;
	[dreg:$0x12] =	wrdreg s29  }
0x16: {  	s12 =	simm.s32 $0x8;
	s8 =	sadd.s32 $0x7000, s0;
	[dreg:$0x13] =	wrdreg s6  }
0x17: {  	s21 =	sshrl.u32 s4, $0x1;
	s9 =	sadd.s32 $0x8000, s0;
	[dreg:$0x14] =	wrdreg s8  }
0x18: {  	s7 =	sadd.s32 s5, s7;
	s11 =	sadd.s32 $0x9000, s0;
	[dreg:$0x15] =	wrdreg s9  }
0x19: {  	s4 =	ssub.s32 s4, s21;
	s13 =	sadd.s32 $0xA000, s0;
	[dreg:$0x16] =	wrdreg s11  }
0x1a: {  	s7 =	sshrl.u32 s7, $0x3;
	s15 =	sadd.s32 $0xB000, s0;
	[dreg:$0x17] =	wrdreg s13  }
0x1b: {  	s2 =	sadd.s32 s7, s2;
	s17 =	sadd.s32 $0xC000, s0;
	[dreg:$0x18] =	wrdreg s15  }
0x1c: {  	s7 =	sadd.s32 s5, s3;
	s19 =	sadd.s32 $0xD000, s0;
	[dreg:$0x19] =	wrdreg s17  }
0x1d: {  	s5 =	simm.s32 $0x2;
	s21 =	sadd.s32 $0xE000, s0;
	[dreg:$0x1a] =	wrdreg s19  }
0x1e: {  	s23 =	sadd.s32 $0xF000, s0;
	s20 =	simm.s32 $0x10;
	[dreg:$0x1b] =	wrdreg s21  }
0x1f: {  	[dreg:$0x1c] =	wrdreg s23;
	s24 =	sadd.s32 $0x10000, s0;
	s25 =	sadd.s32 $0x11000, s0  }
0x20: {  	s26 =	sadd.s32 $0x12000, s0;
	s0 =	sadd.s32 $0x13000, s0;
	[dreg:$0x1d] =	wrdreg s24  }
0x21: {  	s28 =	sadd.s32 $0x54C00, s2;
	s29 =	smax.u32 s4, $0x1;
	[dreg:$0x1e] =	wrdreg s25  }
0x22: {  	s2 =	simm.s32 $0x9800;
	s4 =	simm.s32 $0x1;
	[dreg:$0x1f] =	wrdreg s26  }
0x23: {  	s6 =	simm.s32 $0x3;
	s8 =	simm.s32 $0x4;
	[smem:$0x7FB] =	sst s0  }
0x24: {  	s9 =	simm.s32 $0x5;
	s11 =	simm.s32 $0x7;
	[smem:$0x7FC] =	sst s28  }
0x25: {  	v0 =	vimm.f32 $0.0e+00;
	s21 =	simm.s32 $0x0;
	[smem:$0x7FD] =	sst s29;
	s0 =	simm.s32 $0xA800  }
.LBB2_1:
0x26: {  	s13 =	simm.s32 $0x0;
	s14 =	rddreg [dreg:$0xc]  }
0x27: {  	[tilespmem:s13], [sflag:$0x11] =	stream.linear.gather [hbm4b:s14+s13], $0x1400, $0x38;
	[tilespmem:$0x1F100] =	vst v63  }
0x28: {  	_ =	swait.ge [sflag:s30], $0x1400  }
0x29: {  	[sflag:s30] =	ssyncset.done $0x0  }
0x2a: {  	s15 =	simm.s32 $0x1400;
	s29 =	rddreg [dreg:$0xd];
	[sflag:s30] =	ssyncadd.s32 $0xFFFFEC00  }
0x2b: {  	[tilespmem:s15], [sflag:$0x11] =	stream.linear.gather [hbm4b:s29+s13], $0x1400, $0x38;
	[tilespmem:$0x1F100] =	vst v63  }
0x2c: {  	_ =	swait.ge [sflag:s30], $0x1400  }
0x2d: {  	[sflag:s30] =	ssyncset.done $0x0  }
0x2e: {  	s13 =	simm.s32 $0xA880;
	[sflag:s30] =	ssyncadd.s32 $0xFFFFEC00  }
0x2f: {  	[tilespmem:s13+$0xFFFFFF80] =	vst v0  }
0x30: {  	[tilespmem:s13+$0x70] =	vst v0  }
0x31: {  	[tilespmem:s13+$0x60] =	vst v0  }
0x32: {  	[tilespmem:s13+$0x50] =	vst v0  }
0x33: {  	[tilespmem:s13+$0x40] =	vst v0  }
0x34: {  	[tilespmem:s13+$0x30] =	vst v0  }
0x35: {  	[tilespmem:s13+$0x20] =	vst v0  }
0x36: {  	[tilespmem:s13+$0x10] =	vst v0  }
0x37: {  	[tilespmem:s13+$0x0] =	vst v0  }
0x38: {  	[tilespmem:s13+$0xFFFFFFF0] =	vst v0  }
0x39: {  	[tilespmem:s13+$0xFFFFFFE0] =	vst v0  }
0x3a: {  	[tilespmem:s13+$0xFFFFFFD0] =	vst v0  }
0x3b: {  	[tilespmem:s13+$0xFFFFFFC0] =	vst v0  }
0x3c: {  	[tilespmem:s13+$0xFFFFFFB0] =	vst v0  }
0x3d: {  	s14 =	simm.s32 $0x0;
	[tilespmem:s13+$0xFFFFFFA0] =	vst v0  }
.LBB2_2:
0x3e: {  	s14 =	sadd.s32 $0x8, s14;
	[tilespmem:s13+$0xFFFFFF90] =	vst v0;
	s13 =	sadd.s32 $0x100, s13  }
0x3f: {  	[tilespmem:s13+$0xFFFFFF80] =	vst v0;
	p0 =	slt.u32 s14, $0x78  }
0x40: {  	[tilespmem:s13+$0x70] =	vst v0  }
0x41: {  	[tilespmem:s13+$0x60] =	vst v0  }
0x42: {  	[tilespmem:s13+$0x50] =	vst v0  }
0x43: {  	[tilespmem:s13+$0x40] =	vst v0  }
0x44: {  	[tilespmem:s13+$0x30] =	vst v0  }
0x45: {  	[tilespmem:s13+$0x20] =	vst v0  }
0x46: {  	[tilespmem:s13+$0x10] =	vst v0  }
0x47: {  	[tilespmem:s13+$0x0] =	vst v0  }
0x48: {  	[tilespmem:s13+$0xFFFFFFF0] =	vst v0  }
.Ltmp0:
0x49: {  	[tilespmem:s13+$0xFFFFFFE0] =	vst v0;
	(pc) =	sbr.rel @p0 .LBB2_2-.Ltmp0, $4  }
0x4a: {  	[tilespmem:s13+$0xFFFFFFD0] =	vst v0  }
0x4b: {  	[tilespmem:s13+$0xFFFFFFC0] =	vst v0  }
0x4c: {  	[tilespmem:s13+$0xFFFFFFB0] =	vst v0  }
0x4d: {  	[tilespmem:s13+$0xFFFFFFA0] =	vst v0  }
0x4e: {  	[tilespmem:s13+$0xFFFFFF90] =	vst v0  }
0x4f: {  	[spmem:s7] =	stream.linear.scatter [tilespmem:s0], [sflag:$0x11], $0x1000, $0x38;
	[tilespmem:$0x1F100] =	vst v63  }
0x50: {  	_ =	swait.ge [sflag:s30], $0x1000  }
0x51: {  	[sflag:s30] =	ssyncset.done $0x0  }
0x52: {  	s28 =	rddreg [dreg:$0xe];
	[sflag:s30] =	ssyncadd.s32 $0xFFFFF000  }
0x53: {  	[spmem:s28] =	stream.linear.scatter [tilespmem:s0], [sflag:$0x11], $0x1000, $0x38;
	[tilespmem:$0x1F100] =	vst v63  }
0x54: {  	_ =	swait.ge [sflag:s30], $0x1000  }
0x55: {  	[sflag:s30] =	ssyncset.done $0x0  }
0x56: {  	s29 =	rddreg [dreg:$0xf];
	[sflag:s30] =	ssyncadd.s32 $0xFFFFF000  }
0x57: {  	[spmem:s29] =	stream.linear.scatter [tilespmem:s0], [sflag:$0x11], $0x1000, $0x38;
	[tilespmem:$0x1F100] =	vst v63  }
0x58: {  	_ =	swait.ge [sflag:s30], $0x1000  }
0x59: {  	[sflag:s30] =	ssyncset.done $0x0  }
0x5a: {  	s14 =	rddreg [dreg:$0x10];
	[sflag:s30] =	ssyncadd.s32 $0xFFFFF000  }
0x5b: {  	[spmem:s14] =	stream.linear.scatter [tilespmem:s0], [sflag:$0x11], $0x1000, $0x38;
	[tilespmem:$0x1F100] =	vst v63  }
0x5c: {  	_ =	swait.ge [sflag:s30], $0x1000  }
0x5d: {  	[sflag:s30] =	ssyncset.done $0x0  }
0x5e: {  	s15 =	rddreg [dreg:$0x11];
	[sflag:s30] =	ssyncadd.s32 $0xFFFFF000  }
0x5f: {  	[spmem:s15] =	stream.linear.scatter [tilespmem:s0], [sflag:$0x11], $0x1000, $0x38;
	[tilespmem:$0x1F100] =	vst v63  }
0x60: {  	_ =	swait.ge [sflag:s30], $0x1000  }
0x61: {  	[sflag:s30] =	ssyncset.done $0x0  }
0x62: {  	s16 =	rddreg [dreg:$0x12];
	[sflag:s30] =	ssyncadd.s32 $0xFFFFF000  }
0x63: {  	[spmem:s16] =	stream.linear.scatter [tilespmem:s0], [sflag:$0x11], $0x1000, $0x38;
	[tilespmem:$0x1F100] =	vst v63  }
0x64: {  	_ =	swait.ge [sflag:s30], $0x1000  }
0x65: {  	[sflag:s30] =	ssyncset.done $0x0  }
0x66: {  	s17 =	rddreg [dreg:$0x13];
	[sflag:s30] =	ssyncadd.s32 $0xFFFFF000  }
0x67: {  	[spmem:s17] =	stream.linear.scatter [tilespmem:s0], [sflag:$0x11], $0x1000, $0x38;
	[tilespmem:$0x1F100] =	vst v63  }
0x68: {  	_ =	swait.ge [sflag:s30], $0x1000  }
0x69: {  	[sflag:s30] =	ssyncset.done $0x0  }
0x6a: {  	s18 =	rddreg [dreg:$0x14];
	[sflag:s30] =	ssyncadd.s32 $0xFFFFF000  }
0x6b: {  	[spmem:s18] =	stream.linear.scatter [tilespmem:s0], [sflag:$0x11], $0x1000, $0x38;
	[tilespmem:$0x1F100] =	vst v63  }
0x6c: {  	_ =	swait.ge [sflag:s30], $0x1000  }
0x6d: {  	[sflag:s30] =	ssyncset.done $0x0  }
0x6e: {  	s19 =	rddreg [dreg:$0x15];
	[sflag:s30] =	ssyncadd.s32 $0xFFFFF000  }
0x6f: {  	[spmem:s19] =	stream.linear.scatter [tilespmem:s0], [sflag:$0x11], $0x1000, $0x38;
	[tilespmem:$0x1F100] =	vst v63  }
0x70: {  	_ =	swait.ge [sflag:s30], $0x1000  }
0x71: {  	[sflag:s30] =	ssyncset.done $0x0  }
0x72: {  	s22 =	rddreg [dreg:$0x16];
	[sflag:s30] =	ssyncadd.s32 $0xFFFFF000  }
0x73: {  	[spmem:s22] =	stream.linear.scatter [tilespmem:s0], [sflag:$0x11], $0x1000, $0x38;
	[tilespmem:$0x1F100] =	vst v63  }
0x74: {  	_ =	swait.ge [sflag:s30], $0x1000  }
0x75: {  	[sflag:s30] =	ssyncset.done $0x0  }
0x76: {  	s23 =	rddreg [dreg:$0x17];
	[sflag:s30] =	ssyncadd.s32 $0xFFFFF000  }
0x77: {  	[spmem:s23] =	stream.linear.scatter [tilespmem:s0], [sflag:$0x11], $0x1000, $0x38;
	[tilespmem:$0x1F100] =	vst v63  }
0x78: {  	_ =	swait.ge [sflag:s30], $0x1000  }
0x79: {  	[sflag:s30] =	ssyncset.done $0x0  }
0x7a: {  	s24 =	rddreg [dreg:$0x18];
	[sflag:s30] =	ssyncadd.s32 $0xFFFFF000  }
0x7b: {  	[spmem:s24] =	stream.linear.scatter [tilespmem:s0], [sflag:$0x11], $0x1000, $0x38;
	[tilespmem:$0x1F100] =	vst v63  }
0x7c: {  	_ =	swait.ge [sflag:s30], $0x1000  }
0x7d: {  	[sflag:s30] =	ssyncset.done $0x0  }
0x7e: {  	s25 =	rddreg [dreg:$0x19];
	[sflag:s30] =	ssyncadd.s32 $0xFFFFF000  }
0x7f: {  	[spmem:s25] =	stream.linear.scatter [tilespmem:s0], [sflag:$0x11], $0x1000, $0x38;
	[tilespmem:$0x1F100] =	vst v63  }
0x80: {  	_ =	swait.ge [sflag:s30], $0x1000  }
0x81: {  	[sflag:s30] =	ssyncset.done $0x0  }
0x82: {  	s26 =	rddreg [dreg:$0x1a];
	[sflag:s30] =	ssyncadd.s32 $0xFFFFF000  }
0x83: {  	[spmem:s26] =	stream.linear.scatter [tilespmem:s0], [sflag:$0x11], $0x1000, $0x38;
	[tilespmem:$0x1F100] =	vst v63  }
0x84: {  	_ =	swait.ge [sflag:s30], $0x1000  }
0x85: {  	[sflag:s30] =	ssyncset.done $0x0  }
0x86: {  	s28 =	rddreg [dreg:$0x1b];
	[sflag:s30] =	ssyncadd.s32 $0xFFFFF000  }
0x87: {  	[spmem:s28] =	stream.linear.scatter [tilespmem:s0], [sflag:$0x11], $0x1000, $0x38;
	[tilespmem:$0x1F100] =	vst v63  }
0x88: {  	_ =	swait.ge [sflag:s30], $0x1000  }
0x89: {  	[sflag:s30] =	ssyncset.done $0x0  }
0x8a: {  	s29 =	rddreg [dreg:$0x1c];
	[sflag:s30] =	ssyncadd.s32 $0xFFFFF000  }
0x8b: {  	[spmem:s29] =	stream.linear.scatter [tilespmem:s0], [sflag:$0x11], $0x1000, $0x38;
	[tilespmem:$0x1F100] =	vst v63  }
0x8c: {  	_ =	swait.ge [sflag:s30], $0x1000  }
0x8d: {  	[sflag:s30] =	ssyncset.done $0x0  }
0x8e: {  	s14 =	rddreg [dreg:$0x1d];
	[sflag:s30] =	ssyncadd.s32 $0xFFFFF000  }
0x8f: {  	[spmem:s14] =	stream.linear.scatter [tilespmem:s0], [sflag:$0x11], $0x1000, $0x38;
	[tilespmem:$0x1F100] =	vst v63  }
0x90: {  	_ =	swait.ge [sflag:s30], $0x1000  }
0x91: {  	[sflag:s30] =	ssyncset.done $0x0  }
0x92: {  	s15 =	rddreg [dreg:$0x1e];
	[sflag:s30] =	ssyncadd.s32 $0xFFFFF000  }
0x93: {  	[spmem:s15] =	stream.linear.scatter [tilespmem:s0], [sflag:$0x11], $0x1000, $0x38;
	[tilespmem:$0x1F100] =	vst v63  }
0x94: {  	_ =	swait.ge [sflag:s30], $0x1000  }
0x95: {  	[sflag:s30] =	ssyncset.done $0x0  }
0x96: {  	s16 =	rddreg [dreg:$0x1f];
	[sflag:s30] =	ssyncadd.s32 $0xFFFFF000  }
0x97: {  	[spmem:s16] =	stream.linear.scatter [tilespmem:s0], [sflag:$0x11], $0x1000, $0x38;
	[tilespmem:$0x1F100] =	vst v63  }
0x98: {  	_ =	swait.ge [sflag:s30], $0x1000  }
0x99: {  	s17 =	sld [smem:$0x7FB]  }
0x9a: {  	[sflag:s30] =	ssyncset.done $0x0  }
0x9b: {  	[sflag:s30] =	ssyncadd.s32 $0xFFFFF000  }
0x9c: {  	[spmem:s17] =	stream.linear.scatter [tilespmem:s0], [sflag:$0x11], $0x900, $0x38;
	[tilespmem:$0x1F100] =	vst v63  }
0x9d: {  	_ =	swait.ge [sflag:s30], $0x900  }
0x9e: {  	[sflag:s30] =	ssyncset.done $0x0  }
0x9f: {  	p0 =	por $0x0, $0x0;
	[sflag:s30] =	ssyncadd.s32 $0xFFFFF700  }
0xa0: {  	s13 =	simm.s32 @p0 $0x9;
	[bflag:$0x0] =	sbarrier.arrive $0xFFFF  }
0xa1: {  	_ =	swait.ge @p0 [sflag:s13], $0x1000  }
0xa2: {  	s14 =	simm.s32 @p0 $0x0;
	s15 =	simm.s32 @p0 $0x80;
	[sflag:s13] =	ssyncset.done @p0 $0x0  }
0xa3: {  	s16 =	simm.s32 @p0 $0xA;
	[sflag:s13] =	ssyncadd.s32 @p0 $0xFFFFF000;
	s13 =	simm.s32 @p0 $0x2800  }
0xa4: {  	[tilespmem:s13], [sflag:$0x1] =	stream.indirect.gather @p0 [hbm4b:s1+s15], $0x20, s14, s15, $0xb8;
	[tilespmem:$0x1F100] =	vst v63  }
0xa5: {  	_ =	swait.ge @p0 [sflag:s16], $0x1000  }
0xa6: {  	s13 =	simm.s32 @p0 $0x80;
	[sflag:s16] =	ssyncset.done @p0 $0x0  }
0xa7: {  	s14 =	simm.s32 @p0 $0x3800;
	[sflag:s16] =	ssyncadd.s32 @p0 $0xFFFFF000;
	s16 =	simm.s32 @p0 $0xB  }
0xa8: {  	[tilespmem:s14], [sflag:$0x2] =	stream.indirect.gather @p0 [hbm4b:s1+s15], $0x20, s13, s15, $0xb8;
	[tilespmem:$0x1F100] =	vst v63  }
0xa9: {  	_ =	swait.ge @p0 [sflag:s16], $0x1000  }
0xaa: {  	s13 =	simm.s32 @p0 $0x100;
	[sflag:s16] =	ssyncset.done @p0 $0x0  }
0xab: {  	s14 =	simm.s32 @p0 $0x4800;
	[sflag:s16] =	ssyncadd.s32 @p0 $0xFFFFF000;
	s16 =	simm.s32 @p0 $0xC  }
0xac: {  	[tilespmem:s14], [sflag:$0x3] =	stream.indirect.gather @p0 [hbm4b:s1+s15], $0x20, s13, s15, $0xb8;
	[tilespmem:$0x1F100] =	vst v63  }
0xad: {  	_ =	swait.ge @p0 [sflag:s16], $0x1000  }
0xae: {  	s13 =	simm.s32 @p0 $0x180;
	[sflag:s16] =	ssyncset.done @p0 $0x0  }
0xaf: {  	s14 =	simm.s32 @p0 $0x5800;
	[sflag:s16] =	ssyncadd.s32 @p0 $0xFFFFF000;
	s16 =	simm.s32 @p0 $0xD  }
0xb0: {  	[tilespmem:s14], [sflag:$0x4] =	stream.indirect.gather @p0 [hbm4b:s1+s15], $0x20, s13, s15, $0xb8;
	[tilespmem:$0x1F100] =	vst v63  }
0xb1: {  	_ =	swait.ge @p0 [sflag:s16], $0x1000  }
0xb2: {  	s13 =	simm.s32 @p0 $0x200;
	[sflag:s16] =	ssyncset.done @p0 $0x0  }
0xb3: {  	s14 =	simm.s32 @p0 $0x6800;
	[sflag:s16] =	ssyncadd.s32 @p0 $0xFFFFF000;
	s16 =	simm.s32 @p0 $0xE  }
0xb4: {  	[tilespmem:s14], [sflag:$0x5] =	stream.indirect.gather @p0 [hbm4b:s1+s15], $0x20, s13, s15, $0xb8;
	[tilespmem:$0x1F100] =	vst v63  }
0xb5: {  	_ =	swait.ge @p0 [sflag:s16], $0x1000  }
0xb6: {  	s13 =	simm.s32 @p0 $0x280;
	[sflag:s16] =	ssyncset.done @p0 $0x0  }
0xb7: {  	s14 =	simm.s32 @p0 $0x7800;
	[sflag:s16] =	ssyncadd.s32 @p0 $0xFFFFF000;
	s16 =	simm.s32 @p0 $0xF  }
0xb8: {  	[tilespmem:s14], [sflag:$0x6] =	stream.indirect.gather @p0 [hbm4b:s1+s15], $0x20, s13, s15, $0xb8;
	[tilespmem:$0x1F100] =	vst v63  }
0xb9: {  	_ =	swait.ge @p0 [sflag:s16], $0x1000  }
0xba: {  	s13 =	simm.s32 $0x300;
	[sflag:s16] =	ssyncset.done @p0 $0x0  }
0xbb: {  	s14 =	simm.s32 @p0 $0x8800;
	[sflag:s16] =	ssyncadd.s32 @p0 $0xFFFFF000;
	s16 =	simm.s32 @p0 $0x10  }
0xbc: {  	[tilespmem:s14], [sflag:$0x7] =	stream.indirect.gather @p0 [hbm4b:s1+s15], $0x20, s13, s15, $0xb8;
	[tilespmem:$0x1F100] =	vst v63  }
0xbd: {  	_ =	swait.ge @p0 [sflag:s16], $0x1000  }
0xbe: {  	s14 =	simm.s32 @!p0 $0x80;
	[sflag:s16] =	ssyncset.done @p0 $0x0  }
0xbf: {  	s13 =	simm.s32 @!p0 $0x0;
	s15 =	simm.s32 @!p0 $0x2800;
	[sflag:s16] =	ssyncadd.s32 @p0 $0xFFFFF000  }
0xc0: {  	[tilespmem:s15], [sflag:$0x1] =	stream.indirect.gather @!p0 [hbm4b:s1+s14], $0x20, s13, s14, $0xb8;
	[tilespmem:$0x1F100] =	vst v63  }
0xc1: {  	s13 =	simm.s32 @!p0 $0x3800  }
0xc2: {  	[tilespmem:s13], [sflag:$0x2] =	stream.indirect.gather @!p0 [hbm4b:s1+s14], $0x20, s14, s14, $0xb8;
	[tilespmem:$0x1F100] =	vst v63  }
0xc3: {  	s15 =	simm.s32 @!p0 $0x4800;
	s13 =	simm.s32 @!p0 $0x100  }
0xc4: {  	[tilespmem:s15], [sflag:$0x3] =	stream.indirect.gather @!p0 [hbm4b:s1+s14], $0x20, s13, s14, $0xb8;
	[tilespmem:$0x1F100] =	vst v63  }
0xc5: {  	s13 =	simm.s32 @!p0 $0x180;
	s15 =	simm.s32 @!p0 $0x5800  }
0xc6: {  	[tilespmem:s15], [sflag:$0x4] =	stream.indirect.gather @!p0 [hbm4b:s1+s14], $0x20, s13, s14, $0xb8;
	[tilespmem:$0x1F100] =	vst v63  }
0xc7: {  	s13 =	simm.s32 @!p0 $0x200;
	s15 =	simm.s32 @!p0 $0x6800  }
0xc8: {  	[tilespmem:s15], [sflag:$0x5] =	stream.indirect.gather @!p0 [hbm4b:s1+s14], $0x20, s13, s14, $0xb8;
	[tilespmem:$0x1F100] =	vst v63  }
0xc9: {  	s16 =	simm.s32 @!p0 $0x7800;
	s13 =	simm.s32 @p0 $0x0;
	s15 =	simm.s32 @!p0 $0x280  }
0xca: {  	[tilespmem:s16], [sflag:$0x6] =	stream.indirect.gather @!p0 [hbm4b:s1+s14], $0x20, s15, s14, $0xb8;
	[tilespmem:$0x1F100] =	vst v63  }
0xcb: {  	s13 =	simm.s32 @!p0 $0x0;
	s15 =	simm.s32 @!p0 $0x300;
	s16 =	simm.s32 @!p0 $0x8800  }
0xcc: {  	[tilespmem:s16], [sflag:$0x7] =	stream.indirect.gather @!p0 [hbm4b:s1+s14], $0x20, s15, s14, $0xb8;
	[tilespmem:$0x1F100] =	vst v63  }
0xcd: {  	s18 =	sor.u32 $0x380, s13  }
0xce: {  	[tilespmem:s2], [sflag:$0x8] =	stream.indirect.gather [hbm4b:s1+s31], $0x20, s18, s31, $0xb8;
	[tilespmem:$0x1F100] =	vst v63  }
0xcf: {  	_ =	swait.ge [sflag:s4], $0x1000  }
0xd0: {  	[sflag:s4] =	ssyncset.done $0x0  }
0xd1: {  	s22 =	sadd.s32 $0x1400, s13;
	s19 =	rddreg [dreg:$0x5];
	[sflag:s4] =	ssyncadd.s32 $0xFFFFF000  }
0xd2: {  	[spmem:s3] =	stream.indirect.scatter.add.f32 [tilespmem:s19], [sflag:$0x9], $0x20, s22, s31, $0xb8;
	[tilespmem:$0x1F100] =	vst v63  }
0xd3: {  	s14 =	simm.s32 @p0 $0x80;
	_ =	swait.ge [sflag:s5], $0x1000  }
0xd4: {  	s14 =	simm.s32 @!p0 $0x80;
	[sflag:s5] =	ssyncset.done $0x0  }
0xd5: {  	s14 =	sadd.s32 $0x1400, s14;
	s23 =	rddreg [dreg:$0x6];
	[sflag:s5] =	ssyncadd.s32 $0xFFFFF000  }
0xd6: {  	[spmem:s3] =	stream.indirect.scatter.add.f32 [tilespmem:s23], [sflag:$0xA], $0x20, s14, s31, $0xb8;
	[tilespmem:$0x1F100] =	vst v63  }
0xd7: {  	s14 =	simm.s32 @p0 $0x100;
	_ =	swait.ge [sflag:s6], $0x1000  }
0xd8: {  	s14 =	simm.s32 @!p0 $0x100;
	[sflag:s6] =	ssyncset.done $0x0  }
0xd9: {  	s24 =	rddreg [dreg:$0x7];
	s14 =	sadd.s32 $0x1400, s14;
	[sflag:s6] =	ssyncadd.s32 $0xFFFFF000  }
0xda: {  	[spmem:s3] =	stream.indirect.scatter.add.f32 [tilespmem:s24], [sflag:$0xB], $0x20, s14, s31, $0xb8;
	[tilespmem:$0x1F100] =	vst v63  }
0xdb: {  	s14 =	simm.s32 @p0 $0x180;
	_ =	swait.ge [sflag:s8], $0x1000  }
0xdc: {  	s14 =	simm.s32 @!p0 $0x180;
	[sflag:s8] =	ssyncset.done $0x0  }
0xdd: {  	s25 =	rddreg [dreg:$0x8];
	s14 =	sadd.s32 $0x1400, s14;
	[sflag:s8] =	ssyncadd.s32 $0xFFFFF000  }
0xde: {  	[spmem:s3] =	stream.indirect.scatter.add.f32 [tilespmem:s25], [sflag:$0xC], $0x20, s14, s31, $0xb8;
	[tilespmem:$0x1F100] =	vst v63  }
0xdf: {  	s14 =	simm.s32 @p0 $0x200;
	_ =	swait.ge [sflag:s9], $0x1000  }
0xe0: {  	s13 =	sadd.s32 $0x1780, s13;
	s14 =	simm.s32 @!p0 $0x200;
	[sflag:s9] =	ssyncset.done $0x0  }
0xe1: {  	s26 =	rddreg [dreg:$0x9];
	s14 =	sadd.s32 $0x1400, s14;
	[sflag:s9] =	ssyncadd.s32 $0xFFFFF000  }
0xe2: {  	[spmem:s3] =	stream.indirect.scatter.add.f32 [tilespmem:s26], [sflag:$0xD], $0x20, s14, s31, $0xb8;
	[tilespmem:$0x1F100] =	vst v63  }
0xe3: {  	s22 =	simm.s32 $0x700;
	s14 =	simm.s32 @p0 $0x280;
	_ =	swait.ge [sflag:s10], $0x1000  }
0xe4: {  	s23 =	simm.s32 $0x700;
	s14 =	simm.s32 @!p0 $0x280;
	[sflag:s10] =	ssyncset.done $0x0  }
0xe5: {  	s28 =	rddreg [dreg:$0xa];
	s14 =	sadd.s32 $0x1400, s14;
	[sflag:s10] =	ssyncadd.s32 $0xFFFFF000  }
0xe6: {  	[spmem:s3] =	stream.indirect.scatter.add.f32 [tilespmem:s28], [sflag:$0xE], $0x20, s14, s31, $0xb8;
	[tilespmem:$0x1F100] =	vst v63  }
0xe7: {  	s24 =	simm.s32 $0xB00;
	s14 =	simm.s32 $0x300;
	_ =	swait.ge [sflag:s11], $0x1000  }
0xe8: {  	s14 =	simm.s32 @!p0 $0x300;
	p0 =	por $0x1, $0x1;
	[sflag:s11] =	ssyncset.done $0x0  }
0xe9: {  	s29 =	rddreg [dreg:$0xb];
	s14 =	sadd.s32 $0x1400, s14;
	[sflag:s11] =	ssyncadd.s32 $0xFFFFF000  }
0xea: {  	[spmem:s3] =	stream.indirect.scatter.add.f32 [tilespmem:s29], [sflag:$0xF], $0x20, s14, s31, $0xb8;
	[tilespmem:$0x1F100] =	vst v63  }
.LBB2_4:
0xeb: {  	_ =	swait.ge [sflag:s12], $0x1000  }
0xec: {  	[sflag:s12] =	ssyncset.done $0x0  }
0xed: {  	s14 =	simm.s32 @p0 $0x9;
	[sflag:s12] =	ssyncadd.s32 $0xFFFFF000  }
0xee: {  	[spmem:s3] =	stream.indirect.scatter.add.f32 [tilespmem:s2], [sflag:$0x10], $0x20, s13, s31, $0xb8;
	[tilespmem:$0x1F100] =	vst v63  }
0xef: {  	_ =	swait.ge @p0 [sflag:s14], $0x1000  }
0xf0: {  	s16 =	simm.s32 @p0 $0x80;
	s26 =	simm.s32 @p0 $0xA;
	[sflag:s14] =	ssyncset.done @p0 $0x0  }
0xf1: {  	s13 =	sadd.s32 @p0 $0xFFFFFD00, s23;
	[sflag:s14] =	ssyncadd.s32 @p0 $0xFFFFF000;
	s14 =	simm.s32 @p0 $0x2800  }
0xf2: {  	[tilespmem:s14], [sflag:$0x1] =	stream.indirect.gather @p0 [hbm4b:s1+s16], $0x20, s13, s16, $0xb8;
	[tilespmem:$0x1F100] =	vst v63  }
0xf3: {  	_ =	swait.ge @p0 [sflag:s26], $0x1000  }
0xf4: {  	s17 =	simm.s32 @p0 $0x3800;
	[sflag:s26] =	ssyncset.done @p0 $0x0  }
0xf5: {  	s18 =	simm.s32 @p0 $0xB;
	s14 =	sadd.s32 @p0 $0xFFFFFD80, s23;
	[sflag:s26] =	ssyncadd.s32 @p0 $0xFFFFF000  }
0xf6: {  	[tilespmem:s17], [sflag:$0x2] =	stream.indirect.gather @p0 [hbm4b:s1+s16], $0x20, s14, s16, $0xb8;
	[tilespmem:$0x1F100] =	vst v63  }
0xf7: {  	_ =	swait.ge @p0 [sflag:s18], $0x1000  }
0xf8: {  	s19 =	simm.s32 @p0 $0x4800;
	[sflag:s18] =	ssyncset.done @p0 $0x0  }
0xf9: {  	s17 =	sadd.s32 @p0 $0xFFFFFE00, s23;
	[sflag:s18] =	ssyncadd.s32 @p0 $0xFFFFF000;
	s18 =	simm.s32 @p0 $0xC  }
0xfa: {  	[tilespmem:s19], [sflag:$0x3] =	stream.indirect.gather @p0 [hbm4b:s1+s16], $0x20, s17, s16, $0xb8;
	[tilespmem:$0x1F100] =	vst v63  }
0xfb: {  	_ =	swait.ge @p0 [sflag:s18], $0x1000  }
0xfc: {  	s17 =	sadd.s32 @p0 $0xFFFFFE80, s23;
	[sflag:s18] =	ssyncset.done @p0 $0x0  }
0xfd: {  	s19 =	simm.s32 @p0 $0x5800;
	[sflag:s18] =	ssyncadd.s32 @p0 $0xFFFFF000;
	s18 =	simm.s32 @p0 $0xD  }
0xfe: {  	[tilespmem:s19], [sflag:$0x4] =	stream.indirect.gather @p0 [hbm4b:s1+s16], $0x20, s17, s16, $0xb8;
	[tilespmem:$0x1F100] =	vst v63  }
0xff: {  	_ =	swait.ge @p0 [sflag:s18], $0x1000  }
0x100: {  	s17 =	sadd.s32 @p0 $0xFFFFFF00, s23;
	[sflag:s18] =	ssyncset.done @p0 $0x0  }
0x101: {  	s19 =	simm.s32 @p0 $0x6800;
	[sflag:s18] =	ssyncadd.s32 @p0 $0xFFFFF000;
	s18 =	simm.s32 @p0 $0xE  }
0x102: {  	[tilespmem:s19], [sflag:$0x5] =	stream.indirect.gather @p0 [hbm4b:s1+s16], $0x20, s17, s16, $0xb8;
	[tilespmem:$0x1F100] =	vst v63  }
0x103: {  	_ =	swait.ge @p0 [sflag:s18], $0x1000  }
0x104: {  	s17 =	sadd.s32 @p0 $0xFFFFFF80, s23;
	[sflag:s18] =	ssyncset.done @p0 $0x0  }
0x105: {  	s19 =	simm.s32 @p0 $0x7800;
	[sflag:s18] =	ssyncadd.s32 @p0 $0xFFFFF000;
	s18 =	simm.s32 @p0 $0xF  }
0x106: {  	[tilespmem:s19], [sflag:$0x6] =	stream.indirect.gather @p0 [hbm4b:s1+s16], $0x20, s17, s16, $0xb8;
	[tilespmem:$0x1F100] =	vst v63  }
0x107: {  	_ =	swait.ge @p0 [sflag:s18], $0x1000  }
0x108: {  	[sflag:s18] =	ssyncset.done @p0 $0x0  }
0x109: {  	s17 =	simm.s32 @p0 $0x8800;
	s19 =	simm.s32 @p0 $0x10;
	[sflag:s18] =	ssyncadd.s32 @p0 $0xFFFFF000  }
0x10a: {  	[tilespmem:s17], [sflag:$0x7] =	stream.indirect.gather @p0 [hbm4b:s1+s16], $0x20, s23, s16, $0xb8;
	[tilespmem:$0x1F100] =	vst v63  }
0x10b: {  	_ =	swait.ge @p0 [sflag:s19], $0x1000  }
0x10c: {  	s18 =	simm.s32 @!p0 $0x2800;
	[sflag:s19] =	ssyncset.done @p0 $0x0  }
0x10d: {  	s16 =	simm.s32 @!p0 $0x80;
	s17 =	simm.s32 @!p0 $0x0;
	[sflag:s19] =	ssyncadd.s32 @p0 $0xFFFFF000  }
0x10e: {  	[tilespmem:s18], [sflag:$0x1] =	stream.indirect.gather @!p0 [hbm4b:s1+s16], $0x20, s17, s16, $0xb8;
	[tilespmem:$0x1F100] =	vst v63  }
0x10f: {  	s17 =	simm.s32 @!p0 $0x3800  }
0x110: {  	[tilespmem:s17], [sflag:$0x2] =	stream.indirect.gather @!p0 [hbm4b:s1+s16], $0x20, s16, s16, $0xb8;
	[tilespmem:$0x1F100] =	vst v63  }
0x111: {  	s18 =	simm.s32 @!p0 $0x4800;
	s17 =	simm.s32 @!p0 $0x100  }
0x112: {  	[tilespmem:s18], [sflag:$0x3] =	stream.indirect.gather @!p0 [hbm4b:s1+s16], $0x20, s17, s16, $0xb8;
	[tilespmem:$0x1F100] =	vst v63  }
0x113: {  	s17 =	simm.s32 @!p0 $0x180;
	s18 =	simm.s32 @!p0 $0x5800  }
0x114: {  	[tilespmem:s18], [sflag:$0x4] =	stream.indirect.gather @!p0 [hbm4b:s1+s16], $0x20, s17, s16, $0xb8;
	[tilespmem:$0x1F100] =	vst v63  }
0x115: {  	s17 =	simm.s32 @!p0 $0x200;
	s18 =	simm.s32 @!p0 $0x6800  }
0x116: {  	[tilespmem:s18], [sflag:$0x5] =	stream.indirect.gather @!p0 [hbm4b:s1+s16], $0x20, s17, s16, $0xb8;
	[tilespmem:$0x1F100] =	vst v63  }
0x117: {  	s25 =	sadd.s32 @p0 $0xFFFFFD00, s22;
	s17 =	simm.s32 @!p0 $0x280;
	s18 =	simm.s32 @!p0 $0x7800  }
0x118: {  	[tilespmem:s18], [sflag:$0x6] =	stream.indirect.gather @!p0 [hbm4b:s1+s16], $0x20, s17, s16, $0xb8;
	[tilespmem:$0x1F100] =	vst v63  }
0x119: {  	s25 =	simm.s32 @!p0 $0x0;
	s17 =	simm.s32 @!p0 $0x300;
	s18 =	simm.s32 @!p0 $0x8800  }
0x11a: {  	[tilespmem:s18], [sflag:$0x7] =	stream.indirect.gather @!p0 [hbm4b:s1+s16], $0x20, s17, s16, $0xb8;
	[tilespmem:$0x1F100] =	vst v63  }
0x11b: {  	s17 =	sor.u32 $0x380, s25  }
0x11c: {  	[tilespmem:s2], [sflag:$0x8] =	stream.indirect.gather [hbm4b:s1+s31], $0x20, s17, s31, $0xb8;
	[tilespmem:$0x1F100] =	vst v63  }
0x11d: {  	_ =	swait.ge [sflag:s4], $0x1000  }
0x11e: {  	[sflag:s4] =	ssyncset.done $0x0  }
0x11f: {  	s19 =	sadd.s32 $0x1400, s25;
	s18 =	rddreg [dreg:$0x5];
	[sflag:s4] =	ssyncadd.s32 $0xFFFFF000  }
0x120: {  	[spmem:s3] =	stream.indirect.scatter.add.f32 [tilespmem:s18], [sflag:$0x9], $0x20, s19, s31, $0xb8;
	[tilespmem:$0x1F100] =	vst v63  }
0x121: {  	s15 =	sadd.s32 @p0 $0xFFFFFD80, s22;
	_ =	swait.ge [sflag:s5], $0x1000  }
0x122: {  	s15 =	simm.s32 @!p0 $0x80;
	[sflag:s5] =	ssyncset.done $0x0  }
0x123: {  	s15 =	sadd.s32 $0x1400, s15;
	s18 =	rddreg [dreg:$0x6];
	[sflag:s5] =	ssyncadd.s32 $0xFFFFF000  }
0x124: {  	[spmem:s3] =	stream.indirect.scatter.add.f32 [tilespmem:s18], [sflag:$0xA], $0x20, s15, s31, $0xb8;
	[tilespmem:$0x1F100] =	vst v63  }
0x125: {  	s28 =	sadd.s32 @p0 $0xFFFFFE00, s22;
	_ =	swait.ge [sflag:s6], $0x1000  }
0x126: {  	s28 =	simm.s32 @!p0 $0x100;
	[sflag:s6] =	ssyncset.done $0x0  }
0x127: {  	s28 =	sadd.s32 $0x1400, s28;
	s19 =	rddreg [dreg:$0x7];
	[sflag:s6] =	ssyncadd.s32 $0xFFFFF000  }
0x128: {  	[spmem:s3] =	stream.indirect.scatter.add.f32 [tilespmem:s19], [sflag:$0xB], $0x20, s28, s31, $0xb8;
	[tilespmem:$0x1F100] =	vst v63  }
0x129: {  	s29 =	sadd.s32 @p0 $0xFFFFFE80, s22;
	_ =	swait.ge [sflag:s8], $0x1000  }
0x12a: {  	s29 =	simm.s32 @!p0 $0x180;
	s13 =	sadd.s32 @p0 $0xFFFFFF00, s22;
	[sflag:s8] =	ssyncset.done $0x0  }
0x12b: {  	s17 =	sadd.s32 $0x1400, s29;
	s16 =	rddreg [dreg:$0x8];
	[sflag:s8] =	ssyncadd.s32 $0xFFFFF000  }
0x12c: {  	[spmem:s3] =	stream.indirect.scatter.add.f32 [tilespmem:s16], [sflag:$0xC], $0x20, s17, s31, $0xb8;
	[tilespmem:$0x1F100] =	vst v63  }
0x12d: {  	s13 =	simm.s32 @!p0 $0x200;
	_ =	swait.ge [sflag:s9], $0x1000  }
0x12e: {  	s13 =	sadd.s32 $0x1400, s13;
	s26 =	smov.u32 s22;
	[sflag:s9] =	ssyncset.done $0x0  }
0x12f: {  	s14 =	sadd.s32 @p0 $0xFFFFFF80, s22;
	s18 =	rddreg [dreg:$0x9];
	[sflag:s9] =	ssyncadd.s32 $0xFFFFF000  }
0x130: {  	[spmem:s3] =	stream.indirect.scatter.add.f32 [tilespmem:s18], [sflag:$0xD], $0x20, s13, s31, $0xb8;
	[tilespmem:$0x1F100] =	vst v63  }
0x131: {  	s22 =	smov.u32 s24;
	s24 =	sadd.s32 $0x400, s24;
	_ =	swait.ge [sflag:s10], $0x1000  }
0x132: {  	s14 =	simm.s32 @!p0 $0x280;
	p1 =	sne.s32 s24, $0x1700;
	[sflag:s10] =	ssyncset.done $0x0  }
0x133: {  	s14 =	sadd.s32 $0x1400, s14;
	s19 =	rddreg [dreg:$0xa];
	[sflag:s10] =	ssyncadd.s32 $0xFFFFF000  }
0x134: {  	[spmem:s3] =	stream.indirect.scatter.add.f32 [tilespmem:s19], [sflag:$0xE], $0x20, s14, s31, $0xb8;
	[tilespmem:$0x1F100] =	vst v63  }
.Ltmp1:
0x135: {  	_ = 	snop;
	(pc) =	sbr.rel @p1 .LBB2_4-.Ltmp1, $4  }
0x136: {  	s26 =	simm.s32 @!p0 $0x300;
	s23 =	sadd.s32 $0x400, s23;
	_ =	swait.ge [sflag:s11], $0x1000  }
0x137: {  	p0 =	sne.s32 s22, $0x300;
	s29 =	sadd.s32 $0x1400, s26;
	[sflag:s11] =	ssyncset.done $0x0  }
0x138: {  	s13 =	sadd.s32 $0x1780, s25;
	s28 =	rddreg [dreg:$0xb];
	[sflag:s11] =	ssyncadd.s32 $0xFFFFF000  }
0x139: {  	[spmem:s3] =	stream.indirect.scatter.add.f32 [tilespmem:s28], [sflag:$0xF], $0x20, s29, s31, $0xb8;
	[tilespmem:$0x1F100] =	vst v63  }
0x13a: {  	_ =	swait.ge [sflag:s12], $0x1000  }
0x13b: {  	[sflag:s12] =	ssyncset.done $0x0  }
0x13c: {  	s14 =	simm.s32 @p0 $0x9;
	[sflag:s12] =	ssyncadd.s32 $0xFFFFF000  }
0x13d: {  	[spmem:s3] =	stream.indirect.scatter.add.f32 [tilespmem:s2], [sflag:$0x10], $0x20, s13, s31, $0xb8;
	[tilespmem:$0x1F100] =	vst v63  }
0x13e: {  	_ =	swait.ge @p0 [sflag:s14], $0x1000  }
0x13f: {  	s15 =	simm.s32 @p0 $0x80;
	[sflag:s14] =	ssyncset.done @p0 $0x0  }
0x140: {  	s13 =	sadd.s32 @p0 $0xFFFFFD00, s23;
	[sflag:s14] =	ssyncadd.s32 @p0 $0xFFFFF000;
	s14 =	simm.s32 @p0 $0x2800  }
0x141: {  	[tilespmem:s14], [sflag:$0x1] =	stream.indirect.gather @p0 [hbm4b:s1+s15], $0x20, s13, s15, $0xb8;
	[tilespmem:$0x1F100] =	vst v63  }
0x142: {  	s13 =	simm.s32 @p0 $0xA  }
0x143: {  	_ =	swait.ge @p0 [sflag:s13], $0x1000  }
0x144: {  	[sflag:s13] =	ssyncset.done @p0 $0x0  }
0x145: {  	s14 =	sadd.s32 @p0 $0xFFFFFD80, s23;
	[sflag:s13] =	ssyncadd.s32 @p0 $0xFFFFF000;
	s13 =	simm.s32 @p0 $0x3800  }
0x146: {  	[tilespmem:s13], [sflag:$0x2] =	stream.indirect.gather @p0 [hbm4b:s1+s15], $0x20, s14, s15, $0xb8;
	[tilespmem:$0x1F100] =	vst v63  }
0x147: {  	s13 =	simm.s32 @p0 $0xB  }
0x148: {  	_ =	swait.ge @p0 [sflag:s13], $0x1000  }
0x149: {  	[sflag:s13] =	ssyncset.done @p0 $0x0  }
0x14a: {  	s14 =	sadd.s32 @p0 $0xFFFFFE00, s23;
	[sflag:s13] =	ssyncadd.s32 @p0 $0xFFFFF000;
	s13 =	simm.s32 @p0 $0x4800  }
0x14b: {  	[tilespmem:s13], [sflag:$0x3] =	stream.indirect.gather @p0 [hbm4b:s1+s15], $0x20, s14, s15, $0xb8;
	[tilespmem:$0x1F100] =	vst v63  }
0x14c: {  	s13 =	simm.s32 @p0 $0xC  }
0x14d: {  	_ =	swait.ge @p0 [sflag:s13], $0x1000  }
0x14e: {  	[sflag:s13] =	ssyncset.done @p0 $0x0  }
0x14f: {  	s14 =	sadd.s32 @p0 $0xFFFFFE80, s23;
	[sflag:s13] =	ssyncadd.s32 @p0 $0xFFFFF000;
	s13 =	simm.s32 @p0 $0x5800  }
0x150: {  	[tilespmem:s13], [sflag:$0x4] =	stream.indirect.gather @p0 [hbm4b:s1+s15], $0x20, s14, s15, $0xb8;
	[tilespmem:$0x1F100] =	vst v63  }
0x151: {  	s13 =	simm.s32 @p0 $0xD  }
0x152: {  	_ =	swait.ge @p0 [sflag:s13], $0x1000  }
0x153: {  	[sflag:s13] =	ssyncset.done @p0 $0x0  }
0x154: {  	s14 =	sadd.s32 @p0 $0xFFFFFF00, s23;
	[sflag:s13] =	ssyncadd.s32 @p0 $0xFFFFF000;
	s13 =	simm.s32 @p0 $0x6800  }
0x155: {  	[tilespmem:s13], [sflag:$0x5] =	stream.indirect.gather @p0 [hbm4b:s1+s15], $0x20, s14, s15, $0xb8;
	[tilespmem:$0x1F100] =	vst v63  }
0x156: {  	s13 =	simm.s32 @p0 $0xE  }
0x157: {  	_ =	swait.ge @p0 [sflag:s13], $0x1000  }
0x158: {  	[sflag:s13] =	ssyncset.done @p0 $0x0  }
0x159: {  	s14 =	sadd.s32 @p0 $0xFFFFFF80, s23;
	[sflag:s13] =	ssyncadd.s32 @p0 $0xFFFFF000;
	s13 =	simm.s32 @p0 $0x7800  }
0x15a: {  	[tilespmem:s13], [sflag:$0x6] =	stream.indirect.gather @p0 [hbm4b:s1+s15], $0x20, s14, s15, $0xb8;
	[tilespmem:$0x1F100] =	vst v63  }
0x15b: {  	s13 =	simm.s32 @p0 $0xF  }
0x15c: {  	_ =	swait.ge @p0 [sflag:s13], $0x1000  }
0x15d: {  	[sflag:s13] =	ssyncset.done @p0 $0x0  }
0x15e: {  	[sflag:s13] =	ssyncadd.s32 @p0 $0xFFFFF000;
	s13 =	simm.s32 @p0 $0x8800  }
0x15f: {  	[tilespmem:s13], [sflag:$0x7] =	stream.indirect.gather @p0 [hbm4b:s1+s15], $0x20, s23, s15, $0xb8;
	[tilespmem:$0x1F100] =	vst v63  }
0x160: {  	s13 =	simm.s32 @p0 $0x10  }
0x161: {  	_ =	swait.ge @p0 [sflag:s13], $0x1000  }
0x162: {  	s14 =	simm.s32 @!p0 $0x80;
	[sflag:s13] =	ssyncset.done @p0 $0x0  }
0x163: {  	s15 =	simm.s32 @!p0 $0x0;
	[sflag:s13] =	ssyncadd.s32 @p0 $0xFFFFF000;
	s13 =	simm.s32 @!p0 $0x2800  }
0x164: {  	[tilespmem:s13], [sflag:$0x1] =	stream.indirect.gather @!p0 [hbm4b:s1+s14], $0x20, s15, s14, $0xb8;
	[tilespmem:$0x1F100] =	vst v63  }
0x165: {  	s13 =	simm.s32 @!p0 $0x3800  }
0x166: {  	[tilespmem:s13], [sflag:$0x2] =	stream.indirect.gather @!p0 [hbm4b:s1+s14], $0x20, s14, s14, $0xb8;
	[tilespmem:$0x1F100] =	vst v63  }
0x167: {  	s15 =	simm.s32 @!p0 $0x4800;
	s13 =	simm.s32 @!p0 $0x100  }
0x168: {  	[tilespmem:s15], [sflag:$0x3] =	stream.indirect.gather @!p0 [hbm4b:s1+s14], $0x20, s13, s14, $0xb8;
	[tilespmem:$0x1F100] =	vst v63  }
0x169: {  	s13 =	simm.s32 @!p0 $0x180;
	s15 =	simm.s32 @!p0 $0x5800  }
0x16a: {  	[tilespmem:s15], [sflag:$0x4] =	stream.indirect.gather @!p0 [hbm4b:s1+s14], $0x20, s13, s14, $0xb8;
	[tilespmem:$0x1F100] =	vst v63  }
0x16b: {  	s13 =	simm.s32 @!p0 $0x200;
	s15 =	simm.s32 @!p0 $0x6800  }
0x16c: {  	[tilespmem:s15], [sflag:$0x5] =	stream.indirect.gather @!p0 [hbm4b:s1+s14], $0x20, s13, s14, $0xb8;
	[tilespmem:$0x1F100] =	vst v63  }
0x16d: {  	s13 =	simm.s32 @!p0 $0x280;
	s15 =	simm.s32 @!p0 $0x7800  }
0x16e: {  	[tilespmem:s15], [sflag:$0x6] =	stream.indirect.gather @!p0 [hbm4b:s1+s14], $0x20, s13, s14, $0xb8;
	[tilespmem:$0x1F100] =	vst v63  }
0x16f: {  	s13 =	simm.s32 @!p0 $0x300;
	s15 =	simm.s32 @!p0 $0x8800  }
0x170: {  	[tilespmem:s15], [sflag:$0x7] =	stream.indirect.gather @!p0 [hbm4b:s1+s14], $0x20, s13, s14, $0xb8;
	[tilespmem:$0x1F100] =	vst v63  }
0x171: {  	s13 =	sadd.s32 @p0 $0xFFFFFD00, s22  }
0x172: {  	s13 =	simm.s32 @!p0 $0x0  }
0x173: {  	s16 =	sor.u32 $0x380, s13  }
0x174: {  	[tilespmem:s2], [sflag:$0x8] =	stream.indirect.gather [hbm4b:s1+s31], $0x20, s16, s31, $0xb8;
	[tilespmem:$0x1F100] =	vst v63  }
0x175: {  	_ =	swait.ge [sflag:s4], $0x1000  }
0x176: {  	[sflag:s4] =	ssyncset.done $0x0  }
0x177: {  	s18 =	sadd.s32 $0x1400, s13;
	s17 =	rddreg [dreg:$0x5];
	[sflag:s4] =	ssyncadd.s32 $0xFFFFF000  }
0x178: {  	[spmem:s3] =	stream.indirect.scatter.add.f32 [tilespmem:s17], [sflag:$0x9], $0x20, s18, s31, $0xb8;
	[tilespmem:$0x1F100] =	vst v63  }
0x179: {  	s14 =	sadd.s32 @p0 $0xFFFFFD80, s22;
	_ =	swait.ge [sflag:s5], $0x1000  }
0x17a: {  	s14 =	simm.s32 @!p0 $0x80;
	[sflag:s5] =	ssyncset.done $0x0  }
0x17b: {  	s14 =	sadd.s32 $0x1400, s14;
	s19 =	rddreg [dreg:$0x6];
	[sflag:s5] =	ssyncadd.s32 $0xFFFFF000  }
0x17c: {  	[spmem:s3] =	stream.indirect.scatter.add.f32 [tilespmem:s19], [sflag:$0xA], $0x20, s14, s31, $0xb8;
	[tilespmem:$0x1F100] =	vst v63  }
0x17d: {  	s14 =	sadd.s32 @p0 $0xFFFFFE00, s22;
	_ =	swait.ge [sflag:s6], $0x1000  }
0x17e: {  	s14 =	simm.s32 @!p0 $0x100;
	[sflag:s6] =	ssyncset.done $0x0  }
0x17f: {  	s23 =	rddreg [dreg:$0x7];
	s14 =	sadd.s32 $0x1400, s14;
	[sflag:s6] =	ssyncadd.s32 $0xFFFFF000  }
0x180: {  	[spmem:s3] =	stream.indirect.scatter.add.f32 [tilespmem:s23], [sflag:$0xB], $0x20, s14, s31, $0xb8;
	[tilespmem:$0x1F100] =	vst v63  }
0x181: {  	s14 =	sadd.s32 @p0 $0xFFFFFE80, s22;
	_ =	swait.ge [sflag:s8], $0x1000  }
0x182: {  	s14 =	simm.s32 @!p0 $0x180;
	[sflag:s8] =	ssyncset.done $0x0  }
0x183: {  	s24 =	rddreg [dreg:$0x8];
	s14 =	sadd.s32 $0x1400, s14;
	[sflag:s8] =	ssyncadd.s32 $0xFFFFF000  }
0x184: {  	[spmem:s3] =	stream.indirect.scatter.add.f32 [tilespmem:s24], [sflag:$0xC], $0x20, s14, s31, $0xb8;
	[tilespmem:$0x1F100] =	vst v63  }
0x185: {  	s14 =	sadd.s32 @p0 $0xFFFFFF00, s22;
	_ =	swait.ge [sflag:s9], $0x1000  }
0x186: {  	s14 =	simm.s32 @!p0 $0x200;
	[sflag:s9] =	ssyncset.done $0x0  }
0x187: {  	s25 =	rddreg [dreg:$0x9];
	s14 =	sadd.s32 $0x1400, s14;
	[sflag:s9] =	ssyncadd.s32 $0xFFFFF000  }
0x188: {  	[spmem:s3] =	stream.indirect.scatter.add.f32 [tilespmem:s25], [sflag:$0xD], $0x20, s14, s31, $0xb8;
	[tilespmem:$0x1F100] =	vst v63  }
0x189: {  	s14 =	sadd.s32 @p0 $0xFFFFFF80, s22;
	_ =	swait.ge [sflag:s10], $0x1000  }
0x18a: {  	s14 =	simm.s32 @!p0 $0x280;
	[sflag:s10] =	ssyncset.done $0x0  }
0x18b: {  	s26 =	rddreg [dreg:$0xa];
	s14 =	sadd.s32 $0x1400, s14;
	[sflag:s10] =	ssyncadd.s32 $0xFFFFF000  }
0x18c: {  	[spmem:s3] =	stream.indirect.scatter.add.f32 [tilespmem:s26], [sflag:$0xE], $0x20, s14, s31, $0xb8;
	[tilespmem:$0x1F100] =	vst v63  }
0x18d: {  	_ =	swait.ge [sflag:s11], $0x1000  }
0x18e: {  	s22 =	simm.s32 @!p0 $0x300;
	[sflag:s11] =	ssyncset.done $0x0  }
0x18f: {  	s29 =	sadd.s32 $0x1400, s22;
	s28 =	rddreg [dreg:$0xb];
	[sflag:s11] =	ssyncadd.s32 $0xFFFFF000  }
0x190: {  	[spmem:s3] =	stream.indirect.scatter.add.f32 [tilespmem:s28], [sflag:$0xF], $0x20, s29, s31, $0xb8;
	[tilespmem:$0x1F100] =	vst v63  }
0x191: {  	_ =	swait.ge [sflag:s12], $0x1000  }
0x192: {  	[sflag:s12] =	ssyncset.done $0x0  }
0x193: {  	s13 =	sadd.s32 $0x1780, s13;
	s16 =	simm.s32 $0x9;
	[sflag:s12] =	ssyncadd.s32 $0xFFFFF000  }
0x194: {  	[spmem:s3] =	stream.indirect.scatter.add.f32 [tilespmem:s2], [sflag:$0x10], $0x20, s13, s31, $0xb8;
	[tilespmem:$0x1F100] =	vst v63  }
0x195: {  	_ =	swait.ge [sflag:s16], $0x1000  }
0x196: {  	[sflag:s16] =	ssyncset.done $0x0  }
0x197: {  	s17 =	simm.s32 $0xA;
	[sflag:s16] =	ssyncadd.s32 $0xFFFFF000  }
0x198: {  	_ =	swait.ge [sflag:s17], $0x1000  }
0x199: {  	[sflag:s17] =	ssyncset.done $0x0  }
0x19a: {  	s18 =	simm.s32 $0xB;
	[sflag:s17] =	ssyncadd.s32 $0xFFFFF000  }
0x19b: {  	_ =	swait.ge [sflag:s18], $0x1000  }
0x19c: {  	[sflag:s18] =	ssyncset.done $0x0  }
0x19d: {  	s19 =	simm.s32 $0xC;
	[sflag:s18] =	ssyncadd.s32 $0xFFFFF000  }
0x19e: {  	_ =	swait.ge [sflag:s19], $0x1000  }
0x19f: {  	[sflag:s19] =	ssyncset.done $0x0  }
0x1a0: {  	s22 =	simm.s32 $0xD;
	[sflag:s19] =	ssyncadd.s32 $0xFFFFF000  }
0x1a1: {  	_ =	swait.ge [sflag:s22], $0x1000  }
0x1a2: {  	[sflag:s22] =	ssyncset.done $0x0  }
0x1a3: {  	s23 =	simm.s32 $0xE;
	[sflag:s22] =	ssyncadd.s32 $0xFFFFF000  }
0x1a4: {  	_ =	swait.ge [sflag:s23], $0x1000  }
0x1a5: {  	[sflag:s23] =	ssyncset.done $0x0  }
0x1a6: {  	s24 =	simm.s32 $0xF;
	[sflag:s23] =	ssyncadd.s32 $0xFFFFF000  }
0x1a7: {  	_ =	swait.ge [sflag:s24], $0x1000  }
0x1a8: {  	[sflag:s24] =	ssyncset.done $0x0  }
0x1a9: {  	[sflag:s24] =	ssyncadd.s32 $0xFFFFF000  }
0x1aa: {  	_ =	swait.ge [sflag:s20], $0x1000  }
0x1ab: {  	[sflag:s20] =	ssyncset.done $0x0  }
0x1ac: {  	[sflag:s20] =	ssyncadd.s32 $0xFFFFF000  }
0x1ad: {  	[bflag:$0x0] =	sbarrier.arrive $0xFFFF  }
0x1ae: {  	s25 =	stileid.u32;
	s28 =	sld [smem:$0x7FC]  }
0x1af: {  	s13 =	sshll.u32 s25, $0x6  }
0x1b0: {  	s26 =	sshrl.u32 s7, $0x3;
	s13 =	sor.u32 $0x1C11, s13  }
0x1b1: {  	[hbm:s28], [sflag:s13] =	dma.local [spmem:s26], $0x2720  }
0x1b2: {  	_ =	swait.ge [sflag:s30], $0x2720  }
0x1b3: {  	s29 =	sld [smem:$0x7FD];
	_ =	sdelay $0x1  }
0x1b4: {  	s21 =	sadd.s32 $0x1, s21  }
0x1b5: {  	p0 =	sne.s32 s21, s29  }
.Ltmp2:
0x1b6: {  	_ = 	snop;
	(pc) =	sbr.rel @p0 .LBB2_1-.Ltmp2, $3  }
0x1b7: {  	_ =	sdelay $0x1  }
0x1b8: {  	[sflag:s30] =	ssyncset.done $0x0  }
0x1b9: {  	[sflag:s30] =	ssyncadd.s32 $0xFFFFD8E0  }
0x1ba: {  	_ =	sfence.sel $0x180000  }
0x1bb: {  	[bflag:$0x0] =	sbarrier.arrive $0xFFFF  }
0x1bc: {  	_ =	strace $0x9000004A  }
0x1bd: {  	s0 =	stileid.u32;
	[bflag:$0x2] =	sbarrier.arrive $0xFFFF  }
0x1be: {  	p0 =	sne.s32 s0, $0x0;
	s0 =	rddreg [dreg:$0x4]  }
0x1bf: {  	s0 =	sadd.s32 @!p0 $0x100000, s0  }
0x1c0: {  	[sflag:s0] =	ssyncadd.tile.s32 @!p0 $0x1;
	_ =	shalt  }
.Lfunc_end2:
_tile_overlayer_lowered:
.L_overlay_start_2:
0x1c1: {  	(tag) =	ssettag $0x2  }
0x1c2: {  	s0 =	rddreg [dreg:$0x0];
	s2 =	stileid.u32  }
0x1c3: {  	s1 =	rddreg [dreg:$0x1];
	p0 =	sne.s32 s2, $0x0  }
0x1c4: {  	s3 =	rddreg [dreg:$0x2];
	[bflag:$0x3] =	sbarrier.arrive $0xFFFF;
	s2 =	simm.s32 @!p0 $0x1C11  }
0x1c5: {  	[timem:s3], [sflag:s2] =	dma.local @!p0 [hbm:s0], s1  }
0x1c6: {  	s0 =	simm.s32 @!p0 $0x11  }
0x1c7: {  	_ =	swait.ge @!p0 [sflag:s0], s1  }
0x1c8: {  	s1 =	ssub.s32 @!p0 $0x0, s1;
	[sflag:s0] =	ssyncset.done @!p0 $0x0  }
0x1c9: {  	[sflag:s0] =	ssyncadd.s32 @!p0 s1  }
0x1ca: {  	[bflag:$0x3] =	sbarrier.arrive $0xFFFF  }
0x1cb: {  	_ =	shalt  }

// kernel: kernel.7.cloned.1.call-start
scs
__scs_entry_jumppad:
0x0: {  	(pc) =	sbr.rel $0x88, $3  }
0x1: {  	(tag) =	ssettag $0x0;
	lr =	simm.s32 $0x1  }
0x2: {  	[smem:$0x3F93] =	sst lr;
	_ =	strace $0xD0000000  }
0x3: {  	_ = 	snop  }
0x4: {  	_ = 	snop  }
0x5: {  	_ = 	snop  }
0x6: {  	_ = 	snop  }
0x7: {  	_ = 	snop  }
__scs_overlays_trampoline_lowered:
0x8: {  	[smem:$0x3FA2] =	sst s0  }
0x9: {  	[smem:$0x3FA3] =	sst s1  }
0xa: {  	[smem:$0x3FA4] =	sst s2  }
0xb: {  	[smem:$0x3FA5] =	sst s3  }
0xc: {  	[smem:$0x3FA6] =	sst s4  }
0xd: {  	[smem:$0x3FA7] =	sst s5  }
0xe: {  	[smem:$0x3FA8] =	sst s6  }
0xf: {  	[smem:$0x3FA9] =	sst s7  }
0x10: {  	[smem:$0x3FAA] =	sst s8  }
0x11: {  	[smem:$0x3FAB] =	sst s9;
	s0 =	simm.s32 @!p0 $0x0  }
0x12: {  	s1 =	sld [smem:$0x3F91];
	s0 =	simm.s32 @p0 $0x1  }
0x13: {  	[smem:$0x3FAC] =	sst s0;
	s0 =	simm.s32 @!p1 $0x0  }
0x14: {  	s2 =	sld [smem:$0x3F90];
	s0 =	simm.s32 @p1 $0x1  }
0x15: {  	[smem:$0x3FAD] =	sst s0;
	s0 =	simm.s32 @!p2 $0x0  }
0x16: {  	s3 =	sld [smem:$0x3FDB];
	s0 =	simm.s32 @p2 $0x1  }
0x17: {  	s4 =	simm.s32 $0x1BF5;
	[smem:$0x3FAF] =	sst s0  }
0x18: {  	s0 =	sld [smem:$0x3F92];
	_ =	swait.ge [sflag:s4], $0x0  }
0x19: {  	s7 =	sld [smem:$0x3F93]  }
0x1a: {  	s8 =	sadd.s32 $0xFFFFE003, lr  }
0x1b: {  	s9 =	sadd.s32 $0xFFFFFEF7, lr;
	s5 =	simm.s32 $0xFFFFFFFF;
	p2 =	slt.u32 s8, $0xFFFFF086  }
0x1c: {  	p1 =	slt.u32 s9, $0xF7A;
	s5 =	simm.s32 @!p2 $0x0  }
0x1d: {  	s5 =	simm.s32 @p1 $0x1;
	p0 =	seq.s32 s7, s2  }
0x1e: {  	s7 =	smul.u32 @!p0 $0xF7A, s2;
	p2 =	seq.s32 @!p0 s5, $0x0  }
0x1f: {  	s9 =	smul.u32 $0xF7A, s1;
	s8 =	simm.s32 @!p0 $0x1BF5;
	p2 =	por !p2, p0  }
0x20: {  	[sflag:s8] =	ssyncset.s32 @!p0 $0xFFFFF086;
	s6 =	sadd.s32 @!p0 s3, s7;
	s7 =	simm.s32 @!p0 $0x108  }
0x21: {  	s3 =	sadd.s32 s3, s9;
	s6 =	sadd.s32 @!p0 $0x88, s6;
	s7 =	simm.s32 @p2 $0x1082  }
0x22: {  	[simem:s7], [sflag:s8] =	dma.local @!p0 [hbm:s6], $0xF7A  }
0x23: {  	s9 =	sor.u32 $0xD0000000, s2;
	s6 =	simm.s32 $0x108;
	_ =	swait.ge @!p0 [sflag:s8], $0x0  }
0x24: {  	s3 =	sadd.s32 $0x88, s3;
	s6 =	simm.s32 @!p1 $0x1082;
	[sflag:s4] =	ssyncset.s32 $0xFFFFF086  }
0x25: {  	[simem:s6], [sflag:s4] =	dma.local [hbm:s3], $0xF7A  }
0x26: {  	[smem:$0x3F93] =	sst s1;
	(tag) =	ssettag s2;
	_ =	strace s9  }
0x27: {  	s1 =	sld [smem:$0x3FA3]  }
0x28: {  	s2 =	sld [smem:$0x3FA4]  }
0x29: {  	s4 =	sld [smem:$0x3FA6]  }
0x2a: {  	p0 =	seq.s32 s5, $0x0;
	s5 =	sld [smem:$0x3FA7]  }
0x2b: {  	s6 =	sld [smem:$0x3FA8]  }
0x2c: {  	s7 =	sld [smem:$0x3FA9]  }
0x2d: {  	s3 =	simm.s32 $0x108;
	s8 =	sld [smem:$0x3FAA]  }
0x2e: {  	s3 =	simm.s32 @!p0 $0x1082;
	s9 =	sld [smem:$0x3FAB]  }
0x2f: {  	lr =	sadd.s32 s0, s3;
	s0 =	sld [smem:$0x3FA2]  }
0x30: {  	s3 =	sld [smem:$0x3FA5]  }
0x31: {  	[smem:$0x3FAE] =	sst s10  }
0x32: {  	s10 =	sld [smem:$0x3FAC];
	_ =	sdelay $0x3  }
0x33: {  	p0 =	seq.s32 s10, $0x1;
	s10 =	sld [smem:$0x3FAE];
	_ =	sdelay $0x3  }
0x34: {  	[smem:$0x3FAE] =	sst s10  }
0x35: {  	s10 =	sld [smem:$0x3FAD];
	_ =	sdelay $0x3  }
0x36: {  	p1 =	seq.s32 s10, $0x1;
	s10 =	sld [smem:$0x3FAE];
	_ =	sdelay $0x3  }
0x37: {  	[smem:$0x3FAE] =	sst s10  }
0x38: {  	s10 =	sld [smem:$0x3FAF]  }
0x39: {  	_ = 	snop;
	(pc) =	sbr.ind lr, $3  }
0x3a: {  	_ = 	snop  }
0x3b: {  	_ = 	snop  }
0x3c: {  	p2 =	seq.s32 s10, $0x1;
	s10 =	sld [smem:$0x3FAE]  }
0x3d: {  	_ =	shalt  }
0x3e: {  	_ =	shalt  }
0x3f: {  	_ =	shalt  }
0x40: {  	_ =	shalt  }
0x41: {  	_ =	shalt  }
0x42: {  	_ =	shalt  }
0x43: {  	_ =	shalt  }
0x44: {  	_ =	shalt  }
0x45: {  	_ =	shalt  }
0x46: {  	_ =	shalt  }
0x47: {  	_ =	shalt  }
0x48: {  	_ =	shalt  }
0x49: {  	_ =	shalt  }
0x4a: {  	_ =	shalt  }
0x4b: {  	_ =	shalt  }
0x4c: {  	_ =	shalt  }
0x4d: {  	_ =	shalt  }
0x4e: {  	_ =	shalt  }
0x4f: {  	_ =	shalt  }
0x50: {  	_ =	shalt  }
0x51: {  	_ =	shalt  }
0x52: {  	_ =	shalt  }
0x53: {  	_ =	shalt  }
0x54: {  	_ =	shalt  }
0x55: {  	_ =	shalt  }
0x56: {  	_ =	shalt  }
0x57: {  	_ =	shalt  }
0x58: {  	_ =	shalt  }
0x59: {  	_ =	shalt  }
0x5a: {  	_ =	shalt  }
0x5b: {  	_ =	shalt  }
0x5c: {  	_ =	shalt  }
0x5d: {  	_ =	shalt  }
0x5e: {  	_ =	shalt  }
0x5f: {  	_ =	shalt  }
0x60: {  	_ =	shalt  }
0x61: {  	_ =	shalt  }
0x62: {  	_ =	shalt  }
0x63: {  	_ =	shalt  }
0x64: {  	_ =	shalt  }
0x65: {  	_ =	shalt  }
0x66: {  	_ =	shalt  }
0x67: {  	_ =	shalt  }
0x68: {  	_ =	shalt  }
0x69: {  	_ =	shalt  }
0x6a: {  	_ =	shalt  }
0x6b: {  	_ =	shalt  }
0x6c: {  	_ =	shalt  }
0x6d: {  	_ =	shalt  }
0x6e: {  	_ =	shalt  }
0x6f: {  	_ =	shalt  }
0x70: {  	_ =	shalt  }
0x71: {  	_ =	shalt  }
0x72: {  	_ =	shalt  }
0x73: {  	_ =	shalt  }
0x74: {  	_ =	shalt  }
0x75: {  	_ =	shalt  }
0x76: {  	_ =	shalt  }
0x77: {  	_ =	shalt  }
0x78: {  	_ =	shalt  }
0x79: {  	_ =	shalt  }
0x7a: {  	_ =	shalt  }
0x7b: {  	_ =	shalt  }
0x7c: {  	_ =	shalt  }
0x7d: {  	_ =	shalt  }
0x7e: {  	_ =	shalt  }
0x7f: {  	_ =	shalt  }
0x80: {  	_ =	shalt  }
0x81: {  	_ =	shalt  }
0x82: {  	_ =	shalt  }
0x83: {  	_ =	shalt  }
0x84: {  	_ =	shalt  }
0x85: {  	_ =	shalt  }
0x86: {  	_ =	shalt  }
0x87: {  	_ =	shalt  }
.Lfunc_end0:
.L_simem_size_0:
called_computation_lowered:
.L_overlay_start_0:
0x88: {  	s2 =	sld [smem:$0x3FD9]  }
0x89: {  	s3 =	sld [smem:$0x3FFE];
	_ =	sdelay $0x1  }
0x8a: {  	s1 =	srdreg.scid  }
0x8b: {  	s0 =	sand.u32 $0x1, s1  }
0x8c: {  	s14 =	sshll.u32 s0, $0xA;
	s2 =	sadd.s32 s3, s2  }
0x8d: {  	s2 =	sadd.s32 s2, s14  }
0x8e: {  	[smem:$0x3FBA] =	sst s2  }
0x8f: {  	_ = 	snop  }
0x90: {  	s2 =	sld [smem:$0x3FD0];
	_ =	sdelay $0x2  }
0x91: {  	s15 =	simm.s32 $0xA;
	s4 =	simm.s32 $0x10  }
0x92: {  	[smem:s4], [sflag:s15] =	dma.local [hbm:s2], $0x1  }
0x93: {  	_ =	swait.eq [sflag:s15], $0x1  }
0x94: {  	[sflag:s15] =	ssyncset.done $0x0  }
0x95: {  	s16 =	sld [smem:$0x10];
	[sflag:s15] =	ssyncadd.s32 $0xFFFFFFFF  }
0x96: {  	s17 =	sld [smem:$0x11];
	(tm) =	ssettm $0x1  }
0x97: {  	s18 =	sld [smem:$0x3FFB];
	_ =	sdelay $0x3  }
0x98: {  	_ =	strace s18  }
0x99: {  	s4 =	sld [smem:$0x3FFC];
	_ =	sdelay $0x3  }
0x9a: {  	_ =	strace s4  }
0x9b: {  	s4 =	sld [smem:$0x3FFD];
	_ =	sdelay $0x3  }
0x9c: {  	_ =	strace s4  }
0x9d: {  	_ =	strace $0x8FFFFFFF  }
0x9e: {  	s19 =	sld [smem:$0x3FDB];
	_ =	sdelay $0x1  }
0x9f: {  	s5 =	simm.s32 $_scs_section_size  }
0xa0: {  	s6 =	simm.s32 $_size__tile_overlayer_lowered;
	s7 =	simm.s32 $_tile_overlayer_lowered  }
0xa1: {  	s22 =	simm.s32 $0x1BFF;
	s21 =	sshll.u32 s7, $0x1;
	s4 =	sadd.s32 s5, s19  }
0xa2: {  	s8 =	simm.s32 $0x0;
	s20 =	sshll.u32 s6, $0x1;
	s6 =	sadd.s32 s21, s4  }
0xa3: {  	[timem:s8], [sflag:s22] =	dma.local [hbm:s6], s20  }
0xa4: {  	_ =	swait.ge [sflag:s22], s20  }
0xa5: {  	s5 =	ssub.s32 $0x0, s20;
	[sflag:s22] =	ssyncset.done $0x0  }
0xa6: {  	[sflag:s22] =	ssyncadd.s32 s5;
	_ =	sdelay $0x1  }
0xa7: {  	s23 =	simm.s32 $0x1B8B  }
0xa8: {  	_ =	swait.ge [sflag:s23], $0x1  }
0xa9: {  	[sflag:s23] =	ssyncset.done $0x0  }
0xaa: {  	s25 =	simm.s32 $0x1B8E;
	s24 =	sld [smem:$0x3FFE];
	[sflag:s23] =	ssyncadd.s32 $0xFFFFFFFF  }
0xab: {  	s26 =	simm.s32 $execute0_lowered;
	[smem:$0x3FD2] =	sst s25  }
0xac: {  	s6 =	sshll.u32 s26, $0x1;
	_ =	strace $0x80000046;
	[dreg:$0x1] =	wrdreg $0xFFFFFFFF  }
0xad: {  	s28 =	simm.s32 $_size_execute0_lowered;
	s4 =	sadd.s32 s4, s6;
	[dreg:$0x0] =	wrdreg $0x0  }
0xae: {  	s6 =	sshll.u32 s28, $0x1;
	[dreg:$0x2] =	wrdreg s4  }
0xaf: {  	[dreg:$0x3] =	wrdreg s6  }
0xb0: {  	[dreg:$0x4] =	wrdreg $0xC0  }
0xb1: {  	_ =	task [dreg:s8], $0x5FFFF  }
0xb2: {  	[dreg:$0x1] =	wrdreg $0xFFFFFFFF  }
0xb3: {  	[dreg:$0x0] =	wrdreg $0x60  }
0xb4: {  	[dreg:$0x2] =	wrdreg s17  }
0xb5: {  	[dreg:$0x3] =	wrdreg s16  }
0xb6: {  	[dreg:$0x4] =	wrdreg s24  }
0xb7: {  	[dreg:$0x5] =	wrdreg $0xB8000  }
0xb8: {  	[dreg:$0x6] =	wrdreg $0x9  }
0xb9: {  	_ =	task.clear_ibuf [dreg:s8], $0x7FFFF;
	_ =	strace $0x90000046  }
0xba: {  	s29 =	simm.s32 $0x9;
	_ =	strace $0x80000048  }
0xbb: {  	_ =	swait.ge [sflag:s29], $0x1  }
0xbc: {  	[sflag:s29] =	ssyncadd.s32 $0xFFFFFFFF  }
0xbd: {  	_ =	strace $0x90000048  }
0xbe: {  	_ =	sfence  }
0xbf: {  	s30 =	sld [smem:$0x0];
	_ =	sdelay $0x2  }
0xc0: {  	s31 =	sshll.u32 s1, $0xD;
	s1 =	sshrl.u32 s1, $0x2  }
0xc1: {  	s3 =	sand.u32 $0x4000, s31;
	s1 =	sadd.s32 s1, s30  }
0xc2: {  	s0 =	sor.u32 s3, s0;
	s1 =	sshll.u32 s1, $0x11  }
0xc3: {  	s0 =	sor.u32 s1, s0  }
0xc4: {  	s0 =	sadd.s32 $0x8F2B, s0  }
0xc5: {  	[sflag:s0] =	ssyncadd.remote.s32 $0x1  }
0xc6: {  	_ =	sfence.sel $0xFFFF  }
0xc7: {  	[dreg:$0x0] =	wrdreg $0xFFFFFFFF;
	(pc) =	sbr.abs _section_cstart, $3  }
0xc8: {  	[dreg:$0x1] =	wrdreg $0xFFFFFFFF  }
0xc9: {  	_ =	task.clear_ibuf [dreg:s8], $0x2FFFF;
	_ =	strace $0x9FFFFFFF  }
0xca: {  	(tm) =	ssettm $0x7FFFFFFF  }
0xcb: {  	_ =	shalt  }
tec
execute0_lowered:
.L_overlay_start_1:
0x0: {  	(tag) =	ssettag $0x1  }
0x1: {  	s1 =	rddreg [dreg:$0x0]  }
0x2: {  	s0 =	rddreg [dreg:$0x1]  }
0x3: {  	s2 =	rddreg [dreg:$0x2]  }
0x4: {  	s3 =	rddreg [dreg:$0x3]  }
0x5: {  	s4 =	srdreg.scid;
	s8 =	stileid.u32  }
0x6: {  	s9 =	simm.s32 $0x0;
	s10 =	simm.s32 $0x2800;
	s12 =	simm.s32 $0x3800  }
0x7: {  	s14 =	simm.s32 $0x4800;
	s4 =	sand.u32 $0x1, s4;
	[smem:$0x7FF] =	sst s9  }
0x8: {  	s6 =	sshll.u32 s8, $0x1;
	_ =	strace $0x80000047;
	[dreg:$0x5] =	wrdreg s10  }
0x9: {  	s5 =	smul.u32 $0x13900, s8;
	s6 =	sor.u32 s4, s6;
	[dreg:$0x6] =	wrdreg s12  }
0xa: {  	s16 =	simm.s32 $0x5800;
	[dreg:$0x7] =	wrdreg s14;
	s6 =	smul.u32 $0x280, s6  }
0xb: {  	s18 =	simm.s32 $0x6800;
	s8 =	smul.u32 $0x4E400, s8;
	[dreg:$0x8] =	wrdreg s16  }
0xc: {  	[dreg:$0x9] =	wrdreg s18;
	s20 =	sadd.s32 s6, s2;
	s0 =	sadd.s32 s0, s6  }
0xd: {  	[dreg:$0xc] =	wrdreg s0;
	s23 =	sadd.s32 $0x4FC00, s20  }
0xe: {  	s22 =	sshrl.u32 s8, $0x2;
	s20 =	simm.s32 $0x7800;
	[dreg:$0xd] =	wrdreg s23  }
0xf: {  	s0 =	sadd.s32 s22, s3;
	s22 =	simm.s32 $0x8800;
	[dreg:$0xa] =	wrdreg s20  }
0x10: {  	s24 =	sadd.s32 $0x1000, s0;
	[dreg:$0xb] =	wrdreg s22  }
0x11: {  	s30 =	simm.s32 $0x11;
	s25 =	sadd.s32 $0x2000, s0;
	[dreg:$0xe] =	wrdreg s24  }
0x12: {  	s31 =	simm.s32 $0x80;
	s26 =	sadd.s32 $0x3000, s0;
	[dreg:$0xf] =	wrdreg s25  }
0x13: {  	s7 =	smul.u32 $0x139000, s4;
	s28 =	sadd.s32 $0x4000, s0;
	[dreg:$0x10] =	wrdreg s26  }
0x14: {  	s4 =	ssub.s32 $0x2, s4;
	s29 =	sadd.s32 $0x5000, s0;
	[dreg:$0x11] =	wrdreg s28  }
0x15: {  	s10 =	simm.s32 $0x6;
	s6 =	sadd.s32 $0x6000, s0;
	[dreg:$0x12] =	wrdreg s29  }
0x16: {  	s12 =	simm.s32 $0x8;
	s8 =	sadd.s32 $0x7000, s0;
	[dreg:$0x13] =	wrdreg s6  }
0x17: {  	s21 =	sshrl.u32 s4, $0x1;
	s9 =	sadd.s32 $0x8000, s0;
	[dreg:$0x14] =	wrdreg s8  }
0x18: {  	s7 =	sadd.s32 s5, s7;
	s11 =	sadd.s32 $0x9000, s0;
	[dreg:$0x15] =	wrdreg s9  }
0x19: {  	s4 =	ssub.s32 s4, s21;
	s13 =	sadd.s32 $0xA000, s0;
	[dreg:$0x16] =	wrdreg s11  }
0x1a: {  	s7 =	sshrl.u32 s7, $0x3;
	s15 =	sadd.s32 $0xB000, s0;
	[dreg:$0x17] =	wrdreg s13  }
0x1b: {  	s2 =	sadd.s32 s7, s2;
	s17 =	sadd.s32 $0xC000, s0;
	[dreg:$0x18] =	wrdreg s15  }
0x1c: {  	s7 =	sadd.s32 s5, s3;
	s19 =	sadd.s32 $0xD000, s0;
	[dreg:$0x19] =	wrdreg s17  }
0x1d: {  	s5 =	simm.s32 $0x2;
	s21 =	sadd.s32 $0xE000, s0;
	[dreg:$0x1a] =	wrdreg s19  }
0x1e: {  	s23 =	sadd.s32 $0xF000, s0;
	s20 =	simm.s32 $0x10;
	[dreg:$0x1b] =	wrdreg s21  }
0x1f: {  	[dreg:$0x1c] =	wrdreg s23;
	s24 =	sadd.s32 $0x10000, s0;
	s25 =	sadd.s32 $0x11000, s0  }
0x20: {  	s26 =	sadd.s32 $0x12000, s0;
	s0 =	sadd.s32 $0x13000, s0;
	[dreg:$0x1d] =	wrdreg s24  }
0x21: {  	s28 =	sadd.s32 $0x54C00, s2;
	s29 =	smax.u32 s4, $0x1;
	[dreg:$0x1e] =	wrdreg s25  }
0x22: {  	s2 =	simm.s32 $0x9800;
	s4 =	simm.s32 $0x1;
	[dreg:$0x1f] =	wrdreg s26  }
0x23: {  	s6 =	simm.s32 $0x3;
	s8 =	simm.s32 $0x4;
	[smem:$0x7FB] =	sst s0  }
0x24: {  	s9 =	simm.s32 $0x5;
	s11 =	simm.s32 $0x7;
	[smem:$0x7FC] =	sst s28  }
0x25: {  	v0 =	vimm.f32 $0.0e+00;
	s21 =	simm.s32 $0x0;
	[smem:$0x7FD] =	sst s29;
	s0 =	simm.s32 $0xA800  }
.LBB2_1:
0x26: {  	s13 =	simm.s32 $0x0;
	s14 =	rddreg [dreg:$0xc]  }
0x27: {  	[tilespmem:s13], [sflag:$0x11] =	stream.linear.gather [hbm4b:s14+s13], $0x1400, $0x38;
	[tilespmem:$0x1F100] =	vst v63  }
0x28: {  	_ =	swait.ge [sflag:s30], $0x1400  }
0x29: {  	[sflag:s30] =	ssyncset.done $0x0  }
0x2a: {  	s15 =	simm.s32 $0x1400;
	s29 =	rddreg [dreg:$0xd];
	[sflag:s30] =	ssyncadd.s32 $0xFFFFEC00  }
0x2b: {  	[tilespmem:s15], [sflag:$0x11] =	stream.linear.gather [hbm4b:s29+s13], $0x1400, $0x38;
	[tilespmem:$0x1F100] =	vst v63  }
0x2c: {  	_ =	swait.ge [sflag:s30], $0x1400  }
0x2d: {  	[sflag:s30] =	ssyncset.done $0x0  }
0x2e: {  	s13 =	simm.s32 $0xA880;
	[sflag:s30] =	ssyncadd.s32 $0xFFFFEC00  }
0x2f: {  	[tilespmem:s13+$0xFFFFFF80] =	vst v0  }
0x30: {  	[tilespmem:s13+$0x70] =	vst v0  }
0x31: {  	[tilespmem:s13+$0x60] =	vst v0  }
0x32: {  	[tilespmem:s13+$0x50] =	vst v0  }
0x33: {  	[tilespmem:s13+$0x40] =	vst v0  }
0x34: {  	[tilespmem:s13+$0x30] =	vst v0  }
0x35: {  	[tilespmem:s13+$0x20] =	vst v0  }
0x36: {  	[tilespmem:s13+$0x10] =	vst v0  }
0x37: {  	[tilespmem:s13+$0x0] =	vst v0  }
0x38: {  	[tilespmem:s13+$0xFFFFFFF0] =	vst v0  }
0x39: {  	[tilespmem:s13+$0xFFFFFFE0] =	vst v0  }
0x3a: {  	[tilespmem:s13+$0xFFFFFFD0] =	vst v0  }
0x3b: {  	[tilespmem:s13+$0xFFFFFFC0] =	vst v0  }
0x3c: {  	[tilespmem:s13+$0xFFFFFFB0] =	vst v0  }
0x3d: {  	s14 =	simm.s32 $0x0;
	[tilespmem:s13+$0xFFFFFFA0] =	vst v0  }
.LBB2_2:
0x3e: {  	s14 =	sadd.s32 $0x8, s14;
	[tilespmem:s13+$0xFFFFFF90] =	vst v0;
	s13 =	sadd.s32 $0x100, s13  }
0x3f: {  	[tilespmem:s13+$0xFFFFFF80] =	vst v0;
	p0 =	slt.u32 s14, $0x78  }
0x40: {  	[tilespmem:s13+$0x70] =	vst v0  }
0x41: {  	[tilespmem:s13+$0x60] =	vst v0  }
0x42: {  	[tilespmem:s13+$0x50] =	vst v0  }
0x43: {  	[tilespmem:s13+$0x40] =	vst v0  }
0x44: {  	[tilespmem:s13+$0x30] =	vst v0  }
0x45: {  	[tilespmem:s13+$0x20] =	vst v0  }
0x46: {  	[tilespmem:s13+$0x10] =	vst v0  }
0x47: {  	[tilespmem:s13+$0x0] =	vst v0  }
0x48: {  	[tilespmem:s13+$0xFFFFFFF0] =	vst v0  }
.Ltmp0:
0x49: {  	[tilespmem:s13+$0xFFFFFFE0] =	vst v0;
	(pc) =	sbr.rel @p0 .LBB2_2-.Ltmp0, $4  }
0x4a: {  	[tilespmem:s13+$0xFFFFFFD0] =	vst v0  }
0x4b: {  	[tilespmem:s13+$0xFFFFFFC0] =	vst v0  }
0x4c: {  	[tilespmem:s13+$0xFFFFFFB0] =	vst v0  }
0x4d: {  	[tilespmem:s13+$0xFFFFFFA0] =	vst v0  }
0x4e: {  	[tilespmem:s13+$0xFFFFFF90] =	vst v0  }
0x4f: {  	[spmem:s7] =	stream.linear.scatter [tilespmem:s0], [sflag:$0x11], $0x1000, $0x38;
	[tilespmem:$0x1F100] =	vst v63  }
0x50: {  	_ =	swait.ge [sflag:s30], $0x1000  }
0x51: {  	[sflag:s30] =	ssyncset.done $0x0  }
0x52: {  	s28 =	rddreg [dreg:$0xe];
	[sflag:s30] =	ssyncadd.s32 $0xFFFFF000  }
0x53: {  	[spmem:s28] =	stream.linear.scatter [tilespmem:s0], [sflag:$0x11], $0x1000, $0x38;
	[tilespmem:$0x1F100] =	vst v63  }
0x54: {  	_ =	swait.ge [sflag:s30], $0x1000  }
0x55: {  	[sflag:s30] =	ssyncset.done $0x0  }
0x56: {  	s29 =	rddreg [dreg:$0xf];
	[sflag:s30] =	ssyncadd.s32 $0xFFFFF000  }
0x57: {  	[spmem:s29] =	stream.linear.scatter [tilespmem:s0], [sflag:$0x11], $0x1000, $0x38;
	[tilespmem:$0x1F100] =	vst v63  }
0x58: {  	_ =	swait.ge [sflag:s30], $0x1000  }
0x59: {  	[sflag:s30] =	ssyncset.done $0x0  }
0x5a: {  	s14 =	rddreg [dreg:$0x10];
	[sflag:s30] =	ssyncadd.s32 $0xFFFFF000  }
0x5b: {  	[spmem:s14] =	stream.linear.scatter [tilespmem:s0], [sflag:$0x11], $0x1000, $0x38;
	[tilespmem:$0x1F100] =	vst v63  }
0x5c: {  	_ =	swait.ge [sflag:s30], $0x1000  }
0x5d: {  	[sflag:s30] =	ssyncset.done $0x0  }
0x5e: {  	s15 =	rddreg [dreg:$0x11];
	[sflag:s30] =	ssyncadd.s32 $0xFFFFF000  }
0x5f: {  	[spmem:s15] =	stream.linear.scatter [tilespmem:s0], [sflag:$0x11], $0x1000, $0x38;
	[tilespmem:$0x1F100] =	vst v63  }
0x60: {  	_ =	swait.ge [sflag:s30], $0x1000  }
0x61: {  	[sflag:s30] =	ssyncset.done $0x0  }
0x62: {  	s16 =	rddreg [dreg:$0x12];
	[sflag:s30] =	ssyncadd.s32 $0xFFFFF000  }
0x63: {  	[spmem:s16] =	stream.linear.scatter [tilespmem:s0], [sflag:$0x11], $0x1000, $0x38;
	[tilespmem:$0x1F100] =	vst v63  }
0x64: {  	_ =	swait.ge [sflag:s30], $0x1000  }
0x65: {  	[sflag:s30] =	ssyncset.done $0x0  }
0x66: {  	s17 =	rddreg [dreg:$0x13];
	[sflag:s30] =	ssyncadd.s32 $0xFFFFF000  }
0x67: {  	[spmem:s17] =	stream.linear.scatter [tilespmem:s0], [sflag:$0x11], $0x1000, $0x38;
	[tilespmem:$0x1F100] =	vst v63  }
0x68: {  	_ =	swait.ge [sflag:s30], $0x1000  }
0x69: {  	[sflag:s30] =	ssyncset.done $0x0  }
0x6a: {  	s18 =	rddreg [dreg:$0x14];
	[sflag:s30] =	ssyncadd.s32 $0xFFFFF000  }
0x6b: {  	[spmem:s18] =	stream.linear.scatter [tilespmem:s0], [sflag:$0x11], $0x1000, $0x38;
	[tilespmem:$0x1F100] =	vst v63  }
0x6c: {  	_ =	swait.ge [sflag:s30], $0x1000  }
0x6d: {  	[sflag:s30] =	ssyncset.done $0x0  }
0x6e: {  	s19 =	rddreg [dreg:$0x15];
	[sflag:s30] =	ssyncadd.s32 $0xFFFFF000  }
0x6f: {  	[spmem:s19] =	stream.linear.scatter [tilespmem:s0], [sflag:$0x11], $0x1000, $0x38;
	[tilespmem:$0x1F100] =	vst v63  }
0x70: {  	_ =	swait.ge [sflag:s30], $0x1000  }
0x71: {  	[sflag:s30] =	ssyncset.done $0x0  }
0x72: {  	s22 =	rddreg [dreg:$0x16];
	[sflag:s30] =	ssyncadd.s32 $0xFFFFF000  }
0x73: {  	[spmem:s22] =	stream.linear.scatter [tilespmem:s0], [sflag:$0x11], $0x1000, $0x38;
	[tilespmem:$0x1F100] =	vst v63  }
0x74: {  	_ =	swait.ge [sflag:s30], $0x1000  }
0x75: {  	[sflag:s30] =	ssyncset.done $0x0  }
0x76: {  	s23 =	rddreg [dreg:$0x17];
	[sflag:s30] =	ssyncadd.s32 $0xFFFFF000  }
0x77: {  	[spmem:s23] =	stream.linear.scatter [tilespmem:s0], [sflag:$0x11], $0x1000, $0x38;
	[tilespmem:$0x1F100] =	vst v63  }
0x78: {  	_ =	swait.ge [sflag:s30], $0x1000  }
0x79: {  	[sflag:s30] =	ssyncset.done $0x0  }
0x7a: {  	s24 =	rddreg [dreg:$0x18];
	[sflag:s30] =	ssyncadd.s32 $0xFFFFF000  }
0x7b: {  	[spmem:s24] =	stream.linear.scatter [tilespmem:s0], [sflag:$0x11], $0x1000, $0x38;
	[tilespmem:$0x1F100] =	vst v63  }
0x7c: {  	_ =	swait.ge [sflag:s30], $0x1000  }
0x7d: {  	[sflag:s30] =	ssyncset.done $0x0  }
0x7e: {  	s25 =	rddreg [dreg:$0x19];
	[sflag:s30] =	ssyncadd.s32 $0xFFFFF000  }
0x7f: {  	[spmem:s25] =	stream.linear.scatter [tilespmem:s0], [sflag:$0x11], $0x1000, $0x38;
	[tilespmem:$0x1F100] =	vst v63  }
0x80: {  	_ =	swait.ge [sflag:s30], $0x1000  }
0x81: {  	[sflag:s30] =	ssyncset.done $0x0  }
0x82: {  	s26 =	rddreg [dreg:$0x1a];
	[sflag:s30] =	ssyncadd.s32 $0xFFFFF000  }
0x83: {  	[spmem:s26] =	stream.linear.scatter [tilespmem:s0], [sflag:$0x11], $0x1000, $0x38;
	[tilespmem:$0x1F100] =	vst v63  }
0x84: {  	_ =	swait.ge [sflag:s30], $0x1000  }
0x85: {  	[sflag:s30] =	ssyncset.done $0x0  }
0x86: {  	s28 =	rddreg [dreg:$0x1b];
	[sflag:s30] =	ssyncadd.s32 $0xFFFFF000  }
0x87: {  	[spmem:s28] =	stream.linear.scatter [tilespmem:s0], [sflag:$0x11], $0x1000, $0x38;
	[tilespmem:$0x1F100] =	vst v63  }
0x88: {  	_ =	swait.ge [sflag:s30], $0x1000  }
0x89: {  	[sflag:s30] =	ssyncset.done $0x0  }
0x8a: {  	s29 =	rddreg [dreg:$0x1c];
	[sflag:s30] =	ssyncadd.s32 $0xFFFFF000  }
0x8b: {  	[spmem:s29] =	stream.linear.scatter [tilespmem:s0], [sflag:$0x11], $0x1000, $0x38;
	[tilespmem:$0x1F100] =	vst v63  }
0x8c: {  	_ =	swait.ge [sflag:s30], $0x1000  }
0x8d: {  	[sflag:s30] =	ssyncset.done $0x0  }
0x8e: {  	s14 =	rddreg [dreg:$0x1d];
	[sflag:s30] =	ssyncadd.s32 $0xFFFFF000  }
0x8f: {  	[spmem:s14] =	stream.linear.scatter [tilespmem:s0], [sflag:$0x11], $0x1000, $0x38;
	[tilespmem:$0x1F100] =	vst v63  }
0x90: {  	_ =	swait.ge [sflag:s30], $0x1000  }
0x91: {  	[sflag:s30] =	ssyncset.done $0x0  }
0x92: {  	s15 =	rddreg [dreg:$0x1e];
	[sflag:s30] =	ssyncadd.s32 $0xFFFFF000  }
0x93: {  	[spmem:s15] =	stream.linear.scatter [tilespmem:s0], [sflag:$0x11], $0x1000, $0x38;
	[tilespmem:$0x1F100] =	vst v63  }
0x94: {  	_ =	swait.ge [sflag:s30], $0x1000  }
0x95: {  	[sflag:s30] =	ssyncset.done $0x0  }
0x96: {  	s16 =	rddreg [dreg:$0x1f];
	[sflag:s30] =	ssyncadd.s32 $0xFFFFF000  }
0x97: {  	[spmem:s16] =	stream.linear.scatter [tilespmem:s0], [sflag:$0x11], $0x1000, $0x38;
	[tilespmem:$0x1F100] =	vst v63  }
0x98: {  	_ =	swait.ge [sflag:s30], $0x1000  }
0x99: {  	s17 =	sld [smem:$0x7FB]  }
0x9a: {  	[sflag:s30] =	ssyncset.done $0x0  }
0x9b: {  	[sflag:s30] =	ssyncadd.s32 $0xFFFFF000  }
0x9c: {  	[spmem:s17] =	stream.linear.scatter [tilespmem:s0], [sflag:$0x11], $0x900, $0x38;
	[tilespmem:$0x1F100] =	vst v63  }
0x9d: {  	_ =	swait.ge [sflag:s30], $0x900  }
0x9e: {  	[sflag:s30] =	ssyncset.done $0x0  }
0x9f: {  	p0 =	por $0x0, $0x0;
	[sflag:s30] =	ssyncadd.s32 $0xFFFFF700  }
0xa0: {  	s13 =	simm.s32 @p0 $0x9;
	[bflag:$0x0] =	sbarrier.arrive $0xFFFF  }
0xa1: {  	_ =	swait.ge @p0 [sflag:s13], $0x1000  }
0xa2: {  	s14 =	simm.s32 @p0 $0x0;
	s15 =	simm.s32 @p0 $0x80;
	[sflag:s13] =	ssyncset.done @p0 $0x0  }
0xa3: {  	s16 =	simm.s32 @p0 $0xA;
	[sflag:s13] =	ssyncadd.s32 @p0 $0xFFFFF000;
	s13 =	simm.s32 @p0 $0x2800  }
0xa4: {  	[tilespmem:s13], [sflag:$0x1] =	stream.indirect.gather @p0 [hbm4b:s1+s15], $0x20, s14, s15, $0xb8;
	[tilespmem:$0x1F100] =	vst v63  }
0xa5: {  	_ =	swait.ge @p0 [sflag:s16], $0x1000  }
0xa6: {  	s13 =	simm.s32 @p0 $0x80;
	[sflag:s16] =	ssyncset.done @p0 $0x0  }
0xa7: {  	s14 =	simm.s32 @p0 $0x3800;
	[sflag:s16] =	ssyncadd.s32 @p0 $0xFFFFF000;
	s16 =	simm.s32 @p0 $0xB  }
0xa8: {  	[tilespmem:s14], [sflag:$0x2] =	stream.indirect.gather @p0 [hbm4b:s1+s15], $0x20, s13, s15, $0xb8;
	[tilespmem:$0x1F100] =	vst v63  }
0xa9: {  	_ =	swait.ge @p0 [sflag:s16], $0x1000  }
0xaa: {  	s13 =	simm.s32 @p0 $0x100;
	[sflag:s16] =	ssyncset.done @p0 $0x0  }
0xab: {  	s14 =	simm.s32 @p0 $0x4800;
	[sflag:s16] =	ssyncadd.s32 @p0 $0xFFFFF000;
	s16 =	simm.s32 @p0 $0xC  }
0xac: {  	[tilespmem:s14], [sflag:$0x3] =	stream.indirect.gather @p0 [hbm4b:s1+s15], $0x20, s13, s15, $0xb8;
	[tilespmem:$0x1F100] =	vst v63  }
0xad: {  	_ =	swait.ge @p0 [sflag:s16], $0x1000  }
0xae: {  	s13 =	simm.s32 @p0 $0x180;
	[sflag:s16] =	ssyncset.done @p0 $0x0  }
0xaf: {  	s14 =	simm.s32 @p0 $0x5800;
	[sflag:s16] =	ssyncadd.s32 @p0 $0xFFFFF000;
	s16 =	simm.s32 @p0 $0xD  }
0xb0: {  	[tilespmem:s14], [sflag:$0x4] =	stream.indirect.gather @p0 [hbm4b:s1+s15], $0x20, s13, s15, $0xb8;
	[tilespmem:$0x1F100] =	vst v63  }
0xb1: {  	_ =	swait.ge @p0 [sflag:s16], $0x1000  }
0xb2: {  	s13 =	simm.s32 @p0 $0x200;
	[sflag:s16] =	ssyncset.done @p0 $0x0  }
0xb3: {  	s14 =	simm.s32 @p0 $0x6800;
	[sflag:s16] =	ssyncadd.s32 @p0 $0xFFFFF000;
	s16 =	simm.s32 @p0 $0xE  }
0xb4: {  	[tilespmem:s14], [sflag:$0x5] =	stream.indirect.gather @p0 [hbm4b:s1+s15], $0x20, s13, s15, $0xb8;
	[tilespmem:$0x1F100] =	vst v63  }
0xb5: {  	_ =	swait.ge @p0 [sflag:s16], $0x1000  }
0xb6: {  	s13 =	simm.s32 @p0 $0x280;
	[sflag:s16] =	ssyncset.done @p0 $0x0  }
0xb7: {  	s14 =	simm.s32 @p0 $0x7800;
	[sflag:s16] =	ssyncadd.s32 @p0 $0xFFFFF000;
	s16 =	simm.s32 @p0 $0xF  }
0xb8: {  	[tilespmem:s14], [sflag:$0x6] =	stream.indirect.gather @p0 [hbm4b:s1+s15], $0x20, s13, s15, $0xb8;
	[tilespmem:$0x1F100] =	vst v63  }
0xb9: {  	_ =	swait.ge @p0 [sflag:s16], $0x1000  }
0xba: {  	s13 =	simm.s32 $0x300;
	[sflag:s16] =	ssyncset.done @p0 $0x0  }
0xbb: {  	s14 =	simm.s32 @p0 $0x8800;
	[sflag:s16] =	ssyncadd.s32 @p0 $0xFFFFF000;
	s16 =	simm.s32 @p0 $0x10  }
0xbc: {  	[tilespmem:s14], [sflag:$0x7] =	stream.indirect.gather @p0 [hbm4b:s1+s15], $0x20, s13, s15, $0xb8;
	[tilespmem:$0x1F100] =	vst v63  }
0xbd: {  	_ =	swait.ge @p0 [sflag:s16], $0x1000  }
0xbe: {  	s14 =	simm.s32 @!p0 $0x80;
	[sflag:s16] =	ssyncset.done @p0 $0x0  }
0xbf: {  	s13 =	simm.s32 @!p0 $0x0;
	s15 =	simm.s32 @!p0 $0x2800;
	[sflag:s16] =	ssyncadd.s32 @p0 $0xFFFFF000  }
0xc0: {  	[tilespmem:s15], [sflag:$0x1] =	stream.indirect.gather @!p0 [hbm4b:s1+s14], $0x20, s13, s14, $0xb8;
	[tilespmem:$0x1F100] =	vst v63  }
0xc1: {  	s13 =	simm.s32 @!p0 $0x3800  }
0xc2: {  	[tilespmem:s13], [sflag:$0x2] =	stream.indirect.gather @!p0 [hbm4b:s1+s14], $0x20, s14, s14, $0xb8;
	[tilespmem:$0x1F100] =	vst v63  }
0xc3: {  	s15 =	simm.s32 @!p0 $0x4800;
	s13 =	simm.s32 @!p0 $0x100  }
0xc4: {  	[tilespmem:s15], [sflag:$0x3] =	stream.indirect.gather @!p0 [hbm4b:s1+s14], $0x20, s13, s14, $0xb8;
	[tilespmem:$0x1F100] =	vst v63  }
0xc5: {  	s13 =	simm.s32 @!p0 $0x180;
	s15 =	simm.s32 @!p0 $0x5800  }
0xc6: {  	[tilespmem:s15], [sflag:$0x4] =	stream.indirect.gather @!p0 [hbm4b:s1+s14], $0x20, s13, s14, $0xb8;
	[tilespmem:$0x1F100] =	vst v63  }
0xc7: {  	s13 =	simm.s32 @!p0 $0x200;
	s15 =	simm.s32 @!p0 $0x6800  }
0xc8: {  	[tilespmem:s15], [sflag:$0x5] =	stream.indirect.gather @!p0 [hbm4b:s1+s14], $0x20, s13, s14, $0xb8;
	[tilespmem:$0x1F100] =	vst v63  }
0xc9: {  	s16 =	simm.s32 @!p0 $0x7800;
	s13 =	simm.s32 @p0 $0x0;
	s15 =	simm.s32 @!p0 $0x280  }
0xca: {  	[tilespmem:s16], [sflag:$0x6] =	stream.indirect.gather @!p0 [hbm4b:s1+s14], $0x20, s15, s14, $0xb8;
	[tilespmem:$0x1F100] =	vst v63  }
0xcb: {  	s13 =	simm.s32 @!p0 $0x0;
	s15 =	simm.s32 @!p0 $0x300;
	s16 =	simm.s32 @!p0 $0x8800  }
0xcc: {  	[tilespmem:s16], [sflag:$0x7] =	stream.indirect.gather @!p0 [hbm4b:s1+s14], $0x20, s15, s14, $0xb8;
	[tilespmem:$0x1F100] =	vst v63  }
0xcd: {  	s18 =	sor.u32 $0x380, s13  }
0xce: {  	[tilespmem:s2], [sflag:$0x8] =	stream.indirect.gather [hbm4b:s1+s31], $0x20, s18, s31, $0xb8;
	[tilespmem:$0x1F100] =	vst v63  }
0xcf: {  	_ =	swait.ge [sflag:s4], $0x1000  }
0xd0: {  	[sflag:s4] =	ssyncset.done $0x0  }
0xd1: {  	s22 =	sadd.s32 $0x1400, s13;
	s19 =	rddreg [dreg:$0x5];
	[sflag:s4] =	ssyncadd.s32 $0xFFFFF000  }
0xd2: {  	[spmem:s3] =	stream.indirect.scatter.add.f32 [tilespmem:s19], [sflag:$0x9], $0x20, s22, s31, $0xb8;
	[tilespmem:$0x1F100] =	vst v63  }
0xd3: {  	s14 =	simm.s32 @p0 $0x80;
	_ =	swait.ge [sflag:s5], $0x1000  }
0xd4: {  	s14 =	simm.s32 @!p0 $0x80;
	[sflag:s5] =	ssyncset.done $0x0  }
0xd5: {  	s14 =	sadd.s32 $0x1400, s14;
	s23 =	rddreg [dreg:$0x6];
	[sflag:s5] =	ssyncadd.s32 $0xFFFFF000  }
0xd6: {  	[spmem:s3] =	stream.indirect.scatter.add.f32 [tilespmem:s23], [sflag:$0xA], $0x20, s14, s31, $0xb8;
	[tilespmem:$0x1F100] =	vst v63  }
0xd7: {  	s14 =	simm.s32 @p0 $0x100;
	_ =	swait.ge [sflag:s6], $0x1000  }
0xd8: {  	s14 =	simm.s32 @!p0 $0x100;
	[sflag:s6] =	ssyncset.done $0x0  }
0xd9: {  	s24 =	rddreg [dreg:$0x7];
	s14 =	sadd.s32 $0x1400, s14;
	[sflag:s6] =	ssyncadd.s32 $0xFFFFF000  }
0xda: {  	[spmem:s3] =	stream.indirect.scatter.add.f32 [tilespmem:s24], [sflag:$0xB], $0x20, s14, s31, $0xb8;
	[tilespmem:$0x1F100] =	vst v63  }
0xdb: {  	s14 =	simm.s32 @p0 $0x180;
	_ =	swait.ge [sflag:s8], $0x1000  }
0xdc: {  	s14 =	simm.s32 @!p0 $0x180;
	[sflag:s8] =	ssyncset.done $0x0  }
0xdd: {  	s25 =	rddreg [dreg:$0x8];
	s14 =	sadd.s32 $0x1400, s14;
	[sflag:s8] =	ssyncadd.s32 $0xFFFFF000  }
0xde: {  	[spmem:s3] =	stream.indirect.scatter.add.f32 [tilespmem:s25], [sflag:$0xC], $0x20, s14, s31, $0xb8;
	[tilespmem:$0x1F100] =	vst v63  }
0xdf: {  	s14 =	simm.s32 @p0 $0x200;
	_ =	swait.ge [sflag:s9], $0x1000  }
0xe0: {  	s13 =	sadd.s32 $0x1780, s13;
	s14 =	simm.s32 @!p0 $0x200;
	[sflag:s9] =	ssyncset.done $0x0  }
0xe1: {  	s26 =	rddreg [dreg:$0x9];
	s14 =	sadd.s32 $0x1400, s14;
	[sflag:s9] =	ssyncadd.s32 $0xFFFFF000  }
0xe2: {  	[spmem:s3] =	stream.indirect.scatter.add.f32 [tilespmem:s26], [sflag:$0xD], $0x20, s14, s31, $0xb8;
	[tilespmem:$0x1F100] =	vst v63  }
0xe3: {  	s22 =	simm.s32 $0x700;
	s14 =	simm.s32 @p0 $0x280;
	_ =	swait.ge [sflag:s10], $0x1000  }
0xe4: {  	s23 =	simm.s32 $0x700;
	s14 =	simm.s32 @!p0 $0x280;
	[sflag:s10] =	ssyncset.done $0x0  }
0xe5: {  	s28 =	rddreg [dreg:$0xa];
	s14 =	sadd.s32 $0x1400, s14;
	[sflag:s10] =	ssyncadd.s32 $0xFFFFF000  }
0xe6: {  	[spmem:s3] =	stream.indirect.scatter.add.f32 [tilespmem:s28], [sflag:$0xE], $0x20, s14, s31, $0xb8;
	[tilespmem:$0x1F100] =	vst v63  }
0xe7: {  	s24 =	simm.s32 $0xB00;
	s14 =	simm.s32 $0x300;
	_ =	swait.ge [sflag:s11], $0x1000  }
0xe8: {  	s14 =	simm.s32 @!p0 $0x300;
	p0 =	por $0x1, $0x1;
	[sflag:s11] =	ssyncset.done $0x0  }
0xe9: {  	s29 =	rddreg [dreg:$0xb];
	s14 =	sadd.s32 $0x1400, s14;
	[sflag:s11] =	ssyncadd.s32 $0xFFFFF000  }
0xea: {  	[spmem:s3] =	stream.indirect.scatter.add.f32 [tilespmem:s29], [sflag:$0xF], $0x20, s14, s31, $0xb8;
	[tilespmem:$0x1F100] =	vst v63  }
.LBB2_4:
0xeb: {  	_ =	swait.ge [sflag:s12], $0x1000  }
0xec: {  	[sflag:s12] =	ssyncset.done $0x0  }
0xed: {  	s14 =	simm.s32 @p0 $0x9;
	[sflag:s12] =	ssyncadd.s32 $0xFFFFF000  }
0xee: {  	[spmem:s3] =	stream.indirect.scatter.add.f32 [tilespmem:s2], [sflag:$0x10], $0x20, s13, s31, $0xb8;
	[tilespmem:$0x1F100] =	vst v63  }
0xef: {  	_ =	swait.ge @p0 [sflag:s14], $0x1000  }
0xf0: {  	s16 =	simm.s32 @p0 $0x80;
	s26 =	simm.s32 @p0 $0xA;
	[sflag:s14] =	ssyncset.done @p0 $0x0  }
0xf1: {  	s13 =	sadd.s32 @p0 $0xFFFFFD00, s23;
	[sflag:s14] =	ssyncadd.s32 @p0 $0xFFFFF000;
	s14 =	simm.s32 @p0 $0x2800  }
0xf2: {  	[tilespmem:s14], [sflag:$0x1] =	stream.indirect.gather @p0 [hbm4b:s1+s16], $0x20, s13, s16, $0xb8;
	[tilespmem:$0x1F100] =	vst v63  }
0xf3: {  	_ =	swait.ge @p0 [sflag:s26], $0x1000  }
0xf4: {  	s17 =	simm.s32 @p0 $0x3800;
	[sflag:s26] =	ssyncset.done @p0 $0x0  }
0xf5: {  	s18 =	simm.s32 @p0 $0xB;
	s14 =	sadd.s32 @p0 $0xFFFFFD80, s23;
	[sflag:s26] =	ssyncadd.s32 @p0 $0xFFFFF000  }
0xf6: {  	[tilespmem:s17], [sflag:$0x2] =	stream.indirect.gather @p0 [hbm4b:s1+s16], $0x20, s14, s16, $0xb8;
	[tilespmem:$0x1F100] =	vst v63  }
0xf7: {  	_ =	swait.ge @p0 [sflag:s18], $0x1000  }
0xf8: {  	s19 =	simm.s32 @p0 $0x4800;
	[sflag:s18] =	ssyncset.done @p0 $0x0  }
0xf9: {  	s17 =	sadd.s32 @p0 $0xFFFFFE00, s23;
	[sflag:s18] =	ssyncadd.s32 @p0 $0xFFFFF000;
	s18 =	simm.s32 @p0 $0xC  }
0xfa: {  	[tilespmem:s19], [sflag:$0x3] =	stream.indirect.gather @p0 [hbm4b:s1+s16], $0x20, s17, s16, $0xb8;
	[tilespmem:$0x1F100] =	vst v63  }
0xfb: {  	_ =	swait.ge @p0 [sflag:s18], $0x1000  }
0xfc: {  	s17 =	sadd.s32 @p0 $0xFFFFFE80, s23;
	[sflag:s18] =	ssyncset.done @p0 $0x0  }
0xfd: {  	s19 =	simm.s32 @p0 $0x5800;
	[sflag:s18] =	ssyncadd.s32 @p0 $0xFFFFF000;
	s18 =	simm.s32 @p0 $0xD  }
0xfe: {  	[tilespmem:s19], [sflag:$0x4] =	stream.indirect.gather @p0 [hbm4b:s1+s16], $0x20, s17, s16, $0xb8;
	[tilespmem:$0x1F100] =	vst v63  }
0xff: {  	_ =	swait.ge @p0 [sflag:s18], $0x1000  }
0x100: {  	s17 =	sadd.s32 @p0 $0xFFFFFF00, s23;
	[sflag:s18] =	ssyncset.done @p0 $0x0  }
0x101: {  	s19 =	simm.s32 @p0 $0x6800;
	[sflag:s18] =	ssyncadd.s32 @p0 $0xFFFFF000;
	s18 =	simm.s32 @p0 $0xE  }
0x102: {  	[tilespmem:s19], [sflag:$0x5] =	stream.indirect.gather @p0 [hbm4b:s1+s16], $0x20, s17, s16, $0xb8;
	[tilespmem:$0x1F100] =	vst v63  }
0x103: {  	_ =	swait.ge @p0 [sflag:s18], $0x1000  }
0x104: {  	s17 =	sadd.s32 @p0 $0xFFFFFF80, s23;
	[sflag:s18] =	ssyncset.done @p0 $0x0  }
0x105: {  	s19 =	simm.s32 @p0 $0x7800;
	[sflag:s18] =	ssyncadd.s32 @p0 $0xFFFFF000;
	s18 =	simm.s32 @p0 $0xF  }
0x106: {  	[tilespmem:s19], [sflag:$0x6] =	stream.indirect.gather @p0 [hbm4b:s1+s16], $0x20, s17, s16, $0xb8;
	[tilespmem:$0x1F100] =	vst v63  }
0x107: {  	_ =	swait.ge @p0 [sflag:s18], $0x1000  }
0x108: {  	[sflag:s18] =	ssyncset.done @p0 $0x0  }
0x109: {  	s17 =	simm.s32 @p0 $0x8800;
	s19 =	simm.s32 @p0 $0x10;
	[sflag:s18] =	ssyncadd.s32 @p0 $0xFFFFF000  }
0x10a: {  	[tilespmem:s17], [sflag:$0x7] =	stream.indirect.gather @p0 [hbm4b:s1+s16], $0x20, s23, s16, $0xb8;
	[tilespmem:$0x1F100] =	vst v63  }
0x10b: {  	_ =	swait.ge @p0 [sflag:s19], $0x1000  }
0x10c: {  	s18 =	simm.s32 @!p0 $0x2800;
	[sflag:s19] =	ssyncset.done @p0 $0x0  }
0x10d: {  	s16 =	simm.s32 @!p0 $0x80;
	s17 =	simm.s32 @!p0 $0x0;
	[sflag:s19] =	ssyncadd.s32 @p0 $0xFFFFF000  }
0x10e: {  	[tilespmem:s18], [sflag:$0x1] =	stream.indirect.gather @!p0 [hbm4b:s1+s16], $0x20, s17, s16, $0xb8;
	[tilespmem:$0x1F100] =	vst v63  }
0x10f: {  	s17 =	simm.s32 @!p0 $0x3800  }
0x110: {  	[tilespmem:s17], [sflag:$0x2] =	stream.indirect.gather @!p0 [hbm4b:s1+s16], $0x20, s16, s16, $0xb8;
	[tilespmem:$0x1F100] =	vst v63  }
0x111: {  	s18 =	simm.s32 @!p0 $0x4800;
	s17 =	simm.s32 @!p0 $0x100  }
0x112: {  	[tilespmem:s18], [sflag:$0x3] =	stream.indirect.gather @!p0 [hbm4b:s1+s16], $0x20, s17, s16, $0xb8;
	[tilespmem:$0x1F100] =	vst v63  }
0x113: {  	s17 =	simm.s32 @!p0 $0x180;
	s18 =	simm.s32 @!p0 $0x5800  }
0x114: {  	[tilespmem:s18], [sflag:$0x4] =	stream.indirect.gather @!p0 [hbm4b:s1+s16], $0x20, s17, s16, $0xb8;
	[tilespmem:$0x1F100] =	vst v63  }
0x115: {  	s17 =	simm.s32 @!p0 $0x200;
	s18 =	simm.s32 @!p0 $0x6800  }
0x116: {  	[tilespmem:s18], [sflag:$0x5] =	stream.indirect.gather @!p0 [hbm4b:s1+s16], $0x20, s17, s16, $0xb8;
	[tilespmem:$0x1F100] =	vst v63  }
0x117: {  	s25 =	sadd.s32 @p0 $0xFFFFFD00, s22;
	s17 =	simm.s32 @!p0 $0x280;
	s18 =	simm.s32 @!p0 $0x7800  }
0x118: {  	[tilespmem:s18], [sflag:$0x6] =	stream.indirect.gather @!p0 [hbm4b:s1+s16], $0x20, s17, s16, $0xb8;
	[tilespmem:$0x1F100] =	vst v63  }
0x119: {  	s25 =	simm.s32 @!p0 $0x0;
	s17 =	simm.s32 @!p0 $0x300;
	s18 =	simm.s32 @!p0 $0x8800  }
0x11a: {  	[tilespmem:s18], [sflag:$0x7] =	stream.indirect.gather @!p0 [hbm4b:s1+s16], $0x20, s17, s16, $0xb8;
	[tilespmem:$0x1F100] =	vst v63  }
0x11b: {  	s17 =	sor.u32 $0x380, s25  }
0x11c: {  	[tilespmem:s2], [sflag:$0x8] =	stream.indirect.gather [hbm4b:s1+s31], $0x20, s17, s31, $0xb8;
	[tilespmem:$0x1F100] =	vst v63  }
0x11d: {  	_ =	swait.ge [sflag:s4], $0x1000  }
0x11e: {  	[sflag:s4] =	ssyncset.done $0x0  }
0x11f: {  	s19 =	sadd.s32 $0x1400, s25;
	s18 =	rddreg [dreg:$0x5];
	[sflag:s4] =	ssyncadd.s32 $0xFFFFF000  }
0x120: {  	[spmem:s3] =	stream.indirect.scatter.add.f32 [tilespmem:s18], [sflag:$0x9], $0x20, s19, s31, $0xb8;
	[tilespmem:$0x1F100] =	vst v63  }
0x121: {  	s15 =	sadd.s32 @p0 $0xFFFFFD80, s22;
	_ =	swait.ge [sflag:s5], $0x1000  }
0x122: {  	s15 =	simm.s32 @!p0 $0x80;
	[sflag:s5] =	ssyncset.done $0x0  }
0x123: {  	s15 =	sadd.s32 $0x1400, s15;
	s18 =	rddreg [dreg:$0x6];
	[sflag:s5] =	ssyncadd.s32 $0xFFFFF000  }
0x124: {  	[spmem:s3] =	stream.indirect.scatter.add.f32 [tilespmem:s18], [sflag:$0xA], $0x20, s15, s31, $0xb8;
	[tilespmem:$0x1F100] =	vst v63  }
0x125: {  	s28 =	sadd.s32 @p0 $0xFFFFFE00, s22;
	_ =	swait.ge [sflag:s6], $0x1000  }
0x126: {  	s28 =	simm.s32 @!p0 $0x100;
	[sflag:s6] =	ssyncset.done $0x0  }
0x127: {  	s28 =	sadd.s32 $0x1400, s28;
	s19 =	rddreg [dreg:$0x7];
	[sflag:s6] =	ssyncadd.s32 $0xFFFFF000  }
0x128: {  	[spmem:s3] =	stream.indirect.scatter.add.f32 [tilespmem:s19], [sflag:$0xB], $0x20, s28, s31, $0xb8;
	[tilespmem:$0x1F100] =	vst v63  }
0x129: {  	s29 =	sadd.s32 @p0 $0xFFFFFE80, s22;
	_ =	swait.ge [sflag:s8], $0x1000  }
0x12a: {  	s29 =	simm.s32 @!p0 $0x180;
	s13 =	sadd.s32 @p0 $0xFFFFFF00, s22;
	[sflag:s8] =	ssyncset.done $0x0  }
0x12b: {  	s17 =	sadd.s32 $0x1400, s29;
	s16 =	rddreg [dreg:$0x8];
	[sflag:s8] =	ssyncadd.s32 $0xFFFFF000  }
0x12c: {  	[spmem:s3] =	stream.indirect.scatter.add.f32 [tilespmem:s16], [sflag:$0xC], $0x20, s17, s31, $0xb8;
	[tilespmem:$0x1F100] =	vst v63  }
0x12d: {  	s13 =	simm.s32 @!p0 $0x200;
	_ =	swait.ge [sflag:s9], $0x1000  }
0x12e: {  	s13 =	sadd.s32 $0x1400, s13;
	s26 =	smov.u32 s22;
	[sflag:s9] =	ssyncset.done $0x0  }
0x12f: {  	s14 =	sadd.s32 @p0 $0xFFFFFF80, s22;
	s18 =	rddreg [dreg:$0x9];
	[sflag:s9] =	ssyncadd.s32 $0xFFFFF000  }
0x130: {  	[spmem:s3] =	stream.indirect.scatter.add.f32 [tilespmem:s18], [sflag:$0xD], $0x20, s13, s31, $0xb8;
	[tilespmem:$0x1F100] =	vst v63  }
0x131: {  	s22 =	smov.u32 s24;
	s24 =	sadd.s32 $0x400, s24;
	_ =	swait.ge [sflag:s10], $0x1000  }
0x132: {  	s14 =	simm.s32 @!p0 $0x280;
	p1 =	sne.s32 s24, $0x1700;
	[sflag:s10] =	ssyncset.done $0x0  }
0x133: {  	s14 =	sadd.s32 $0x1400, s14;
	s19 =	rddreg [dreg:$0xa];
	[sflag:s10] =	ssyncadd.s32 $0xFFFFF000  }
0x134: {  	[spmem:s3] =	stream.indirect.scatter.add.f32 [tilespmem:s19], [sflag:$0xE], $0x20, s14, s31, $0xb8;
	[tilespmem:$0x1F100] =	vst v63  }
.Ltmp1:
0x135: {  	_ = 	snop;
	(pc) =	sbr.rel @p1 .LBB2_4-.Ltmp1, $4  }
0x136: {  	s26 =	simm.s32 @!p0 $0x300;
	s23 =	sadd.s32 $0x400, s23;
	_ =	swait.ge [sflag:s11], $0x1000  }
0x137: {  	p0 =	sne.s32 s22, $0x300;
	s29 =	sadd.s32 $0x1400, s26;
	[sflag:s11] =	ssyncset.done $0x0  }
0x138: {  	s13 =	sadd.s32 $0x1780, s25;
	s28 =	rddreg [dreg:$0xb];
	[sflag:s11] =	ssyncadd.s32 $0xFFFFF000  }
0x139: {  	[spmem:s3] =	stream.indirect.scatter.add.f32 [tilespmem:s28], [sflag:$0xF], $0x20, s29, s31, $0xb8;
	[tilespmem:$0x1F100] =	vst v63  }
0x13a: {  	_ =	swait.ge [sflag:s12], $0x1000  }
0x13b: {  	[sflag:s12] =	ssyncset.done $0x0  }
0x13c: {  	s14 =	simm.s32 @p0 $0x9;
	[sflag:s12] =	ssyncadd.s32 $0xFFFFF000  }
0x13d: {  	[spmem:s3] =	stream.indirect.scatter.add.f32 [tilespmem:s2], [sflag:$0x10], $0x20, s13, s31, $0xb8;
	[tilespmem:$0x1F100] =	vst v63  }
0x13e: {  	_ =	swait.ge @p0 [sflag:s14], $0x1000  }
0x13f: {  	s15 =	simm.s32 @p0 $0x80;
	[sflag:s14] =	ssyncset.done @p0 $0x0  }
0x140: {  	s13 =	sadd.s32 @p0 $0xFFFFFD00, s23;
	[sflag:s14] =	ssyncadd.s32 @p0 $0xFFFFF000;
	s14 =	simm.s32 @p0 $0x2800  }
0x141: {  	[tilespmem:s14], [sflag:$0x1] =	stream.indirect.gather @p0 [hbm4b:s1+s15], $0x20, s13, s15, $0xb8;
	[tilespmem:$0x1F100] =	vst v63  }
0x142: {  	s13 =	simm.s32 @p0 $0xA  }
0x143: {  	_ =	swait.ge @p0 [sflag:s13], $0x1000  }
0x144: {  	[sflag:s13] =	ssyncset.done @p0 $0x0  }
0x145: {  	s14 =	sadd.s32 @p0 $0xFFFFFD80, s23;
	[sflag:s13] =	ssyncadd.s32 @p0 $0xFFFFF000;
	s13 =	simm.s32 @p0 $0x3800  }
0x146: {  	[tilespmem:s13], [sflag:$0x2] =	stream.indirect.gather @p0 [hbm4b:s1+s15], $0x20, s14, s15, $0xb8;
	[tilespmem:$0x1F100] =	vst v63  }
0x147: {  	s13 =	simm.s32 @p0 $0xB  }
0x148: {  	_ =	swait.ge @p0 [sflag:s13], $0x1000  }
0x149: {  	[sflag:s13] =	ssyncset.done @p0 $0x0  }
0x14a: {  	s14 =	sadd.s32 @p0 $0xFFFFFE00, s23;
	[sflag:s13] =	ssyncadd.s32 @p0 $0xFFFFF000;
	s13 =	simm.s32 @p0 $0x4800  }
0x14b: {  	[tilespmem:s13], [sflag:$0x3] =	stream.indirect.gather @p0 [hbm4b:s1+s15], $0x20, s14, s15, $0xb8;
	[tilespmem:$0x1F100] =	vst v63  }
0x14c: {  	s13 =	simm.s32 @p0 $0xC  }
0x14d: {  	_ =	swait.ge @p0 [sflag:s13], $0x1000  }
0x14e: {  	[sflag:s13] =	ssyncset.done @p0 $0x0  }
0x14f: {  	s14 =	sadd.s32 @p0 $0xFFFFFE80, s23;
	[sflag:s13] =	ssyncadd.s32 @p0 $0xFFFFF000;
	s13 =	simm.s32 @p0 $0x5800  }
0x150: {  	[tilespmem:s13], [sflag:$0x4] =	stream.indirect.gather @p0 [hbm4b:s1+s15], $0x20, s14, s15, $0xb8;
	[tilespmem:$0x1F100] =	vst v63  }
0x151: {  	s13 =	simm.s32 @p0 $0xD  }
0x152: {  	_ =	swait.ge @p0 [sflag:s13], $0x1000  }
0x153: {  	[sflag:s13] =	ssyncset.done @p0 $0x0  }
0x154: {  	s14 =	sadd.s32 @p0 $0xFFFFFF00, s23;
	[sflag:s13] =	ssyncadd.s32 @p0 $0xFFFFF000;
	s13 =	simm.s32 @p0 $0x6800  }
0x155: {  	[tilespmem:s13], [sflag:$0x5] =	stream.indirect.gather @p0 [hbm4b:s1+s15], $0x20, s14, s15, $0xb8;
	[tilespmem:$0x1F100] =	vst v63  }
0x156: {  	s13 =	simm.s32 @p0 $0xE  }
0x157: {  	_ =	swait.ge @p0 [sflag:s13], $0x1000  }
0x158: {  	[sflag:s13] =	ssyncset.done @p0 $0x0  }
0x159: {  	s14 =	sadd.s32 @p0 $0xFFFFFF80, s23;
	[sflag:s13] =	ssyncadd.s32 @p0 $0xFFFFF000;
	s13 =	simm.s32 @p0 $0x7800  }
0x15a: {  	[tilespmem:s13], [sflag:$0x6] =	stream.indirect.gather @p0 [hbm4b:s1+s15], $0x20, s14, s15, $0xb8;
	[tilespmem:$0x1F100] =	vst v63  }
0x15b: {  	s13 =	simm.s32 @p0 $0xF  }
0x15c: {  	_ =	swait.ge @p0 [sflag:s13], $0x1000  }
0x15d: {  	[sflag:s13] =	ssyncset.done @p0 $0x0  }
0x15e: {  	[sflag:s13] =	ssyncadd.s32 @p0 $0xFFFFF000;
	s13 =	simm.s32 @p0 $0x8800  }
0x15f: {  	[tilespmem:s13], [sflag:$0x7] =	stream.indirect.gather @p0 [hbm4b:s1+s15], $0x20, s23, s15, $0xb8;
	[tilespmem:$0x1F100] =	vst v63  }
0x160: {  	s13 =	simm.s32 @p0 $0x10  }
0x161: {  	_ =	swait.ge @p0 [sflag:s13], $0x1000  }
0x162: {  	s14 =	simm.s32 @!p0 $0x80;
	[sflag:s13] =	ssyncset.done @p0 $0x0  }
0x163: {  	s15 =	simm.s32 @!p0 $0x0;
	[sflag:s13] =	ssyncadd.s32 @p0 $0xFFFFF000;
	s13 =	simm.s32 @!p0 $0x2800  }
0x164: {  	[tilespmem:s13], [sflag:$0x1] =	stream.indirect.gather @!p0 [hbm4b:s1+s14], $0x20, s15, s14, $0xb8;
	[tilespmem:$0x1F100] =	vst v63  }
0x165: {  	s13 =	simm.s32 @!p0 $0x3800  }
0x166: {  	[tilespmem:s13], [sflag:$0x2] =	stream.indirect.gather @!p0 [hbm4b:s1+s14], $0x20, s14, s14, $0xb8;
	[tilespmem:$0x1F100] =	vst v63  }
0x167: {  	s15 =	simm.s32 @!p0 $0x4800;
	s13 =	simm.s32 @!p0 $0x100  }
0x168: {  	[tilespmem:s15], [sflag:$0x3] =	stream.indirect.gather @!p0 [hbm4b:s1+s14], $0x20, s13, s14, $0xb8;
	[tilespmem:$0x1F100] =	vst v63  }
0x169: {  	s13 =	simm.s32 @!p0 $0x180;
	s15 =	simm.s32 @!p0 $0x5800  }
0x16a: {  	[tilespmem:s15], [sflag:$0x4] =	stream.indirect.gather @!p0 [hbm4b:s1+s14], $0x20, s13, s14, $0xb8;
	[tilespmem:$0x1F100] =	vst v63  }
0x16b: {  	s13 =	simm.s32 @!p0 $0x200;
	s15 =	simm.s32 @!p0 $0x6800  }
0x16c: {  	[tilespmem:s15], [sflag:$0x5] =	stream.indirect.gather @!p0 [hbm4b:s1+s14], $0x20, s13, s14, $0xb8;
	[tilespmem:$0x1F100] =	vst v63  }
0x16d: {  	s13 =	simm.s32 @!p0 $0x280;
	s15 =	simm.s32 @!p0 $0x7800  }
0x16e: {  	[tilespmem:s15], [sflag:$0x6] =	stream.indirect.gather @!p0 [hbm4b:s1+s14], $0x20, s13, s14, $0xb8;
	[tilespmem:$0x1F100] =	vst v63  }
0x16f: {  	s13 =	simm.s32 @!p0 $0x300;
	s15 =	simm.s32 @!p0 $0x8800  }
0x170: {  	[tilespmem:s15], [sflag:$0x7] =	stream.indirect.gather @!p0 [hbm4b:s1+s14], $0x20, s13, s14, $0xb8;
	[tilespmem:$0x1F100] =	vst v63  }
0x171: {  	s13 =	sadd.s32 @p0 $0xFFFFFD00, s22  }
0x172: {  	s13 =	simm.s32 @!p0 $0x0  }
0x173: {  	s16 =	sor.u32 $0x380, s13  }
0x174: {  	[tilespmem:s2], [sflag:$0x8] =	stream.indirect.gather [hbm4b:s1+s31], $0x20, s16, s31, $0xb8;
	[tilespmem:$0x1F100] =	vst v63  }
0x175: {  	_ =	swait.ge [sflag:s4], $0x1000  }
0x176: {  	[sflag:s4] =	ssyncset.done $0x0  }
0x177: {  	s18 =	sadd.s32 $0x1400, s13;
	s17 =	rddreg [dreg:$0x5];
	[sflag:s4] =	ssyncadd.s32 $0xFFFFF000  }
0x178: {  	[spmem:s3] =	stream.indirect.scatter.add.f32 [tilespmem:s17], [sflag:$0x9], $0x20, s18, s31, $0xb8;
	[tilespmem:$0x1F100] =	vst v63  }
0x179: {  	s14 =	sadd.s32 @p0 $0xFFFFFD80, s22;
	_ =	swait.ge [sflag:s5], $0x1000  }
0x17a: {  	s14 =	simm.s32 @!p0 $0x80;
	[sflag:s5] =	ssyncset.done $0x0  }
0x17b: {  	s14 =	sadd.s32 $0x1400, s14;
	s19 =	rddreg [dreg:$0x6];
	[sflag:s5] =	ssyncadd.s32 $0xFFFFF000  }
0x17c: {  	[spmem:s3] =	stream.indirect.scatter.add.f32 [tilespmem:s19], [sflag:$0xA], $0x20, s14, s31, $0xb8;
	[tilespmem:$0x1F100] =	vst v63  }
0x17d: {  	s14 =	sadd.s32 @p0 $0xFFFFFE00, s22;
	_ =	swait.ge [sflag:s6], $0x1000  }
0x17e: {  	s14 =	simm.s32 @!p0 $0x100;
	[sflag:s6] =	ssyncset.done $0x0  }
0x17f: {  	s23 =	rddreg [dreg:$0x7];
	s14 =	sadd.s32 $0x1400, s14;
	[sflag:s6] =	ssyncadd.s32 $0xFFFFF000  }
0x180: {  	[spmem:s3] =	stream.indirect.scatter.add.f32 [tilespmem:s23], [sflag:$0xB], $0x20, s14, s31, $0xb8;
	[tilespmem:$0x1F100] =	vst v63  }
0x181: {  	s14 =	sadd.s32 @p0 $0xFFFFFE80, s22;
	_ =	swait.ge [sflag:s8], $0x1000  }
0x182: {  	s14 =	simm.s32 @!p0 $0x180;
	[sflag:s8] =	ssyncset.done $0x0  }
0x183: {  	s24 =	rddreg [dreg:$0x8];
	s14 =	sadd.s32 $0x1400, s14;
	[sflag:s8] =	ssyncadd.s32 $0xFFFFF000  }
0x184: {  	[spmem:s3] =	stream.indirect.scatter.add.f32 [tilespmem:s24], [sflag:$0xC], $0x20, s14, s31, $0xb8;
	[tilespmem:$0x1F100] =	vst v63  }
0x185: {  	s14 =	sadd.s32 @p0 $0xFFFFFF00, s22;
	_ =	swait.ge [sflag:s9], $0x1000  }
0x186: {  	s14 =	simm.s32 @!p0 $0x200;
	[sflag:s9] =	ssyncset.done $0x0  }
0x187: {  	s25 =	rddreg [dreg:$0x9];
	s14 =	sadd.s32 $0x1400, s14;
	[sflag:s9] =	ssyncadd.s32 $0xFFFFF000  }
0x188: {  	[spmem:s3] =	stream.indirect.scatter.add.f32 [tilespmem:s25], [sflag:$0xD], $0x20, s14, s31, $0xb8;
	[tilespmem:$0x1F100] =	vst v63  }
0x189: {  	s14 =	sadd.s32 @p0 $0xFFFFFF80, s22;
	_ =	swait.ge [sflag:s10], $0x1000  }
0x18a: {  	s14 =	simm.s32 @!p0 $0x280;
	[sflag:s10] =	ssyncset.done $0x0  }
0x18b: {  	s26 =	rddreg [dreg:$0xa];
	s14 =	sadd.s32 $0x1400, s14;
	[sflag:s10] =	ssyncadd.s32 $0xFFFFF000  }
0x18c: {  	[spmem:s3] =	stream.indirect.scatter.add.f32 [tilespmem:s26], [sflag:$0xE], $0x20, s14, s31, $0xb8;
	[tilespmem:$0x1F100] =	vst v63  }
0x18d: {  	_ =	swait.ge [sflag:s11], $0x1000  }
0x18e: {  	s22 =	simm.s32 @!p0 $0x300;
	[sflag:s11] =	ssyncset.done $0x0  }
0x18f: {  	s29 =	sadd.s32 $0x1400, s22;
	s28 =	rddreg [dreg:$0xb];
	[sflag:s11] =	ssyncadd.s32 $0xFFFFF000  }
0x190: {  	[spmem:s3] =	stream.indirect.scatter.add.f32 [tilespmem:s28], [sflag:$0xF], $0x20, s29, s31, $0xb8;
	[tilespmem:$0x1F100] =	vst v63  }
0x191: {  	_ =	swait.ge [sflag:s12], $0x1000  }
0x192: {  	[sflag:s12] =	ssyncset.done $0x0  }
0x193: {  	s13 =	sadd.s32 $0x1780, s13;
	s16 =	simm.s32 $0x9;
	[sflag:s12] =	ssyncadd.s32 $0xFFFFF000  }
0x194: {  	[spmem:s3] =	stream.indirect.scatter.add.f32 [tilespmem:s2], [sflag:$0x10], $0x20, s13, s31, $0xb8;
	[tilespmem:$0x1F100] =	vst v63  }
0x195: {  	_ =	swait.ge [sflag:s16], $0x1000  }
0x196: {  	[sflag:s16] =	ssyncset.done $0x0  }
0x197: {  	s17 =	simm.s32 $0xA;
	[sflag:s16] =	ssyncadd.s32 $0xFFFFF000  }
0x198: {  	_ =	swait.ge [sflag:s17], $0x1000  }
0x199: {  	[sflag:s17] =	ssyncset.done $0x0  }
0x19a: {  	s18 =	simm.s32 $0xB;
	[sflag:s17] =	ssyncadd.s32 $0xFFFFF000  }
0x19b: {  	_ =	swait.ge [sflag:s18], $0x1000  }
0x19c: {  	[sflag:s18] =	ssyncset.done $0x0  }
0x19d: {  	s19 =	simm.s32 $0xC;
	[sflag:s18] =	ssyncadd.s32 $0xFFFFF000  }
0x19e: {  	_ =	swait.ge [sflag:s19], $0x1000  }
0x19f: {  	[sflag:s19] =	ssyncset.done $0x0  }
0x1a0: {  	s22 =	simm.s32 $0xD;
	[sflag:s19] =	ssyncadd.s32 $0xFFFFF000  }
0x1a1: {  	_ =	swait.ge [sflag:s22], $0x1000  }
0x1a2: {  	[sflag:s22] =	ssyncset.done $0x0  }
0x1a3: {  	s23 =	simm.s32 $0xE;
	[sflag:s22] =	ssyncadd.s32 $0xFFFFF000  }
0x1a4: {  	_ =	swait.ge [sflag:s23], $0x1000  }
0x1a5: {  	[sflag:s23] =	ssyncset.done $0x0  }
0x1a6: {  	s24 =	simm.s32 $0xF;
	[sflag:s23] =	ssyncadd.s32 $0xFFFFF000  }
0x1a7: {  	_ =	swait.ge [sflag:s24], $0x1000  }
0x1a8: {  	[sflag:s24] =	ssyncset.done $0x0  }
0x1a9: {  	[sflag:s24] =	ssyncadd.s32 $0xFFFFF000  }
0x1aa: {  	_ =	swait.ge [sflag:s20], $0x1000  }
0x1ab: {  	[sflag:s20] =	ssyncset.done $0x0  }
0x1ac: {  	[sflag:s20] =	ssyncadd.s32 $0xFFFFF000  }
0x1ad: {  	[bflag:$0x0] =	sbarrier.arrive $0xFFFF  }
0x1ae: {  	s25 =	stileid.u32;
	s28 =	sld [smem:$0x7FC]  }
0x1af: {  	s13 =	sshll.u32 s25, $0x6  }
0x1b0: {  	s26 =	sshrl.u32 s7, $0x3;
	s13 =	sor.u32 $0x1C11, s13  }
0x1b1: {  	[hbm:s28], [sflag:s13] =	dma.local [spmem:s26], $0x2720  }
0x1b2: {  	_ =	swait.ge [sflag:s30], $0x2720  }
0x1b3: {  	s29 =	sld [smem:$0x7FD];
	_ =	sdelay $0x1  }
0x1b4: {  	s21 =	sadd.s32 $0x1, s21  }
0x1b5: {  	p0 =	sne.s32 s21, s29  }
.Ltmp2:
0x1b6: {  	_ = 	snop;
	(pc) =	sbr.rel @p0 .LBB2_1-.Ltmp2, $3  }
0x1b7: {  	_ =	sdelay $0x1  }
0x1b8: {  	[sflag:s30] =	ssyncset.done $0x0  }
0x1b9: {  	[sflag:s30] =	ssyncadd.s32 $0xFFFFD8E0  }
0x1ba: {  	_ =	sfence.sel $0x180000  }
0x1bb: {  	[bflag:$0x0] =	sbarrier.arrive $0xFFFF  }
0x1bc: {  	_ =	strace $0x90000047  }
0x1bd: {  	s0 =	stileid.u32;
	[bflag:$0x2] =	sbarrier.arrive $0xFFFF  }
0x1be: {  	p0 =	sne.s32 s0, $0x0;
	s0 =	rddreg [dreg:$0x4]  }
0x1bf: {  	s0 =	sadd.s32 @!p0 $0x100000, s0  }
0x1c0: {  	[sflag:s0] =	ssyncadd.tile.s32 @!p0 $0x1;
	_ =	shalt  }
.Lfunc_end2:
_tile_overlayer_lowered:
.L_overlay_start_2:
0x1c1: {  	(tag) =	ssettag $0x2  }
0x1c2: {  	s0 =	rddreg [dreg:$0x0];
	s2 =	stileid.u32  }
0x1c3: {  	s1 =	rddreg [dreg:$0x1];
	p0 =	sne.s32 s2, $0x0  }
0x1c4: {  	s3 =	rddreg [dreg:$0x2];
	[bflag:$0x3] =	sbarrier.arrive $0xFFFF;
	s2 =	simm.s32 @!p0 $0x1C11  }
0x1c5: {  	[timem:s3], [sflag:s2] =	dma.local @!p0 [hbm:s0], s1  }
0x1c6: {  	s0 =	simm.s32 @!p0 $0x11  }
0x1c7: {  	_ =	swait.ge @!p0 [sflag:s0], s1  }
0x1c8: {  	s1 =	ssub.s32 @!p0 $0x0, s1;
	[sflag:s0] =	ssyncset.done @!p0 $0x0  }
0x1c9: {  	[sflag:s0] =	ssyncadd.s32 @!p0 s1  }
0x1ca: {  	[bflag:$0x3] =	sbarrier.arrive $0xFFFF  }
0x1cb: {  	_ =	shalt  }

</sc_bundles>
